<compile_context>
chip_gen: v7x
topology: tpu7x:2x2x1
jax: 0.10.2.dev20260603
libtpu: 0.0.44.dev20260713+nightly
codegen_flags: <defaults>
</compile_context>

<pallas_src>
import functools

import jax
import jax.numpy as jnp
from jax import lax
from jax.experimental import pallas as pl
from jax.experimental.pallas import tpu as pltpu
from jax.experimental.pallas import tpu_sc as plsc

N = 50000
H = 64
HH = 32
E = 800000
EPAD = 802816
GROUPS = 392
GB = 4
EB = GB * 128
NGRP = GROUPS // GB
DUMMY = N
ACC_ROWS = 50176
STRIPE = ACC_ROWS // 16
FCH = 784
NC_PAD = 50176
CSTRIPE = NC_PAD // 16
BR = 2000
NB = N // BR

_f32 = jnp.float32



def _emb_body(pf_ref, wp_ref, bp_ref, tf_ref, wt_ref, bt_ref, ph_ref, th_ref):
    ph_ref[...] = pf_ref[...] * wp_ref[...] + bp_ref[...]
    th_ref[...] = jnp.dot(tf_ref[...], wt_ref[...],
                          preferred_element_type=_f32) + bt_ref[...]


def _build_emb(interpret=False):
    return pl.pallas_call(
        _emb_body,
        grid=(NB,),
        in_specs=[
            pl.BlockSpec((BR, 1), lambda i: (i, 0)),
            pl.BlockSpec((1, H), lambda i: (0, 0)),
            pl.BlockSpec((1, H), lambda i: (0, 0)),
            pl.BlockSpec((BR, 8), lambda i: (i, 0)),
            pl.BlockSpec((8, H), lambda i: (0, 0)),
            pl.BlockSpec((1, H), lambda i: (0, 0)),
        ],
        out_specs=[
            pl.BlockSpec((BR, H), lambda i: (i, 0)),
            pl.BlockSpec((BR, H), lambda i: (i, 0)),
        ],
        out_shape=[
            jax.ShapeDtypeStruct((N, H), _f32),
            jax.ShapeDtypeStruct((N, H), _f32),
        ],
        interpret=interpret,
    )


def _stats_body(h_ref, w_ref, b_ref, wa_ref, c_ref, mz_ref, acc_ref):
    i = pl.program_id(0)
    m = jnp.dot(h_ref[...], w_ref[...], preferred_element_type=_f32) + b_ref[...]
    l = jnp.sum(m * wa_ref[...], axis=1, keepdims=True)
    c = c_ref[...]
    bmax = jnp.max(jnp.where(c > 0, l, -1e30))

    @pl.when(i == 0)
    def _():
        acc_ref[0] = -1e30
        acc_ref[1] = 0.0

    m_old = acc_ref[0]
    s_old = acc_ref[1]
    m_new = jnp.maximum(m_old, bmax)
    scale = jnp.exp(m_old - m_new)
    contrib = jnp.sum(jnp.where(c > 0, c * jnp.exp(l - m_new), 0.0))
    s_new = s_old * scale + contrib
    acc_ref[0] = m_new
    acc_ref[1] = s_new

    @pl.when(i == NB - 1)
    def _():
        mz_ref[0] = m_new
        mz_ref[1] = s_new


def _build_stats(interpret=False):
    return pl.pallas_call(
        _stats_body,
        grid=(NB,),
        in_specs=[
            pl.BlockSpec((BR, H), lambda i: (i, 0)),
            pl.BlockSpec((H, H), lambda i: (0, 0)),
            pl.BlockSpec((1, H), lambda i: (0, 0)),
            pl.BlockSpec((1, H), lambda i: (0, 0)),
            pl.BlockSpec((BR, 1), lambda i: (i, 0)),
        ],
        out_specs=pl.BlockSpec(memory_space=pltpu.SMEM),
        out_shape=jax.ShapeDtypeStruct((2,), _f32),
        scratch_shapes=[pltpu.SMEM((2,), _f32)],
        interpret=interpret,
    )


def _u_body(h_ref, w_ref, b_ref, wa_ref, mz_ref, u_ref):
    m = jnp.dot(h_ref[...], w_ref[...], preferred_element_type=_f32) + b_ref[...]
    l = jnp.sum(m * wa_ref[...], axis=1, keepdims=True)
    a = jnp.exp(l - mz_ref[0]) / mz_ref[1]
    u = m * a
    u_ref[0, :, :] = u[:, :HH]
    u_ref[1, :, :] = u[:, HH:]


def _build_u(interpret=False):
    return pl.pallas_call(
        _u_body,
        grid=(NB,),
        in_specs=[
            pl.BlockSpec((BR, H), lambda i: (i, 0)),
            pl.BlockSpec((H, H), lambda i: (0, 0)),
            pl.BlockSpec((1, H), lambda i: (0, 0)),
            pl.BlockSpec((1, H), lambda i: (0, 0)),
            pl.BlockSpec(memory_space=pltpu.SMEM),
        ],
        out_specs=pl.BlockSpec((2, BR, HH), lambda i: (0, i, 0)),
        out_shape=jax.ShapeDtypeStruct((2, N, HH), _f32),
        interpret=interpret,
    )


def _upd_body(h_ref, mm_ref, w_ref, b_ref, out_ref, cs_ref, acc_ref):
    i = pl.program_id(0)
    h = h_ref[...]
    x = (jnp.dot(h, w_ref[0:H, :], preferred_element_type=_f32)
         + jnp.dot(mm_ref[0, :, :], w_ref[H:H + HH, :], preferred_element_type=_f32)
         + jnp.dot(mm_ref[1, :, :], w_ref[H + HH:2 * H, :], preferred_element_type=_f32)
         + b_ref[...])
    hn = jnp.maximum(h + x, 0.0)
    out_ref[...] = hn

    @pl.when(i == 0)
    def _():
        acc_ref[...] = jnp.zeros((1, H), _f32)

    acc_ref[...] += jnp.sum(hn, axis=0, keepdims=True)

    @pl.when(i == NB - 1)
    def _():
        cs_ref[...] = acc_ref[...]


def _build_upd(interpret=False):
    return pl.pallas_call(
        _upd_body,
        grid=(NB,),
        in_specs=[
            pl.BlockSpec((BR, H), lambda i: (i, 0)),
            pl.BlockSpec((2, BR, HH), lambda i: (0, i, 0)),
            pl.BlockSpec((2 * H, H), lambda i: (0, 0)),
            pl.BlockSpec((1, H), lambda i: (0, 0)),
        ],
        out_specs=[
            pl.BlockSpec((BR, H), lambda i: (i, 0)),
            pl.BlockSpec((1, H), lambda i: (0, 0)),
        ],
        out_shape=[
            jax.ShapeDtypeStruct((N, H), _f32),
            jax.ShapeDtypeStruct((1, H), _f32),
        ],
        scratch_shapes=[pltpu.VMEM((1, H), _f32)],
        interpret=interpret,
    )


def _head_body(csp_ref, cst_ref, px_ref,
               pew_ref, peb_ref, ppw_ref, ppb_ref, tpw_ref, tpb_ref,
               p1w_ref, p1b_ref, p2w_ref, p2b_ref,
               c1w_ref, c1b_ref, c2w_ref, c2b_ref, c3w_ref, c3b_ref,
               hp_ref, cf_ref):
    inv = 1.0 / N
    pg = jnp.dot(csp_ref[...] * inv, ppw_ref[...], preferred_element_type=_f32) + ppb_ref[...]
    tg = jnp.dot(cst_ref[...] * inv, tpw_ref[...], preferred_element_type=_f32) + tpb_ref[...]
    ph = jnp.dot(px_ref[...], pew_ref[...], preferred_element_type=_f32) + peb_ref[...]
    comb = jnp.concatenate([pg, tg, ph], axis=1)
    h1 = jnp.maximum(jnp.dot(comb, p1w_ref[...], preferred_element_type=_f32) + p1b_ref[...], 0.0)
    h2 = jnp.maximum(jnp.dot(h1, p2w_ref[...], preferred_element_type=_f32) + p2b_ref[...], 0.0)
    hp_ref[...] = h2
    c1 = jnp.maximum(jnp.dot(comb, c1w_ref[...], preferred_element_type=_f32) + c1b_ref[...], 0.0)
    c2 = jnp.maximum(jnp.dot(c1, c2w_ref[...], preferred_element_type=_f32) + c2b_ref[...], 0.0)
    z = jnp.sum(c2 * c3w_ref[...], axis=1, keepdims=True) + c3b_ref[0]
    cf_ref[...] = 1.0 / (1.0 + jnp.exp(-z))


def _build_head(interpret=False):
    return pl.pallas_call(
        _head_body,
        grid=(1,),
        in_specs=[pl.BlockSpec((1, H), lambda i: (0, 0)),
                  pl.BlockSpec((1, H), lambda i: (0, 0)),
                  pl.BlockSpec((1, 18), lambda i: (0, 0)),
                  pl.BlockSpec((18, H), lambda i: (0, 0)),
                  pl.BlockSpec((1, H), lambda i: (0, 0)),
                  pl.BlockSpec((H, H), lambda i: (0, 0)),
                  pl.BlockSpec((1, H), lambda i: (0, 0)),
                  pl.BlockSpec((H, H), lambda i: (0, 0)),
                  pl.BlockSpec((1, H), lambda i: (0, 0)),
                  pl.BlockSpec((3 * H, 2 * H), lambda i: (0, 0)),
                  pl.BlockSpec((1, 2 * H), lambda i: (0, 0)),
                  pl.BlockSpec((2 * H, H), lambda i: (0, 0)),
                  pl.BlockSpec((1, H), lambda i: (0, 0)),
                  pl.BlockSpec((3 * H, 2 * H), lambda i: (0, 0)),
                  pl.BlockSpec((1, 2 * H), lambda i: (0, 0)),
                  pl.BlockSpec((2 * H, H), lambda i: (0, 0)),
                  pl.BlockSpec((1, H), lambda i: (0, 0)),
                  pl.BlockSpec((1, H), lambda i: (0, 0)),
                  pl.BlockSpec(memory_space=pltpu.SMEM)],
        out_specs=[
            pl.BlockSpec((1, H), lambda i: (0, 0)),
            pl.BlockSpec((1, 1), lambda i: (0, 0)),
        ],
        out_shape=[
            jax.ShapeDtypeStruct((1, H), _f32),
            jax.ShapeDtypeStruct((1, 1), _f32),
        ],
        interpret=interpret,
    )


def _pred3_body(h_ref, w_ref, b_ref, out_ref):
    z = jnp.dot(h_ref[...], w_ref[...], preferred_element_type=_f32) + b_ref[...]
    out_ref[...] = 1.0 / (1.0 + jnp.exp(-z))


def _build_pred3(interpret=False):
    return pl.pallas_call(
        _pred3_body,
        grid=(1,),
        in_specs=[
            pl.BlockSpec((1, H), lambda i: (0, 0)),
            pl.BlockSpec((H, N), lambda i: (0, 0)),
            pl.BlockSpec((1, N), lambda i: (0, 0)),
        ],
        out_specs=pl.BlockSpec((1, N), lambda i: (0, 0)),
        out_shape=jax.ShapeDtypeStruct((1, N), _f32),
        interpret=interpret,
    )



def _sc_mesh():
    return plsc.VectorSubcoreMesh(core_axis_name="c", subcore_axis_name="s",
                                  num_cores=2, num_subcores=16)


_CCH = 2000
_NCCH = E // 16 // _CCH


def _counts_body(srcs_hbm, zeros_hbm, out_hbm, hist_v, idx_v, acc_v, tmp_v, shared):
    cid = lax.axis_index("c")
    sid = lax.axis_index("s")
    pltpu.sync_copy(zeros_hbm, hist_v)
    tile_base = cid * E + sid * (E // 16)
    ones = jnp.full((16,), 1.0, _f32)

    def chunk(ci, carry):
        pltpu.sync_copy(srcs_hbm.at[pl.ds(tile_base + ci * _CCH, _CCH)], idx_v)

        def inner(j, c2):
            iv = idx_v[pl.ds(j * 16, 16)]
            plsc.addupdate_scatter(hist_v, [iv], ones)
            return c2

        return lax.fori_loop(0, _CCH // 16, inner, carry)

    lax.fori_loop(0, _NCCH, chunk, 0)

    pltpu.sync_copy(hist_v, shared.at[pl.ds(sid * NC_PAD, NC_PAD)])
    plsc.subcore_barrier()

    sbase = sid * CSTRIPE
    pltpu.sync_copy(shared.at[pl.ds(sbase, CSTRIPE)], acc_v)
    for k in range(1, 16):
        pltpu.sync_copy(shared.at[pl.ds(k * NC_PAD + sbase, CSTRIPE)], tmp_v)

        def addj(j, c2):
            sl = pl.ds(j * 16, 16)
            acc_v[sl] = acc_v[sl] + tmp_v[sl]
            return c2

        lax.fori_loop(0, CSTRIPE // 16, addj, 0)
    pltpu.sync_copy(acc_v, out_hbm.at[pl.ds(cid * NC_PAD + sbase, CSTRIPE)])


def _build_counts(interpret=False):
    return functools.partial(
        pl.kernel,
        out_type=jax.ShapeDtypeStruct((2 * NC_PAD,), _f32),
        mesh=_sc_mesh(),
        scratch_types=[
            pltpu.VMEM((NC_PAD,), _f32),
            pltpu.VMEM((_CCH,), jnp.int32),
            pltpu.VMEM((CSTRIPE,), _f32),
            pltpu.VMEM((CSTRIPE,), _f32),
            pltpu.VMEM_SHARED((16 * NC_PAD,), _f32),
        ],
        compiler_params=pltpu.CompilerParams(needs_layout_passes=False),
        interpret=interpret,
    )(_counts_body)


def _edge_body(u_hbm, srcoff_hbm, dst_hbm, zeros_hbm, out_hbm,
               acc, srcv, dstv, rows, gsem):
    cid = lax.axis_index("c")
    sid = lax.axis_index("s")

    pltpu.sync_copy(zeros_hbm, acc.at[pl.ds(sid * STRIPE, STRIPE), :])
    plsc.subcore_barrier()

    def group(gi, carry):
        e0 = cid * EPAD + sid * (GROUPS * 128) + gi * EB
        pltpu.sync_copy(srcoff_hbm.at[pl.ds(e0, EB)], srcv)
        e0d = sid * (GROUPS * 128) + gi * EB
        pltpu.sync_copy(dst_hbm.at[pl.ds(e0d, EB)], dstv)
        pltpu.async_copy(u_hbm.at[srcv], rows, gsem).wait()
        pltpu.sync_copy(rows, acc.at[dstv], add=True)
        return carry

    lax.fori_loop(0, NGRP, group, 0)
    plsc.subcore_barrier()

    r0 = sid * STRIPE
    pltpu.sync_copy(acc.at[pl.ds(r0, STRIPE), :],
                    out_hbm.at[pl.ds(cid * ACC_ROWS + r0, STRIPE), :])


def _build_edge(interpret=False):
    return functools.partial(
        pl.kernel,
        out_type=jax.ShapeDtypeStruct((2 * ACC_ROWS, HH), _f32),
        mesh=_sc_mesh(),
        scratch_types=[
            pltpu.VMEM_SHARED((ACC_ROWS, HH), _f32),
            pltpu.VMEM((EB,), jnp.int32),
            pltpu.VMEM((EB,), jnp.int32),
            pltpu.VMEM((EB, HH), _f32),
            pltpu.SemaphoreType.DMA,
        ],
        compiler_params=pltpu.CompilerParams(needs_layout_passes=False,
                                             use_tc_tiling_on_sc=False),
        interpret=interpret,
    )(_edge_body)


_K_emb = _build_emb()
_K_stats = _build_stats()
_K_u = _build_u()
_K_upd = _build_upd()
_K_head = _build_head()
_K_pred3 = _build_pred3()


@functools.lru_cache(maxsize=None)
def _get_counts_kernel():
    return _build_counts()


@functools.lru_cache(maxsize=None)
def _get_edge_kernel():
    return _build_edge()


def _prep_edges(ei):
    pad = EPAD - E
    src = jnp.concatenate([ei[0], jnp.zeros((pad,), jnp.int32)])
    dst = jnp.concatenate([ei[1], jnp.full((pad,), DUMMY, jnp.int32)])
    src_off = jnp.concatenate([src, src + N])
    return src_off, dst


def kernel(place_features, transition_features, prefix_encoding,
           pre_edge_index, post_edge_index, params):
    p = params
    row = lambda v: v.reshape(1, -1)

    srcs_flat = jnp.concatenate([pre_edge_index[0], post_edge_index[0]])
    zeros_n = jnp.zeros((NC_PAD,), _f32)
    counts = _get_counts_kernel()(srcs_flat, zeros_n).reshape(2, NC_PAD)
    c_pre = counts[0, :N].reshape(N, 1)
    c_post = counts[1, :N].reshape(N, 1)

    pre_src3, pre_dst3 = _prep_edges(pre_edge_index)
    post_src3, post_dst3 = _prep_edges(post_edge_index)
    zeros_b = jnp.zeros((STRIPE, HH), _f32)

    ph, th = _K_emb(place_features, row(p['place_emb'][0][0]), row(p['place_emb'][1]),
                    transition_features, p['trans_emb'][0], row(p['trans_emb'][1]))

    for lp in p['layers']:
        mz_p = _K_stats(ph, lp['p2t'][0], row(lp['p2t'][1]), row(lp['t_att'][0][:, 0]), c_pre)
        u_p = _K_u(ph, lp['p2t'][0], row(lp['p2t'][1]), row(lp['t_att'][0][:, 0]), mz_p)
        tm3 = _get_edge_kernel()(u_p.reshape(2 * N, HH), pre_src3, pre_dst3, zeros_b).reshape(2, ACC_ROWS, HH)

        mz_t = _K_stats(th, lp['t2p'][0], row(lp['t2p'][1]), row(lp['p_att'][0][:, 0]), c_post)
        u_t = _K_u(th, lp['t2p'][0], row(lp['t2p'][1]), row(lp['p_att'][0][:, 0]), mz_t)
        pm3 = _get_edge_kernel()(u_t.reshape(2 * N, HH), post_src3, post_dst3, zeros_b).reshape(2, ACC_ROWS, HH)

        ph, cs_p = _K_upd(ph, pm3, lp['p_upd'][0], row(lp['p_upd'][1]))
        th, cs_t = _K_upd(th, tm3, lp['t_upd'][0], row(lp['t_upd'][1]))

    hp, cf = _K_head(cs_p, cs_t, row(prefix_encoding),
                     p['prefix_emb'][0], row(p['prefix_emb'][1]),
                     p['place_pool'][0], row(p['place_pool'][1]),
                     p['trans_pool'][0], row(p['trans_pool'][1]),
                     p['pred1'][0], row(p['pred1'][1]),
                     p['pred2'][0], row(p['pred2'][1]),
                     p['conf1'][0], row(p['conf1'][1]),
                     p['conf2'][0], row(p['conf2'][1]),
                     row(p['conf3'][0][:, 0]), p['conf3'][1])

    nt = _K_pred3(hp, p['pred3'][0], row(p['pred3'][1]))
    return (nt.reshape(N), cf.reshape(1))

# --- scband reference (transcript-rebuilt; emitter-appended) ---
"""Pipeline reference for scband-conformance-gnn-28458453303307 (READ-ONLY COPY).

The authoritative reference and input builder live on the scoring server;
editing this copy changes nothing except your own understanding.
"""

import jax, jax.numpy as jnp
import numpy as np

NUM_PLACES = 50000
NUM_TRANSITIONS = 50000
NUM_EDGES = 800000
HIDDEN = 64
PLACE_DIM = 1
TRANS_DIM = 8
PREFIX_DIM = 18
NUM_LAYERS = 3


def _lin(key, fan_in, fan_out):
    k1, k2 = jax.random.split(key)
    s = 1.0 / np.sqrt(fan_in)
    W = jax.random.uniform(k1, (fan_in, fan_out), minval=-s, maxval=s, dtype=jnp.float32)
    b = jax.random.uniform(k2, (fan_out,), minval=-s, maxval=s, dtype=jnp.float32)
    return (W, b)


def _apply(lin, x):
    W, b = lin
    return x @ W + b


def setup_inputs(seed: int = 0):
    key = jax.random.key(seed)
    ks = iter(jax.random.split(key, 64))
    place_features = jax.random.normal(next(ks), (NUM_PLACES, PLACE_DIM), dtype=jnp.float32)
    transition_features = jax.random.normal(next(ks), (NUM_TRANSITIONS, TRANS_DIM), dtype=jnp.float32)
    prefix_encoding = jax.random.normal(next(ks), (PREFIX_DIM,), dtype=jnp.float32)
    pre_edge_index = jax.random.randint(next(ks), (2, NUM_EDGES), 0, NUM_PLACES, dtype=jnp.int32)
    post_edge_index = jax.random.randint(next(ks), (2, NUM_EDGES), 0, NUM_TRANSITIONS, dtype=jnp.int32)
    layers = []
    for _ in range(NUM_LAYERS):
        layers.append({
            'p2t': _lin(next(ks), HIDDEN, HIDDEN),
            't2p': _lin(next(ks), HIDDEN, HIDDEN),
            'p_upd': _lin(next(ks), 2 * HIDDEN, HIDDEN),
            't_upd': _lin(next(ks), 2 * HIDDEN, HIDDEN),
            'p_att': _lin(next(ks), HIDDEN, 1),
            't_att': _lin(next(ks), HIDDEN, 1),
        })
    params = {
        'place_emb': _lin(next(ks), PLACE_DIM, HIDDEN),
        'trans_emb': _lin(next(ks), TRANS_DIM, HIDDEN),
        'prefix_emb': _lin(next(ks), PREFIX_DIM, HIDDEN),
        'layers': layers,
        'place_pool': _lin(next(ks), HIDDEN, HIDDEN),
        'trans_pool': _lin(next(ks), HIDDEN, HIDDEN),
        'pred1': _lin(next(ks), 3 * HIDDEN, 2 * HIDDEN),
        'pred2': _lin(next(ks), 2 * HIDDEN, HIDDEN),
        'pred3': _lin(next(ks), HIDDEN, NUM_TRANSITIONS),
        'conf1': _lin(next(ks), 3 * HIDDEN, 2 * HIDDEN),
        'conf2': _lin(next(ks), 2 * HIDDEN, HIDDEN),
        'conf3': _lin(next(ks), HIDDEN, 1),
    }
    return {
        'place_features': place_features,
        'transition_features': transition_features,
        'prefix_encoding': prefix_encoding,
        'pre_edge_index': pre_edge_index,
        'post_edge_index': post_edge_index,
        'params': params,
    }


def _hetero_layer(ph, th, lp, pre_edge_index, post_edge_index):
    n_p = ph.shape[0]
    n_t = th.shape[0]
    # place -> transition messages
    place_idx = pre_edge_index[0]
    trans_idx = pre_edge_index[1]
    msgs = _apply(lp['p2t'], ph[place_idx])
    att = jax.nn.softmax(_apply(lp['t_att'], msgs), axis=0)
    trans_messages = jnp.zeros((n_t, HIDDEN), dtype=ph.dtype).at[trans_idx].add(msgs * att)
    # transition -> place messages
    t_idx2 = post_edge_index[0]
    p_idx2 = post_edge_index[1]
    msgs2 = _apply(lp['t2p'], th[t_idx2])
    att2 = jax.nn.softmax(_apply(lp['p_att'], msgs2), axis=0)
    place_messages = jnp.zeros((n_p, HIDDEN), dtype=th.dtype).at[p_idx2].add(msgs2 * att2)
    ph_new = _apply(lp['p_upd'], jnp.concatenate([ph, place_messages], axis=1))
    th_new = _apply(lp['t_upd'], jnp.concatenate([th, trans_messages], axis=1))
    ph = jax.nn.relu(ph + ph_new)
    th = jax.nn.relu(th + th_new)
    return ph, th


def reference(place_features, transition_features, prefix_encoding, pre_edge_index, post_edge_index, params):
    # dropout treated as identity (eval mode)
    ph = _apply(params['place_emb'], place_features)
    th = _apply(params['trans_emb'], transition_features)
    prefix_h = _apply(params['prefix_emb'], prefix_encoding[None, :])
    for lp in params['layers']:
        ph, th = _hetero_layer(ph, th, lp, pre_edge_index, post_edge_index)
    place_global = jnp.mean(_apply(params['place_pool'], ph), axis=0, keepdims=True)
    trans_global = jnp.mean(_apply(params['trans_pool'], th), axis=0, keepdims=True)
    combined = jnp.concatenate([place_global, trans_global, prefix_h], axis=1)
    h = jax.nn.relu(_apply(params['pred1'], combined))
    h = jax.nn.relu(_apply(params['pred2'], h))
    next_transitions = jax.nn.sigmoid(_apply(params['pred3'], h)[0])
    c = jax.nn.relu(_apply(params['conf1'], combined))
    c = jax.nn.relu(_apply(params['conf2'], c))
    conformance = jax.nn.sigmoid(_apply(params['conf3'], c)[0])
    return (next_transitions, conformance)

if __name__ == "__main__":
    import jax
    _d = setup_inputs()
    print(jax.jit(kernel)(*tuple(_d.values())))

</pallas_src>

<mosaic_0001>
#map = affine_map<(d0, d1) -> (0)>
module attributes {stable_mosaic.version = 14 : i64} {
  func.func @_counts_body(%arg0: i32, %arg1: i32, %arg2: memref<1600000xi32, #tpu.memory_space<hbm>>, %arg3: memref<50176xf32, #tpu.memory_space<hbm>>, %arg4: memref<100352xf32, #tpu.memory_space<hbm>>, %arg5: memref<50176xf32, #tpu.memory_space<vmem>>, %arg6: memref<2000xi32, #tpu.memory_space<vmem>>, %arg7: memref<3136xf32, #tpu.memory_space<vmem>>, %arg8: memref<3136xf32, #tpu.memory_space<vmem>>, %arg9: memref<802816xf32, #tpu.memory_space<vmem_shared>>) attributes {dimension_semantics = [#tpu.dimension_semantics<core_parallel>, #tpu.dimension_semantics<subcore_parallel>], iteration_bounds = array<i64: 2, 16>, scalar_prefetch = 0 : i64, scratch_operands = 5 : i64, tpu.core_type = #tpu.core_type<sc_vector_subcore>, window_params = [{transform_indices = #map}, {transform_indices = #map}, {transform_indices = #map}]} {
    "tpu.region"() ({
      %run_scoped3A = tpu.sem_alloc : memref<!tpu.dma_semaphore, #tpu.memory_space<semaphore_mem>>
      tpu.enqueue_dma source(%arg3 : memref<50176xf32, #tpu.memory_space<hbm>>) target(%arg5 : memref<50176xf32, #tpu.memory_space<vmem>>) target_semaphore(%run_scoped3A : memref<!tpu.dma_semaphore, #tpu.memory_space<semaphore_mem>>)
      tpu.wait_dma2 semaphore(%run_scoped3A : memref<!tpu.dma_semaphore, #tpu.memory_space<semaphore_mem>>) src(%arg3 : memref<50176xf32, #tpu.memory_space<hbm>>) dst(%arg5 : memref<50176xf32, #tpu.memory_space<vmem>>)
      tpu.yield
    }) : () -> ()
    %mul3A = arith.constant 800000 : i32
    %mul3A_0 = arith.muli %arg0, %mul3A : i32
    %mul3A_1 = arith.constant 50000 : i32
    %mul3A_2 = arith.muli %arg1, %mul3A_1 : i32
    %add3A = arith.addi %mul3A_0, %mul3A_2 : i32
    %broadcast_in_dim3A = arith.constant 1.000000e+00 : f32
    %broadcast_in_dim3A_3 = vector.broadcast %broadcast_in_dim3A : f32 to vector<16xf32>
    %scan3A = arith.constant 0 : i32
    %scan3A_4 = arith.constant 0 : i32
    %scan3A_5 = arith.constant 25 : i32
    %scan3A_6 = arith.addi %scan3A_4, %scan3A_5 : i32
    %scan3A_7 = arith.constant 1 : i32
    scf.for %scan3A_136 = %scan3A_4 to %scan3A_6 step %scan3A_7  : i32 {
      %mul3A_137 = arith.constant 2000 : i32
      %mul3A_138 = arith.muli %scan3A_136, %mul3A_137 : i32
      %add3A_139 = arith.addi %add3A, %mul3A_138 : i32
      "tpu.region"() ({
        %run_scoped3A = tpu.sem_alloc : memref<!tpu.dma_semaphore, #tpu.memory_space<semaphore_mem>>
        %dma_start3A = tpu.memref_slice %arg2[%add3A_139] : memref<1600000xi32, #tpu.memory_space<hbm>> -> memref<2000xi32, #tpu.memory_space<hbm>>
        %dma_start3A_145 = tpu.memref_slice %arg2[%add3A_139] : memref<1600000xi32, #tpu.memory_space<hbm>> -> memref<2000xi32, #tpu.memory_space<hbm>>
        tpu.enqueue_dma source(%dma_start3A_145 : memref<2000xi32, #tpu.memory_space<hbm>>) target(%arg6 : memref<2000xi32, #tpu.memory_space<vmem>>) target_semaphore(%run_scoped3A : memref<!tpu.dma_semaphore, #tpu.memory_space<semaphore_mem>>)
        %dma_wait3A = tpu.memref_slice %arg2[%add3A_139] : memref<1600000xi32, #tpu.memory_space<hbm>> -> memref<2000xi32, #tpu.memory_space<hbm>>
        %dma_wait3A_146 = tpu.memref_slice %arg2[%add3A_139] : memref<1600000xi32, #tpu.memory_space<hbm>> -> memref<2000xi32, #tpu.memory_space<hbm>>
        tpu.wait_dma2 semaphore(%run_scoped3A : memref<!tpu.dma_semaphore, #tpu.memory_space<semaphore_mem>>) src(%dma_wait3A_146 : memref<2000xi32, #tpu.memory_space<hbm>>) dst(%arg6 : memref<2000xi32, #tpu.memory_space<vmem>>)
        tpu.yield
      }) : () -> ()
      %scan3A_140 = arith.constant 0 : i32
      %scan3A_141 = arith.constant 125 : i32
      %scan3A_142 = arith.addi %scan3A_140, %scan3A_141 : i32
      %scan3A_143 = arith.constant 1 : i32
      scf.for %scan3A_145 = %scan3A_140 to %scan3A_142 step %scan3A_143  : i32 {
        %mul3A_146 = arith.constant 16 : i32
        %mul3A_147 = arith.muli %scan3A_145, %mul3A_146 : i32
        %get3A = arith.index_cast %mul3A_147 : i32 to index
        %get3A_148 = tpu.vector_load %arg6[%get3A] {strides = array<i32>} : memref<2000xi32, #tpu.memory_space<vmem>>, vector<16xi32>,
        tpu.vector_store_idx %arg5[%get3A_148], %broadcast_in_dim3A_3 {add = true} : memref<50176xf32, #tpu.memory_space<vmem>>[vector<16xi32>], vector<16xf32>,
      }
      %scan3A_144 = arith.constant 125 : i32
    }
    %scan3A_8 = arith.constant 25 : i32
    %mul3A_9 = arith.constant 50176 : i32
    %mul3A_10 = arith.muli %arg1, %mul3A_9 : i32
    "tpu.region"() ({
      %run_scoped3A = tpu.sem_alloc : memref<!tpu.dma_semaphore, #tpu.memory_space<semaphore_mem>>
      %dma_start3A = tpu.memref_slice %arg9[%mul3A_10] : memref<802816xf32, #tpu.memory_space<vmem_shared>> -> memref<50176xf32, #tpu.memory_space<vmem_shared>>
      %dma_start3A_136 = tpu.memref_slice %arg9[%mul3A_10] : memref<802816xf32, #tpu.memory_space<vmem_shared>> -> memref<50176xf32, #tpu.memory_space<vmem_shared>>
      tpu.enqueue_dma source(%arg5 : memref<50176xf32, #tpu.memory_space<vmem>>) target(%dma_start3A_136 : memref<50176xf32, #tpu.memory_space<vmem_shared>>) target_semaphore(%run_scoped3A : memref<!tpu.dma_semaphore, #tpu.memory_space<semaphore_mem>>)
      %dma_wait3A = tpu.memref_slice %arg9[%mul3A_10] : memref<802816xf32, #tpu.memory_space<vmem_shared>> -> memref<50176xf32, #tpu.memory_space<vmem_shared>>
      %dma_wait3A_137 = tpu.memref_slice %arg9[%mul3A_10] : memref<802816xf32, #tpu.memory_space<vmem_shared>> -> memref<50176xf32, #tpu.memory_space<vmem_shared>>
      tpu.wait_dma2 semaphore(%run_scoped3A : memref<!tpu.dma_semaphore, #tpu.memory_space<semaphore_mem>>) src(%arg5 : memref<50176xf32, #tpu.memory_space<vmem>>) dst(%dma_wait3A_137 : memref<50176xf32, #tpu.memory_space<vmem_shared>>)
      tpu.yield
    }) : () -> ()
    %barrier3A = arith.constant 0 : index
    tpu.barrier barrier_id(%barrier3A)
    %mul3A_11 = arith.constant 3136 : i32
    %mul3A_12 = arith.muli %arg1, %mul3A_11 : i32
    "tpu.region"() ({
      %run_scoped3A = tpu.sem_alloc : memref<!tpu.dma_semaphore, #tpu.memory_space<semaphore_mem>>
      %dma_start3A = tpu.memref_slice %arg9[%mul3A_12] : memref<802816xf32, #tpu.memory_space<vmem_shared>> -> memref<3136xf32, #tpu.memory_space<vmem_shared>>
      %dma_start3A_136 = tpu.memref_slice %arg9[%mul3A_12] : memref<802816xf32, #tpu.memory_space<vmem_shared>> -> memref<3136xf32, #tpu.memory_space<vmem_shared>>
      tpu.enqueue_dma source(%dma_start3A_136 : memref<3136xf32, #tpu.memory_space<vmem_shared>>) target(%arg7 : memref<3136xf32, #tpu.memory_space<vmem>>) target_semaphore(%run_scoped3A : memref<!tpu.dma_semaphore, #tpu.memory_space<semaphore_mem>>)
      %dma_wait3A = tpu.memref_slice %arg9[%mul3A_12] : memref<802816xf32, #tpu.memory_space<vmem_shared>> -> memref<3136xf32, #tpu.memory_space<vmem_shared>>
      %dma_wait3A_137 = tpu.memref_slice %arg9[%mul3A_12] : memref<802816xf32, #tpu.memory_space<vmem_shared>> -> memref<3136xf32, #tpu.memory_space<vmem_shared>>
      tpu.wait_dma2 semaphore(%run_scoped3A : memref<!tpu.dma_semaphore, #tpu.memory_space<semaphore_mem>>) src(%dma_wait3A_137 : memref<3136xf32, #tpu.memory_space<vmem_shared>>) dst(%arg7 : memref<3136xf32, #tpu.memory_space<vmem>>)
      tpu.yield
    }) : () -> ()
    %add3A_13 = arith.constant 50176 : i32
    %add3A_14 = arith.addi %add3A_13, %mul3A_12 : i32
    "tpu.region"() ({
      %run_scoped3A = tpu.sem_alloc : memref<!tpu.dma_semaphore, #tpu.memory_space<semaphore_mem>>
      %dma_start3A = tpu.memref_slice %arg9[%add3A_14] : memref<802816xf32, #tpu.memory_space<vmem_shared>> -> memref<3136xf32, #tpu.memory_space<vmem_shared>>
      %dma_start3A_136 = tpu.memref_slice %arg9[%add3A_14] : memref<802816xf32, #tpu.memory_space<vmem_shared>> -> memref<3136xf32, #tpu.memory_space<vmem_shared>>
      tpu.enqueue_dma source(%dma_start3A_136 : memref<3136xf32, #tpu.memory_space<vmem_shared>>) target(%arg8 : memref<3136xf32, #tpu.memory_space<vmem>>) target_semaphore(%run_scoped3A : memref<!tpu.dma_semaphore, #tpu.memory_space<semaphore_mem>>)
      %dma_wait3A = tpu.memref_slice %arg9[%add3A_14] : memref<802816xf32, #tpu.memory_space<vmem_shared>> -> memref<3136xf32, #tpu.memory_space<vmem_shared>>
      %dma_wait3A_137 = tpu.memref_slice %arg9[%add3A_14] : memref<802816xf32, #tpu.memory_space<vmem_shared>> -> memref<3136xf32, #tpu.memory_space<vmem_shared>>
      tpu.wait_dma2 semaphore(%run_scoped3A : memref<!tpu.dma_semaphore, #tpu.memory_space<semaphore_mem>>) src(%dma_wait3A_137 : memref<3136xf32, #tpu.memory_space<vmem_shared>>) dst(%arg8 : memref<3136xf32, #tpu.memory_space<vmem>>)
      tpu.yield
    }) : () -> ()
    %scan3A_15 = arith.constant 0 : i32
    %scan3A_16 = arith.constant 0 : i32
    %scan3A_17 = arith.constant 196 : i32
    %scan3A_18 = arith.addi %scan3A_16, %scan3A_17 : i32
    %scan3A_19 = arith.constant 1 : i32
    scf.for %scan3A_136 = %scan3A_16 to %scan3A_18 step %scan3A_19  : i32 {
      %mul3A_137 = arith.constant 16 : i32
      %mul3A_138 = arith.muli %scan3A_136, %mul3A_137 : i32
      %get3A = arith.index_cast %mul3A_138 : i32 to index
      %get3A_139 = tpu.vector_load %arg7[%get3A] {strides = array<i32>} : memref<3136xf32, #tpu.memory_space<vmem>>, vector<16xf32>,
      %get3A_140 = arith.index_cast %mul3A_138 : i32 to index
      %get3A_141 = tpu.vector_load %arg8[%get3A_140] {strides = array<i32>} : memref<3136xf32, #tpu.memory_space<vmem>>, vector<16xf32>,
      %add3A_142 = arith.addf %get3A_139, %get3A_141 : vector<16xf32>
      %swap3A = arith.index_cast %mul3A_138 : i32 to index
      %swap3A_143 = tpu.vector_load %arg7[%swap3A] {strides = array<i32>} : memref<3136xf32, #tpu.memory_space<vmem>>, vector<16xf32>,
      tpu.vector_store %arg7[%swap3A], %add3A_142 {strides = array<i32>} : memref<3136xf32, #tpu.memory_space<vmem>>, vector<16xf32>,
    }
    %scan3A_20 = arith.constant 196 : i32
    %add3A_21 = arith.constant 100352 : i32
    %add3A_22 = arith.addi %add3A_21, %mul3A_12 : i32
    "tpu.region"() ({
      %run_scoped3A = tpu.sem_alloc : memref<!tpu.dma_semaphore, #tpu.memory_space<semaphore_mem>>
      %dma_start3A = tpu.memref_slice %arg9[%add3A_22] : memref<802816xf32, #tpu.memory_space<vmem_shared>> -> memref<3136xf32, #tpu.memory_space<vmem_shared>>
      %dma_start3A_136 = tpu.memref_slice %arg9[%add3A_22] : memref<802816xf32, #tpu.memory_space<vmem_shared>> -> memref<3136xf32, #tpu.memory_space<vmem_shared>>
      tpu.enqueue_dma source(%dma_start3A_136 : memref<3136xf32, #tpu.memory_space<vmem_shared>>) target(%arg8 : memref<3136xf32, #tpu.memory_space<vmem>>) target_semaphore(%run_scoped3A : memref<!tpu.dma_semaphore, #tpu.memory_space<semaphore_mem>>)
      %dma_wait3A = tpu.memref_slice %arg9[%add3A_22] : memref<802816xf32, #tpu.memory_space<vmem_shared>> -> memref<3136xf32, #tpu.memory_space<vmem_shared>>
      %dma_wait3A_137 = tpu.memref_slice %arg9[%add3A_22] : memref<802816xf32, #tpu.memory_space<vmem_shared>> -> memref<3136xf32, #tpu.memory_space<vmem_shared>>
      tpu.wait_dma2 semaphore(%run_scoped3A : memref<!tpu.dma_semaphore, #tpu.memory_space<semaphore_mem>>) src(%dma_wait3A_137 : memref<3136xf32, #tpu.memory_space<vmem_shared>>) dst(%arg8 : memref<3136xf32, #tpu.memory_space<vmem>>)
      tpu.yield
    }) : () -> ()
    %scan3A_23 = arith.constant 0 : i32
    %scan3A_24 = arith.constant 0 : i32
    %scan3A_25 = arith.constant 196 : i32
    %scan3A_26 = arith.addi %scan3A_24, %scan3A_25 : i32
    %scan3A_27 = arith.constant 1 : i32
    scf.for %scan3A_136 = %scan3A_24 to %scan3A_26 step %scan3A_27  : i32 {
      %mul3A_137 = arith.constant 16 : i32
      %mul3A_138 = arith.muli %scan3A_136, %mul3A_137 : i32
      %get3A = arith.index_cast %mul3A_138 : i32 to index
      %get3A_139 = tpu.vector_load %arg7[%get3A] {strides = array<i32>} : memref<3136xf32, #tpu.memory_space<vmem>>, vector<16xf32>,
      %get3A_140 = arith.index_cast %mul3A_138 : i32 to index
      %get3A_141 = tpu.vector_load %arg8[%get3A_140] {strides = array<i32>} : memref<3136xf32, #tpu.memory_space<vmem>>, vector<16xf32>,
      %add3A_142 = arith.addf %get3A_139, %get3A_141 : vector<16xf32>
      %swap3A = arith.index_cast %mul3A_138 : i32 to index
      %swap3A_143 = tpu.vector_load %arg7[%swap3A] {strides = array<i32>} : memref<3136xf32, #tpu.memory_space<vmem>>, vector<16xf32>,
      tpu.vector_store %arg7[%swap3A], %add3A_142 {strides = array<i32>} : memref<3136xf32, #tpu.memory_space<vmem>>, vector<16xf32>,
    }
    %scan3A_28 = arith.constant 196 : i32
    %add3A_29 = arith.constant 150528 : i32
    %add3A_30 = arith.addi %add3A_29, %mul3A_12 : i32
    "tpu.region"() ({
      %run_scoped3A = tpu.sem_alloc : memref<!tpu.dma_semaphore, #tpu.memory_space<semaphore_mem>>
      %dma_start3A = tpu.memref_slice %arg9[%add3A_30] : memref<802816xf32, #tpu.memory_space<vmem_shared>> -> memref<3136xf32, #tpu.memory_space<vmem_shared>>
      %dma_start3A_136 = tpu.memref_slice %arg9[%add3A_30] : memref<802816xf32, #tpu.memory_space<vmem_shared>> -> memref<3136xf32, #tpu.memory_space<vmem_shared>>
      tpu.enqueue_dma source(%dma_start3A_136 : memref<3136xf32, #tpu.memory_space<vmem_shared>>) target(%arg8 : memref<3136xf32, #tpu.memory_space<vmem>>) target_semaphore(%run_scoped3A : memref<!tpu.dma_semaphore, #tpu.memory_space<semaphore_mem>>)
      %dma_wait3A = tpu.memref_slice %arg9[%add3A_30] : memref<802816xf32, #tpu.memory_space<vmem_shared>> -> memref<3136xf32, #tpu.memory_space<vmem_shared>>
      %dma_wait3A_137 = tpu.memref_slice %arg9[%add3A_30] : memref<802816xf32, #tpu.memory_space<vmem_shared>> -> memref<3136xf32, #tpu.memory_space<vmem_shared>>
      tpu.wait_dma2 semaphore(%run_scoped3A : memref<!tpu.dma_semaphore, #tpu.memory_space<semaphore_mem>>) src(%dma_wait3A_137 : memref<3136xf32, #tpu.memory_space<vmem_shared>>) dst(%arg8 : memref<3136xf32, #tpu.memory_space<vmem>>)
      tpu.yield
    }) : () -> ()
    %scan3A_31 = arith.constant 0 : i32
    %scan3A_32 = arith.constant 0 : i32
    %scan3A_33 = arith.constant 196 : i32
    %scan3A_34 = arith.addi %scan3A_32, %scan3A_33 : i32
    %scan3A_35 = arith.constant 1 : i32
    scf.for %scan3A_136 = %scan3A_32 to %scan3A_34 step %scan3A_35  : i32 {
      %mul3A_137 = arith.constant 16 : i32
      %mul3A_138 = arith.muli %scan3A_136, %mul3A_137 : i32
      %get3A = arith.index_cast %mul3A_138 : i32 to index
      %get3A_139 = tpu.vector_load %arg7[%get3A] {strides = array<i32>} : memref<3136xf32, #tpu.memory_space<vmem>>, vector<16xf32>,
      %get3A_140 = arith.index_cast %mul3A_138 : i32 to index
      %get3A_141 = tpu.vector_load %arg8[%get3A_140] {strides = array<i32>} : memref<3136xf32, #tpu.memory_space<vmem>>, vector<16xf32>,
      %add3A_142 = arith.addf %get3A_139, %get3A_141 : vector<16xf32>
      %swap3A = arith.index_cast %mul3A_138 : i32 to index
      %swap3A_143 = tpu.vector_load %arg7[%swap3A] {strides = array<i32>} : memref<3136xf32, #tpu.memory_space<vmem>>, vector<16xf32>,
      tpu.vector_store %arg7[%swap3A], %add3A_142 {strides = array<i32>} : memref<3136xf32, #tpu.memory_space<vmem>>, vector<16xf32>,
    }
    %scan3A_36 = arith.constant 196 : i32
    %add3A_37 = arith.constant 200704 : i32
    %add3A_38 = arith.addi %add3A_37, %mul3A_12 : i32
    "tpu.region"() ({
      %run_scoped3A = tpu.sem_alloc : memref<!tpu.dma_semaphore, #tpu.memory_space<semaphore_mem>>
      %dma_start3A = tpu.memref_slice %arg9[%add3A_38] : memref<802816xf32, #tpu.memory_space<vmem_shared>> -> memref<3136xf32, #tpu.memory_space<vmem_shared>>
      %dma_start3A_136 = tpu.memref_slice %arg9[%add3A_38] : memref<802816xf32, #tpu.memory_space<vmem_shared>> -> memref<3136xf32, #tpu.memory_space<vmem_shared>>
      tpu.enqueue_dma source(%dma_start3A_136 : memref<3136xf32, #tpu.memory_space<vmem_shared>>) target(%arg8 : memref<3136xf32, #tpu.memory_space<vmem>>) target_semaphore(%run_scoped3A : memref<!tpu.dma_semaphore, #tpu.memory_space<semaphore_mem>>)
      %dma_wait3A = tpu.memref_slice %arg9[%add3A_38] : memref<802816xf32, #tpu.memory_space<vmem_shared>> -> memref<3136xf32, #tpu.memory_space<vmem_shared>>
      %dma_wait3A_137 = tpu.memref_slice %arg9[%add3A_38] : memref<802816xf32, #tpu.memory_space<vmem_shared>> -> memref<3136xf32, #tpu.memory_space<vmem_shared>>
      tpu.wait_dma2 semaphore(%run_scoped3A : memref<!tpu.dma_semaphore, #tpu.memory_space<semaphore_mem>>) src(%dma_wait3A_137 : memref<3136xf32, #tpu.memory_space<vmem_shared>>) dst(%arg8 : memref<3136xf32, #tpu.memory_space<vmem>>)
      tpu.yield
    }) : () -> ()
    %scan3A_39 = arith.constant 0 : i32
    %scan3A_40 = arith.constant 0 : i32
    %scan3A_41 = arith.constant 196 : i32
    %scan3A_42 = arith.addi %scan3A_40, %scan3A_41 : i32
    %scan3A_43 = arith.constant 1 : i32
    scf.for %scan3A_136 = %scan3A_40 to %scan3A_42 step %scan3A_43  : i32 {
      %mul3A_137 = arith.constant 16 : i32
      %mul3A_138 = arith.muli %scan3A_136, %mul3A_137 : i32
      %get3A = arith.index_cast %mul3A_138 : i32 to index
      %get3A_139 = tpu.vector_load %arg7[%get3A] {strides = array<i32>} : memref<3136xf32, #tpu.memory_space<vmem>>, vector<16xf32>,
      %get3A_140 = arith.index_cast %mul3A_138 : i32 to index
      %get3A_141 = tpu.vector_load %arg8[%get3A_140] {strides = array<i32>} : memref<3136xf32, #tpu.memory_space<vmem>>, vector<16xf32>,
      %add3A_142 = arith.addf %get3A_139, %get3A_141 : vector<16xf32>
      %swap3A = arith.index_cast %mul3A_138 : i32 to index
      %swap3A_143 = tpu.vector_load %arg7[%swap3A] {strides = array<i32>} : memref<3136xf32, #tpu.memory_space<vmem>>, vector<16xf32>,
      tpu.vector_store %arg7[%swap3A], %add3A_142 {strides = array<i32>} : memref<3136xf32, #tpu.memory_space<vmem>>, vector<16xf32>,
    }
    %scan3A_44 = arith.constant 196 : i32
    %add3A_45 = arith.constant 250880 : i32
    %add3A_46 = arith.addi %add3A_45, %mul3A_12 : i32
    "tpu.region"() ({
      %run_scoped3A = tpu.sem_alloc : memref<!tpu.dma_semaphore, #tpu.memory_space<semaphore_mem>>
      %dma_start3A = tpu.memref_slice %arg9[%add3A_46] : memref<802816xf32, #tpu.memory_space<vmem_shared>> -> memref<3136xf32, #tpu.memory_space<vmem_shared>>
      %dma_start3A_136 = tpu.memref_slice %arg9[%add3A_46] : memref<802816xf32, #tpu.memory_space<vmem_shared>> -> memref<3136xf32, #tpu.memory_space<vmem_shared>>
      tpu.enqueue_dma source(%dma_start3A_136 : memref<3136xf32, #tpu.memory_space<vmem_shared>>) target(%arg8 : memref<3136xf32, #tpu.memory_space<vmem>>) target_semaphore(%run_scoped3A : memref<!tpu.dma_semaphore, #tpu.memory_space<semaphore_mem>>)
      %dma_wait3A = tpu.memref_slice %arg9[%add3A_46] : memref<802816xf32, #tpu.memory_space<vmem_shared>> -> memref<3136xf32, #tpu.memory_space<vmem_shared>>
      %dma_wait3A_137 = tpu.memref_slice %arg9[%add3A_46] : memref<802816xf32, #tpu.memory_space<vmem_shared>> -> memref<3136xf32, #tpu.memory_space<vmem_shared>>
      tpu.wait_dma2 semaphore(%run_scoped3A : memref<!tpu.dma_semaphore, #tpu.memory_space<semaphore_mem>>) src(%dma_wait3A_137 : memref<3136xf32, #tpu.memory_space<vmem_shared>>) dst(%arg8 : memref<3136xf32, #tpu.memory_space<vmem>>)
      tpu.yield
    }) : () -> ()
    %scan3A_47 = arith.constant 0 : i32
    %scan3A_48 = arith.constant 0 : i32
    %scan3A_49 = arith.constant 196 : i32
    %scan3A_50 = arith.addi %scan3A_48, %scan3A_49 : i32
    %scan3A_51 = arith.constant 1 : i32
    scf.for %scan3A_136 = %scan3A_48 to %scan3A_50 step %scan3A_51  : i32 {
      %mul3A_137 = arith.constant 16 : i32
      %mul3A_138 = arith.muli %scan3A_136, %mul3A_137 : i32
      %get3A = arith.index_cast %mul3A_138 : i32 to index
      %get3A_139 = tpu.vector_load %arg7[%get3A] {strides = array<i32>} : memref<3136xf32, #tpu.memory_space<vmem>>, vector<16xf32>,
      %get3A_140 = arith.index_cast %mul3A_138 : i32 to index
      %get3A_141 = tpu.vector_load %arg8[%get3A_140] {strides = array<i32>} : memref<3136xf32, #tpu.memory_space<vmem>>, vector<16xf32>,
      %add3A_142 = arith.addf %get3A_139, %get3A_141 : vector<16xf32>
      %swap3A = arith.index_cast %mul3A_138 : i32 to index
      %swap3A_143 = tpu.vector_load %arg7[%swap3A] {strides = array<i32>} : memref<3136xf32, #tpu.memory_space<vmem>>, vector<16xf32>,
      tpu.vector_store %arg7[%swap3A], %add3A_142 {strides = array<i32>} : memref<3136xf32, #tpu.memory_space<vmem>>, vector<16xf32>,
    }
    %scan3A_52 = arith.constant 196 : i32
    %add3A_53 = arith.constant 301056 : i32
    %add3A_54 = arith.addi %add3A_53, %mul3A_12 : i32
    "tpu.region"() ({
      %run_scoped3A = tpu.sem_alloc : memref<!tpu.dma_semaphore, #tpu.memory_space<semaphore_mem>>
      %dma_start3A = tpu.memref_slice %arg9[%add3A_54] : memref<802816xf32, #tpu.memory_space<vmem_shared>> -> memref<3136xf32, #tpu.memory_space<vmem_shared>>
      %dma_start3A_136 = tpu.memref_slice %arg9[%add3A_54] : memref<802816xf32, #tpu.memory_space<vmem_shared>> -> memref<3136xf32, #tpu.memory_space<vmem_shared>>
      tpu.enqueue_dma source(%dma_start3A_136 : memref<3136xf32, #tpu.memory_space<vmem_shared>>) target(%arg8 : memref<3136xf32, #tpu.memory_space<vmem>>) target_semaphore(%run_scoped3A : memref<!tpu.dma_semaphore, #tpu.memory_space<semaphore_mem>>)
      %dma_wait3A = tpu.memref_slice %arg9[%add3A_54] : memref<802816xf32, #tpu.memory_space<vmem_shared>> -> memref<3136xf32, #tpu.memory_space<vmem_shared>>
      %dma_wait3A_137 = tpu.memref_slice %arg9[%add3A_54] : memref<802816xf32, #tpu.memory_space<vmem_shared>> -> memref<3136xf32, #tpu.memory_space<vmem_shared>>
      tpu.wait_dma2 semaphore(%run_scoped3A : memref<!tpu.dma_semaphore, #tpu.memory_space<semaphore_mem>>) src(%dma_wait3A_137 : memref<3136xf32, #tpu.memory_space<vmem_shared>>) dst(%arg8 : memref<3136xf32, #tpu.memory_space<vmem>>)
      tpu.yield
    }) : () -> ()
    %scan3A_55 = arith.constant 0 : i32
    %scan3A_56 = arith.constant 0 : i32
    %scan3A_57 = arith.constant 196 : i32
    %scan3A_58 = arith.addi %scan3A_56, %scan3A_57 : i32
    %scan3A_59 = arith.constant 1 : i32
    scf.for %scan3A_136 = %scan3A_56 to %scan3A_58 step %scan3A_59  : i32 {
      %mul3A_137 = arith.constant 16 : i32
      %mul3A_138 = arith.muli %scan3A_136, %mul3A_137 : i32
      %get3A = arith.index_cast %mul3A_138 : i32 to index
      %get3A_139 = tpu.vector_load %arg7[%get3A] {strides = array<i32>} : memref<3136xf32, #tpu.memory_space<vmem>>, vector<16xf32>,
      %get3A_140 = arith.index_cast %mul3A_138 : i32 to index
      %get3A_141 = tpu.vector_load %arg8[%get3A_140] {strides = array<i32>} : memref<3136xf32, #tpu.memory_space<vmem>>, vector<16xf32>,
      %add3A_142 = arith.addf %get3A_139, %get3A_141 : vector<16xf32>
      %swap3A = arith.index_cast %mul3A_138 : i32 to index
      %swap3A_143 = tpu.vector_load %arg7[%swap3A] {strides = array<i32>} : memref<3136xf32, #tpu.memory_space<vmem>>, vector<16xf32>,
      tpu.vector_store %arg7[%swap3A], %add3A_142 {strides = array<i32>} : memref<3136xf32, #tpu.memory_space<vmem>>, vector<16xf32>,
    }
    %scan3A_60 = arith.constant 196 : i32
    %add3A_61 = arith.constant 351232 : i32
    %add3A_62 = arith.addi %add3A_61, %mul3A_12 : i32
    "tpu.region"() ({
      %run_scoped3A = tpu.sem_alloc : memref<!tpu.dma_semaphore, #tpu.memory_space<semaphore_mem>>
      %dma_start3A = tpu.memref_slice %arg9[%add3A_62] : memref<802816xf32, #tpu.memory_space<vmem_shared>> -> memref<3136xf32, #tpu.memory_space<vmem_shared>>
      %dma_start3A_136 = tpu.memref_slice %arg9[%add3A_62] : memref<802816xf32, #tpu.memory_space<vmem_shared>> -> memref<3136xf32, #tpu.memory_space<vmem_shared>>
      tpu.enqueue_dma source(%dma_start3A_136 : memref<3136xf32, #tpu.memory_space<vmem_shared>>) target(%arg8 : memref<3136xf32, #tpu.memory_space<vmem>>) target_semaphore(%run_scoped3A : memref<!tpu.dma_semaphore, #tpu.memory_space<semaphore_mem>>)
      %dma_wait3A = tpu.memref_slice %arg9[%add3A_62] : memref<802816xf32, #tpu.memory_space<vmem_shared>> -> memref<3136xf32, #tpu.memory_space<vmem_shared>>
      %dma_wait3A_137 = tpu.memref_slice %arg9[%add3A_62] : memref<802816xf32, #tpu.memory_space<vmem_shared>> -> memref<3136xf32, #tpu.memory_space<vmem_shared>>
      tpu.wait_dma2 semaphore(%run_scoped3A : memref<!tpu.dma_semaphore, #tpu.memory_space<semaphore_mem>>) src(%dma_wait3A_137 : memref<3136xf32, #tpu.memory_space<vmem_shared>>) dst(%arg8 : memref<3136xf32, #tpu.memory_space<vmem>>)
      tpu.yield
    }) : () -> ()
    %scan3A_63 = arith.constant 0 : i32
    %scan3A_64 = arith.constant 0 : i32
    %scan3A_65 = arith.constant 196 : i32
    %scan3A_66 = arith.addi %scan3A_64, %scan3A_65 : i32
    %scan3A_67 = arith.constant 1 : i32
    scf.for %scan3A_136 = %scan3A_64 to %scan3A_66 step %scan3A_67  : i32 {
      %mul3A_137 = arith.constant 16 : i32
      %mul3A_138 = arith.muli %scan3A_136, %mul3A_137 : i32
      %get3A = arith.index_cast %mul3A_138 : i32 to index
      %get3A_139 = tpu.vector_load %arg7[%get3A] {strides = array<i32>} : memref<3136xf32, #tpu.memory_space<vmem>>, vector<16xf32>,
      %get3A_140 = arith.index_cast %mul3A_138 : i32 to index
      %get3A_141 = tpu.vector_load %arg8[%get3A_140] {strides = array<i32>} : memref<3136xf32, #tpu.memory_space<vmem>>, vector<16xf32>,
      %add3A_142 = arith.addf %get3A_139, %get3A_141 : vector<16xf32>
      %swap3A = arith.index_cast %mul3A_138 : i32 to index
      %swap3A_143 = tpu.vector_load %arg7[%swap3A] {strides = array<i32>} : memref<3136xf32, #tpu.memory_space<vmem>>, vector<16xf32>,
      tpu.vector_store %arg7[%swap3A], %add3A_142 {strides = array<i32>} : memref<3136xf32, #tpu.memory_space<vmem>>, vector<16xf32>,
    }
    %scan3A_68 = arith.constant 196 : i32
    %add3A_69 = arith.constant 401408 : i32
    %add3A_70 = arith.addi %add3A_69, %mul3A_12 : i32
    "tpu.region"() ({
      %run_scoped3A = tpu.sem_alloc : memref<!tpu.dma_semaphore, #tpu.memory_space<semaphore_mem>>
      %dma_start3A = tpu.memref_slice %arg9[%add3A_70] : memref<802816xf32, #tpu.memory_space<vmem_shared>> -> memref<3136xf32, #tpu.memory_space<vmem_shared>>
      %dma_start3A_136 = tpu.memref_slice %arg9[%add3A_70] : memref<802816xf32, #tpu.memory_space<vmem_shared>> -> memref<3136xf32, #tpu.memory_space<vmem_shared>>
      tpu.enqueue_dma source(%dma_start3A_136 : memref<3136xf32, #tpu.memory_space<vmem_shared>>) target(%arg8 : memref<3136xf32, #tpu.memory_space<vmem>>) target_semaphore(%run_scoped3A : memref<!tpu.dma_semaphore, #tpu.memory_space<semaphore_mem>>)
      %dma_wait3A = tpu.memref_slice %arg9[%add3A_70] : memref<802816xf32, #tpu.memory_space<vmem_shared>> -> memref<3136xf32, #tpu.memory_space<vmem_shared>>
      %dma_wait3A_137 = tpu.memref_slice %arg9[%add3A_70] : memref<802816xf32, #tpu.memory_space<vmem_shared>> -> memref<3136xf32, #tpu.memory_space<vmem_shared>>
      tpu.wait_dma2 semaphore(%run_scoped3A : memref<!tpu.dma_semaphore, #tpu.memory_space<semaphore_mem>>) src(%dma_wait3A_137 : memref<3136xf32, #tpu.memory_space<vmem_shared>>) dst(%arg8 : memref<3136xf32, #tpu.memory_space<vmem>>)
      tpu.yield
    }) : () -> ()
    %scan3A_71 = arith.constant 0 : i32
    %scan3A_72 = arith.constant 0 : i32
    %scan3A_73 = arith.constant 196 : i32
    %scan3A_74 = arith.addi %scan3A_72, %scan3A_73 : i32
    %scan3A_75 = arith.constant 1 : i32
    scf.for %scan3A_136 = %scan3A_72 to %scan3A_74 step %scan3A_75  : i32 {
      %mul3A_137 = arith.constant 16 : i32
      %mul3A_138 = arith.muli %scan3A_136, %mul3A_137 : i32
      %get3A = arith.index_cast %mul3A_138 : i32 to index
      %get3A_139 = tpu.vector_load %arg7[%get3A] {strides = array<i32>} : memref<3136xf32, #tpu.memory_space<vmem>>, vector<16xf32>,
      %get3A_140 = arith.index_cast %mul3A_138 : i32 to index
      %get3A_141 = tpu.vector_load %arg8[%get3A_140] {strides = array<i32>} : memref<3136xf32, #tpu.memory_space<vmem>>, vector<16xf32>,
      %add3A_142 = arith.addf %get3A_139, %get3A_141 : vector<16xf32>
      %swap3A = arith.index_cast %mul3A_138 : i32 to index
      %swap3A_143 = tpu.vector_load %arg7[%swap3A] {strides = array<i32>} : memref<3136xf32, #tpu.memory_space<vmem>>, vector<16xf32>,
      tpu.vector_store %arg7[%swap3A], %add3A_142 {strides = array<i32>} : memref<3136xf32, #tpu.memory_space<vmem>>, vector<16xf32>,
    }
    %scan3A_76 = arith.constant 196 : i32
    %add3A_77 = arith.constant 451584 : i32
    %add3A_78 = arith.addi %add3A_77, %mul3A_12 : i32
    "tpu.region"() ({
      %run_scoped3A = tpu.sem_alloc : memref<!tpu.dma_semaphore, #tpu.memory_space<semaphore_mem>>
      %dma_start3A = tpu.memref_slice %arg9[%add3A_78] : memref<802816xf32, #tpu.memory_space<vmem_shared>> -> memref<3136xf32, #tpu.memory_space<vmem_shared>>
      %dma_start3A_136 = tpu.memref_slice %arg9[%add3A_78] : memref<802816xf32, #tpu.memory_space<vmem_shared>> -> memref<3136xf32, #tpu.memory_space<vmem_shared>>
      tpu.enqueue_dma source(%dma_start3A_136 : memref<3136xf32, #tpu.memory_space<vmem_shared>>) target(%arg8 : memref<3136xf32, #tpu.memory_space<vmem>>) target_semaphore(%run_scoped3A : memref<!tpu.dma_semaphore, #tpu.memory_space<semaphore_mem>>)
      %dma_wait3A = tpu.memref_slice %arg9[%add3A_78] : memref<802816xf32, #tpu.memory_space<vmem_shared>> -> memref<3136xf32, #tpu.memory_space<vmem_shared>>
      %dma_wait3A_137 = tpu.memref_slice %arg9[%add3A_78] : memref<802816xf32, #tpu.memory_space<vmem_shared>> -> memref<3136xf32, #tpu.memory_space<vmem_shared>>
      tpu.wait_dma2 semaphore(%run_scoped3A : memref<!tpu.dma_semaphore, #tpu.memory_space<semaphore_mem>>) src(%dma_wait3A_137 : memref<3136xf32, #tpu.memory_space<vmem_shared>>) dst(%arg8 : memref<3136xf32, #tpu.memory_space<vmem>>)
      tpu.yield
    }) : () -> ()
    %scan3A_79 = arith.constant 0 : i32
    %scan3A_80 = arith.constant 0 : i32
    %scan3A_81 = arith.constant 196 : i32
    %scan3A_82 = arith.addi %scan3A_80, %scan3A_81 : i32
    %scan3A_83 = arith.constant 1 : i32
    scf.for %scan3A_136 = %scan3A_80 to %scan3A_82 step %scan3A_83  : i32 {
      %mul3A_137 = arith.constant 16 : i32
      %mul3A_138 = arith.muli %scan3A_136, %mul3A_137 : i32
      %get3A = arith.index_cast %mul3A_138 : i32 to index
      %get3A_139 = tpu.vector_load %arg7[%get3A] {strides = array<i32>} : memref<3136xf32, #tpu.memory_space<vmem>>, vector<16xf32>,
      %get3A_140 = arith.index_cast %mul3A_138 : i32 to index
      %get3A_141 = tpu.vector_load %arg8[%get3A_140] {strides = array<i32>} : memref<3136xf32, #tpu.memory_space<vmem>>, vector<16xf32>,
      %add3A_142 = arith.addf %get3A_139, %get3A_141 : vector<16xf32>
      %swap3A = arith.index_cast %mul3A_138 : i32 to index
      %swap3A_143 = tpu.vector_load %arg7[%swap3A] {strides = array<i32>} : memref<3136xf32, #tpu.memory_space<vmem>>, vector<16xf32>,
      tpu.vector_store %arg7[%swap3A], %add3A_142 {strides = array<i32>} : memref<3136xf32, #tpu.memory_space<vmem>>, vector<16xf32>,
    }
    %scan3A_84 = arith.constant 196 : i32
    %add3A_85 = arith.constant 501760 : i32
    %add3A_86 = arith.addi %add3A_85, %mul3A_12 : i32
    "tpu.region"() ({
      %run_scoped3A = tpu.sem_alloc : memref<!tpu.dma_semaphore, #tpu.memory_space<semaphore_mem>>
      %dma_start3A = tpu.memref_slice %arg9[%add3A_86] : memref<802816xf32, #tpu.memory_space<vmem_shared>> -> memref<3136xf32, #tpu.memory_space<vmem_shared>>
      %dma_start3A_136 = tpu.memref_slice %arg9[%add3A_86] : memref<802816xf32, #tpu.memory_space<vmem_shared>> -> memref<3136xf32, #tpu.memory_space<vmem_shared>>
      tpu.enqueue_dma source(%dma_start3A_136 : memref<3136xf32, #tpu.memory_space<vmem_shared>>) target(%arg8 : memref<3136xf32, #tpu.memory_space<vmem>>) target_semaphore(%run_scoped3A : memref<!tpu.dma_semaphore, #tpu.memory_space<semaphore_mem>>)
      %dma_wait3A = tpu.memref_slice %arg9[%add3A_86] : memref<802816xf32, #tpu.memory_space<vmem_shared>> -> memref<3136xf32, #tpu.memory_space<vmem_shared>>
      %dma_wait3A_137 = tpu.memref_slice %arg9[%add3A_86] : memref<802816xf32, #tpu.memory_space<vmem_shared>> -> memref<3136xf32, #tpu.memory_space<vmem_shared>>
      tpu.wait_dma2 semaphore(%run_scoped3A : memref<!tpu.dma_semaphore, #tpu.memory_space<semaphore_mem>>) src(%dma_wait3A_137 : memref<3136xf32, #tpu.memory_space<vmem_shared>>) dst(%arg8 : memref<3136xf32, #tpu.memory_space<vmem>>)
      tpu.yield
    }) : () -> ()
    %scan3A_87 = arith.constant 0 : i32
    %scan3A_88 = arith.constant 0 : i32
    %scan3A_89 = arith.constant 196 : i32
    %scan3A_90 = arith.addi %scan3A_88, %scan3A_89 : i32
    %scan3A_91 = arith.constant 1 : i32
    scf.for %scan3A_136 = %scan3A_88 to %scan3A_90 step %scan3A_91  : i32 {
      %mul3A_137 = arith.constant 16 : i32
      %mul3A_138 = arith.muli %scan3A_136, %mul3A_137 : i32
      %get3A = arith.index_cast %mul3A_138 : i32 to index
      %get3A_139 = tpu.vector_load %arg7[%get3A] {strides = array<i32>} : memref<3136xf32, #tpu.memory_space<vmem>>, vector<16xf32>,
      %get3A_140 = arith.index_cast %mul3A_138 : i32 to index
      %get3A_141 = tpu.vector_load %arg8[%get3A_140] {strides = array<i32>} : memref<3136xf32, #tpu.memory_space<vmem>>, vector<16xf32>,
      %add3A_142 = arith.addf %get3A_139, %get3A_141 : vector<16xf32>
      %swap3A = arith.index_cast %mul3A_138 : i32 to index
      %swap3A_143 = tpu.vector_load %arg7[%swap3A] {strides = array<i32>} : memref<3136xf32, #tpu.memory_space<vmem>>, vector<16xf32>,
      tpu.vector_store %arg7[%swap3A], %add3A_142 {strides = array<i32>} : memref<3136xf32, #tpu.memory_space<vmem>>, vector<16xf32>,
    }
    %scan3A_92 = arith.constant 196 : i32
    %add3A_93 = arith.constant 551936 : i32
    %add3A_94 = arith.addi %add3A_93, %mul3A_12 : i32
    "tpu.region"() ({
      %run_scoped3A = tpu.sem_alloc : memref<!tpu.dma_semaphore, #tpu.memory_space<semaphore_mem>>
      %dma_start3A = tpu.memref_slice %arg9[%add3A_94] : memref<802816xf32, #tpu.memory_space<vmem_shared>> -> memref<3136xf32, #tpu.memory_space<vmem_shared>>
      %dma_start3A_136 = tpu.memref_slice %arg9[%add3A_94] : memref<802816xf32, #tpu.memory_space<vmem_shared>> -> memref<3136xf32, #tpu.memory_space<vmem_shared>>
      tpu.enqueue_dma source(%dma_start3A_136 : memref<3136xf32, #tpu.memory_space<vmem_shared>>) target(%arg8 : memref<3136xf32, #tpu.memory_space<vmem>>) target_semaphore(%run_scoped3A : memref<!tpu.dma_semaphore, #tpu.memory_space<semaphore_mem>>)
      %dma_wait3A = tpu.memref_slice %arg9[%add3A_94] : memref<802816xf32, #tpu.memory_space<vmem_shared>> -> memref<3136xf32, #tpu.memory_space<vmem_shared>>
      %dma_wait3A_137 = tpu.memref_slice %arg9[%add3A_94] : memref<802816xf32, #tpu.memory_space<vmem_shared>> -> memref<3136xf32, #tpu.memory_space<vmem_shared>>
      tpu.wait_dma2 semaphore(%run_scoped3A : memref<!tpu.dma_semaphore, #tpu.memory_space<semaphore_mem>>) src(%dma_wait3A_137 : memref<3136xf32, #tpu.memory_space<vmem_shared>>) dst(%arg8 : memref<3136xf32, #tpu.memory_space<vmem>>)
      tpu.yield
    }) : () -> ()
    %scan3A_95 = arith.constant 0 : i32
    %scan3A_96 = arith.constant 0 : i32
    %scan3A_97 = arith.constant 196 : i32
    %scan3A_98 = arith.addi %scan3A_96, %scan3A_97 : i32
    %scan3A_99 = arith.constant 1 : i32
    scf.for %scan3A_136 = %scan3A_96 to %scan3A_98 step %scan3A_99  : i32 {
      %mul3A_137 = arith.constant 16 : i32
      %mul3A_138 = arith.muli %scan3A_136, %mul3A_137 : i32
      %get3A = arith.index_cast %mul3A_138 : i32 to index
      %get3A_139 = tpu.vector_load %arg7[%get3A] {strides = array<i32>} : memref<3136xf32, #tpu.memory_space<vmem>>, vector<16xf32>,
      %get3A_140 = arith.index_cast %mul3A_138 : i32 to index
      %get3A_141 = tpu.vector_load %arg8[%get3A_140] {strides = array<i32>} : memref<3136xf32, #tpu.memory_space<vmem>>, vector<16xf32>,
      %add3A_142 = arith.addf %get3A_139, %get3A_141 : vector<16xf32>
      %swap3A = arith.index_cast %mul3A_138 : i32 to index
      %swap3A_143 = tpu.vector_load %arg7[%swap3A] {strides = array<i32>} : memref<3136xf32, #tpu.memory_space<vmem>>, vector<16xf32>,
      tpu.vector_store %arg7[%swap3A], %add3A_142 {strides = array<i32>} : memref<3136xf32, #tpu.memory_space<vmem>>, vector<16xf32>,
    }
    %scan3A_100 = arith.constant 196 : i32
    %add3A_101 = arith.constant 602112 : i32
    %add3A_102 = arith.addi %add3A_101, %mul3A_12 : i32
    "tpu.region"() ({
      %run_scoped3A = tpu.sem_alloc : memref<!tpu.dma_semaphore, #tpu.memory_space<semaphore_mem>>
      %dma_start3A = tpu.memref_slice %arg9[%add3A_102] : memref<802816xf32, #tpu.memory_space<vmem_shared>> -> memref<3136xf32, #tpu.memory_space<vmem_shared>>
      %dma_start3A_136 = tpu.memref_slice %arg9[%add3A_102] : memref<802816xf32, #tpu.memory_space<vmem_shared>> -> memref<3136xf32, #tpu.memory_space<vmem_shared>>
      tpu.enqueue_dma source(%dma_start3A_136 : memref<3136xf32, #tpu.memory_space<vmem_shared>>) target(%arg8 : memref<3136xf32, #tpu.memory_space<vmem>>) target_semaphore(%run_scoped3A : memref<!tpu.dma_semaphore, #tpu.memory_space<semaphore_mem>>)
      %dma_wait3A = tpu.memref_slice %arg9[%add3A_102] : memref<802816xf32, #tpu.memory_space<vmem_shared>> -> memref<3136xf32, #tpu.memory_space<vmem_shared>>
      %dma_wait3A_137 = tpu.memref_slice %arg9[%add3A_102] : memref<802816xf32, #tpu.memory_space<vmem_shared>> -> memref<3136xf32, #tpu.memory_space<vmem_shared>>
      tpu.wait_dma2 semaphore(%run_scoped3A : memref<!tpu.dma_semaphore, #tpu.memory_space<semaphore_mem>>) src(%dma_wait3A_137 : memref<3136xf32, #tpu.memory_space<vmem_shared>>) dst(%arg8 : memref<3136xf32, #tpu.memory_space<vmem>>)
      tpu.yield
    }) : () -> ()
    %scan3A_103 = arith.constant 0 : i32
    %scan3A_104 = arith.constant 0 : i32
    %scan3A_105 = arith.constant 196 : i32
    %scan3A_106 = arith.addi %scan3A_104, %scan3A_105 : i32
    %scan3A_107 = arith.constant 1 : i32
    scf.for %scan3A_136 = %scan3A_104 to %scan3A_106 step %scan3A_107  : i32 {
      %mul3A_137 = arith.constant 16 : i32
      %mul3A_138 = arith.muli %scan3A_136, %mul3A_137 : i32
      %get3A = arith.index_cast %mul3A_138 : i32 to index
      %get3A_139 = tpu.vector_load %arg7[%get3A] {strides = array<i32>} : memref<3136xf32, #tpu.memory_space<vmem>>, vector<16xf32>,
      %get3A_140 = arith.index_cast %mul3A_138 : i32 to index
      %get3A_141 = tpu.vector_load %arg8[%get3A_140] {strides = array<i32>} : memref<3136xf32, #tpu.memory_space<vmem>>, vector<16xf32>,
      %add3A_142 = arith.addf %get3A_139, %get3A_141 : vector<16xf32>
      %swap3A = arith.index_cast %mul3A_138 : i32 to index
      %swap3A_143 = tpu.vector_load %arg7[%swap3A] {strides = array<i32>} : memref<3136xf32, #tpu.memory_space<vmem>>, vector<16xf32>,
      tpu.vector_store %arg7[%swap3A], %add3A_142 {strides = array<i32>} : memref<3136xf32, #tpu.memory_space<vmem>>, vector<16xf32>,
    }
    %scan3A_108 = arith.constant 196 : i32
    %add3A_109 = arith.constant 652288 : i32
    %add3A_110 = arith.addi %add3A_109, %mul3A_12 : i32
    "tpu.region"() ({
      %run_scoped3A = tpu.sem_alloc : memref<!tpu.dma_semaphore, #tpu.memory_space<semaphore_mem>>
      %dma_start3A = tpu.memref_slice %arg9[%add3A_110] : memref<802816xf32, #tpu.memory_space<vmem_shared>> -> memref<3136xf32, #tpu.memory_space<vmem_shared>>
      %dma_start3A_136 = tpu.memref_slice %arg9[%add3A_110] : memref<802816xf32, #tpu.memory_space<vmem_shared>> -> memref<3136xf32, #tpu.memory_space<vmem_shared>>
      tpu.enqueue_dma source(%dma_start3A_136 : memref<3136xf32, #tpu.memory_space<vmem_shared>>) target(%arg8 : memref<3136xf32, #tpu.memory_space<vmem>>) target_semaphore(%run_scoped3A : memref<!tpu.dma_semaphore, #tpu.memory_space<semaphore_mem>>)
      %dma_wait3A = tpu.memref_slice %arg9[%add3A_110] : memref<802816xf32, #tpu.memory_space<vmem_shared>> -> memref<3136xf32, #tpu.memory_space<vmem_shared>>
      %dma_wait3A_137 = tpu.memref_slice %arg9[%add3A_110] : memref<802816xf32, #tpu.memory_space<vmem_shared>> -> memref<3136xf32, #tpu.memory_space<vmem_shared>>
      tpu.wait_dma2 semaphore(%run_scoped3A : memref<!tpu.dma_semaphore, #tpu.memory_space<semaphore_mem>>) src(%dma_wait3A_137 : memref<3136xf32, #tpu.memory_space<vmem_shared>>) dst(%arg8 : memref<3136xf32, #tpu.memory_space<vmem>>)
      tpu.yield
    }) : () -> ()
    %scan3A_111 = arith.constant 0 : i32
    %scan3A_112 = arith.constant 0 : i32
    %scan3A_113 = arith.constant 196 : i32
    %scan3A_114 = arith.addi %scan3A_112, %scan3A_113 : i32
    %scan3A_115 = arith.constant 1 : i32
    scf.for %scan3A_136 = %scan3A_112 to %scan3A_114 step %scan3A_115  : i32 {
      %mul3A_137 = arith.constant 16 : i32
      %mul3A_138 = arith.muli %scan3A_136, %mul3A_137 : i32
      %get3A = arith.index_cast %mul3A_138 : i32 to index
      %get3A_139 = tpu.vector_load %arg7[%get3A] {strides = array<i32>} : memref<3136xf32, #tpu.memory_space<vmem>>, vector<16xf32>,
      %get3A_140 = arith.index_cast %mul3A_138 : i32 to index
      %get3A_141 = tpu.vector_load %arg8[%get3A_140] {strides = array<i32>} : memref<3136xf32, #tpu.memory_space<vmem>>, vector<16xf32>,
      %add3A_142 = arith.addf %get3A_139, %get3A_141 : vector<16xf32>
      %swap3A = arith.index_cast %mul3A_138 : i32 to index
      %swap3A_143 = tpu.vector_load %arg7[%swap3A] {strides = array<i32>} : memref<3136xf32, #tpu.memory_space<vmem>>, vector<16xf32>,
      tpu.vector_store %arg7[%swap3A], %add3A_142 {strides = array<i32>} : memref<3136xf32, #tpu.memory_space<vmem>>, vector<16xf32>,
    }
    %scan3A_116 = arith.constant 196 : i32
    %add3A_117 = arith.constant 702464 : i32
    %add3A_118 = arith.addi %add3A_117, %mul3A_12 : i32
    "tpu.region"() ({
      %run_scoped3A = tpu.sem_alloc : memref<!tpu.dma_semaphore, #tpu.memory_space<semaphore_mem>>
      %dma_start3A = tpu.memref_slice %arg9[%add3A_118] : memref<802816xf32, #tpu.memory_space<vmem_shared>> -> memref<3136xf32, #tpu.memory_space<vmem_shared>>
      %dma_start3A_136 = tpu.memref_slice %arg9[%add3A_118] : memref<802816xf32, #tpu.memory_space<vmem_shared>> -> memref<3136xf32, #tpu.memory_space<vmem_shared>>
      tpu.enqueue_dma source(%dma_start3A_136 : memref<3136xf32, #tpu.memory_space<vmem_shared>>) target(%arg8 : memref<3136xf32, #tpu.memory_space<vmem>>) target_semaphore(%run_scoped3A : memref<!tpu.dma_semaphore, #tpu.memory_space<semaphore_mem>>)
      %dma_wait3A = tpu.memref_slice %arg9[%add3A_118] : memref<802816xf32, #tpu.memory_space<vmem_shared>> -> memref<3136xf32, #tpu.memory_space<vmem_shared>>
      %dma_wait3A_137 = tpu.memref_slice %arg9[%add3A_118] : memref<802816xf32, #tpu.memory_space<vmem_shared>> -> memref<3136xf32, #tpu.memory_space<vmem_shared>>
      tpu.wait_dma2 semaphore(%run_scoped3A : memref<!tpu.dma_semaphore, #tpu.memory_space<semaphore_mem>>) src(%dma_wait3A_137 : memref<3136xf32, #tpu.memory_space<vmem_shared>>) dst(%arg8 : memref<3136xf32, #tpu.memory_space<vmem>>)
      tpu.yield
    }) : () -> ()
    %scan3A_119 = arith.constant 0 : i32
    %scan3A_120 = arith.constant 0 : i32
    %scan3A_121 = arith.constant 196 : i32
    %scan3A_122 = arith.addi %scan3A_120, %scan3A_121 : i32
    %scan3A_123 = arith.constant 1 : i32
    scf.for %scan3A_136 = %scan3A_120 to %scan3A_122 step %scan3A_123  : i32 {
      %mul3A_137 = arith.constant 16 : i32
      %mul3A_138 = arith.muli %scan3A_136, %mul3A_137 : i32
      %get3A = arith.index_cast %mul3A_138 : i32 to index
      %get3A_139 = tpu.vector_load %arg7[%get3A] {strides = array<i32>} : memref<3136xf32, #tpu.memory_space<vmem>>, vector<16xf32>,
      %get3A_140 = arith.index_cast %mul3A_138 : i32 to index
      %get3A_141 = tpu.vector_load %arg8[%get3A_140] {strides = array<i32>} : memref<3136xf32, #tpu.memory_space<vmem>>, vector<16xf32>,
      %add3A_142 = arith.addf %get3A_139, %get3A_141 : vector<16xf32>
      %swap3A = arith.index_cast %mul3A_138 : i32 to index
      %swap3A_143 = tpu.vector_load %arg7[%swap3A] {strides = array<i32>} : memref<3136xf32, #tpu.memory_space<vmem>>, vector<16xf32>,
      tpu.vector_store %arg7[%swap3A], %add3A_142 {strides = array<i32>} : memref<3136xf32, #tpu.memory_space<vmem>>, vector<16xf32>,
    }
    %scan3A_124 = arith.constant 196 : i32
    %add3A_125 = arith.constant 752640 : i32
    %add3A_126 = arith.addi %add3A_125, %mul3A_12 : i32
    "tpu.region"() ({
      %run_scoped3A = tpu.sem_alloc : memref<!tpu.dma_semaphore, #tpu.memory_space<semaphore_mem>>
      %dma_start3A = tpu.memref_slice %arg9[%add3A_126] : memref<802816xf32, #tpu.memory_space<vmem_shared>> -> memref<3136xf32, #tpu.memory_space<vmem_shared>>
      %dma_start3A_136 = tpu.memref_slice %arg9[%add3A_126] : memref<802816xf32, #tpu.memory_space<vmem_shared>> -> memref<3136xf32, #tpu.memory_space<vmem_shared>>
      tpu.enqueue_dma source(%dma_start3A_136 : memref<3136xf32, #tpu.memory_space<vmem_shared>>) target(%arg8 : memref<3136xf32, #tpu.memory_space<vmem>>) target_semaphore(%run_scoped3A : memref<!tpu.dma_semaphore, #tpu.memory_space<semaphore_mem>>)
      %dma_wait3A = tpu.memref_slice %arg9[%add3A_126] : memref<802816xf32, #tpu.memory_space<vmem_shared>> -> memref<3136xf32, #tpu.memory_space<vmem_shared>>
      %dma_wait3A_137 = tpu.memref_slice %arg9[%add3A_126] : memref<802816xf32, #tpu.memory_space<vmem_shared>> -> memref<3136xf32, #tpu.memory_space<vmem_shared>>
      tpu.wait_dma2 semaphore(%run_scoped3A : memref<!tpu.dma_semaphore, #tpu.memory_space<semaphore_mem>>) src(%dma_wait3A_137 : memref<3136xf32, #tpu.memory_space<vmem_shared>>) dst(%arg8 : memref<3136xf32, #tpu.memory_space<vmem>>)
      tpu.yield
    }) : () -> ()
    %scan3A_127 = arith.constant 0 : i32
    %scan3A_128 = arith.constant 0 : i32
    %scan3A_129 = arith.constant 196 : i32
    %scan3A_130 = arith.addi %scan3A_128, %scan3A_129 : i32
    %scan3A_131 = arith.constant 1 : i32
    scf.for %scan3A_136 = %scan3A_128 to %scan3A_130 step %scan3A_131  : i32 {
      %mul3A_137 = arith.constant 16 : i32
      %mul3A_138 = arith.muli %scan3A_136, %mul3A_137 : i32
      %get3A = arith.index_cast %mul3A_138 : i32 to index
      %get3A_139 = tpu.vector_load %arg7[%get3A] {strides = array<i32>} : memref<3136xf32, #tpu.memory_space<vmem>>, vector<16xf32>,
      %get3A_140 = arith.index_cast %mul3A_138 : i32 to index
      %get3A_141 = tpu.vector_load %arg8[%get3A_140] {strides = array<i32>} : memref<3136xf32, #tpu.memory_space<vmem>>, vector<16xf32>,
      %add3A_142 = arith.addf %get3A_139, %get3A_141 : vector<16xf32>
      %swap3A = arith.index_cast %mul3A_138 : i32 to index
      %swap3A_143 = tpu.vector_load %arg7[%swap3A] {strides = array<i32>} : memref<3136xf32, #tpu.memory_space<vmem>>, vector<16xf32>,
      tpu.vector_store %arg7[%swap3A], %add3A_142 {strides = array<i32>} : memref<3136xf32, #tpu.memory_space<vmem>>, vector<16xf32>,
    }
    %scan3A_132 = arith.constant 196 : i32
    %mul3A_133 = arith.constant 50176 : i32
    %mul3A_134 = arith.muli %arg0, %mul3A_133 : i32
    %add3A_135 = arith.addi %mul3A_134, %mul3A_12 : i32
    "tpu.region"() ({
      %run_scoped3A = tpu.sem_alloc : memref<!tpu.dma_semaphore, #tpu.memory_space<semaphore_mem>>
      %dma_start3A = tpu.memref_slice %arg4[%add3A_135] : memref<100352xf32, #tpu.memory_space<hbm>> -> memref<3136xf32, #tpu.memory_space<hbm>>
      %dma_start3A_136 = tpu.memref_slice %arg4[%add3A_135] : memref<100352xf32, #tpu.memory_space<hbm>> -> memref<3136xf32, #tpu.memory_space<hbm>>
      tpu.enqueue_dma source(%arg7 : memref<3136xf32, #tpu.memory_space<vmem>>) target(%dma_start3A_136 : memref<3136xf32, #tpu.memory_space<hbm>>) target_semaphore(%run_scoped3A : memref<!tpu.dma_semaphore, #tpu.memory_space<semaphore_mem>>)
      %dma_wait3A = tpu.memref_slice %arg4[%add3A_135] : memref<100352xf32, #tpu.memory_space<hbm>> -> memref<3136xf32, #tpu.memory_space<hbm>>
      %dma_wait3A_137 = tpu.memref_slice %arg4[%add3A_135] : memref<100352xf32, #tpu.memory_space<hbm>> -> memref<3136xf32, #tpu.memory_space<hbm>>
      tpu.wait_dma2 semaphore(%run_scoped3A : memref<!tpu.dma_semaphore, #tpu.memory_space<semaphore_mem>>) src(%arg7 : memref<3136xf32, #tpu.memory_space<vmem>>) dst(%dma_wait3A_137 : memref<3136xf32, #tpu.memory_space<hbm>>)
      tpu.yield
    }) : () -> ()
    return
  }
}

#map = affine_map<(d0, d1) -> (0, 0)>
#map1 = affine_map<(d0, d1) -> (0)>
module attributes {stable_mosaic.version = 14 : i64} {
  func.func @_edge_body(%arg0: i32, %arg1: i32, %arg2: memref<100000x32xf32, #tpu.memory_space<hbm>>, %arg3: memref<1605632xi32, #tpu.memory_space<hbm>>, %arg4: memref<802816xi32, #tpu.memory_space<hbm>>, %arg5: memref<3136x32xf32, #tpu.memory_space<hbm>>, %arg6: memref<100352x32xf32, #tpu.memory_space<hbm>>, %arg7: memref<50176x32xf32, #tpu.memory_space<vmem_shared>>, %arg8: memref<512xi32, #tpu.memory_space<vmem>>, %arg9: memref<512xi32, #tpu.memory_space<vmem>>, %arg10: memref<512x32xf32, #tpu.memory_space<vmem>>, %arg11: memref<!tpu.dma_semaphore, #tpu.memory_space<semaphore_mem>>) attributes {dimension_semantics = [#tpu.dimension_semantics<core_parallel>, #tpu.dimension_semantics<subcore_parallel>], iteration_bounds = array<i64: 2, 16>, scalar_prefetch = 0 : i64, scratch_operands = 5 : i64, tpu.core_type = #tpu.core_type<sc_vector_subcore>, window_params = [{transform_indices = #map}, {transform_indices = #map1}, {transform_indices = #map1}, {transform_indices = #map}, {transform_indices = #map}]} {
    %mul3A = arith.constant 3136 : i32
    %mul3A_0 = arith.muli %arg1, %mul3A : i32
    "tpu.region"() ({
      %run_scoped3A = tpu.sem_alloc : memref<!tpu.dma_semaphore, #tpu.memory_space<semaphore_mem>>
      %dma_start3A = arith.constant 0 : i32
      %dma_start3A_11 = tpu.memref_slice %arg7[%mul3A_0, %dma_start3A] : memref<50176x32xf32, #tpu.memory_space<vmem_shared>> -> memref<3136x32xf32, #tpu.memory_space<vmem_shared>>
      tpu.enqueue_dma source(%arg5 : memref<3136x32xf32, #tpu.memory_space<hbm>>) target(%dma_start3A_11 : memref<3136x32xf32, #tpu.memory_space<vmem_shared>>) target_semaphore(%run_scoped3A : memref<!tpu.dma_semaphore, #tpu.memory_space<semaphore_mem>>)
      %dma_wait3A = arith.constant 0 : i32
      %dma_wait3A_12 = tpu.memref_slice %arg7[%mul3A_0, %dma_wait3A] : memref<50176x32xf32, #tpu.memory_space<vmem_shared>> -> memref<3136x32xf32, #tpu.memory_space<vmem_shared>>
      tpu.wait_dma2 semaphore(%run_scoped3A : memref<!tpu.dma_semaphore, #tpu.memory_space<semaphore_mem>>) src(%arg5 : memref<3136x32xf32, #tpu.memory_space<hbm>>) dst(%dma_wait3A_12 : memref<3136x32xf32, #tpu.memory_space<vmem_shared>>)
      tpu.yield
    }) : () -> ()
    %barrier3A = arith.constant 0 : index
    tpu.barrier barrier_id(%barrier3A)
    %scan3A = arith.constant 0 : i32
    %scan3A_1 = arith.constant 0 : i32
    %scan3A_2 = arith.constant 98 : i32
    %scan3A_3 = arith.addi %scan3A_1, %scan3A_2 : i32
    %scan3A_4 = arith.constant 1 : i32
    scf.for %scan3A_11 = %scan3A_1 to %scan3A_3 step %scan3A_4  : i32 {
      %mul3A_12 = arith.constant 802816 : i32
      %mul3A_13 = arith.muli %arg0, %mul3A_12 : i32
      %mul3A_14 = arith.constant 50176 : i32
      %mul3A_15 = arith.muli %arg1, %mul3A_14 : i32
      %add3A_16 = arith.addi %mul3A_13, %mul3A_15 : i32
      %mul3A_17 = arith.constant 512 : i32
      %mul3A_18 = arith.muli %scan3A_11, %mul3A_17 : i32
      %add3A_19 = arith.addi %add3A_16, %mul3A_18 : i32
      "tpu.region"() ({
        %run_scoped3A = tpu.sem_alloc : memref<!tpu.dma_semaphore, #tpu.memory_space<semaphore_mem>>
        %dma_start3A_29 = tpu.memref_slice %arg3[%add3A_19] : memref<1605632xi32, #tpu.memory_space<hbm>> -> memref<512xi32, #tpu.memory_space<hbm>>
        %dma_start3A_30 = tpu.memref_slice %arg3[%add3A_19] : memref<1605632xi32, #tpu.memory_space<hbm>> -> memref<512xi32, #tpu.memory_space<hbm>>
        tpu.enqueue_dma source(%dma_start3A_30 : memref<512xi32, #tpu.memory_space<hbm>>) target(%arg8 : memref<512xi32, #tpu.memory_space<vmem>>) target_semaphore(%run_scoped3A : memref<!tpu.dma_semaphore, #tpu.memory_space<semaphore_mem>>)
        %dma_wait3A_31 = tpu.memref_slice %arg3[%add3A_19] : memref<1605632xi32, #tpu.memory_space<hbm>> -> memref<512xi32, #tpu.memory_space<hbm>>
        %dma_wait3A_32 = tpu.memref_slice %arg3[%add3A_19] : memref<1605632xi32, #tpu.memory_space<hbm>> -> memref<512xi32, #tpu.memory_space<hbm>>
        tpu.wait_dma2 semaphore(%run_scoped3A : memref<!tpu.dma_semaphore, #tpu.memory_space<semaphore_mem>>) src(%dma_wait3A_32 : memref<512xi32, #tpu.memory_space<hbm>>) dst(%arg8 : memref<512xi32, #tpu.memory_space<vmem>>)
        tpu.yield
      }) : () -> ()
      %mul3A_20 = arith.constant 50176 : i32
      %mul3A_21 = arith.muli %arg1, %mul3A_20 : i32
      %mul3A_22 = arith.constant 512 : i32
      %mul3A_23 = arith.muli %scan3A_11, %mul3A_22 : i32
      %add3A_24 = arith.addi %mul3A_21, %mul3A_23 : i32
      "tpu.region"() ({
        %run_scoped3A = tpu.sem_alloc : memref<!tpu.dma_semaphore, #tpu.memory_space<semaphore_mem>>
        %dma_start3A_29 = tpu.memref_slice %arg4[%add3A_24] : memref<802816xi32, #tpu.memory_space<hbm>> -> memref<512xi32, #tpu.memory_space<hbm>>
        %dma_start3A_30 = tpu.memref_slice %arg4[%add3A_24] : memref<802816xi32, #tpu.memory_space<hbm>> -> memref<512xi32, #tpu.memory_space<hbm>>
        tpu.enqueue_dma source(%dma_start3A_30 : memref<512xi32, #tpu.memory_space<hbm>>) target(%arg9 : memref<512xi32, #tpu.memory_space<vmem>>) target_semaphore(%run_scoped3A : memref<!tpu.dma_semaphore, #tpu.memory_space<semaphore_mem>>)
        %dma_wait3A_31 = tpu.memref_slice %arg4[%add3A_24] : memref<802816xi32, #tpu.memory_space<hbm>> -> memref<512xi32, #tpu.memory_space<hbm>>
        %dma_wait3A_32 = tpu.memref_slice %arg4[%add3A_24] : memref<802816xi32, #tpu.memory_space<hbm>> -> memref<512xi32, #tpu.memory_space<hbm>>
        tpu.wait_dma2 semaphore(%run_scoped3A : memref<!tpu.dma_semaphore, #tpu.memory_space<semaphore_mem>>) src(%dma_wait3A_32 : memref<512xi32, #tpu.memory_space<hbm>>) dst(%arg9 : memref<512xi32, #tpu.memory_space<vmem>>)
        tpu.yield
      }) : () -> ()
      %dma_start3A = arith.constant 0 : i32
      %dma_start3A_25 = arith.constant 0 : i32
      %dma_start3A_26 = tpu.memref_slice %arg2[%dma_start3A, %dma_start3A_25] : memref<100000x32xf32, #tpu.memory_space<hbm>> -> memref<100000x32xf32, #tpu.memory_space<hbm>>
      tpu.enqueue_indirect_dma source(%dma_start3A_26 : memref<100000x32xf32, #tpu.memory_space<hbm>>) target(%arg10 : memref<512x32xf32, #tpu.memory_space<vmem>>) offsets(%arg8 : memref<512xi32, #tpu.memory_space<vmem>>) semaphore(%arg11 : memref<!tpu.dma_semaphore, #tpu.memory_space<semaphore_mem>>)
      %dma_wait3A = arith.constant 0 : i32
      %dma_wait3A_27 = arith.constant 0 : i32
      %dma_wait3A_28 = tpu.memref_slice %arg2[%dma_wait3A, %dma_wait3A_27] : memref<100000x32xf32, #tpu.memory_space<hbm>> -> memref<100000x32xf32, #tpu.memory_space<hbm>>
      tpu.wait_indirect_dma semaphore(%arg11 : memref<!tpu.dma_semaphore, #tpu.memory_space<semaphore_mem>>) src(%dma_wait3A_28 : memref<100000x32xf32, #tpu.memory_space<hbm>>) dst(%arg10 : memref<512x32xf32, #tpu.memory_space<vmem>>)
      "tpu.region"() ({
        %run_scoped3A = tpu.sem_alloc : memref<!tpu.dma_semaphore, #tpu.memory_space<semaphore_mem>>
        %dma_start3A_29 = arith.constant 0 : i32
        %dma_start3A_30 = arith.constant 0 : i32
        %dma_start3A_31 = tpu.memref_slice %arg7[%dma_start3A_29, %dma_start3A_30] : memref<50176x32xf32, #tpu.memory_space<vmem_shared>> -> memref<50176x32xf32, #tpu.memory_space<vmem_shared>>
        tpu.enqueue_indirect_dma source(%arg10 : memref<512x32xf32, #tpu.memory_space<vmem>>) target(%dma_start3A_31 : memref<50176x32xf32, #tpu.memory_space<vmem_shared>>) offsets(%arg9 : memref<512xi32, #tpu.memory_space<vmem>>) semaphore(%run_scoped3A : memref<!tpu.dma_semaphore, #tpu.memory_space<semaphore_mem>>) {add = true}
        %dma_wait3A_32 = arith.constant 0 : i32
        %dma_wait3A_33 = arith.constant 0 : i32
        %dma_wait3A_34 = tpu.memref_slice %arg7[%dma_wait3A_32, %dma_wait3A_33] : memref<50176x32xf32, #tpu.memory_space<vmem_shared>> -> memref<50176x32xf32, #tpu.memory_space<vmem_shared>>
        tpu.wait_indirect_dma semaphore(%run_scoped3A : memref<!tpu.dma_semaphore, #tpu.memory_space<semaphore_mem>>) src(%arg10 : memref<512x32xf32, #tpu.memory_space<vmem>>) dst(%dma_wait3A_34 : memref<50176x32xf32, #tpu.memory_space<vmem_shared>>)
        tpu.yield
      }) : () -> ()
    }
    %scan3A_5 = arith.constant 98 : i32
    %barrier3A_6 = arith.constant 0 : index
    tpu.barrier barrier_id(%barrier3A_6)
    %mul3A_7 = arith.constant 3136 : i32
    %mul3A_8 = arith.muli %arg1, %mul3A_7 : i32
    %mul3A_9 = arith.constant 50176 : i32
    %mul3A_10 = arith.muli %arg0, %mul3A_9 : i32
    %add3A = arith.addi %mul3A_10, %mul3A_8 : i32
    "tpu.region"() ({
      %run_scoped3A = tpu.sem_alloc : memref<!tpu.dma_semaphore, #tpu.memory_space<semaphore_mem>>
      %dma_start3A = arith.constant 0 : i32
      %dma_start3A_11 = tpu.memref_slice %arg6[%add3A, %dma_start3A] : memref<100352x32xf32, #tpu.memory_space<hbm>> -> memref<3136x32xf32, #tpu.memory_space<hbm>>
      %dma_start3A_12 = arith.constant 0 : i32
      %dma_start3A_13 = tpu.memref_slice %arg7[%mul3A_8, %dma_start3A_12] : memref<50176x32xf32, #tpu.memory_space<vmem_shared>> -> memref<3136x32xf32, #tpu.memory_space<vmem_shared>>
      tpu.enqueue_dma source(%dma_start3A_13 : memref<3136x32xf32, #tpu.memory_space<vmem_shared>>) target(%dma_start3A_11 : memref<3136x32xf32, #tpu.memory_space<hbm>>) target_semaphore(%run_scoped3A : memref<!tpu.dma_semaphore, #tpu.memory_space<semaphore_mem>>)
      %dma_wait3A = arith.constant 0 : i32
      %dma_wait3A_14 = tpu.memref_slice %arg6[%add3A, %dma_wait3A] : memref<100352x32xf32, #tpu.memory_space<hbm>> -> memref<3136x32xf32, #tpu.memory_space<hbm>>
      %dma_wait3A_15 = arith.constant 0 : i32
      %dma_wait3A_16 = tpu.memref_slice %arg7[%mul3A_8, %dma_wait3A_15] : memref<50176x32xf32, #tpu.memory_space<vmem_shared>> -> memref<3136x32xf32, #tpu.memory_space<vmem_shared>>
      tpu.wait_dma2 semaphore(%run_scoped3A : memref<!tpu.dma_semaphore, #tpu.memory_space<semaphore_mem>>) src(%dma_wait3A_16 : memref<3136x32xf32, #tpu.memory_space<vmem_shared>>) dst(%dma_wait3A_14 : memref<3136x32xf32, #tpu.memory_space<hbm>>)
      tpu.yield
    }) : () -> ()
    return
  }
}

#map = affine_map<(d0, d1) -> (0, 0)>
#map1 = affine_map<(d0, d1) -> (0)>
module attributes {stable_mosaic.version = 14 : i64} {
  func.func @_edge_body(%arg0: i32, %arg1: i32, %arg2: memref<100000x32xf32, #tpu.memory_space<hbm>>, %arg3: memref<1605632xi32, #tpu.memory_space<hbm>>, %arg4: memref<802816xi32, #tpu.memory_space<hbm>>, %arg5: memref<3136x32xf32, #tpu.memory_space<hbm>>, %arg6: memref<100352x32xf32, #tpu.memory_space<hbm>>, %arg7: memref<50176x32xf32, #tpu.memory_space<vmem_shared>>, %arg8: memref<512xi32, #tpu.memory_space<vmem>>, %arg9: memref<512xi32, #tpu.memory_space<vmem>>, %arg10: memref<512x32xf32, #tpu.memory_space<vmem>>, %arg11: memref<!tpu.dma_semaphore, #tpu.memory_space<semaphore_mem>>) attributes {dimension_semantics = [#tpu.dimension_semantics<core_parallel>, #tpu.dimension_semantics<subcore_parallel>], iteration_bounds = array<i64: 2, 16>, scalar_prefetch = 0 : i64, scratch_operands = 5 : i64, tpu.core_type = #tpu.core_type<sc_vector_subcore>, window_params = [{transform_indices = #map}, {transform_indices = #map1}, {transform_indices = #map1}, {transform_indices = #map}, {transform_indices = #map}]} {
    %mul3A = arith.constant 3136 : i32
    %mul3A_0 = arith.muli %arg1, %mul3A : i32
    "tpu.region"() ({
      %run_scoped3A = tpu.sem_alloc : memref<!tpu.dma_semaphore, #tpu.memory_space<semaphore_mem>>
      %dma_start3A = arith.constant 0 : i32
      %dma_start3A_11 = tpu.memref_slice %arg7[%mul3A_0, %dma_start3A] : memref<50176x32xf32, #tpu.memory_space<vmem_shared>> -> memref<3136x32xf32, #tpu.memory_space<vmem_shared>>
      tpu.enqueue_dma source(%arg5 : memref<3136x32xf32, #tpu.memory_space<hbm>>) target(%dma_start3A_11 : memref<3136x32xf32, #tpu.memory_space<vmem_shared>>) target_semaphore(%run_scoped3A : memref<!tpu.dma_semaphore, #tpu.memory_space<semaphore_mem>>)
      %dma_wait3A = arith.constant 0 : i32
      %dma_wait3A_12 = tpu.memref_slice %arg7[%mul3A_0, %dma_wait3A] : memref<50176x32xf32, #tpu.memory_space<vmem_shared>> -> memref<3136x32xf32, #tpu.memory_space<vmem_shared>>
      tpu.wait_dma2 semaphore(%run_scoped3A : memref<!tpu.dma_semaphore, #tpu.memory_space<semaphore_mem>>) src(%arg5 : memref<3136x32xf32, #tpu.memory_space<hbm>>) dst(%dma_wait3A_12 : memref<3136x32xf32, #tpu.memory_space<vmem_shared>>)
      tpu.yield
    }) : () -> ()
    %barrier3A = arith.constant 0 : index
    tpu.barrier barrier_id(%barrier3A)
    %scan3A = arith.constant 0 : i32
    %scan3A_1 = arith.constant 0 : i32
    %scan3A_2 = arith.constant 98 : i32
    %scan3A_3 = arith.addi %scan3A_1, %scan3A_2 : i32
    %scan3A_4 = arith.constant 1 : i32
    scf.for %scan3A_11 = %scan3A_1 to %scan3A_3 step %scan3A_4  : i32 {
      %mul3A_12 = arith.constant 802816 : i32
      %mul3A_13 = arith.muli %arg0, %mul3A_12 : i32
      %mul3A_14 = arith.constant 50176 : i32
      %mul3A_15 = arith.muli %arg1, %mul3A_14 : i32
      %add3A_16 = arith.addi %mul3A_13, %mul3A_15 : i32
      %mul3A_17 = arith.constant 512 : i32
      %mul3A_18 = arith.muli %scan3A_11, %mul3A_17 : i32
      %add3A_19 = arith.addi %add3A_16, %mul3A_18 : i32
      "tpu.region"() ({
        %run_scoped3A = tpu.sem_alloc : memref<!tpu.dma_semaphore, #tpu.memory_space<semaphore_mem>>
        %dma_start3A_29 = tpu.memref_slice %arg3[%add3A_19] : memref<1605632xi32, #tpu.memory_space<hbm>> -> memref<512xi32, #tpu.memory_space<hbm>>
        %dma_start3A_30 = tpu.memref_slice %arg3[%add3A_19] : memref<1605632xi32, #tpu.memory_space<hbm>> -> memref<512xi32, #tpu.memory_space<hbm>>
        tpu.enqueue_dma source(%dma_start3A_30 : memref<512xi32, #tpu.memory_space<hbm>>) target(%arg8 : memref<512xi32, #tpu.memory_space<vmem>>) target_semaphore(%run_scoped3A : memref<!tpu.dma_semaphore, #tpu.memory_space<semaphore_mem>>)
        %dma_wait3A_31 = tpu.memref_slice %arg3[%add3A_19] : memref<1605632xi32, #tpu.memory_space<hbm>> -> memref<512xi32, #tpu.memory_space<hbm>>
        %dma_wait3A_32 = tpu.memref_slice %arg3[%add3A_19] : memref<1605632xi32, #tpu.memory_space<hbm>> -> memref<512xi32, #tpu.memory_space<hbm>>
        tpu.wait_dma2 semaphore(%run_scoped3A : memref<!tpu.dma_semaphore, #tpu.memory_space<semaphore_mem>>) src(%dma_wait3A_32 : memref<512xi32, #tpu.memory_space<hbm>>) dst(%arg8 : memref<512xi32, #tpu.memory_space<vmem>>)
        tpu.yield
      }) : () -> ()
      %mul3A_20 = arith.constant 50176 : i32
      %mul3A_21 = arith.muli %arg1, %mul3A_20 : i32
      %mul3A_22 = arith.constant 512 : i32
      %mul3A_23 = arith.muli %scan3A_11, %mul3A_22 : i32
      %add3A_24 = arith.addi %mul3A_21, %mul3A_23 : i32
      "tpu.region"() ({
        %run_scoped3A = tpu.sem_alloc : memref<!tpu.dma_semaphore, #tpu.memory_space<semaphore_mem>>
        %dma_start3A_29 = tpu.memref_slice %arg4[%add3A_24] : memref<802816xi32, #tpu.memory_space<hbm>> -> memref<512xi32, #tpu.memory_space<hbm>>
        %dma_start3A_30 = tpu.memref_slice %arg4[%add3A_24] : memref<802816xi32, #tpu.memory_space<hbm>> -> memref<512xi32, #tpu.memory_space<hbm>>
        tpu.enqueue_dma source(%dma_start3A_30 : memref<512xi32, #tpu.memory_space<hbm>>) target(%arg9 : memref<512xi32, #tpu.memory_space<vmem>>) target_semaphore(%run_scoped3A : memref<!tpu.dma_semaphore, #tpu.memory_space<semaphore_mem>>)
        %dma_wait3A_31 = tpu.memref_slice %arg4[%add3A_24] : memref<802816xi32, #tpu.memory_space<hbm>> -> memref<512xi32, #tpu.memory_space<hbm>>
        %dma_wait3A_32 = tpu.memref_slice %arg4[%add3A_24] : memref<802816xi32, #tpu.memory_space<hbm>> -> memref<512xi32, #tpu.memory_space<hbm>>
        tpu.wait_dma2 semaphore(%run_scoped3A : memref<!tpu.dma_semaphore, #tpu.memory_space<semaphore_mem>>) src(%dma_wait3A_32 : memref<512xi32, #tpu.memory_space<hbm>>) dst(%arg9 : memref<512xi32, #tpu.memory_space<vmem>>)
        tpu.yield
      }) : () -> ()
      %dma_start3A = arith.constant 0 : i32
      %dma_start3A_25 = arith.constant 0 : i32
      %dma_start3A_26 = tpu.memref_slice %arg2[%dma_start3A, %dma_start3A_25] : memref<100000x32xf32, #tpu.memory_space<hbm>> -> memref<100000x32xf32, #tpu.memory_space<hbm>>
      tpu.enqueue_indirect_dma source(%dma_start3A_26 : memref<100000x32xf32, #tpu.memory_space<hbm>>) target(%arg10 : memref<512x32xf32, #tpu.memory_space<vmem>>) offsets(%arg8 : memref<512xi32, #tpu.memory_space<vmem>>) semaphore(%arg11 : memref<!tpu.dma_semaphore, #tpu.memory_space<semaphore_mem>>)
      %dma_wait3A = arith.constant 0 : i32
      %dma_wait3A_27 = arith.constant 0 : i32
      %dma_wait3A_28 = tpu.memref_slice %arg2[%dma_wait3A, %dma_wait3A_27] : memref<100000x32xf32, #tpu.memory_space<hbm>> -> memref<100000x32xf32, #tpu.memory_space<hbm>>
      tpu.wait_indirect_dma semaphore(%arg11 : memref<!tpu.dma_semaphore, #tpu.memory_space<semaphore_mem>>) src(%dma_wait3A_28 : memref<100000x32xf32, #tpu.memory_space<hbm>>) dst(%arg10 : memref<512x32xf32, #tpu.memory_space<vmem>>)
      "tpu.region"() ({
        %run_scoped3A = tpu.sem_alloc : memref<!tpu.dma_semaphore, #tpu.memory_space<semaphore_mem>>
        %dma_start3A_29 = arith.constant 0 : i32
        %dma_start3A_30 = arith.constant 0 : i32
        %dma_start3A_31 = tpu.memref_slice %arg7[%dma_start3A_29, %dma_start3A_30] : memref<50176x32xf32, #tpu.memory_space<vmem_shared>> -> memref<50176x32xf32, #tpu.memory_space<vmem_shared>>
        tpu.enqueue_indirect_dma source(%arg10 : memref<512x32xf32, #tpu.memory_space<vmem>>) target(%dma_start3A_31 : memref<50176x32xf32, #tpu.memory_space<vmem_shared>>) offsets(%arg9 : memref<512xi32, #tpu.memory_space<vmem>>) semaphore(%run_scoped3A : memref<!tpu.dma_semaphore, #tpu.memory_space<semaphore_mem>>) {add = true}
        %dma_wait3A_32 = arith.constant 0 : i32
        %dma_wait3A_33 = arith.constant 0 : i32
        %dma_wait3A_34 = tpu.memref_slice %arg7[%dma_wait3A_32, %dma_wait3A_33] : memref<50176x32xf32, #tpu.memory_space<vmem_shared>> -> memref<50176x32xf32, #tpu.memory_space<vmem_shared>>
        tpu.wait_indirect_dma semaphore(%run_scoped3A : memref<!tpu.dma_semaphore, #tpu.memory_space<semaphore_mem>>) src(%arg10 : memref<512x32xf32, #tpu.memory_space<vmem>>) dst(%dma_wait3A_34 : memref<50176x32xf32, #tpu.memory_space<vmem_shared>>)
        tpu.yield
      }) : () -> ()
    }
    %scan3A_5 = arith.constant 98 : i32
    %barrier3A_6 = arith.constant 0 : index
    tpu.barrier barrier_id(%barrier3A_6)
    %mul3A_7 = arith.constant 3136 : i32
    %mul3A_8 = arith.muli %arg1, %mul3A_7 : i32
    %mul3A_9 = arith.constant 50176 : i32
    %mul3A_10 = arith.muli %arg0, %mul3A_9 : i32
    %add3A = arith.addi %mul3A_10, %mul3A_8 : i32
    "tpu.region"() ({
      %run_scoped3A = tpu.sem_alloc : memref<!tpu.dma_semaphore, #tpu.memory_space<semaphore_mem>>
      %dma_start3A = arith.constant 0 : i32
      %dma_start3A_11 = tpu.memref_slice %arg6[%add3A, %dma_start3A] : memref<100352x32xf32, #tpu.memory_space<hbm>> -> memref<3136x32xf32, #tpu.memory_space<hbm>>
      %dma_start3A_12 = arith.constant 0 : i32
      %dma_start3A_13 = tpu.memref_slice %arg7[%mul3A_8, %dma_start3A_12] : memref<50176x32xf32, #tpu.memory_space<vmem_shared>> -> memref<3136x32xf32, #tpu.memory_space<vmem_shared>>
      tpu.enqueue_dma source(%dma_start3A_13 : memref<3136x32xf32, #tpu.memory_space<vmem_shared>>) target(%dma_start3A_11 : memref<3136x32xf32, #tpu.memory_space<hbm>>) target_semaphore(%run_scoped3A : memref<!tpu.dma_semaphore, #tpu.memory_space<semaphore_mem>>)
      %dma_wait3A = arith.constant 0 : i32
      %dma_wait3A_14 = tpu.memref_slice %arg6[%add3A, %dma_wait3A] : memref<100352x32xf32, #tpu.memory_space<hbm>> -> memref<3136x32xf32, #tpu.memory_space<hbm>>
      %dma_wait3A_15 = arith.constant 0 : i32
      %dma_wait3A_16 = tpu.memref_slice %arg7[%mul3A_8, %dma_wait3A_15] : memref<50176x32xf32, #tpu.memory_space<vmem_shared>> -> memref<3136x32xf32, #tpu.memory_space<vmem_shared>>
      tpu.wait_dma2 semaphore(%run_scoped3A : memref<!tpu.dma_semaphore, #tpu.memory_space<semaphore_mem>>) src(%dma_wait3A_16 : memref<3136x32xf32, #tpu.memory_space<vmem_shared>>) dst(%dma_wait3A_14 : memref<3136x32xf32, #tpu.memory_space<hbm>>)
      tpu.yield
    }) : () -> ()
    return
  }
}

#map = affine_map<(d0, d1) -> (0, 0)>
#map1 = affine_map<(d0, d1) -> (0)>
module attributes {stable_mosaic.version = 14 : i64} {
  func.func @_edge_body(%arg0: i32, %arg1: i32, %arg2: memref<100000x32xf32, #tpu.memory_space<hbm>>, %arg3: memref<1605632xi32, #tpu.memory_space<hbm>>, %arg4: memref<802816xi32, #tpu.memory_space<hbm>>, %arg5: memref<3136x32xf32, #tpu.memory_space<hbm>>, %arg6: memref<100352x32xf32, #tpu.memory_space<hbm>>, %arg7: memref<50176x32xf32, #tpu.memory_space<vmem_shared>>, %arg8: memref<512xi32, #tpu.memory_space<vmem>>, %arg9: memref<512xi32, #tpu.memory_space<vmem>>, %arg10: memref<512x32xf32, #tpu.memory_space<vmem>>, %arg11: memref<!tpu.dma_semaphore, #tpu.memory_space<semaphore_mem>>) attributes {dimension_semantics = [#tpu.dimension_semantics<core_parallel>, #tpu.dimension_semantics<subcore_parallel>], iteration_bounds = array<i64: 2, 16>, scalar_prefetch = 0 : i64, scratch_operands = 5 : i64, tpu.core_type = #tpu.core_type<sc_vector_subcore>, window_params = [{transform_indices = #map}, {transform_indices = #map1}, {transform_indices = #map1}, {transform_indices = #map}, {transform_indices = #map}]} {
    %mul3A = arith.constant 3136 : i32
    %mul3A_0 = arith.muli %arg1, %mul3A : i32
    "tpu.region"() ({
      %run_scoped3A = tpu.sem_alloc : memref<!tpu.dma_semaphore, #tpu.memory_space<semaphore_mem>>
      %dma_start3A = arith.constant 0 : i32
      %dma_start3A_11 = tpu.memref_slice %arg7[%mul3A_0, %dma_start3A] : memref<50176x32xf32, #tpu.memory_space<vmem_shared>> -> memref<3136x32xf32, #tpu.memory_space<vmem_shared>>
      tpu.enqueue_dma source(%arg5 : memref<3136x32xf32, #tpu.memory_space<hbm>>) target(%dma_start3A_11 : memref<3136x32xf32, #tpu.memory_space<vmem_shared>>) target_semaphore(%run_scoped3A : memref<!tpu.dma_semaphore, #tpu.memory_space<semaphore_mem>>)
      %dma_wait3A = arith.constant 0 : i32
      %dma_wait3A_12 = tpu.memref_slice %arg7[%mul3A_0, %dma_wait3A] : memref<50176x32xf32, #tpu.memory_space<vmem_shared>> -> memref<3136x32xf32, #tpu.memory_space<vmem_shared>>
      tpu.wait_dma2 semaphore(%run_scoped3A : memref<!tpu.dma_semaphore, #tpu.memory_space<semaphore_mem>>) src(%arg5 : memref<3136x32xf32, #tpu.memory_space<hbm>>) dst(%dma_wait3A_12 : memref<3136x32xf32, #tpu.memory_space<vmem_shared>>)
      tpu.yield
    }) : () -> ()
    %barrier3A = arith.constant 0 : index
    tpu.barrier barrier_id(%barrier3A)
    %scan3A = arith.constant 0 : i32
    %scan3A_1 = arith.constant 0 : i32
    %scan3A_2 = arith.constant 98 : i32
    %scan3A_3 = arith.addi %scan3A_1, %scan3A_2 : i32
    %scan3A_4 = arith.constant 1 : i32
    scf.for %scan3A_11 = %scan3A_1 to %scan3A_3 step %scan3A_4  : i32 {
      %mul3A_12 = arith.constant 802816 : i32
      %mul3A_13 = arith.muli %arg0, %mul3A_12 : i32
      %mul3A_14 = arith.constant 50176 : i32
      %mul3A_15 = arith.muli %arg1, %mul3A_14 : i32
      %add3A_16 = arith.addi %mul3A_13, %mul3A_15 : i32
      %mul3A_17 = arith.constant 512 : i32
      %mul3A_18 = arith.muli %scan3A_11, %mul3A_17 : i32
      %add3A_19 = arith.addi %add3A_16, %mul3A_18 : i32
      "tpu.region"() ({
        %run_scoped3A = tpu.sem_alloc : memref<!tpu.dma_semaphore, #tpu.memory_space<semaphore_mem>>
        %dma_start3A_29 = tpu.memref_slice %arg3[%add3A_19] : memref<1605632xi32, #tpu.memory_space<hbm>> -> memref<512xi32, #tpu.memory_space<hbm>>
        %dma_start3A_30 = tpu.memref_slice %arg3[%add3A_19] : memref<1605632xi32, #tpu.memory_space<hbm>> -> memref<512xi32, #tpu.memory_space<hbm>>
        tpu.enqueue_dma source(%dma_start3A_30 : memref<512xi32, #tpu.memory_space<hbm>>) target(%arg8 : memref<512xi32, #tpu.memory_space<vmem>>) target_semaphore(%run_scoped3A : memref<!tpu.dma_semaphore, #tpu.memory_space<semaphore_mem>>)
        %dma_wait3A_31 = tpu.memref_slice %arg3[%add3A_19] : memref<1605632xi32, #tpu.memory_space<hbm>> -> memref<512xi32, #tpu.memory_space<hbm>>
        %dma_wait3A_32 = tpu.memref_slice %arg3[%add3A_19] : memref<1605632xi32, #tpu.memory_space<hbm>> -> memref<512xi32, #tpu.memory_space<hbm>>
        tpu.wait_dma2 semaphore(%run_scoped3A : memref<!tpu.dma_semaphore, #tpu.memory_space<semaphore_mem>>) src(%dma_wait3A_32 : memref<512xi32, #tpu.memory_space<hbm>>) dst(%arg8 : memref<512xi32, #tpu.memory_space<vmem>>)
        tpu.yield
      }) : () -> ()
      %mul3A_20 = arith.constant 50176 : i32
      %mul3A_21 = arith.muli %arg1, %mul3A_20 : i32
      %mul3A_22 = arith.constant 512 : i32
      %mul3A_23 = arith.muli %scan3A_11, %mul3A_22 : i32
      %add3A_24 = arith.addi %mul3A_21, %mul3A_23 : i32
      "tpu.region"() ({
        %run_scoped3A = tpu.sem_alloc : memref<!tpu.dma_semaphore, #tpu.memory_space<semaphore_mem>>
        %dma_start3A_29 = tpu.memref_slice %arg4[%add3A_24] : memref<802816xi32, #tpu.memory_space<hbm>> -> memref<512xi32, #tpu.memory_space<hbm>>
        %dma_start3A_30 = tpu.memref_slice %arg4[%add3A_24] : memref<802816xi32, #tpu.memory_space<hbm>> -> memref<512xi32, #tpu.memory_space<hbm>>
        tpu.enqueue_dma source(%dma_start3A_30 : memref<512xi32, #tpu.memory_space<hbm>>) target(%arg9 : memref<512xi32, #tpu.memory_space<vmem>>) target_semaphore(%run_scoped3A : memref<!tpu.dma_semaphore, #tpu.memory_space<semaphore_mem>>)
        %dma_wait3A_31 = tpu.memref_slice %arg4[%add3A_24] : memref<802816xi32, #tpu.memory_space<hbm>> -> memref<512xi32, #tpu.memory_space<hbm>>
        %dma_wait3A_32 = tpu.memref_slice %arg4[%add3A_24] : memref<802816xi32, #tpu.memory_space<hbm>> -> memref<512xi32, #tpu.memory_space<hbm>>
        tpu.wait_dma2 semaphore(%run_scoped3A : memref<!tpu.dma_semaphore, #tpu.memory_space<semaphore_mem>>) src(%dma_wait3A_32 : memref<512xi32, #tpu.memory_space<hbm>>) dst(%arg9 : memref<512xi32, #tpu.memory_space<vmem>>)
        tpu.yield
      }) : () -> ()
      %dma_start3A = arith.constant 0 : i32
      %dma_start3A_25 = arith.constant 0 : i32
      %dma_start3A_26 = tpu.memref_slice %arg2[%dma_start3A, %dma_start3A_25] : memref<100000x32xf32, #tpu.memory_space<hbm>> -> memref<100000x32xf32, #tpu.memory_space<hbm>>
      tpu.enqueue_indirect_dma source(%dma_start3A_26 : memref<100000x32xf32, #tpu.memory_space<hbm>>) target(%arg10 : memref<512x32xf32, #tpu.memory_space<vmem>>) offsets(%arg8 : memref<512xi32, #tpu.memory_space<vmem>>) semaphore(%arg11 : memref<!tpu.dma_semaphore, #tpu.memory_space<semaphore_mem>>)
      %dma_wait3A = arith.constant 0 : i32
      %dma_wait3A_27 = arith.constant 0 : i32
      %dma_wait3A_28 = tpu.memref_slice %arg2[%dma_wait3A, %dma_wait3A_27] : memref<100000x32xf32, #tpu.memory_space<hbm>> -> memref<100000x32xf32, #tpu.memory_space<hbm>>
      tpu.wait_indirect_dma semaphore(%arg11 : memref<!tpu.dma_semaphore, #tpu.memory_space<semaphore_mem>>) src(%dma_wait3A_28 : memref<100000x32xf32, #tpu.memory_space<hbm>>) dst(%arg10 : memref<512x32xf32, #tpu.memory_space<vmem>>)
      "tpu.region"() ({
        %run_scoped3A = tpu.sem_alloc : memref<!tpu.dma_semaphore, #tpu.memory_space<semaphore_mem>>
        %dma_start3A_29 = arith.constant 0 : i32
        %dma_start3A_30 = arith.constant 0 : i32
        %dma_start3A_31 = tpu.memref_slice %arg7[%dma_start3A_29, %dma_start3A_30] : memref<50176x32xf32, #tpu.memory_space<vmem_shared>> -> memref<50176x32xf32, #tpu.memory_space<vmem_shared>>
        tpu.enqueue_indirect_dma source(%arg10 : memref<512x32xf32, #tpu.memory_space<vmem>>) target(%dma_start3A_31 : memref<50176x32xf32, #tpu.memory_space<vmem_shared>>) offsets(%arg9 : memref<512xi32, #tpu.memory_space<vmem>>) semaphore(%run_scoped3A : memref<!tpu.dma_semaphore, #tpu.memory_space<semaphore_mem>>) {add = true}
        %dma_wait3A_32 = arith.constant 0 : i32
        %dma_wait3A_33 = arith.constant 0 : i32
        %dma_wait3A_34 = tpu.memref_slice %arg7[%dma_wait3A_32, %dma_wait3A_33] : memref<50176x32xf32, #tpu.memory_space<vmem_shared>> -> memref<50176x32xf32, #tpu.memory_space<vmem_shared>>
        tpu.wait_indirect_dma semaphore(%run_scoped3A : memref<!tpu.dma_semaphore, #tpu.memory_space<semaphore_mem>>) src(%arg10 : memref<512x32xf32, #tpu.memory_space<vmem>>) dst(%dma_wait3A_34 : memref<50176x32xf32, #tpu.memory_space<vmem_shared>>)
        tpu.yield
      }) : () -> ()
    }
    %scan3A_5 = arith.constant 98 : i32
    %barrier3A_6 = arith.constant 0 : index
    tpu.barrier barrier_id(%barrier3A_6)
    %mul3A_7 = arith.constant 3136 : i32
    %mul3A_8 = arith.muli %arg1, %mul3A_7 : i32
    %mul3A_9 = arith.constant 50176 : i32
    %mul3A_10 = arith.muli %arg0, %mul3A_9 : i32
    %add3A = arith.addi %mul3A_10, %mul3A_8 : i32
    "tpu.region"() ({
      %run_scoped3A = tpu.sem_alloc : memref<!tpu.dma_semaphore, #tpu.memory_space<semaphore_mem>>
      %dma_start3A = arith.constant 0 : i32
      %dma_start3A_11 = tpu.memref_slice %arg6[%add3A, %dma_start3A] : memref<100352x32xf32, #tpu.memory_space<hbm>> -> memref<3136x32xf32, #tpu.memory_space<hbm>>
      %dma_start3A_12 = arith.constant 0 : i32
      %dma_start3A_13 = tpu.memref_slice %arg7[%mul3A_8, %dma_start3A_12] : memref<50176x32xf32, #tpu.memory_space<vmem_shared>> -> memref<3136x32xf32, #tpu.memory_space<vmem_shared>>
      tpu.enqueue_dma source(%dma_start3A_13 : memref<3136x32xf32, #tpu.memory_space<vmem_shared>>) target(%dma_start3A_11 : memref<3136x32xf32, #tpu.memory_space<hbm>>) target_semaphore(%run_scoped3A : memref<!tpu.dma_semaphore, #tpu.memory_space<semaphore_mem>>)
      %dma_wait3A = arith.constant 0 : i32
      %dma_wait3A_14 = tpu.memref_slice %arg6[%add3A, %dma_wait3A] : memref<100352x32xf32, #tpu.memory_space<hbm>> -> memref<3136x32xf32, #tpu.memory_space<hbm>>
      %dma_wait3A_15 = arith.constant 0 : i32
      %dma_wait3A_16 = tpu.memref_slice %arg7[%mul3A_8, %dma_wait3A_15] : memref<50176x32xf32, #tpu.memory_space<vmem_shared>> -> memref<3136x32xf32, #tpu.memory_space<vmem_shared>>
      tpu.wait_dma2 semaphore(%run_scoped3A : memref<!tpu.dma_semaphore, #tpu.memory_space<semaphore_mem>>) src(%dma_wait3A_16 : memref<3136x32xf32, #tpu.memory_space<vmem_shared>>) dst(%dma_wait3A_14 : memref<3136x32xf32, #tpu.memory_space<hbm>>)
      tpu.yield
    }) : () -> ()
    return
  }
}

#map = affine_map<(d0, d1) -> (0, 0)>
#map1 = affine_map<(d0, d1) -> (0)>
module attributes {stable_mosaic.version = 14 : i64} {
  func.func @_edge_body(%arg0: i32, %arg1: i32, %arg2: memref<100000x32xf32, #tpu.memory_space<hbm>>, %arg3: memref<1605632xi32, #tpu.memory_space<hbm>>, %arg4: memref<802816xi32, #tpu.memory_space<hbm>>, %arg5: memref<3136x32xf32, #tpu.memory_space<hbm>>, %arg6: memref<100352x32xf32, #tpu.memory_space<hbm>>, %arg7: memref<50176x32xf32, #tpu.memory_space<vmem_shared>>, %arg8: memref<512xi32, #tpu.memory_space<vmem>>, %arg9: memref<512xi32, #tpu.memory_space<vmem>>, %arg10: memref<512x32xf32, #tpu.memory_space<vmem>>, %arg11: memref<!tpu.dma_semaphore, #tpu.memory_space<semaphore_mem>>) attributes {dimension_semantics = [#tpu.dimension_semantics<core_parallel>, #tpu.dimension_semantics<subcore_parallel>], iteration_bounds = array<i64: 2, 16>, scalar_prefetch = 0 : i64, scratch_operands = 5 : i64, tpu.core_type = #tpu.core_type<sc_vector_subcore>, window_params = [{transform_indices = #map}, {transform_indices = #map1}, {transform_indices = #map1}, {transform_indices = #map}, {transform_indices = #map}]} {
    %mul3A = arith.constant 3136 : i32
    %mul3A_0 = arith.muli %arg1, %mul3A : i32
    "tpu.region"() ({
      %run_scoped3A = tpu.sem_alloc : memref<!tpu.dma_semaphore, #tpu.memory_space<semaphore_mem>>
      %dma_start3A = arith.constant 0 : i32
      %dma_start3A_11 = tpu.memref_slice %arg7[%mul3A_0, %dma_start3A] : memref<50176x32xf32, #tpu.memory_space<vmem_shared>> -> memref<3136x32xf32, #tpu.memory_space<vmem_shared>>
      tpu.enqueue_dma source(%arg5 : memref<3136x32xf32, #tpu.memory_space<hbm>>) target(%dma_start3A_11 : memref<3136x32xf32, #tpu.memory_space<vmem_shared>>) target_semaphore(%run_scoped3A : memref<!tpu.dma_semaphore, #tpu.memory_space<semaphore_mem>>)
      %dma_wait3A = arith.constant 0 : i32
      %dma_wait3A_12 = tpu.memref_slice %arg7[%mul3A_0, %dma_wait3A] : memref<50176x32xf32, #tpu.memory_space<vmem_shared>> -> memref<3136x32xf32, #tpu.memory_space<vmem_shared>>
      tpu.wait_dma2 semaphore(%run_scoped3A : memref<!tpu.dma_semaphore, #tpu.memory_space<semaphore_mem>>) src(%arg5 : memref<3136x32xf32, #tpu.memory_space<hbm>>) dst(%dma_wait3A_12 : memref<3136x32xf32, #tpu.memory_space<vmem_shared>>)
      tpu.yield
    }) : () -> ()
    %barrier3A = arith.constant 0 : index
    tpu.barrier barrier_id(%barrier3A)
    %scan3A = arith.constant 0 : i32
    %scan3A_1 = arith.constant 0 : i32
    %scan3A_2 = arith.constant 98 : i32
    %scan3A_3 = arith.addi %scan3A_1, %scan3A_2 : i32
    %scan3A_4 = arith.constant 1 : i32
    scf.for %scan3A_11 = %scan3A_1 to %scan3A_3 step %scan3A_4  : i32 {
      %mul3A_12 = arith.constant 802816 : i32
      %mul3A_13 = arith.muli %arg0, %mul3A_12 : i32
      %mul3A_14 = arith.constant 50176 : i32
      %mul3A_15 = arith.muli %arg1, %mul3A_14 : i32
      %add3A_16 = arith.addi %mul3A_13, %mul3A_15 : i32
      %mul3A_17 = arith.constant 512 : i32
      %mul3A_18 = arith.muli %scan3A_11, %mul3A_17 : i32
      %add3A_19 = arith.addi %add3A_16, %mul3A_18 : i32
      "tpu.region"() ({
        %run_scoped3A = tpu.sem_alloc : memref<!tpu.dma_semaphore, #tpu.memory_space<semaphore_mem>>
        %dma_start3A_29 = tpu.memref_slice %arg3[%add3A_19] : memref<1605632xi32, #tpu.memory_space<hbm>> -> memref<512xi32, #tpu.memory_space<hbm>>
        %dma_start3A_30 = tpu.memref_slice %arg3[%add3A_19] : memref<1605632xi32, #tpu.memory_space<hbm>> -> memref<512xi32, #tpu.memory_space<hbm>>
        tpu.enqueue_dma source(%dma_start3A_30 : memref<512xi32, #tpu.memory_space<hbm>>) target(%arg8 : memref<512xi32, #tpu.memory_space<vmem>>) target_semaphore(%run_scoped3A : memref<!tpu.dma_semaphore, #tpu.memory_space<semaphore_mem>>)
        %dma_wait3A_31 = tpu.memref_slice %arg3[%add3A_19] : memref<1605632xi32, #tpu.memory_space<hbm>> -> memref<512xi32, #tpu.memory_space<hbm>>
        %dma_wait3A_32 = tpu.memref_slice %arg3[%add3A_19] : memref<1605632xi32, #tpu.memory_space<hbm>> -> memref<512xi32, #tpu.memory_space<hbm>>
        tpu.wait_dma2 semaphore(%run_scoped3A : memref<!tpu.dma_semaphore, #tpu.memory_space<semaphore_mem>>) src(%dma_wait3A_32 : memref<512xi32, #tpu.memory_space<hbm>>) dst(%arg8 : memref<512xi32, #tpu.memory_space<vmem>>)
        tpu.yield
      }) : () -> ()
      %mul3A_20 = arith.constant 50176 : i32
      %mul3A_21 = arith.muli %arg1, %mul3A_20 : i32
      %mul3A_22 = arith.constant 512 : i32
      %mul3A_23 = arith.muli %scan3A_11, %mul3A_22 : i32
      %add3A_24 = arith.addi %mul3A_21, %mul3A_23 : i32
      "tpu.region"() ({
        %run_scoped3A = tpu.sem_alloc : memref<!tpu.dma_semaphore, #tpu.memory_space<semaphore_mem>>
        %dma_start3A_29 = tpu.memref_slice %arg4[%add3A_24] : memref<802816xi32, #tpu.memory_space<hbm>> -> memref<512xi32, #tpu.memory_space<hbm>>
        %dma_start3A_30 = tpu.memref_slice %arg4[%add3A_24] : memref<802816xi32, #tpu.memory_space<hbm>> -> memref<512xi32, #tpu.memory_space<hbm>>
        tpu.enqueue_dma source(%dma_start3A_30 : memref<512xi32, #tpu.memory_space<hbm>>) target(%arg9 : memref<512xi32, #tpu.memory_space<vmem>>) target_semaphore(%run_scoped3A : memref<!tpu.dma_semaphore, #tpu.memory_space<semaphore_mem>>)
        %dma_wait3A_31 = tpu.memref_slice %arg4[%add3A_24] : memref<802816xi32, #tpu.memory_space<hbm>> -> memref<512xi32, #tpu.memory_space<hbm>>
        %dma_wait3A_32 = tpu.memref_slice %arg4[%add3A_24] : memref<802816xi32, #tpu.memory_space<hbm>> -> memref<512xi32, #tpu.memory_space<hbm>>
        tpu.wait_dma2 semaphore(%run_scoped3A : memref<!tpu.dma_semaphore, #tpu.memory_space<semaphore_mem>>) src(%dma_wait3A_32 : memref<512xi32, #tpu.memory_space<hbm>>) dst(%arg9 : memref<512xi32, #tpu.memory_space<vmem>>)
        tpu.yield
      }) : () -> ()
      %dma_start3A = arith.constant 0 : i32
      %dma_start3A_25 = arith.constant 0 : i32
      %dma_start3A_26 = tpu.memref_slice %arg2[%dma_start3A, %dma_start3A_25] : memref<100000x32xf32, #tpu.memory_space<hbm>> -> memref<100000x32xf32, #tpu.memory_space<hbm>>
      tpu.enqueue_indirect_dma source(%dma_start3A_26 : memref<100000x32xf32, #tpu.memory_space<hbm>>) target(%arg10 : memref<512x32xf32, #tpu.memory_space<vmem>>) offsets(%arg8 : memref<512xi32, #tpu.memory_space<vmem>>) semaphore(%arg11 : memref<!tpu.dma_semaphore, #tpu.memory_space<semaphore_mem>>)
      %dma_wait3A = arith.constant 0 : i32
      %dma_wait3A_27 = arith.constant 0 : i32
      %dma_wait3A_28 = tpu.memref_slice %arg2[%dma_wait3A, %dma_wait3A_27] : memref<100000x32xf32, #tpu.memory_space<hbm>> -> memref<100000x32xf32, #tpu.memory_space<hbm>>
      tpu.wait_indirect_dma semaphore(%arg11 : memref<!tpu.dma_semaphore, #tpu.memory_space<semaphore_mem>>) src(%dma_wait3A_28 : memref<100000x32xf32, #tpu.memory_space<hbm>>) dst(%arg10 : memref<512x32xf32, #tpu.memory_space<vmem>>)
      "tpu.region"() ({
        %run_scoped3A = tpu.sem_alloc : memref<!tpu.dma_semaphore, #tpu.memory_space<semaphore_mem>>
        %dma_start3A_29 = arith.constant 0 : i32
        %dma_start3A_30 = arith.constant 0 : i32
        %dma_start3A_31 = tpu.memref_slice %arg7[%dma_start3A_29, %dma_start3A_30] : memref<50176x32xf32, #tpu.memory_space<vmem_shared>> -> memref<50176x32xf32, #tpu.memory_space<vmem_shared>>
        tpu.enqueue_indirect_dma source(%arg10 : memref<512x32xf32, #tpu.memory_space<vmem>>) target(%dma_start3A_31 : memref<50176x32xf32, #tpu.memory_space<vmem_shared>>) offsets(%arg9 : memref<512xi32, #tpu.memory_space<vmem>>) semaphore(%run_scoped3A : memref<!tpu.dma_semaphore, #tpu.memory_space<semaphore_mem>>) {add = true}
        %dma_wait3A_32 = arith.constant 0 : i32
        %dma_wait3A_33 = arith.constant 0 : i32
        %dma_wait3A_34 = tpu.memref_slice %arg7[%dma_wait3A_32, %dma_wait3A_33] : memref<50176x32xf32, #tpu.memory_space<vmem_shared>> -> memref<50176x32xf32, #tpu.memory_space<vmem_shared>>
        tpu.wait_indirect_dma semaphore(%run_scoped3A : memref<!tpu.dma_semaphore, #tpu.memory_space<semaphore_mem>>) src(%arg10 : memref<512x32xf32, #tpu.memory_space<vmem>>) dst(%dma_wait3A_34 : memref<50176x32xf32, #tpu.memory_space<vmem_shared>>)
        tpu.yield
      }) : () -> ()
    }
    %scan3A_5 = arith.constant 98 : i32
    %barrier3A_6 = arith.constant 0 : index
    tpu.barrier barrier_id(%barrier3A_6)
    %mul3A_7 = arith.constant 3136 : i32
    %mul3A_8 = arith.muli %arg1, %mul3A_7 : i32
    %mul3A_9 = arith.constant 50176 : i32
    %mul3A_10 = arith.muli %arg0, %mul3A_9 : i32
    %add3A = arith.addi %mul3A_10, %mul3A_8 : i32
    "tpu.region"() ({
      %run_scoped3A = tpu.sem_alloc : memref<!tpu.dma_semaphore, #tpu.memory_space<semaphore_mem>>
      %dma_start3A = arith.constant 0 : i32
      %dma_start3A_11 = tpu.memref_slice %arg6[%add3A, %dma_start3A] : memref<100352x32xf32, #tpu.memory_space<hbm>> -> memref<3136x32xf32, #tpu.memory_space<hbm>>
      %dma_start3A_12 = arith.constant 0 : i32
      %dma_start3A_13 = tpu.memref_slice %arg7[%mul3A_8, %dma_start3A_12] : memref<50176x32xf32, #tpu.memory_space<vmem_shared>> -> memref<3136x32xf32, #tpu.memory_space<vmem_shared>>
      tpu.enqueue_dma source(%dma_start3A_13 : memref<3136x32xf32, #tpu.memory_space<vmem_shared>>) target(%dma_start3A_11 : memref<3136x32xf32, #tpu.memory_space<hbm>>) target_semaphore(%run_scoped3A : memref<!tpu.dma_semaphore, #tpu.memory_space<semaphore_mem>>)
      %dma_wait3A = arith.constant 0 : i32
      %dma_wait3A_14 = tpu.memref_slice %arg6[%add3A, %dma_wait3A] : memref<100352x32xf32, #tpu.memory_space<hbm>> -> memref<3136x32xf32, #tpu.memory_space<hbm>>
      %dma_wait3A_15 = arith.constant 0 : i32
      %dma_wait3A_16 = tpu.memref_slice %arg7[%mul3A_8, %dma_wait3A_15] : memref<50176x32xf32, #tpu.memory_space<vmem_shared>> -> memref<3136x32xf32, #tpu.memory_space<vmem_shared>>
      tpu.wait_dma2 semaphore(%run_scoped3A : memref<!tpu.dma_semaphore, #tpu.memory_space<semaphore_mem>>) src(%dma_wait3A_16 : memref<3136x32xf32, #tpu.memory_space<vmem_shared>>) dst(%dma_wait3A_14 : memref<3136x32xf32, #tpu.memory_space<hbm>>)
      tpu.yield
    }) : () -> ()
    return
  }
}

#map = affine_map<(d0, d1) -> (0, 0)>
#map1 = affine_map<(d0, d1) -> (0)>
module attributes {stable_mosaic.version = 14 : i64} {
  func.func @_edge_body(%arg0: i32, %arg1: i32, %arg2: memref<100000x32xf32, #tpu.memory_space<hbm>>, %arg3: memref<1605632xi32, #tpu.memory_space<hbm>>, %arg4: memref<802816xi32, #tpu.memory_space<hbm>>, %arg5: memref<3136x32xf32, #tpu.memory_space<hbm>>, %arg6: memref<100352x32xf32, #tpu.memory_space<hbm>>, %arg7: memref<50176x32xf32, #tpu.memory_space<vmem_shared>>, %arg8: memref<512xi32, #tpu.memory_space<vmem>>, %arg9: memref<512xi32, #tpu.memory_space<vmem>>, %arg10: memref<512x32xf32, #tpu.memory_space<vmem>>, %arg11: memref<!tpu.dma_semaphore, #tpu.memory_space<semaphore_mem>>) attributes {dimension_semantics = [#tpu.dimension_semantics<core_parallel>, #tpu.dimension_semantics<subcore_parallel>], iteration_bounds = array<i64: 2, 16>, scalar_prefetch = 0 : i64, scratch_operands = 5 : i64, tpu.core_type = #tpu.core_type<sc_vector_subcore>, window_params = [{transform_indices = #map}, {transform_indices = #map1}, {transform_indices = #map1}, {transform_indices = #map}, {transform_indices = #map}]} {
    %mul3A = arith.constant 3136 : i32
    %mul3A_0 = arith.muli %arg1, %mul3A : i32
    "tpu.region"() ({
      %run_scoped3A = tpu.sem_alloc : memref<!tpu.dma_semaphore, #tpu.memory_space<semaphore_mem>>
      %dma_start3A = arith.constant 0 : i32
      %dma_start3A_11 = tpu.memref_slice %arg7[%mul3A_0, %dma_start3A] : memref<50176x32xf32, #tpu.memory_space<vmem_shared>> -> memref<3136x32xf32, #tpu.memory_space<vmem_shared>>
      tpu.enqueue_dma source(%arg5 : memref<3136x32xf32, #tpu.memory_space<hbm>>) target(%dma_start3A_11 : memref<3136x32xf32, #tpu.memory_space<vmem_shared>>) target_semaphore(%run_scoped3A : memref<!tpu.dma_semaphore, #tpu.memory_space<semaphore_mem>>)
      %dma_wait3A = arith.constant 0 : i32
      %dma_wait3A_12 = tpu.memref_slice %arg7[%mul3A_0, %dma_wait3A] : memref<50176x32xf32, #tpu.memory_space<vmem_shared>> -> memref<3136x32xf32, #tpu.memory_space<vmem_shared>>
      tpu.wait_dma2 semaphore(%run_scoped3A : memref<!tpu.dma_semaphore, #tpu.memory_space<semaphore_mem>>) src(%arg5 : memref<3136x32xf32, #tpu.memory_space<hbm>>) dst(%dma_wait3A_12 : memref<3136x32xf32, #tpu.memory_space<vmem_shared>>)
      tpu.yield
    }) : () -> ()
    %barrier3A = arith.constant 0 : index
    tpu.barrier barrier_id(%barrier3A)
    %scan3A = arith.constant 0 : i32
    %scan3A_1 = arith.constant 0 : i32
    %scan3A_2 = arith.constant 98 : i32
    %scan3A_3 = arith.addi %scan3A_1, %scan3A_2 : i32
    %scan3A_4 = arith.constant 1 : i32
    scf.for %scan3A_11 = %scan3A_1 to %scan3A_3 step %scan3A_4  : i32 {
      %mul3A_12 = arith.constant 802816 : i32
      %mul3A_13 = arith.muli %arg0, %mul3A_12 : i32
      %mul3A_14 = arith.constant 50176 : i32
      %mul3A_15 = arith.muli %arg1, %mul3A_14 : i32
      %add3A_16 = arith.addi %mul3A_13, %mul3A_15 : i32
      %mul3A_17 = arith.constant 512 : i32
      %mul3A_18 = arith.muli %scan3A_11, %mul3A_17 : i32
      %add3A_19 = arith.addi %add3A_16, %mul3A_18 : i32
      "tpu.region"() ({
        %run_scoped3A = tpu.sem_alloc : memref<!tpu.dma_semaphore, #tpu.memory_space<semaphore_mem>>
        %dma_start3A_29 = tpu.memref_slice %arg3[%add3A_19] : memref<1605632xi32, #tpu.memory_space<hbm>> -> memref<512xi32, #tpu.memory_space<hbm>>
        %dma_start3A_30 = tpu.memref_slice %arg3[%add3A_19] : memref<1605632xi32, #tpu.memory_space<hbm>> -> memref<512xi32, #tpu.memory_space<hbm>>
        tpu.enqueue_dma source(%dma_start3A_30 : memref<512xi32, #tpu.memory_space<hbm>>) target(%arg8 : memref<512xi32, #tpu.memory_space<vmem>>) target_semaphore(%run_scoped3A : memref<!tpu.dma_semaphore, #tpu.memory_space<semaphore_mem>>)
        %dma_wait3A_31 = tpu.memref_slice %arg3[%add3A_19] : memref<1605632xi32, #tpu.memory_space<hbm>> -> memref<512xi32, #tpu.memory_space<hbm>>
        %dma_wait3A_32 = tpu.memref_slice %arg3[%add3A_19] : memref<1605632xi32, #tpu.memory_space<hbm>> -> memref<512xi32, #tpu.memory_space<hbm>>
        tpu.wait_dma2 semaphore(%run_scoped3A : memref<!tpu.dma_semaphore, #tpu.memory_space<semaphore_mem>>) src(%dma_wait3A_32 : memref<512xi32, #tpu.memory_space<hbm>>) dst(%arg8 : memref<512xi32, #tpu.memory_space<vmem>>)
        tpu.yield
      }) : () -> ()
      %mul3A_20 = arith.constant 50176 : i32
      %mul3A_21 = arith.muli %arg1, %mul3A_20 : i32
      %mul3A_22 = arith.constant 512 : i32
      %mul3A_23 = arith.muli %scan3A_11, %mul3A_22 : i32
      %add3A_24 = arith.addi %mul3A_21, %mul3A_23 : i32
      "tpu.region"() ({
        %run_scoped3A = tpu.sem_alloc : memref<!tpu.dma_semaphore, #tpu.memory_space<semaphore_mem>>
        %dma_start3A_29 = tpu.memref_slice %arg4[%add3A_24] : memref<802816xi32, #tpu.memory_space<hbm>> -> memref<512xi32, #tpu.memory_space<hbm>>
        %dma_start3A_30 = tpu.memref_slice %arg4[%add3A_24] : memref<802816xi32, #tpu.memory_space<hbm>> -> memref<512xi32, #tpu.memory_space<hbm>>
        tpu.enqueue_dma source(%dma_start3A_30 : memref<512xi32, #tpu.memory_space<hbm>>) target(%arg9 : memref<512xi32, #tpu.memory_space<vmem>>) target_semaphore(%run_scoped3A : memref<!tpu.dma_semaphore, #tpu.memory_space<semaphore_mem>>)
        %dma_wait3A_31 = tpu.memref_slice %arg4[%add3A_24] : memref<802816xi32, #tpu.memory_space<hbm>> -> memref<512xi32, #tpu.memory_space<hbm>>
        %dma_wait3A_32 = tpu.memref_slice %arg4[%add3A_24] : memref<802816xi32, #tpu.memory_space<hbm>> -> memref<512xi32, #tpu.memory_space<hbm>>
        tpu.wait_dma2 semaphore(%run_scoped3A : memref<!tpu.dma_semaphore, #tpu.memory_space<semaphore_mem>>) src(%dma_wait3A_32 : memref<512xi32, #tpu.memory_space<hbm>>) dst(%arg9 : memref<512xi32, #tpu.memory_space<vmem>>)
        tpu.yield
      }) : () -> ()
      %dma_start3A = arith.constant 0 : i32
      %dma_start3A_25 = arith.constant 0 : i32
      %dma_start3A_26 = tpu.memref_slice %arg2[%dma_start3A, %dma_start3A_25] : memref<100000x32xf32, #tpu.memory_space<hbm>> -> memref<100000x32xf32, #tpu.memory_space<hbm>>
      tpu.enqueue_indirect_dma source(%dma_start3A_26 : memref<100000x32xf32, #tpu.memory_space<hbm>>) target(%arg10 : memref<512x32xf32, #tpu.memory_space<vmem>>) offsets(%arg8 : memref<512xi32, #tpu.memory_space<vmem>>) semaphore(%arg11 : memref<!tpu.dma_semaphore, #tpu.memory_space<semaphore_mem>>)
      %dma_wait3A = arith.constant 0 : i32
      %dma_wait3A_27 = arith.constant 0 : i32
      %dma_wait3A_28 = tpu.memref_slice %arg2[%dma_wait3A, %dma_wait3A_27] : memref<100000x32xf32, #tpu.memory_space<hbm>> -> memref<100000x32xf32, #tpu.memory_space<hbm>>
      tpu.wait_indirect_dma semaphore(%arg11 : memref<!tpu.dma_semaphore, #tpu.memory_space<semaphore_mem>>) src(%dma_wait3A_28 : memref<100000x32xf32, #tpu.memory_space<hbm>>) dst(%arg10 : memref<512x32xf32, #tpu.memory_space<vmem>>)
      "tpu.region"() ({
        %run_scoped3A = tpu.sem_alloc : memref<!tpu.dma_semaphore, #tpu.memory_space<semaphore_mem>>
        %dma_start3A_29 = arith.constant 0 : i32
        %dma_start3A_30 = arith.constant 0 : i32
        %dma_start3A_31 = tpu.memref_slice %arg7[%dma_start3A_29, %dma_start3A_30] : memref<50176x32xf32, #tpu.memory_space<vmem_shared>> -> memref<50176x32xf32, #tpu.memory_space<vmem_shared>>
        tpu.enqueue_indirect_dma source(%arg10 : memref<512x32xf32, #tpu.memory_space<vmem>>) target(%dma_start3A_31 : memref<50176x32xf32, #tpu.memory_space<vmem_shared>>) offsets(%arg9 : memref<512xi32, #tpu.memory_space<vmem>>) semaphore(%run_scoped3A : memref<!tpu.dma_semaphore, #tpu.memory_space<semaphore_mem>>) {add = true}
        %dma_wait3A_32 = arith.constant 0 : i32
        %dma_wait3A_33 = arith.constant 0 : i32
        %dma_wait3A_34 = tpu.memref_slice %arg7[%dma_wait3A_32, %dma_wait3A_33] : memref<50176x32xf32, #tpu.memory_space<vmem_shared>> -> memref<50176x32xf32, #tpu.memory_space<vmem_shared>>
        tpu.wait_indirect_dma semaphore(%run_scoped3A : memref<!tpu.dma_semaphore, #tpu.memory_space<semaphore_mem>>) src(%arg10 : memref<512x32xf32, #tpu.memory_space<vmem>>) dst(%dma_wait3A_34 : memref<50176x32xf32, #tpu.memory_space<vmem_shared>>)
        tpu.yield
      }) : () -> ()
    }
    %scan3A_5 = arith.constant 98 : i32
    %barrier3A_6 = arith.constant 0 : index
    tpu.barrier barrier_id(%barrier3A_6)
    %mul3A_7 = arith.constant 3136 : i32
    %mul3A_8 = arith.muli %arg1, %mul3A_7 : i32
    %mul3A_9 = arith.constant 50176 : i32
    %mul3A_10 = arith.muli %arg0, %mul3A_9 : i32
    %add3A = arith.addi %mul3A_10, %mul3A_8 : i32
    "tpu.region"() ({
      %run_scoped3A = tpu.sem_alloc : memref<!tpu.dma_semaphore, #tpu.memory_space<semaphore_mem>>
      %dma_start3A = arith.constant 0 : i32
      %dma_start3A_11 = tpu.memref_slice %arg6[%add3A, %dma_start3A] : memref<100352x32xf32, #tpu.memory_space<hbm>> -> memref<3136x32xf32, #tpu.memory_space<hbm>>
      %dma_start3A_12 = arith.constant 0 : i32
      %dma_start3A_13 = tpu.memref_slice %arg7[%mul3A_8, %dma_start3A_12] : memref<50176x32xf32, #tpu.memory_space<vmem_shared>> -> memref<3136x32xf32, #tpu.memory_space<vmem_shared>>
      tpu.enqueue_dma source(%dma_start3A_13 : memref<3136x32xf32, #tpu.memory_space<vmem_shared>>) target(%dma_start3A_11 : memref<3136x32xf32, #tpu.memory_space<hbm>>) target_semaphore(%run_scoped3A : memref<!tpu.dma_semaphore, #tpu.memory_space<semaphore_mem>>)
      %dma_wait3A = arith.constant 0 : i32
      %dma_wait3A_14 = tpu.memref_slice %arg6[%add3A, %dma_wait3A] : memref<100352x32xf32, #tpu.memory_space<hbm>> -> memref<3136x32xf32, #tpu.memory_space<hbm>>
      %dma_wait3A_15 = arith.constant 0 : i32
      %dma_wait3A_16 = tpu.memref_slice %arg7[%mul3A_8, %dma_wait3A_15] : memref<50176x32xf32, #tpu.memory_space<vmem_shared>> -> memref<3136x32xf32, #tpu.memory_space<vmem_shared>>
      tpu.wait_dma2 semaphore(%run_scoped3A : memref<!tpu.dma_semaphore, #tpu.memory_space<semaphore_mem>>) src(%dma_wait3A_16 : memref<3136x32xf32, #tpu.memory_space<vmem_shared>>) dst(%dma_wait3A_14 : memref<3136x32xf32, #tpu.memory_space<hbm>>)
      tpu.yield
    }) : () -> ()
    return
  }
}

#map = affine_map<(d0, d1) -> (0, 0)>
#map1 = affine_map<(d0, d1) -> (0)>
module attributes {stable_mosaic.version = 14 : i64} {
  func.func @_edge_body(%arg0: i32, %arg1: i32, %arg2: memref<100000x32xf32, #tpu.memory_space<hbm>>, %arg3: memref<1605632xi32, #tpu.memory_space<hbm>>, %arg4: memref<802816xi32, #tpu.memory_space<hbm>>, %arg5: memref<3136x32xf32, #tpu.memory_space<hbm>>, %arg6: memref<100352x32xf32, #tpu.memory_space<hbm>>, %arg7: memref<50176x32xf32, #tpu.memory_space<vmem_shared>>, %arg8: memref<512xi32, #tpu.memory_space<vmem>>, %arg9: memref<512xi32, #tpu.memory_space<vmem>>, %arg10: memref<512x32xf32, #tpu.memory_space<vmem>>, %arg11: memref<!tpu.dma_semaphore, #tpu.memory_space<semaphore_mem>>) attributes {dimension_semantics = [#tpu.dimension_semantics<core_parallel>, #tpu.dimension_semantics<subcore_parallel>], iteration_bounds = array<i64: 2, 16>, scalar_prefetch = 0 : i64, scratch_operands = 5 : i64, tpu.core_type = #tpu.core_type<sc_vector_subcore>, window_params = [{transform_indices = #map}, {transform_indices = #map1}, {transform_indices = #map1}, {transform_indices = #map}, {transform_indices = #map}]} {
    %mul3A = arith.constant 3136 : i32
    %mul3A_0 = arith.muli %arg1, %mul3A : i32
    "tpu.region"() ({
      %run_scoped3A = tpu.sem_alloc : memref<!tpu.dma_semaphore, #tpu.memory_space<semaphore_mem>>
      %dma_start3A = arith.constant 0 : i32
      %dma_start3A_11 = tpu.memref_slice %arg7[%mul3A_0, %dma_start3A] : memref<50176x32xf32, #tpu.memory_space<vmem_shared>> -> memref<3136x32xf32, #tpu.memory_space<vmem_shared>>
      tpu.enqueue_dma source(%arg5 : memref<3136x32xf32, #tpu.memory_space<hbm>>) target(%dma_start3A_11 : memref<3136x32xf32, #tpu.memory_space<vmem_shared>>) target_semaphore(%run_scoped3A : memref<!tpu.dma_semaphore, #tpu.memory_space<semaphore_mem>>)
      %dma_wait3A = arith.constant 0 : i32
      %dma_wait3A_12 = tpu.memref_slice %arg7[%mul3A_0, %dma_wait3A] : memref<50176x32xf32, #tpu.memory_space<vmem_shared>> -> memref<3136x32xf32, #tpu.memory_space<vmem_shared>>
      tpu.wait_dma2 semaphore(%run_scoped3A : memref<!tpu.dma_semaphore, #tpu.memory_space<semaphore_mem>>) src(%arg5 : memref<3136x32xf32, #tpu.memory_space<hbm>>) dst(%dma_wait3A_12 : memref<3136x32xf32, #tpu.memory_space<vmem_shared>>)
      tpu.yield
    }) : () -> ()
    %barrier3A = arith.constant 0 : index
    tpu.barrier barrier_id(%barrier3A)
    %scan3A = arith.constant 0 : i32
    %scan3A_1 = arith.constant 0 : i32
    %scan3A_2 = arith.constant 98 : i32
    %scan3A_3 = arith.addi %scan3A_1, %scan3A_2 : i32
    %scan3A_4 = arith.constant 1 : i32
    scf.for %scan3A_11 = %scan3A_1 to %scan3A_3 step %scan3A_4  : i32 {
      %mul3A_12 = arith.constant 802816 : i32
      %mul3A_13 = arith.muli %arg0, %mul3A_12 : i32
      %mul3A_14 = arith.constant 50176 : i32
      %mul3A_15 = arith.muli %arg1, %mul3A_14 : i32
      %add3A_16 = arith.addi %mul3A_13, %mul3A_15 : i32
      %mul3A_17 = arith.constant 512 : i32
      %mul3A_18 = arith.muli %scan3A_11, %mul3A_17 : i32
      %add3A_19 = arith.addi %add3A_16, %mul3A_18 : i32
      "tpu.region"() ({
        %run_scoped3A = tpu.sem_alloc : memref<!tpu.dma_semaphore, #tpu.memory_space<semaphore_mem>>
        %dma_start3A_29 = tpu.memref_slice %arg3[%add3A_19] : memref<1605632xi32, #tpu.memory_space<hbm>> -> memref<512xi32, #tpu.memory_space<hbm>>
        %dma_start3A_30 = tpu.memref_slice %arg3[%add3A_19] : memref<1605632xi32, #tpu.memory_space<hbm>> -> memref<512xi32, #tpu.memory_space<hbm>>
        tpu.enqueue_dma source(%dma_start3A_30 : memref<512xi32, #tpu.memory_space<hbm>>) target(%arg8 : memref<512xi32, #tpu.memory_space<vmem>>) target_semaphore(%run_scoped3A : memref<!tpu.dma_semaphore, #tpu.memory_space<semaphore_mem>>)
        %dma_wait3A_31 = tpu.memref_slice %arg3[%add3A_19] : memref<1605632xi32, #tpu.memory_space<hbm>> -> memref<512xi32, #tpu.memory_space<hbm>>
        %dma_wait3A_32 = tpu.memref_slice %arg3[%add3A_19] : memref<1605632xi32, #tpu.memory_space<hbm>> -> memref<512xi32, #tpu.memory_space<hbm>>
        tpu.wait_dma2 semaphore(%run_scoped3A : memref<!tpu.dma_semaphore, #tpu.memory_space<semaphore_mem>>) src(%dma_wait3A_32 : memref<512xi32, #tpu.memory_space<hbm>>) dst(%arg8 : memref<512xi32, #tpu.memory_space<vmem>>)
        tpu.yield
      }) : () -> ()
      %mul3A_20 = arith.constant 50176 : i32
      %mul3A_21 = arith.muli %arg1, %mul3A_20 : i32
      %mul3A_22 = arith.constant 512 : i32
      %mul3A_23 = arith.muli %scan3A_11, %mul3A_22 : i32
      %add3A_24 = arith.addi %mul3A_21, %mul3A_23 : i32
      "tpu.region"() ({
        %run_scoped3A = tpu.sem_alloc : memref<!tpu.dma_semaphore, #tpu.memory_space<semaphore_mem>>
        %dma_start3A_29 = tpu.memref_slice %arg4[%add3A_24] : memref<802816xi32, #tpu.memory_space<hbm>> -> memref<512xi32, #tpu.memory_space<hbm>>
        %dma_start3A_30 = tpu.memref_slice %arg4[%add3A_24] : memref<802816xi32, #tpu.memory_space<hbm>> -> memref<512xi32, #tpu.memory_space<hbm>>
        tpu.enqueue_dma source(%dma_start3A_30 : memref<512xi32, #tpu.memory_space<hbm>>) target(%arg9 : memref<512xi32, #tpu.memory_space<vmem>>) target_semaphore(%run_scoped3A : memref<!tpu.dma_semaphore, #tpu.memory_space<semaphore_mem>>)
        %dma_wait3A_31 = tpu.memref_slice %arg4[%add3A_24] : memref<802816xi32, #tpu.memory_space<hbm>> -> memref<512xi32, #tpu.memory_space<hbm>>
        %dma_wait3A_32 = tpu.memref_slice %arg4[%add3A_24] : memref<802816xi32, #tpu.memory_space<hbm>> -> memref<512xi32, #tpu.memory_space<hbm>>
        tpu.wait_dma2 semaphore(%run_scoped3A : memref<!tpu.dma_semaphore, #tpu.memory_space<semaphore_mem>>) src(%dma_wait3A_32 : memref<512xi32, #tpu.memory_space<hbm>>) dst(%arg9 : memref<512xi32, #tpu.memory_space<vmem>>)
        tpu.yield
      }) : () -> ()
      %dma_start3A = arith.constant 0 : i32
      %dma_start3A_25 = arith.constant 0 : i32
      %dma_start3A_26 = tpu.memref_slice %arg2[%dma_start3A, %dma_start3A_25] : memref<100000x32xf32, #tpu.memory_space<hbm>> -> memref<100000x32xf32, #tpu.memory_space<hbm>>
      tpu.enqueue_indirect_dma source(%dma_start3A_26 : memref<100000x32xf32, #tpu.memory_space<hbm>>) target(%arg10 : memref<512x32xf32, #tpu.memory_space<vmem>>) offsets(%arg8 : memref<512xi32, #tpu.memory_space<vmem>>) semaphore(%arg11 : memref<!tpu.dma_semaphore, #tpu.memory_space<semaphore_mem>>)
      %dma_wait3A = arith.constant 0 : i32
      %dma_wait3A_27 = arith.constant 0 : i32
      %dma_wait3A_28 = tpu.memref_slice %arg2[%dma_wait3A, %dma_wait3A_27] : memref<100000x32xf32, #tpu.memory_space<hbm>> -> memref<100000x32xf32, #tpu.memory_space<hbm>>
      tpu.wait_indirect_dma semaphore(%arg11 : memref<!tpu.dma_semaphore, #tpu.memory_space<semaphore_mem>>) src(%dma_wait3A_28 : memref<100000x32xf32, #tpu.memory_space<hbm>>) dst(%arg10 : memref<512x32xf32, #tpu.memory_space<vmem>>)
      "tpu.region"() ({
        %run_scoped3A = tpu.sem_alloc : memref<!tpu.dma_semaphore, #tpu.memory_space<semaphore_mem>>
        %dma_start3A_29 = arith.constant 0 : i32
        %dma_start3A_30 = arith.constant 0 : i32
        %dma_start3A_31 = tpu.memref_slice %arg7[%dma_start3A_29, %dma_start3A_30] : memref<50176x32xf32, #tpu.memory_space<vmem_shared>> -> memref<50176x32xf32, #tpu.memory_space<vmem_shared>>
        tpu.enqueue_indirect_dma source(%arg10 : memref<512x32xf32, #tpu.memory_space<vmem>>) target(%dma_start3A_31 : memref<50176x32xf32, #tpu.memory_space<vmem_shared>>) offsets(%arg9 : memref<512xi32, #tpu.memory_space<vmem>>) semaphore(%run_scoped3A : memref<!tpu.dma_semaphore, #tpu.memory_space<semaphore_mem>>) {add = true}
        %dma_wait3A_32 = arith.constant 0 : i32
        %dma_wait3A_33 = arith.constant 0 : i32
        %dma_wait3A_34 = tpu.memref_slice %arg7[%dma_wait3A_32, %dma_wait3A_33] : memref<50176x32xf32, #tpu.memory_space<vmem_shared>> -> memref<50176x32xf32, #tpu.memory_space<vmem_shared>>
        tpu.wait_indirect_dma semaphore(%run_scoped3A : memref<!tpu.dma_semaphore, #tpu.memory_space<semaphore_mem>>) src(%arg10 : memref<512x32xf32, #tpu.memory_space<vmem>>) dst(%dma_wait3A_34 : memref<50176x32xf32, #tpu.memory_space<vmem_shared>>)
        tpu.yield
      }) : () -> ()
    }
    %scan3A_5 = arith.constant 98 : i32
    %barrier3A_6 = arith.constant 0 : index
    tpu.barrier barrier_id(%barrier3A_6)
    %mul3A_7 = arith.constant 3136 : i32
    %mul3A_8 = arith.muli %arg1, %mul3A_7 : i32
    %mul3A_9 = arith.constant 50176 : i32
    %mul3A_10 = arith.muli %arg0, %mul3A_9 : i32
    %add3A = arith.addi %mul3A_10, %mul3A_8 : i32
    "tpu.region"() ({
      %run_scoped3A = tpu.sem_alloc : memref<!tpu.dma_semaphore, #tpu.memory_space<semaphore_mem>>
      %dma_start3A = arith.constant 0 : i32
      %dma_start3A_11 = tpu.memref_slice %arg6[%add3A, %dma_start3A] : memref<100352x32xf32, #tpu.memory_space<hbm>> -> memref<3136x32xf32, #tpu.memory_space<hbm>>
      %dma_start3A_12 = arith.constant 0 : i32
      %dma_start3A_13 = tpu.memref_slice %arg7[%mul3A_8, %dma_start3A_12] : memref<50176x32xf32, #tpu.memory_space<vmem_shared>> -> memref<3136x32xf32, #tpu.memory_space<vmem_shared>>
      tpu.enqueue_dma source(%dma_start3A_13 : memref<3136x32xf32, #tpu.memory_space<vmem_shared>>) target(%dma_start3A_11 : memref<3136x32xf32, #tpu.memory_space<hbm>>) target_semaphore(%run_scoped3A : memref<!tpu.dma_semaphore, #tpu.memory_space<semaphore_mem>>)
      %dma_wait3A = arith.constant 0 : i32
      %dma_wait3A_14 = tpu.memref_slice %arg6[%add3A, %dma_wait3A] : memref<100352x32xf32, #tpu.memory_space<hbm>> -> memref<3136x32xf32, #tpu.memory_space<hbm>>
      %dma_wait3A_15 = arith.constant 0 : i32
      %dma_wait3A_16 = tpu.memref_slice %arg7[%mul3A_8, %dma_wait3A_15] : memref<50176x32xf32, #tpu.memory_space<vmem_shared>> -> memref<3136x32xf32, #tpu.memory_space<vmem_shared>>
      tpu.wait_dma2 semaphore(%run_scoped3A : memref<!tpu.dma_semaphore, #tpu.memory_space<semaphore_mem>>) src(%dma_wait3A_16 : memref<3136x32xf32, #tpu.memory_space<vmem_shared>>) dst(%dma_wait3A_14 : memref<3136x32xf32, #tpu.memory_space<hbm>>)
      tpu.yield
    }) : () -> ()
    return
  }
}

module attributes {stable_mosaic.version = 14 : i64} {
  func.func @_emb_body(%arg0: i32, %arg1: memref<2000x1xf32, #tpu.memory_space<vmem>>, %arg2: memref<1x64xf32, #tpu.memory_space<vmem>>, %arg3: memref<1x64xf32, #tpu.memory_space<vmem>>, %arg4: memref<2000x8xf32, #tpu.memory_space<vmem>>, %arg5: memref<8x64xf32, #tpu.memory_space<vmem>>, %arg6: memref<1x64xf32, #tpu.memory_space<vmem>>, %arg7: memref<2000x64xf32, #tpu.memory_space<vmem>>, %arg8: memref<2000x64xf32, #tpu.memory_space<vmem>>) attributes {dimension_semantics = [#tpu.dimension_semantics<arbitrary>], iteration_bounds = array<i64: 25>, scalar_prefetch = 0 : i64, scratch_operands = 0 : i64, tpu.core_type = #tpu.core_type<tc>, window_params = [{transform_indices = @transform_0, window_bounds = array<i64: 2000, 1>}, {pipeline_mode = #tpu.pipeline_mode<synchronous>, transform_indices = @transform_1, window_bounds = array<i64: 1, 64>}, {pipeline_mode = #tpu.pipeline_mode<synchronous>, transform_indices = @transform_2, window_bounds = array<i64: 1, 64>}, {transform_indices = @transform_3, window_bounds = array<i64: 2000, 8>}, {pipeline_mode = #tpu.pipeline_mode<synchronous>, transform_indices = @transform_4, window_bounds = array<i64: 8, 64>}, {pipeline_mode = #tpu.pipeline_mode<synchronous>, transform_indices = @transform_5, window_bounds = array<i64: 1, 64>}, {transform_indices = @transform_6, window_bounds = array<i64: 2000, 64>}, {transform_indices = @transform_7, window_bounds = array<i64: 2000, 64>}]} {
    %get3A = arith.constant 0 : index
    %get3A_0 = arith.constant 0 : index
    %get3A_1 = vector.load %arg1[%get3A, %get3A_0] : memref<2000x1xf32, #tpu.memory_space<vmem>>, vector<2000x1xf32>
    %get3A_2 = arith.constant 0 : index
    %get3A_3 = arith.constant 0 : index
    %get3A_4 = vector.load %arg2[%get3A_2, %get3A_3] : memref<1x64xf32, #tpu.memory_space<vmem>>, vector<1x64xf32>
    %mul3A = vector.broadcast %get3A_1 : vector<2000x1xf32> to vector<2000x64xf32>
    %mul3A_5 = vector.broadcast %get3A_4 : vector<1x64xf32> to vector<2000x64xf32>
    %mul3A_6 = arith.mulf %mul3A, %mul3A_5 : vector<2000x64xf32>
    %get3A_7 = arith.constant 0 : index
    %get3A_8 = arith.constant 0 : index
    %get3A_9 = vector.load %arg3[%get3A_7, %get3A_8] : memref<1x64xf32, #tpu.memory_space<vmem>>, vector<1x64xf32>
    %add3A = vector.broadcast %get3A_9 : vector<1x64xf32> to vector<2000x64xf32>
    %add3A_10 = arith.addf %mul3A_6, %add3A : vector<2000x64xf32>
    %swap3A = arith.constant 0 : index
    %swap3A_11 = arith.constant 0 : index
    %swap3A_12 = vector.load %arg7[%swap3A, %swap3A_11] : memref<2000x64xf32, #tpu.memory_space<vmem>>, vector<2000x64xf32>
    tpu.vector_store %arg7[%swap3A, %swap3A_11], %add3A_10 {strides = array<i32>} : memref<2000x64xf32, #tpu.memory_space<vmem>>, vector<2000x64xf32>,
    %get3A_13 = arith.constant 0 : index
    %get3A_14 = arith.constant 0 : index
    %get3A_15 = vector.load %arg4[%get3A_13, %get3A_14] : memref<2000x8xf32, #tpu.memory_space<vmem>>, vector<2000x8xf32>
    %get3A_16 = arith.constant 0 : index
    %get3A_17 = arith.constant 0 : index
    %get3A_18 = vector.load %arg5[%get3A_16, %get3A_17] : memref<8x64xf32, #tpu.memory_space<vmem>>, vector<8x64xf32>
    %dot_general3A = arith.constant dense<0.000000e+00> : vector<2000x64xf32>
    %dot_general3A_19 = tpu.matmul %get3A_15, %get3A_18, %dot_general3A {dimension_numbers = #tpu.dot_dimension_numbers<[1], [0], [0], [1], [0, 0, 1, 1], [], []>, transpose_lhs_hint = false} : vector<2000x8xf32>, vector<8x64xf32>, vector<2000x64xf32> -> vector<2000x64xf32>
    %get3A_20 = arith.constant 0 : index
    %get3A_21 = arith.constant 0 : index
    %get3A_22 = vector.load %arg6[%get3A_20, %get3A_21] : memref<1x64xf32, #tpu.memory_space<vmem>>, vector<1x64xf32>
    %add3A_23 = vector.broadcast %get3A_22 : vector<1x64xf32> to vector<2000x64xf32>
    %add3A_24 = arith.addf %dot_general3A_19, %add3A_23 : vector<2000x64xf32>
    %swap3A_25 = arith.constant 0 : index
    %swap3A_26 = arith.constant 0 : index
    %swap3A_27 = vector.load %arg8[%swap3A_25, %swap3A_26] : memref<2000x64xf32, #tpu.memory_space<vmem>>, vector<2000x64xf32>
    tpu.vector_store %arg8[%swap3A_25, %swap3A_26], %add3A_24 {strides = array<i32>} : memref<2000x64xf32, #tpu.memory_space<vmem>>, vector<2000x64xf32>,
    return
  }
  func.func @transform_0(%arg0: i32) -> (i32, i32) {
    %c0_i32 = arith.constant 0 : i32
    %c0_i32_0 = arith.constant 0 : i32
    return %arg0, %c0_i32 : i32, i32
  }
  func.func @transform_1(%arg0: i32) -> (i32, i32) {
    %c0_i32 = arith.constant 0 : i32
    %c0_i32_0 = arith.constant 0 : i32
    %c0_i32_1 = arith.constant 0 : i32
    return %c0_i32, %c0_i32_0 : i32, i32
  }
  func.func @transform_2(%arg0: i32) -> (i32, i32) {
    %c0_i32 = arith.constant 0 : i32
    %c0_i32_0 = arith.constant 0 : i32
    %c0_i32_1 = arith.constant 0 : i32
    return %c0_i32, %c0_i32_0 : i32, i32
  }
  func.func @transform_3(%arg0: i32) -> (i32, i32) {
    %c0_i32 = arith.constant 0 : i32
    %c0_i32_0 = arith.constant 0 : i32
    return %arg0, %c0_i32 : i32, i32
  }
  func.func @transform_4(%arg0: i32) -> (i32, i32) {
    %c0_i32 = arith.constant 0 : i32
    %c0_i32_0 = arith.constant 0 : i32
    %c0_i32_1 = arith.constant 0 : i32
    return %c0_i32, %c0_i32_0 : i32, i32
  }
  func.func @transform_5(%arg0: i32) -> (i32, i32) {
    %c0_i32 = arith.constant 0 : i32
    %c0_i32_0 = arith.constant 0 : i32
    %c0_i32_1 = arith.constant 0 : i32
    return %c0_i32, %c0_i32_0 : i32, i32
  }
  func.func @transform_6(%arg0: i32) -> (i32, i32) {
    %c0_i32 = arith.constant 0 : i32
    %c0_i32_0 = arith.constant 0 : i32
    return %arg0, %c0_i32 : i32, i32
  }
  func.func @transform_7(%arg0: i32) -> (i32, i32) {
    %c0_i32 = arith.constant 0 : i32
    %c0_i32_0 = arith.constant 0 : i32
    return %arg0, %c0_i32 : i32, i32
  }
}

module attributes {stable_mosaic.version = 14 : i64} {
  func.func @_stats_body(%arg0: i32, %arg1: memref<2000x64xf32, #tpu.memory_space<vmem>>, %arg2: memref<64x64xf32, #tpu.memory_space<vmem>>, %arg3: memref<1x64xf32, #tpu.memory_space<vmem>>, %arg4: memref<1x64xf32, #tpu.memory_space<vmem>>, %arg5: memref<2000x1xf32, #tpu.memory_space<vmem>>, %arg6: memref<2xf32, #tpu.memory_space<smem>>, %arg7: memref<2xf32, #tpu.memory_space<smem>>) attributes {dimension_semantics = [#tpu.dimension_semantics<arbitrary>], iteration_bounds = array<i64: 25>, scalar_prefetch = 0 : i64, scratch_operands = 1 : i64, tpu.core_type = #tpu.core_type<tc>, window_params = [{transform_indices = @transform_0, window_bounds = array<i64: 2000, 64>}, {pipeline_mode = #tpu.pipeline_mode<synchronous>, transform_indices = @transform_1, window_bounds = array<i64: 64, 64>}, {pipeline_mode = #tpu.pipeline_mode<synchronous>, transform_indices = @transform_2, window_bounds = array<i64: 1, 64>}, {pipeline_mode = #tpu.pipeline_mode<synchronous>, transform_indices = @transform_3, window_bounds = array<i64: 1, 64>}, {transform_indices = @transform_4, window_bounds = array<i64: 2000, 1>}, {transform_indices = @transform_5, window_bounds = array<i64: 2>}]} {
    %get3A = arith.constant 0 : index
    %get3A_0 = arith.constant 0 : index
    %get3A_1 = vector.load %arg1[%get3A, %get3A_0] : memref<2000x64xf32, #tpu.memory_space<vmem>>, vector<2000x64xf32>
    %get3A_2 = arith.constant 0 : index
    %get3A_3 = arith.constant 0 : index
    %get3A_4 = vector.load %arg2[%get3A_2, %get3A_3] : memref<64x64xf32, #tpu.memory_space<vmem>>, vector<64x64xf32>
    %dot_general3A = arith.constant dense<0.000000e+00> : vector<2000x64xf32>
    %dot_general3A_5 = tpu.matmul %get3A_1, %get3A_4, %dot_general3A {dimension_numbers = #tpu.dot_dimension_numbers<[1], [0], [0], [1], [0, 0, 1, 1], [], []>, transpose_lhs_hint = false} : vector<2000x64xf32>, vector<64x64xf32>, vector<2000x64xf32> -> vector<2000x64xf32>
    %get3A_6 = arith.constant 0 : index
    %get3A_7 = arith.constant 0 : index
    %get3A_8 = vector.load %arg3[%get3A_6, %get3A_7] : memref<1x64xf32, #tpu.memory_space<vmem>>, vector<1x64xf32>
    %add3A = vector.broadcast %get3A_8 : vector<1x64xf32> to vector<2000x64xf32>
    %add3A_9 = arith.addf %dot_general3A_5, %add3A : vector<2000x64xf32>
    %get3A_10 = arith.constant 0 : index
    %get3A_11 = arith.constant 0 : index
    %get3A_12 = vector.load %arg4[%get3A_10, %get3A_11] : memref<1x64xf32, #tpu.memory_space<vmem>>, vector<1x64xf32>
    %mul3A = vector.broadcast %get3A_12 : vector<1x64xf32> to vector<2000x64xf32>
    %mul3A_13 = arith.mulf %add3A_9, %mul3A : vector<2000x64xf32>
    %reduce_sum3A = arith.constant dense<0.000000e+00> : vector<2000xf32>
    %reduce_sum3A_14 = vector.multi_reduction <add>, %mul3A_13, %reduce_sum3A [1] : vector<2000x64xf32> to vector<2000xf32>
    %broadcast_in_dim3A = vector.shape_cast %reduce_sum3A_14 : vector<2000xf32> to vector<2000x1xf32>
    %get3A_15 = arith.constant 0 : index
    %get3A_16 = arith.constant 0 : index
    %get3A_17 = vector.load %arg5[%get3A_15, %get3A_16] : memref<2000x1xf32, #tpu.memory_space<vmem>>, vector<2000x1xf32>
    %gt3A = arith.constant 0.000000e+00 : f32
    %gt3A_18 = vector.broadcast %gt3A : f32 to vector<2000x1xf32>
    %gt3A_19 = arith.cmpf ogt, %get3A_17, %gt3A_18 : vector<2000x1xf32>
    %jit3A = arith.constant -1.000000e+30 : f32
    %broadcast_in_dim3A_20 = vector.broadcast %jit3A : f32 to vector<2000x1xf32>
    %select_n3A = arith.select %gt3A_19, %broadcast_in_dim3A, %broadcast_in_dim3A_20 : vector<2000x1xi1>, vector<2000x1xf32>
    %reduce_max3A = vector.shape_cast %select_n3A : vector<2000x1xf32> to vector<1x2000x1xf32>
    %reduce_max3A_21 = arith.constant dense<0xFF800000> : vector<1xf32>
    %reduce_max3A_22 = vector.multi_reduction <maximumf>, %reduce_max3A, %reduce_max3A_21 [1, 2] : vector<1x2000x1xf32> to vector<1xf32>
    %reduce_max3A_23 = vector.shape_cast %reduce_max3A_22 : vector<1xf32> to vector<1x1x1xf32>
    %reduce_max3A_24 = vector.extract %reduce_max3A_23[0, 0, 0] : f32 from vector<1x1x1xf32>
    %eq3A = arith.constant 0 : i32
    %eq3A_25 = arith.cmpi eq, %arg0, %eq3A : i32
    %convert_element_type3A = arith.extui %eq3A_25 : i1 to i32
    %cond3A = arith.constant 0 : i32
    %cond3A_26 = arith.cmpi ne, %convert_element_type3A, %cond3A : i32
    scf.if %cond3A_26 {
      %swap3A_56 = arith.constant -1.000000e+30 : f32
      %swap3A_57 = arith.constant 0 : index
      %swap3A_58 = memref.load %arg7[%swap3A_57] : memref<2xf32, #tpu.memory_space<smem>>
      memref.store %swap3A_56, %arg7[%swap3A_57] : memref<2xf32, #tpu.memory_space<smem>>
      %swap3A_59 = arith.constant 0.000000e+00 : f32
      %swap3A_60 = arith.constant 1 : index
      %swap3A_61 = memref.load %arg7[%swap3A_60] : memref<2xf32, #tpu.memory_space<smem>>
      memref.store %swap3A_59, %arg7[%swap3A_60] : memref<2xf32, #tpu.memory_space<smem>>
    } else {
    }
    %get3A_27 = arith.constant 0 : index
    %get3A_28 = memref.load %arg7[%get3A_27] : memref<2xf32, #tpu.memory_space<smem>>
    %get3A_29 = arith.constant 1 : index
    %get3A_30 = memref.load %arg7[%get3A_29] : memref<2xf32, #tpu.memory_space<smem>>
    %max3A = arith.maximumf %get3A_28, %reduce_max3A_24 : f32
    %sub3A = arith.subf %get3A_28, %max3A : f32
    %exp3A = math.exp %sub3A : f32
    %gt3A_31 = arith.constant 0.000000e+00 : f32
    %gt3A_32 = vector.broadcast %gt3A_31 : f32 to vector<2000x1xf32>
    %gt3A_33 = arith.cmpf ogt, %get3A_17, %gt3A_32 : vector<2000x1xf32>
    %sub3A_34 = vector.broadcast %max3A : f32 to vector<2000x1xf32>
    %sub3A_35 = arith.subf %broadcast_in_dim3A, %sub3A_34 : vector<2000x1xf32>
    %exp3A_36 = math.exp %sub3A_35 : vector<2000x1xf32>
    %mul3A_37 = arith.mulf %get3A_17, %exp3A_36 : vector<2000x1xf32>
    %jit3A_38 = arith.constant 0.000000e+00 : f32
    %broadcast_in_dim3A_39 = vector.broadcast %jit3A_38 : f32 to vector<2000x1xf32>
    %select_n3A_40 = arith.select %gt3A_33, %mul3A_37, %broadcast_in_dim3A_39 : vector<2000x1xi1>, vector<2000x1xf32>
    %reduce_sum3A_41 = vector.shape_cast %select_n3A_40 : vector<2000x1xf32> to vector<1x2000x1xf32>
    %reduce_sum3A_42 = arith.constant dense<0.000000e+00> : vector<1xf32>
    %reduce_sum3A_43 = vector.multi_reduction <add>, %reduce_sum3A_41, %reduce_sum3A_42 [1, 2] : vector<1x2000x1xf32> to vector<1xf32>
    %reduce_sum3A_44 = vector.shape_cast %reduce_sum3A_43 : vector<1xf32> to vector<1x1x1xf32>
    %reduce_sum3A_45 = vector.extract %reduce_sum3A_44[0, 0, 0] : f32 from vector<1x1x1xf32>
    %mul3A_46 = arith.mulf %get3A_30, %exp3A : f32
    %add3A_47 = arith.addf %mul3A_46, %reduce_sum3A_45 : f32
    %swap3A = arith.constant 0 : index
    %swap3A_48 = memref.load %arg7[%swap3A] : memref<2xf32, #tpu.memory_space<smem>>
    memref.store %max3A, %arg7[%swap3A] : memref<2xf32, #tpu.memory_space<smem>>
    %swap3A_49 = arith.constant 1 : index
    %swap3A_50 = memref.load %arg7[%swap3A_49] : memref<2xf32, #tpu.memory_space<smem>>
    memref.store %add3A_47, %arg7[%swap3A_49] : memref<2xf32, #tpu.memory_space<smem>>
    %eq3A_51 = arith.constant 24 : i32
    %eq3A_52 = arith.cmpi eq, %arg0, %eq3A_51 : i32
    %convert_element_type3A_53 = arith.extui %eq3A_52 : i1 to i32
    %cond3A_54 = arith.constant 0 : i32
    %cond3A_55 = arith.cmpi ne, %convert_element_type3A_53, %cond3A_54 : i32
    scf.if %cond3A_55 {
      %swap3A_56 = arith.constant 0 : index
      %swap3A_57 = memref.load %arg6[%swap3A_56] : memref<2xf32, #tpu.memory_space<smem>>
      memref.store %max3A, %arg6[%swap3A_56] : memref<2xf32, #tpu.memory_space<smem>>
      %swap3A_58 = arith.constant 1 : index
      %swap3A_59 = memref.load %arg6[%swap3A_58] : memref<2xf32, #tpu.memory_space<smem>>
      memref.store %add3A_47, %arg6[%swap3A_58] : memref<2xf32, #tpu.memory_space<smem>>
    } else {
    }
    return
  }
  func.func @transform_0(%arg0: i32) -> (i32, i32) {
    %c0_i32 = arith.constant 0 : i32
    %c0_i32_0 = arith.constant 0 : i32
    return %arg0, %c0_i32 : i32, i32
  }
  func.func @transform_1(%arg0: i32) -> (i32, i32) {
    %c0_i32 = arith.constant 0 : i32
    %c0_i32_0 = arith.constant 0 : i32
    %c0_i32_1 = arith.constant 0 : i32
    return %c0_i32, %c0_i32_0 : i32, i32
  }
  func.func @transform_2(%arg0: i32) -> (i32, i32) {
    %c0_i32 = arith.constant 0 : i32
    %c0_i32_0 = arith.constant 0 : i32
    %c0_i32_1 = arith.constant 0 : i32
    return %c0_i32, %c0_i32_0 : i32, i32
  }
  func.func @transform_3(%arg0: i32) -> (i32, i32) {
    %c0_i32 = arith.constant 0 : i32
    %c0_i32_0 = arith.constant 0 : i32
    %c0_i32_1 = arith.constant 0 : i32
    return %c0_i32, %c0_i32_0 : i32, i32
  }
  func.func @transform_4(%arg0: i32) -> (i32, i32) {
    %c0_i32 = arith.constant 0 : i32
    %c0_i32_0 = arith.constant 0 : i32
    return %arg0, %c0_i32 : i32, i32
  }
  func.func @transform_5(%arg0: i32) -> i32 {
    %c0_i32 = arith.constant 0 : i32
    %c0_i32_0 = arith.constant 0 : i32
    return %c0_i32 : i32
  }
}

module attributes {stable_mosaic.version = 14 : i64} {
  func.func @_u_body(%arg0: i32, %arg1: memref<2000x64xf32, #tpu.memory_space<vmem>>, %arg2: memref<64x64xf32, #tpu.memory_space<vmem>>, %arg3: memref<1x64xf32, #tpu.memory_space<vmem>>, %arg4: memref<1x64xf32, #tpu.memory_space<vmem>>, %arg5: memref<2xf32, #tpu.memory_space<smem>>, %arg6: memref<2x2000x32xf32, #tpu.memory_space<vmem>>) attributes {dimension_semantics = [#tpu.dimension_semantics<arbitrary>], iteration_bounds = array<i64: 25>, scalar_prefetch = 0 : i64, scratch_operands = 0 : i64, tpu.core_type = #tpu.core_type<tc>, window_params = [{transform_indices = @transform_0, window_bounds = array<i64: 2000, 64>}, {pipeline_mode = #tpu.pipeline_mode<synchronous>, transform_indices = @transform_1, window_bounds = array<i64: 64, 64>}, {pipeline_mode = #tpu.pipeline_mode<synchronous>, transform_indices = @transform_2, window_bounds = array<i64: 1, 64>}, {pipeline_mode = #tpu.pipeline_mode<synchronous>, transform_indices = @transform_3, window_bounds = array<i64: 1, 64>}, {transform_indices = @transform_4, window_bounds = array<i64: 2>}, {transform_indices = @transform_5, window_bounds = array<i64: 2, 2000, 32>}]} {
    %get3A = arith.constant 0 : index
    %get3A_0 = arith.constant 0 : index
    %get3A_1 = vector.load %arg1[%get3A, %get3A_0] : memref<2000x64xf32, #tpu.memory_space<vmem>>, vector<2000x64xf32>
    %get3A_2 = arith.constant 0 : index
    %get3A_3 = arith.constant 0 : index
    %get3A_4 = vector.load %arg2[%get3A_2, %get3A_3] : memref<64x64xf32, #tpu.memory_space<vmem>>, vector<64x64xf32>
    %dot_general3A = arith.constant dense<0.000000e+00> : vector<2000x64xf32>
    %dot_general3A_5 = tpu.matmul %get3A_1, %get3A_4, %dot_general3A {dimension_numbers = #tpu.dot_dimension_numbers<[1], [0], [0], [1], [0, 0, 1, 1], [], []>, transpose_lhs_hint = false} : vector<2000x64xf32>, vector<64x64xf32>, vector<2000x64xf32> -> vector<2000x64xf32>
    %get3A_6 = arith.constant 0 : index
    %get3A_7 = arith.constant 0 : index
    %get3A_8 = vector.load %arg3[%get3A_6, %get3A_7] : memref<1x64xf32, #tpu.memory_space<vmem>>, vector<1x64xf32>
    %add3A = vector.broadcast %get3A_8 : vector<1x64xf32> to vector<2000x64xf32>
    %add3A_9 = arith.addf %dot_general3A_5, %add3A : vector<2000x64xf32>
    %get3A_10 = arith.constant 0 : index
    %get3A_11 = arith.constant 0 : index
    %get3A_12 = vector.load %arg4[%get3A_10, %get3A_11] : memref<1x64xf32, #tpu.memory_space<vmem>>, vector<1x64xf32>
    %mul3A = vector.broadcast %get3A_12 : vector<1x64xf32> to vector<2000x64xf32>
    %mul3A_13 = arith.mulf %add3A_9, %mul3A : vector<2000x64xf32>
    %reduce_sum3A = arith.constant dense<0.000000e+00> : vector<2000xf32>
    %reduce_sum3A_14 = vector.multi_reduction <add>, %mul3A_13, %reduce_sum3A [1] : vector<2000x64xf32> to vector<2000xf32>
    %broadcast_in_dim3A = vector.shape_cast %reduce_sum3A_14 : vector<2000xf32> to vector<2000x1xf32>
    %get3A_15 = arith.constant 0 : index
    %get3A_16 = memref.load %arg5[%get3A_15] : memref<2xf32, #tpu.memory_space<smem>>
    %sub3A = vector.broadcast %get3A_16 : f32 to vector<2000x1xf32>
    %sub3A_17 = arith.subf %broadcast_in_dim3A, %sub3A : vector<2000x1xf32>
    %exp3A = math.exp %sub3A_17 : vector<2000x1xf32>
    %get3A_18 = arith.constant 1 : index
    %get3A_19 = memref.load %arg5[%get3A_18] : memref<2xf32, #tpu.memory_space<smem>>
    %div3A = vector.broadcast %get3A_19 : f32 to vector<2000x1xf32>
    %div3A_20 = arith.divf %exp3A, %div3A : vector<2000x1xf32>
    %mul3A_21 = vector.broadcast %div3A_20 : vector<2000x1xf32> to vector<2000x64xf32>
    %mul3A_22 = arith.mulf %add3A_9, %mul3A_21 : vector<2000x64xf32>
    %slice3A = vector.extract_strided_slice %mul3A_22 {offsets = [0, 0], sizes = [2000, 32], strides = [1, 1]} : vector<2000x64xf32> to vector<2000x32xf32>
    %swap3A = arith.constant 0 : index
    %swap3A_23 = arith.constant 0 : index
    %swap3A_24 = arith.constant 0 : index
    %swap3A_25 = vector.load %arg6[%swap3A, %swap3A_23, %swap3A_24] : memref<2x2000x32xf32, #tpu.memory_space<vmem>>, vector<1x2000x32xf32>
    %swap3A_26 = vector.shape_cast %swap3A_25 : vector<1x2000x32xf32> to vector<2000x32xf32>
    %swap3A_27 = vector.shape_cast %slice3A : vector<2000x32xf32> to vector<1x2000x32xf32>
    tpu.vector_store %arg6[%swap3A, %swap3A_23, %swap3A_24], %swap3A_27 {strides = array<i32>} : memref<2x2000x32xf32, #tpu.memory_space<vmem>>, vector<1x2000x32xf32>,
    %slice3A_28 = vector.extract_strided_slice %mul3A_22 {offsets = [0, 32], sizes = [2000, 32], strides = [1, 1]} : vector<2000x64xf32> to vector<2000x32xf32>
    %swap3A_29 = arith.constant 1 : index
    %swap3A_30 = arith.constant 0 : index
    %swap3A_31 = arith.constant 0 : index
    %swap3A_32 = vector.load %arg6[%swap3A_29, %swap3A_30, %swap3A_31] : memref<2x2000x32xf32, #tpu.memory_space<vmem>>, vector<1x2000x32xf32>
    %swap3A_33 = vector.shape_cast %swap3A_32 : vector<1x2000x32xf32> to vector<2000x32xf32>
    %swap3A_34 = vector.shape_cast %slice3A_28 : vector<2000x32xf32> to vector<1x2000x32xf32>
    tpu.vector_store %arg6[%swap3A_29, %swap3A_30, %swap3A_31], %swap3A_34 {strides = array<i32>} : memref<2x2000x32xf32, #tpu.memory_space<vmem>>, vector<1x2000x32xf32>,
    return
  }
  func.func @transform_0(%arg0: i32) -> (i32, i32) {
    %c0_i32 = arith.constant 0 : i32
    %c0_i32_0 = arith.constant 0 : i32
    return %arg0, %c0_i32 : i32, i32
  }
  func.func @transform_1(%arg0: i32) -> (i32, i32) {
    %c0_i32 = arith.constant 0 : i32
    %c0_i32_0 = arith.constant 0 : i32
    %c0_i32_1 = arith.constant 0 : i32
    return %c0_i32, %c0_i32_0 : i32, i32
  }
  func.func @transform_2(%arg0: i32) -> (i32, i32) {
    %c0_i32 = arith.constant 0 : i32
    %c0_i32_0 = arith.constant 0 : i32
    %c0_i32_1 = arith.constant 0 : i32
    return %c0_i32, %c0_i32_0 : i32, i32
  }
  func.func @transform_3(%arg0: i32) -> (i32, i32) {
    %c0_i32 = arith.constant 0 : i32
    %c0_i32_0 = arith.constant 0 : i32
    %c0_i32_1 = arith.constant 0 : i32
    return %c0_i32, %c0_i32_0 : i32, i32
  }
  func.func @transform_4(%arg0: i32) -> i32 {
    %c0_i32 = arith.constant 0 : i32
    %c0_i32_0 = arith.constant 0 : i32
    return %c0_i32 : i32
  }
  func.func @transform_5(%arg0: i32) -> (i32, i32, i32) {
    %c0_i32 = arith.constant 0 : i32
    %c0_i32_0 = arith.constant 0 : i32
    %c0_i32_1 = arith.constant 0 : i32
    return %c0_i32, %arg0, %c0_i32_0 : i32, i32, i32
  }
}

module attributes {stable_mosaic.version = 14 : i64} {
  func.func @_upd_body(%arg0: i32, %arg1: memref<2000x64xf32, #tpu.memory_space<vmem>>, %arg2: memref<2x2000x32xf32, #tpu.memory_space<vmem>>, %arg3: memref<128x64xf32, #tpu.memory_space<vmem>>, %arg4: memref<1x64xf32, #tpu.memory_space<vmem>>, %arg5: memref<2000x64xf32, #tpu.memory_space<vmem>>, %arg6: memref<1x64xf32, #tpu.memory_space<vmem>>, %arg7: memref<1x64xf32, #tpu.memory_space<vmem>>) attributes {dimension_semantics = [#tpu.dimension_semantics<arbitrary>], iteration_bounds = array<i64: 25>, scalar_prefetch = 0 : i64, scratch_operands = 1 : i64, tpu.core_type = #tpu.core_type<tc>, window_params = [{transform_indices = @transform_0, window_bounds = array<i64: 2000, 64>}, {transform_indices = @transform_1, window_bounds = array<i64: 2, 2000, 32>}, {pipeline_mode = #tpu.pipeline_mode<synchronous>, transform_indices = @transform_2, window_bounds = array<i64: 128, 64>}, {pipeline_mode = #tpu.pipeline_mode<synchronous>, transform_indices = @transform_3, window_bounds = array<i64: 1, 64>}, {transform_indices = @transform_4, window_bounds = array<i64: 2000, 64>}, {pipeline_mode = #tpu.pipeline_mode<synchronous>, transform_indices = @transform_5, window_bounds = array<i64: 1, 64>}]} {
    %get3A = arith.constant 0 : index
    %get3A_0 = arith.constant 0 : index
    %get3A_1 = vector.load %arg1[%get3A, %get3A_0] : memref<2000x64xf32, #tpu.memory_space<vmem>>, vector<2000x64xf32>
    %get3A_2 = arith.constant 0 : index
    %get3A_3 = arith.constant 0 : index
    %get3A_4 = vector.load %arg3[%get3A_2, %get3A_3] : memref<128x64xf32, #tpu.memory_space<vmem>>, vector<64x64xf32>
    %dot_general3A = arith.constant dense<0.000000e+00> : vector<2000x64xf32>
    %dot_general3A_5 = tpu.matmul %get3A_1, %get3A_4, %dot_general3A {dimension_numbers = #tpu.dot_dimension_numbers<[1], [0], [0], [1], [0, 0, 1, 1], [], []>, transpose_lhs_hint = false} : vector<2000x64xf32>, vector<64x64xf32>, vector<2000x64xf32> -> vector<2000x64xf32>
    %get3A_6 = arith.constant 0 : index
    %get3A_7 = arith.constant 0 : index
    %get3A_8 = arith.constant 0 : index
    %get3A_9 = vector.load %arg2[%get3A_6, %get3A_7, %get3A_8] : memref<2x2000x32xf32, #tpu.memory_space<vmem>>, vector<1x2000x32xf32>
    %get3A_10 = vector.shape_cast %get3A_9 : vector<1x2000x32xf32> to vector<2000x32xf32>
    %get3A_11 = arith.constant 64 : index
    %get3A_12 = arith.constant 0 : index
    %get3A_13 = vector.load %arg3[%get3A_11, %get3A_12] : memref<128x64xf32, #tpu.memory_space<vmem>>, vector<32x64xf32>
    %dot_general3A_14 = arith.constant dense<0.000000e+00> : vector<2000x64xf32>
    %dot_general3A_15 = tpu.matmul %get3A_10, %get3A_13, %dot_general3A_14 {dimension_numbers = #tpu.dot_dimension_numbers<[1], [0], [0], [1], [0, 0, 1, 1], [], []>, transpose_lhs_hint = false} : vector<2000x32xf32>, vector<32x64xf32>, vector<2000x64xf32> -> vector<2000x64xf32>
    %add3A = arith.addf %dot_general3A_5, %dot_general3A_15 : vector<2000x64xf32>
    %get3A_16 = arith.constant 1 : index
    %get3A_17 = arith.constant 0 : index
    %get3A_18 = arith.constant 0 : index
    %get3A_19 = vector.load %arg2[%get3A_16, %get3A_17, %get3A_18] : memref<2x2000x32xf32, #tpu.memory_space<vmem>>, vector<1x2000x32xf32>
    %get3A_20 = vector.shape_cast %get3A_19 : vector<1x2000x32xf32> to vector<2000x32xf32>
    %get3A_21 = arith.constant 96 : index
    %get3A_22 = arith.constant 0 : index
    %get3A_23 = vector.load %arg3[%get3A_21, %get3A_22] : memref<128x64xf32, #tpu.memory_space<vmem>>, vector<32x64xf32>
    %dot_general3A_24 = arith.constant dense<0.000000e+00> : vector<2000x64xf32>
    %dot_general3A_25 = tpu.matmul %get3A_20, %get3A_23, %dot_general3A_24 {dimension_numbers = #tpu.dot_dimension_numbers<[1], [0], [0], [1], [0, 0, 1, 1], [], []>, transpose_lhs_hint = false} : vector<2000x32xf32>, vector<32x64xf32>, vector<2000x64xf32> -> vector<2000x64xf32>
    %add3A_26 = arith.addf %add3A, %dot_general3A_25 : vector<2000x64xf32>
    %get3A_27 = arith.constant 0 : index
    %get3A_28 = arith.constant 0 : index
    %get3A_29 = vector.load %arg4[%get3A_27, %get3A_28] : memref<1x64xf32, #tpu.memory_space<vmem>>, vector<1x64xf32>
    %add3A_30 = vector.broadcast %get3A_29 : vector<1x64xf32> to vector<2000x64xf32>
    %add3A_31 = arith.addf %add3A_26, %add3A_30 : vector<2000x64xf32>
    %add3A_32 = arith.addf %get3A_1, %add3A_31 : vector<2000x64xf32>
    %max3A = arith.constant 0.000000e+00 : f32
    %max3A_33 = vector.broadcast %max3A : f32 to vector<2000x64xf32>
    %max3A_34 = arith.maximumf %add3A_32, %max3A_33 : vector<2000x64xf32>
    %swap3A = arith.constant 0 : index
    %swap3A_35 = arith.constant 0 : index
    %swap3A_36 = vector.load %arg5[%swap3A, %swap3A_35] : memref<2000x64xf32, #tpu.memory_space<vmem>>, vector<2000x64xf32>
    tpu.vector_store %arg5[%swap3A, %swap3A_35], %max3A_34 {strides = array<i32>} : memref<2000x64xf32, #tpu.memory_space<vmem>>, vector<2000x64xf32>,
    %eq3A = arith.constant 0 : i32
    %eq3A_37 = arith.cmpi eq, %arg0, %eq3A : i32
    %convert_element_type3A = arith.extui %eq3A_37 : i1 to i32
    %cond3A = arith.constant 0 : i32
    %cond3A_38 = arith.cmpi ne, %convert_element_type3A, %cond3A : i32
    scf.if %cond3A_38 {
      %broadcast_in_dim3A_52 = arith.constant 0.000000e+00 : f32
      %broadcast_in_dim3A_53 = vector.broadcast %broadcast_in_dim3A_52 : f32 to vector<1x64xf32>
      %swap3A_54 = arith.constant 0 : index
      %swap3A_55 = arith.constant 0 : index
      %swap3A_56 = vector.load %arg7[%swap3A_54, %swap3A_55] : memref<1x64xf32, #tpu.memory_space<vmem>>, vector<1x64xf32>
      tpu.vector_store %arg7[%swap3A_54, %swap3A_55], %broadcast_in_dim3A_53 {strides = array<i32>} : memref<1x64xf32, #tpu.memory_space<vmem>>, vector<1x64xf32>,
    } else {
    }
    %get3A_39 = arith.constant 0 : index
    %get3A_40 = arith.constant 0 : index
    %get3A_41 = vector.load %arg7[%get3A_39, %get3A_40] : memref<1x64xf32, #tpu.memory_space<vmem>>, vector<1x64xf32>
    %reduce_sum3A = arith.constant dense<0.000000e+00> : vector<64xf32>
    %reduce_sum3A_42 = vector.multi_reduction <add>, %max3A_34, %reduce_sum3A [0] : vector<2000x64xf32> to vector<64xf32>
    %broadcast_in_dim3A = vector.shape_cast %reduce_sum3A_42 : vector<64xf32> to vector<1x64xf32>
    %add3A_43 = arith.addf %get3A_41, %broadcast_in_dim3A : vector<1x64xf32>
    %swap3A_44 = arith.constant 0 : index
    %swap3A_45 = arith.constant 0 : index
    %swap3A_46 = vector.load %arg7[%swap3A_44, %swap3A_45] : memref<1x64xf32, #tpu.memory_space<vmem>>, vector<1x64xf32>
    tpu.vector_store %arg7[%swap3A_44, %swap3A_45], %add3A_43 {strides = array<i32>} : memref<1x64xf32, #tpu.memory_space<vmem>>, vector<1x64xf32>,
    %eq3A_47 = arith.constant 24 : i32
    %eq3A_48 = arith.cmpi eq, %arg0, %eq3A_47 : i32
    %convert_element_type3A_49 = arith.extui %eq3A_48 : i1 to i32
    %cond3A_50 = arith.constant 0 : i32
    %cond3A_51 = arith.cmpi ne, %convert_element_type3A_49, %cond3A_50 : i32
    scf.if %cond3A_51 {
      %get3A_52 = arith.constant 0 : index
      %get3A_53 = arith.constant 0 : index
      %get3A_54 = vector.load %arg7[%get3A_52, %get3A_53] : memref<1x64xf32, #tpu.memory_space<vmem>>, vector<1x64xf32>
      %swap3A_55 = arith.constant 0 : index
      %swap3A_56 = arith.constant 0 : index
      %swap3A_57 = vector.load %arg6[%swap3A_55, %swap3A_56] : memref<1x64xf32, #tpu.memory_space<vmem>>, vector<1x64xf32>
      tpu.vector_store %arg6[%swap3A_55, %swap3A_56], %get3A_54 {strides = array<i32>} : memref<1x64xf32, #tpu.memory_space<vmem>>, vector<1x64xf32>,
    } else {
    }
    return
  }
  func.func @transform_0(%arg0: i32) -> (i32, i32) {
    %c0_i32 = arith.constant 0 : i32
    %c0_i32_0 = arith.constant 0 : i32
    return %arg0, %c0_i32 : i32, i32
  }
  func.func @transform_1(%arg0: i32) -> (i32, i32, i32) {
    %c0_i32 = arith.constant 0 : i32
    %c0_i32_0 = arith.constant 0 : i32
    %c0_i32_1 = arith.constant 0 : i32
    return %c0_i32, %arg0, %c0_i32_0 : i32, i32, i32
  }
  func.func @transform_2(%arg0: i32) -> (i32, i32) {
    %c0_i32 = arith.constant 0 : i32
    %c0_i32_0 = arith.constant 0 : i32
    %c0_i32_1 = arith.constant 0 : i32
    return %c0_i32, %c0_i32_0 : i32, i32
  }
  func.func @transform_3(%arg0: i32) -> (i32, i32) {
    %c0_i32 = arith.constant 0 : i32
    %c0_i32_0 = arith.constant 0 : i32
    %c0_i32_1 = arith.constant 0 : i32
    return %c0_i32, %c0_i32_0 : i32, i32
  }
  func.func @transform_4(%arg0: i32) -> (i32, i32) {
    %c0_i32 = arith.constant 0 : i32
    %c0_i32_0 = arith.constant 0 : i32
    return %arg0, %c0_i32 : i32, i32
  }
  func.func @transform_5(%arg0: i32) -> (i32, i32) {
    %c0_i32 = arith.constant 0 : i32
    %c0_i32_0 = arith.constant 0 : i32
    %c0_i32_1 = arith.constant 0 : i32
    return %c0_i32, %c0_i32_0 : i32, i32
  }
}

module attributes {stable_mosaic.version = 14 : i64} {
  func.func @_upd_body(%arg0: i32, %arg1: memref<2000x64xf32, #tpu.memory_space<vmem>>, %arg2: memref<2x2000x32xf32, #tpu.memory_space<vmem>>, %arg3: memref<128x64xf32, #tpu.memory_space<vmem>>, %arg4: memref<1x64xf32, #tpu.memory_space<vmem>>, %arg5: memref<2000x64xf32, #tpu.memory_space<vmem>>, %arg6: memref<1x64xf32, #tpu.memory_space<vmem>>, %arg7: memref<1x64xf32, #tpu.memory_space<vmem>>) attributes {dimension_semantics = [#tpu.dimension_semantics<arbitrary>], iteration_bounds = array<i64: 25>, scalar_prefetch = 0 : i64, scratch_operands = 1 : i64, tpu.core_type = #tpu.core_type<tc>, window_params = [{transform_indices = @transform_0, window_bounds = array<i64: 2000, 64>}, {transform_indices = @transform_1, window_bounds = array<i64: 2, 2000, 32>}, {pipeline_mode = #tpu.pipeline_mode<synchronous>, transform_indices = @transform_2, window_bounds = array<i64: 128, 64>}, {pipeline_mode = #tpu.pipeline_mode<synchronous>, transform_indices = @transform_3, window_bounds = array<i64: 1, 64>}, {transform_indices = @transform_4, window_bounds = array<i64: 2000, 64>}, {pipeline_mode = #tpu.pipeline_mode<synchronous>, transform_indices = @transform_5, window_bounds = array<i64: 1, 64>}]} {
    %get3A = arith.constant 0 : index
    %get3A_0 = arith.constant 0 : index
    %get3A_1 = vector.load %arg1[%get3A, %get3A_0] : memref<2000x64xf32, #tpu.memory_space<vmem>>, vector<2000x64xf32>
    %get3A_2 = arith.constant 0 : index
    %get3A_3 = arith.constant 0 : index
    %get3A_4 = vector.load %arg3[%get3A_2, %get3A_3] : memref<128x64xf32, #tpu.memory_space<vmem>>, vector<64x64xf32>
    %dot_general3A = arith.constant dense<0.000000e+00> : vector<2000x64xf32>
    %dot_general3A_5 = tpu.matmul %get3A_1, %get3A_4, %dot_general3A {dimension_numbers = #tpu.dot_dimension_numbers<[1], [0], [0], [1], [0, 0, 1, 1], [], []>, transpose_lhs_hint = false} : vector<2000x64xf32>, vector<64x64xf32>, vector<2000x64xf32> -> vector<2000x64xf32>
    %get3A_6 = arith.constant 0 : index
    %get3A_7 = arith.constant 0 : index
    %get3A_8 = arith.constant 0 : index
    %get3A_9 = vector.load %arg2[%get3A_6, %get3A_7, %get3A_8] : memref<2x2000x32xf32, #tpu.memory_space<vmem>>, vector<1x2000x32xf32>
    %get3A_10 = vector.shape_cast %get3A_9 : vector<1x2000x32xf32> to vector<2000x32xf32>
    %get3A_11 = arith.constant 64 : index
    %get3A_12 = arith.constant 0 : index
    %get3A_13 = vector.load %arg3[%get3A_11, %get3A_12] : memref<128x64xf32, #tpu.memory_space<vmem>>, vector<32x64xf32>
    %dot_general3A_14 = arith.constant dense<0.000000e+00> : vector<2000x64xf32>
    %dot_general3A_15 = tpu.matmul %get3A_10, %get3A_13, %dot_general3A_14 {dimension_numbers = #tpu.dot_dimension_numbers<[1], [0], [0], [1], [0, 0, 1, 1], [], []>, transpose_lhs_hint = false} : vector<2000x32xf32>, vector<32x64xf32>, vector<2000x64xf32> -> vector<2000x64xf32>
    %add3A = arith.addf %dot_general3A_5, %dot_general3A_15 : vector<2000x64xf32>
    %get3A_16 = arith.constant 1 : index
    %get3A_17 = arith.constant 0 : index
    %get3A_18 = arith.constant 0 : index
    %get3A_19 = vector.load %arg2[%get3A_16, %get3A_17, %get3A_18] : memref<2x2000x32xf32, #tpu.memory_space<vmem>>, vector<1x2000x32xf32>
    %get3A_20 = vector.shape_cast %get3A_19 : vector<1x2000x32xf32> to vector<2000x32xf32>
    %get3A_21 = arith.constant 96 : index
    %get3A_22 = arith.constant 0 : index
    %get3A_23 = vector.load %arg3[%get3A_21, %get3A_22] : memref<128x64xf32, #tpu.memory_space<vmem>>, vector<32x64xf32>
    %dot_general3A_24 = arith.constant dense<0.000000e+00> : vector<2000x64xf32>
    %dot_general3A_25 = tpu.matmul %get3A_20, %get3A_23, %dot_general3A_24 {dimension_numbers = #tpu.dot_dimension_numbers<[1], [0], [0], [1], [0, 0, 1, 1], [], []>, transpose_lhs_hint = false} : vector<2000x32xf32>, vector<32x64xf32>, vector<2000x64xf32> -> vector<2000x64xf32>
    %add3A_26 = arith.addf %add3A, %dot_general3A_25 : vector<2000x64xf32>
    %get3A_27 = arith.constant 0 : index
    %get3A_28 = arith.constant 0 : index
    %get3A_29 = vector.load %arg4[%get3A_27, %get3A_28] : memref<1x64xf32, #tpu.memory_space<vmem>>, vector<1x64xf32>
    %add3A_30 = vector.broadcast %get3A_29 : vector<1x64xf32> to vector<2000x64xf32>
    %add3A_31 = arith.addf %add3A_26, %add3A_30 : vector<2000x64xf32>
    %add3A_32 = arith.addf %get3A_1, %add3A_31 : vector<2000x64xf32>
    %max3A = arith.constant 0.000000e+00 : f32
    %max3A_33 = vector.broadcast %max3A : f32 to vector<2000x64xf32>
    %max3A_34 = arith.maximumf %add3A_32, %max3A_33 : vector<2000x64xf32>
    %swap3A = arith.constant 0 : index
    %swap3A_35 = arith.constant 0 : index
    %swap3A_36 = vector.load %arg5[%swap3A, %swap3A_35] : memref<2000x64xf32, #tpu.memory_space<vmem>>, vector<2000x64xf32>
    tpu.vector_store %arg5[%swap3A, %swap3A_35], %max3A_34 {strides = array<i32>} : memref<2000x64xf32, #tpu.memory_space<vmem>>, vector<2000x64xf32>,
    %eq3A = arith.constant 0 : i32
    %eq3A_37 = arith.cmpi eq, %arg0, %eq3A : i32
    %convert_element_type3A = arith.extui %eq3A_37 : i1 to i32
    %cond3A = arith.constant 0 : i32
    %cond3A_38 = arith.cmpi ne, %convert_element_type3A, %cond3A : i32
    scf.if %cond3A_38 {
      %broadcast_in_dim3A_52 = arith.constant 0.000000e+00 : f32
      %broadcast_in_dim3A_53 = vector.broadcast %broadcast_in_dim3A_52 : f32 to vector<1x64xf32>
      %swap3A_54 = arith.constant 0 : index
      %swap3A_55 = arith.constant 0 : index
      %swap3A_56 = vector.load %arg7[%swap3A_54, %swap3A_55] : memref<1x64xf32, #tpu.memory_space<vmem>>, vector<1x64xf32>
      tpu.vector_store %arg7[%swap3A_54, %swap3A_55], %broadcast_in_dim3A_53 {strides = array<i32>} : memref<1x64xf32, #tpu.memory_space<vmem>>, vector<1x64xf32>,
    } else {
    }
    %get3A_39 = arith.constant 0 : index
    %get3A_40 = arith.constant 0 : index
    %get3A_41 = vector.load %arg7[%get3A_39, %get3A_40] : memref<1x64xf32, #tpu.memory_space<vmem>>, vector<1x64xf32>
    %reduce_sum3A = arith.constant dense<0.000000e+00> : vector<64xf32>
    %reduce_sum3A_42 = vector.multi_reduction <add>, %max3A_34, %reduce_sum3A [0] : vector<2000x64xf32> to vector<64xf32>
    %broadcast_in_dim3A = vector.shape_cast %reduce_sum3A_42 : vector<64xf32> to vector<1x64xf32>
    %add3A_43 = arith.addf %get3A_41, %broadcast_in_dim3A : vector<1x64xf32>
    %swap3A_44 = arith.constant 0 : index
    %swap3A_45 = arith.constant 0 : index
    %swap3A_46 = vector.load %arg7[%swap3A_44, %swap3A_45] : memref<1x64xf32, #tpu.memory_space<vmem>>, vector<1x64xf32>
    tpu.vector_store %arg7[%swap3A_44, %swap3A_45], %add3A_43 {strides = array<i32>} : memref<1x64xf32, #tpu.memory_space<vmem>>, vector<1x64xf32>,
    %eq3A_47 = arith.constant 24 : i32
    %eq3A_48 = arith.cmpi eq, %arg0, %eq3A_47 : i32
    %convert_element_type3A_49 = arith.extui %eq3A_48 : i1 to i32
    %cond3A_50 = arith.constant 0 : i32
    %cond3A_51 = arith.cmpi ne, %convert_element_type3A_49, %cond3A_50 : i32
    scf.if %cond3A_51 {
      %get3A_52 = arith.constant 0 : index
      %get3A_53 = arith.constant 0 : index
      %get3A_54 = vector.load %arg7[%get3A_52, %get3A_53] : memref<1x64xf32, #tpu.memory_space<vmem>>, vector<1x64xf32>
      %swap3A_55 = arith.constant 0 : index
      %swap3A_56 = arith.constant 0 : index
      %swap3A_57 = vector.load %arg6[%swap3A_55, %swap3A_56] : memref<1x64xf32, #tpu.memory_space<vmem>>, vector<1x64xf32>
      tpu.vector_store %arg6[%swap3A_55, %swap3A_56], %get3A_54 {strides = array<i32>} : memref<1x64xf32, #tpu.memory_space<vmem>>, vector<1x64xf32>,
    } else {
    }
    return
  }
  func.func @transform_0(%arg0: i32) -> (i32, i32) {
    %c0_i32 = arith.constant 0 : i32
    %c0_i32_0 = arith.constant 0 : i32
    return %arg0, %c0_i32 : i32, i32
  }
  func.func @transform_1(%arg0: i32) -> (i32, i32, i32) {
    %c0_i32 = arith.constant 0 : i32
    %c0_i32_0 = arith.constant 0 : i32
    %c0_i32_1 = arith.constant 0 : i32
    return %c0_i32, %arg0, %c0_i32_0 : i32, i32, i32
  }
  func.func @transform_2(%arg0: i32) -> (i32, i32) {
    %c0_i32 = arith.constant 0 : i32
    %c0_i32_0 = arith.constant 0 : i32
    %c0_i32_1 = arith.constant 0 : i32
    return %c0_i32, %c0_i32_0 : i32, i32
  }
  func.func @transform_3(%arg0: i32) -> (i32, i32) {
    %c0_i32 = arith.constant 0 : i32
    %c0_i32_0 = arith.constant 0 : i32
    %c0_i32_1 = arith.constant 0 : i32
    return %c0_i32, %c0_i32_0 : i32, i32
  }
  func.func @transform_4(%arg0: i32) -> (i32, i32) {
    %c0_i32 = arith.constant 0 : i32
    %c0_i32_0 = arith.constant 0 : i32
    return %arg0, %c0_i32 : i32, i32
  }
  func.func @transform_5(%arg0: i32) -> (i32, i32) {
    %c0_i32 = arith.constant 0 : i32
    %c0_i32_0 = arith.constant 0 : i32
    %c0_i32_1 = arith.constant 0 : i32
    return %c0_i32, %c0_i32_0 : i32, i32
  }
}

module attributes {stable_mosaic.version = 14 : i64} {
  func.func @_head_body(%arg0: i32, %arg1: memref<1x64xf32, #tpu.memory_space<vmem>>, %arg2: memref<1x64xf32, #tpu.memory_space<vmem>>, %arg3: memref<1x18xf32, #tpu.memory_space<vmem>>, %arg4: memref<18x64xf32, #tpu.memory_space<vmem>>, %arg5: memref<1x64xf32, #tpu.memory_space<vmem>>, %arg6: memref<64x64xf32, #tpu.memory_space<vmem>>, %arg7: memref<1x64xf32, #tpu.memory_space<vmem>>, %arg8: memref<64x64xf32, #tpu.memory_space<vmem>>, %arg9: memref<1x64xf32, #tpu.memory_space<vmem>>, %arg10: memref<192x128xf32, #tpu.memory_space<vmem>>, %arg11: memref<1x128xf32, #tpu.memory_space<vmem>>, %arg12: memref<128x64xf32, #tpu.memory_space<vmem>>, %arg13: memref<1x64xf32, #tpu.memory_space<vmem>>, %arg14: memref<192x128xf32, #tpu.memory_space<vmem>>, %arg15: memref<1x128xf32, #tpu.memory_space<vmem>>, %arg16: memref<128x64xf32, #tpu.memory_space<vmem>>, %arg17: memref<1x64xf32, #tpu.memory_space<vmem>>, %arg18: memref<1x64xf32, #tpu.memory_space<vmem>>, %arg19: memref<1xf32, #tpu.memory_space<smem>>, %arg20: memref<1x64xf32, #tpu.memory_space<vmem>>, %arg21: memref<1x1xf32, #tpu.memory_space<vmem>>) attributes {dimension_semantics = [#tpu.dimension_semantics<arbitrary>], iteration_bounds = array<i64: 1>, scalar_prefetch = 0 : i64, scratch_operands = 0 : i64, tpu.core_type = #tpu.core_type<tc>, window_params = [{pipeline_mode = #tpu.pipeline_mode<synchronous>, transform_indices = @transform_0, window_bounds = array<i64: 1, 64>}, {pipeline_mode = #tpu.pipeline_mode<synchronous>, transform_indices = @transform_1, window_bounds = array<i64: 1, 64>}, {pipeline_mode = #tpu.pipeline_mode<synchronous>, transform_indices = @transform_2, window_bounds = array<i64: 1, 18>}, {pipeline_mode = #tpu.pipeline_mode<synchronous>, transform_indices = @transform_3, window_bounds = array<i64: 18, 64>}, {pipeline_mode = #tpu.pipeline_mode<synchronous>, transform_indices = @transform_4, window_bounds = array<i64: 1, 64>}, {pipeline_mode = #tpu.pipeline_mode<synchronous>, transform_indices = @transform_5, window_bounds = array<i64: 64, 64>}, {pipeline_mode = #tpu.pipeline_mode<synchronous>, transform_indices = @transform_6, window_bounds = array<i64: 1, 64>}, {pipeline_mode = #tpu.pipeline_mode<synchronous>, transform_indices = @transform_7, window_bounds = array<i64: 64, 64>}, {pipeline_mode = #tpu.pipeline_mode<synchronous>, transform_indices = @transform_8, window_bounds = array<i64: 1, 64>}, {pipeline_mode = #tpu.pipeline_mode<synchronous>, transform_indices = @transform_9, window_bounds = array<i64: 192, 128>}, {pipeline_mode = #tpu.pipeline_mode<synchronous>, transform_indices = @transform_10, window_bounds = array<i64: 1, 128>}, {pipeline_mode = #tpu.pipeline_mode<synchronous>, transform_indices = @transform_11, window_bounds = array<i64: 128, 64>}, {pipeline_mode = #tpu.pipeline_mode<synchronous>, transform_indices = @transform_12, window_bounds = array<i64: 1, 64>}, {pipeline_mode = #tpu.pipeline_mode<synchronous>, transform_indices = @transform_13, window_bounds = array<i64: 192, 128>}, {pipeline_mode = #tpu.pipeline_mode<synchronous>, transform_indices = @transform_14, window_bounds = array<i64: 1, 128>}, {pipeline_mode = #tpu.pipeline_mode<synchronous>, transform_indices = @transform_15, window_bounds = array<i64: 128, 64>}, {pipeline_mode = #tpu.pipeline_mode<synchronous>, transform_indices = @transform_16, window_bounds = array<i64: 1, 64>}, {pipeline_mode = #tpu.pipeline_mode<synchronous>, transform_indices = @transform_17, window_bounds = array<i64: 1, 64>}, {transform_indices = @transform_18, window_bounds = array<i64: 1>}, {pipeline_mode = #tpu.pipeline_mode<synchronous>, transform_indices = @transform_19, window_bounds = array<i64: 1, 64>}, {pipeline_mode = #tpu.pipeline_mode<synchronous>, transform_indices = @transform_20, window_bounds = array<i64: 1, 1>}]} {
    %get3A = arith.constant 0 : index
    %get3A_0 = arith.constant 0 : index
    %get3A_1 = vector.load %arg1[%get3A, %get3A_0] : memref<1x64xf32, #tpu.memory_space<vmem>>, vector<1x64xf32>
    %mul3A = arith.constant 2.000000e-05 : f32
    %mul3A_2 = vector.broadcast %mul3A : f32 to vector<1x64xf32>
    %mul3A_3 = arith.mulf %get3A_1, %mul3A_2 : vector<1x64xf32>
    %get3A_4 = arith.constant 0 : index
    %get3A_5 = arith.constant 0 : index
    %get3A_6 = vector.load %arg6[%get3A_4, %get3A_5] : memref<64x64xf32, #tpu.memory_space<vmem>>, vector<64x64xf32>
    %dot_general3A = arith.constant dense<0.000000e+00> : vector<1x64xf32>
    %dot_general3A_7 = tpu.matmul %mul3A_3, %get3A_6, %dot_general3A {dimension_numbers = #tpu.dot_dimension_numbers<[1], [0], [0], [1], [0, 0, 1, 1], [], []>, transpose_lhs_hint = false} : vector<1x64xf32>, vector<64x64xf32>, vector<1x64xf32> -> vector<1x64xf32>
    %get3A_8 = arith.constant 0 : index
    %get3A_9 = arith.constant 0 : index
    %get3A_10 = vector.load %arg7[%get3A_8, %get3A_9] : memref<1x64xf32, #tpu.memory_space<vmem>>, vector<1x64xf32>
    %add3A = arith.addf %dot_general3A_7, %get3A_10 : vector<1x64xf32>
    %get3A_11 = arith.constant 0 : index
    %get3A_12 = arith.constant 0 : index
    %get3A_13 = vector.load %arg2[%get3A_11, %get3A_12] : memref<1x64xf32, #tpu.memory_space<vmem>>, vector<1x64xf32>
    %mul3A_14 = arith.constant 2.000000e-05 : f32
    %mul3A_15 = vector.broadcast %mul3A_14 : f32 to vector<1x64xf32>
    %mul3A_16 = arith.mulf %get3A_13, %mul3A_15 : vector<1x64xf32>
    %get3A_17 = arith.constant 0 : index
    %get3A_18 = arith.constant 0 : index
    %get3A_19 = vector.load %arg8[%get3A_17, %get3A_18] : memref<64x64xf32, #tpu.memory_space<vmem>>, vector<64x64xf32>
    %dot_general3A_20 = arith.constant dense<0.000000e+00> : vector<1x64xf32>
    %dot_general3A_21 = tpu.matmul %mul3A_16, %get3A_19, %dot_general3A_20 {dimension_numbers = #tpu.dot_dimension_numbers<[1], [0], [0], [1], [0, 0, 1, 1], [], []>, transpose_lhs_hint = false} : vector<1x64xf32>, vector<64x64xf32>, vector<1x64xf32> -> vector<1x64xf32>
    %get3A_22 = arith.constant 0 : index
    %get3A_23 = arith.constant 0 : index
    %get3A_24 = vector.load %arg9[%get3A_22, %get3A_23] : memref<1x64xf32, #tpu.memory_space<vmem>>, vector<1x64xf32>
    %add3A_25 = arith.addf %dot_general3A_21, %get3A_24 : vector<1x64xf32>
    %get3A_26 = arith.constant 0 : index
    %get3A_27 = arith.constant 0 : index
    %get3A_28 = vector.load %arg3[%get3A_26, %get3A_27] : memref<1x18xf32, #tpu.memory_space<vmem>>, vector<1x18xf32>
    %get3A_29 = arith.constant 0 : index
    %get3A_30 = arith.constant 0 : index
    %get3A_31 = vector.load %arg4[%get3A_29, %get3A_30] : memref<18x64xf32, #tpu.memory_space<vmem>>, vector<18x64xf32>
    %dot_general3A_32 = arith.constant dense<0.000000e+00> : vector<1x64xf32>
    %dot_general3A_33 = tpu.matmul %get3A_28, %get3A_31, %dot_general3A_32 {dimension_numbers = #tpu.dot_dimension_numbers<[1], [0], [0], [1], [0, 0, 1, 1], [], []>, transpose_lhs_hint = false} : vector<1x18xf32>, vector<18x64xf32>, vector<1x64xf32> -> vector<1x64xf32>
    %get3A_34 = arith.constant 0 : index
    %get3A_35 = arith.constant 0 : index
    %get3A_36 = vector.load %arg5[%get3A_34, %get3A_35] : memref<1x64xf32, #tpu.memory_space<vmem>>, vector<1x64xf32>
    %add3A_37 = arith.addf %dot_general3A_33, %get3A_36 : vector<1x64xf32>
    %concatenate3A = tpu.concatenate %add3A, %add3A_25, %add3A_37 in 1 : vector<1x64xf32>, vector<1x64xf32>, vector<1x64xf32> -> vector<1x192xf32>
    %get3A_38 = arith.constant 0 : index
    %get3A_39 = arith.constant 0 : index
    %get3A_40 = vector.load %arg10[%get3A_38, %get3A_39] : memref<192x128xf32, #tpu.memory_space<vmem>>, vector<192x128xf32>
    %dot_general3A_41 = arith.constant dense<0.000000e+00> : vector<1x128xf32>
    %dot_general3A_42 = tpu.matmul %concatenate3A, %get3A_40, %dot_general3A_41 {dimension_numbers = #tpu.dot_dimension_numbers<[1], [0], [0], [1], [0, 0, 1, 1], [], []>, transpose_lhs_hint = false} : vector<1x192xf32>, vector<192x128xf32>, vector<1x128xf32> -> vector<1x128xf32>
    %get3A_43 = arith.constant 0 : index
    %get3A_44 = arith.constant 0 : index
    %get3A_45 = vector.load %arg11[%get3A_43, %get3A_44] : memref<1x128xf32, #tpu.memory_space<vmem>>, vector<1x128xf32>
    %add3A_46 = arith.addf %dot_general3A_42, %get3A_45 : vector<1x128xf32>
    %max3A = arith.constant 0.000000e+00 : f32
    %max3A_47 = vector.broadcast %max3A : f32 to vector<1x128xf32>
    %max3A_48 = arith.maximumf %add3A_46, %max3A_47 : vector<1x128xf32>
    %get3A_49 = arith.constant 0 : index
    %get3A_50 = arith.constant 0 : index
    %get3A_51 = vector.load %arg12[%get3A_49, %get3A_50] : memref<128x64xf32, #tpu.memory_space<vmem>>, vector<128x64xf32>
    %dot_general3A_52 = arith.constant dense<0.000000e+00> : vector<1x64xf32>
    %dot_general3A_53 = tpu.matmul %max3A_48, %get3A_51, %dot_general3A_52 {dimension_numbers = #tpu.dot_dimension_numbers<[1], [0], [0], [1], [0, 0, 1, 1], [], []>, transpose_lhs_hint = false} : vector<1x128xf32>, vector<128x64xf32>, vector<1x64xf32> -> vector<1x64xf32>
    %get3A_54 = arith.constant 0 : index
    %get3A_55 = arith.constant 0 : index
    %get3A_56 = vector.load %arg13[%get3A_54, %get3A_55] : memref<1x64xf32, #tpu.memory_space<vmem>>, vector<1x64xf32>
    %add3A_57 = arith.addf %dot_general3A_53, %get3A_56 : vector<1x64xf32>
    %max3A_58 = arith.constant 0.000000e+00 : f32
    %max3A_59 = vector.broadcast %max3A_58 : f32 to vector<1x64xf32>
    %max3A_60 = arith.maximumf %add3A_57, %max3A_59 : vector<1x64xf32>
    %swap3A = arith.constant 0 : index
    %swap3A_61 = arith.constant 0 : index
    %swap3A_62 = vector.load %arg20[%swap3A, %swap3A_61] : memref<1x64xf32, #tpu.memory_space<vmem>>, vector<1x64xf32>
    tpu.vector_store %arg20[%swap3A, %swap3A_61], %max3A_60 {strides = array<i32>} : memref<1x64xf32, #tpu.memory_space<vmem>>, vector<1x64xf32>,
    %get3A_63 = arith.constant 0 : index
    %get3A_64 = arith.constant 0 : index
    %get3A_65 = vector.load %arg14[%get3A_63, %get3A_64] : memref<192x128xf32, #tpu.memory_space<vmem>>, vector<192x128xf32>
    %dot_general3A_66 = arith.constant dense<0.000000e+00> : vector<1x128xf32>
    %dot_general3A_67 = tpu.matmul %concatenate3A, %get3A_65, %dot_general3A_66 {dimension_numbers = #tpu.dot_dimension_numbers<[1], [0], [0], [1], [0, 0, 1, 1], [], []>, transpose_lhs_hint = false} : vector<1x192xf32>, vector<192x128xf32>, vector<1x128xf32> -> vector<1x128xf32>
    %get3A_68 = arith.constant 0 : index
    %get3A_69 = arith.constant 0 : index
    %get3A_70 = vector.load %arg15[%get3A_68, %get3A_69] : memref<1x128xf32, #tpu.memory_space<vmem>>, vector<1x128xf32>
    %add3A_71 = arith.addf %dot_general3A_67, %get3A_70 : vector<1x128xf32>
    %max3A_72 = arith.constant 0.000000e+00 : f32
    %max3A_73 = vector.broadcast %max3A_72 : f32 to vector<1x128xf32>
    %max3A_74 = arith.maximumf %add3A_71, %max3A_73 : vector<1x128xf32>
    %get3A_75 = arith.constant 0 : index
    %get3A_76 = arith.constant 0 : index
    %get3A_77 = vector.load %arg16[%get3A_75, %get3A_76] : memref<128x64xf32, #tpu.memory_space<vmem>>, vector<128x64xf32>
    %dot_general3A_78 = arith.constant dense<0.000000e+00> : vector<1x64xf32>
    %dot_general3A_79 = tpu.matmul %max3A_74, %get3A_77, %dot_general3A_78 {dimension_numbers = #tpu.dot_dimension_numbers<[1], [0], [0], [1], [0, 0, 1, 1], [], []>, transpose_lhs_hint = false} : vector<1x128xf32>, vector<128x64xf32>, vector<1x64xf32> -> vector<1x64xf32>
    %get3A_80 = arith.constant 0 : index
    %get3A_81 = arith.constant 0 : index
    %get3A_82 = vector.load %arg17[%get3A_80, %get3A_81] : memref<1x64xf32, #tpu.memory_space<vmem>>, vector<1x64xf32>
    %add3A_83 = arith.addf %dot_general3A_79, %get3A_82 : vector<1x64xf32>
    %max3A_84 = arith.constant 0.000000e+00 : f32
    %max3A_85 = vector.broadcast %max3A_84 : f32 to vector<1x64xf32>
    %max3A_86 = arith.maximumf %add3A_83, %max3A_85 : vector<1x64xf32>
    %get3A_87 = arith.constant 0 : index
    %get3A_88 = arith.constant 0 : index
    %get3A_89 = vector.load %arg18[%get3A_87, %get3A_88] : memref<1x64xf32, #tpu.memory_space<vmem>>, vector<1x64xf32>
    %mul3A_90 = arith.mulf %max3A_86, %get3A_89 : vector<1x64xf32>
    %reduce_sum3A = arith.constant dense<0.000000e+00> : vector<1xf32>
    %reduce_sum3A_91 = vector.multi_reduction <add>, %mul3A_90, %reduce_sum3A [1] : vector<1x64xf32> to vector<1xf32>
    %broadcast_in_dim3A = vector.shape_cast %reduce_sum3A_91 : vector<1xf32> to vector<1x1xf32>
    %get3A_92 = arith.constant 0 : index
    %get3A_93 = memref.load %arg19[%get3A_92] : memref<1xf32, #tpu.memory_space<smem>>
    %add3A_94 = vector.broadcast %get3A_93 : f32 to vector<1x1xf32>
    %add3A_95 = arith.addf %broadcast_in_dim3A, %add3A_94 : vector<1x1xf32>
    %neg3A = arith.constant 0.000000e+00 : f32
    %neg3A_96 = vector.broadcast %neg3A : f32 to vector<1x1xf32>
    %neg3A_97 = arith.subf %neg3A_96, %add3A_95 : vector<1x1xf32>
    %exp3A = math.exp %neg3A_97 : vector<1x1xf32>
    %add3A_98 = arith.constant 1.000000e+00 : f32
    %add3A_99 = vector.broadcast %add3A_98 : f32 to vector<1x1xf32>
    %add3A_100 = arith.addf %add3A_99, %exp3A : vector<1x1xf32>
    %div3A = arith.constant 1.000000e+00 : f32
    %div3A_101 = vector.broadcast %div3A : f32 to vector<1x1xf32>
    %div3A_102 = arith.divf %div3A_101, %add3A_100 : vector<1x1xf32>
    %swap3A_103 = arith.constant 0 : index
    %swap3A_104 = arith.constant 0 : index
    %swap3A_105 = vector.load %arg21[%swap3A_103, %swap3A_104] : memref<1x1xf32, #tpu.memory_space<vmem>>, vector<1x1xf32>
    tpu.vector_store %arg21[%swap3A_103, %swap3A_104], %div3A_102 {strides = array<i32>} : memref<1x1xf32, #tpu.memory_space<vmem>>, vector<1x1xf32>,
    return
  }
  func.func @transform_0(%arg0: i32) -> (i32, i32) {
    %c0_i32 = arith.constant 0 : i32
    %c0_i32_0 = arith.constant 0 : i32
    %c0_i32_1 = arith.constant 0 : i32
    return %c0_i32, %c0_i32_0 : i32, i32
  }
  func.func @transform_1(%arg0: i32) -> (i32, i32) {
    %c0_i32 = arith.constant 0 : i32
    %c0_i32_0 = arith.constant 0 : i32
    %c0_i32_1 = arith.constant 0 : i32
    return %c0_i32, %c0_i32_0 : i32, i32
  }
  func.func @transform_2(%arg0: i32) -> (i32, i32) {
    %c0_i32 = arith.constant 0 : i32
    %c0_i32_0 = arith.constant 0 : i32
    %c0_i32_1 = arith.constant 0 : i32
    return %c0_i32, %c0_i32_0 : i32, i32
  }
  func.func @transform_3(%arg0: i32) -> (i32, i32) {
    %c0_i32 = arith.constant 0 : i32
    %c0_i32_0 = arith.constant 0 : i32
    %c0_i32_1 = arith.constant 0 : i32
    return %c0_i32, %c0_i32_0 : i32, i32
  }
  func.func @transform_4(%arg0: i32) -> (i32, i32) {
    %c0_i32 = arith.constant 0 : i32
    %c0_i32_0 = arith.constant 0 : i32
    %c0_i32_1 = arith.constant 0 : i32
    return %c0_i32, %c0_i32_0 : i32, i32
  }
  func.func @transform_5(%arg0: i32) -> (i32, i32) {
    %c0_i32 = arith.constant 0 : i32
    %c0_i32_0 = arith.constant 0 : i32
    %c0_i32_1 = arith.constant 0 : i32
    return %c0_i32, %c0_i32_0 : i32, i32
  }
  func.func @transform_6(%arg0: i32) -> (i32, i32) {
    %c0_i32 = arith.constant 0 : i32
    %c0_i32_0 = arith.constant 0 : i32
    %c0_i32_1 = arith.constant 0 : i32
    return %c0_i32, %c0_i32_0 : i32, i32
  }
  func.func @transform_7(%arg0: i32) -> (i32, i32) {
    %c0_i32 = arith.constant 0 : i32
    %c0_i32_0 = arith.constant 0 : i32
    %c0_i32_1 = arith.constant 0 : i32
    return %c0_i32, %c0_i32_0 : i32, i32
  }
  func.func @transform_8(%arg0: i32) -> (i32, i32) {
    %c0_i32 = arith.constant 0 : i32
    %c0_i32_0 = arith.constant 0 : i32
    %c0_i32_1 = arith.constant 0 : i32
    return %c0_i32, %c0_i32_0 : i32, i32
  }
  func.func @transform_9(%arg0: i32) -> (i32, i32) {
    %c0_i32 = arith.constant 0 : i32
    %c0_i32_0 = arith.constant 0 : i32
    %c0_i32_1 = arith.constant 0 : i32
    return %c0_i32, %c0_i32_0 : i32, i32
  }
  func.func @transform_10(%arg0: i32) -> (i32, i32) {
    %c0_i32 = arith.constant 0 : i32
    %c0_i32_0 = arith.constant 0 : i32
    %c0_i32_1 = arith.constant 0 : i32
    return %c0_i32, %c0_i32_0 : i32, i32
  }
  func.func @transform_11(%arg0: i32) -> (i32, i32) {
    %c0_i32 = arith.constant 0 : i32
    %c0_i32_0 = arith.constant 0 : i32
    %c0_i32_1 = arith.constant 0 : i32
    return %c0_i32, %c0_i32_0 : i32, i32
  }
  func.func @transform_12(%arg0: i32) -> (i32, i32) {
    %c0_i32 = arith.constant 0 : i32
    %c0_i32_0 = arith.constant 0 : i32
    %c0_i32_1 = arith.constant 0 : i32
    return %c0_i32, %c0_i32_0 : i32, i32
  }
  func.func @transform_13(%arg0: i32) -> (i32, i32) {
    %c0_i32 = arith.constant 0 : i32
    %c0_i32_0 = arith.constant 0 : i32
    %c0_i32_1 = arith.constant 0 : i32
    return %c0_i32, %c0_i32_0 : i32, i32
  }
  func.func @transform_14(%arg0: i32) -> (i32, i32) {
    %c0_i32 = arith.constant 0 : i32
    %c0_i32_0 = arith.constant 0 : i32
    %c0_i32_1 = arith.constant 0 : i32
    return %c0_i32, %c0_i32_0 : i32, i32
  }
  func.func @transform_15(%arg0: i32) -> (i32, i32) {
    %c0_i32 = arith.constant 0 : i32
    %c0_i32_0 = arith.constant 0 : i32
    %c0_i32_1 = arith.constant 0 : i32
    return %c0_i32, %c0_i32_0 : i32, i32
  }
  func.func @transform_16(%arg0: i32) -> (i32, i32) {
    %c0_i32 = arith.constant 0 : i32
    %c0_i32_0 = arith.constant 0 : i32
    %c0_i32_1 = arith.constant 0 : i32
    return %c0_i32, %c0_i32_0 : i32, i32
  }
  func.func @transform_17(%arg0: i32) -> (i32, i32) {
    %c0_i32 = arith.constant 0 : i32
    %c0_i32_0 = arith.constant 0 : i32
    %c0_i32_1 = arith.constant 0 : i32
    return %c0_i32, %c0_i32_0 : i32, i32
  }
  func.func @transform_18(%arg0: i32) -> i32 {
    %c0_i32 = arith.constant 0 : i32
    %c0_i32_0 = arith.constant 0 : i32
    return %c0_i32 : i32
  }
  func.func @transform_19(%arg0: i32) -> (i32, i32) {
    %c0_i32 = arith.constant 0 : i32
    %c0_i32_0 = arith.constant 0 : i32
    %c0_i32_1 = arith.constant 0 : i32
    return %c0_i32, %c0_i32_0 : i32, i32
  }
  func.func @transform_20(%arg0: i32) -> (i32, i32) {
    %c0_i32 = arith.constant 0 : i32
    %c0_i32_0 = arith.constant 0 : i32
    %c0_i32_1 = arith.constant 0 : i32
    return %c0_i32, %c0_i32_0 : i32, i32
  }
}

module attributes {stable_mosaic.version = 14 : i64} {
  func.func @_pred3_body(%arg0: i32, %arg1: memref<1x64xf32, #tpu.memory_space<vmem>>, %arg2: memref<64x50000xf32, #tpu.memory_space<vmem>>, %arg3: memref<1x50000xf32, #tpu.memory_space<vmem>>, %arg4: memref<1x50000xf32, #tpu.memory_space<vmem>>) attributes {dimension_semantics = [#tpu.dimension_semantics<arbitrary>], iteration_bounds = array<i64: 1>, scalar_prefetch = 0 : i64, scratch_operands = 0 : i64, tpu.core_type = #tpu.core_type<tc>, window_params = [{pipeline_mode = #tpu.pipeline_mode<synchronous>, transform_indices = @transform_0, window_bounds = array<i64: 1, 64>}, {pipeline_mode = #tpu.pipeline_mode<synchronous>, transform_indices = @transform_1, window_bounds = array<i64: 64, 50000>}, {pipeline_mode = #tpu.pipeline_mode<synchronous>, transform_indices = @transform_2, window_bounds = array<i64: 1, 50000>}, {pipeline_mode = #tpu.pipeline_mode<synchronous>, transform_indices = @transform_3, window_bounds = array<i64: 1, 50000>}]} {
    %get3A = arith.constant 0 : index
    %get3A_0 = arith.constant 0 : index
    %get3A_1 = vector.load %arg1[%get3A, %get3A_0] : memref<1x64xf32, #tpu.memory_space<vmem>>, vector<1x64xf32>
    %get3A_2 = arith.constant 0 : index
    %get3A_3 = arith.constant 0 : index
    %get3A_4 = vector.load %arg2[%get3A_2, %get3A_3] : memref<64x50000xf32, #tpu.memory_space<vmem>>, vector<64x50000xf32>
    %dot_general3A = arith.constant dense<0.000000e+00> : vector<1x50000xf32>
    %dot_general3A_5 = tpu.matmul %get3A_1, %get3A_4, %dot_general3A {dimension_numbers = #tpu.dot_dimension_numbers<[1], [0], [0], [1], [0, 0, 1, 1], [], []>, transpose_lhs_hint = false} : vector<1x64xf32>, vector<64x50000xf32>, vector<1x50000xf32> -> vector<1x50000xf32>
    %get3A_6 = arith.constant 0 : index
    %get3A_7 = arith.constant 0 : index
    %get3A_8 = vector.load %arg3[%get3A_6, %get3A_7] : memref<1x50000xf32, #tpu.memory_space<vmem>>, vector<1x50000xf32>
    %add3A = arith.addf %dot_general3A_5, %get3A_8 : vector<1x50000xf32>
    %neg3A = arith.constant 0.000000e+00 : f32
    %neg3A_9 = vector.broadcast %neg3A : f32 to vector<1x50000xf32>
    %neg3A_10 = arith.subf %neg3A_9, %add3A : vector<1x50000xf32>
    %exp3A = math.exp %neg3A_10 : vector<1x50000xf32>
    %add3A_11 = arith.constant 1.000000e+00 : f32
    %add3A_12 = vector.broadcast %add3A_11 : f32 to vector<1x50000xf32>
    %add3A_13 = arith.addf %add3A_12, %exp3A : vector<1x50000xf32>
    %div3A = arith.constant 1.000000e+00 : f32
    %div3A_14 = vector.broadcast %div3A : f32 to vector<1x50000xf32>
    %div3A_15 = arith.divf %div3A_14, %add3A_13 : vector<1x50000xf32>
    %swap3A = arith.constant 0 : index
    %swap3A_16 = arith.constant 0 : index
    %swap3A_17 = vector.load %arg4[%swap3A, %swap3A_16] : memref<1x50000xf32, #tpu.memory_space<vmem>>, vector<1x50000xf32>
    tpu.vector_store %arg4[%swap3A, %swap3A_16], %div3A_15 {strides = array<i32>} : memref<1x50000xf32, #tpu.memory_space<vmem>>, vector<1x50000xf32>,
    return
  }
  func.func @transform_0(%arg0: i32) -> (i32, i32) {
    %c0_i32 = arith.constant 0 : i32
    %c0_i32_0 = arith.constant 0 : i32
    %c0_i32_1 = arith.constant 0 : i32
    return %c0_i32, %c0_i32_0 : i32, i32
  }
  func.func @transform_1(%arg0: i32) -> (i32, i32) {
    %c0_i32 = arith.constant 0 : i32
    %c0_i32_0 = arith.constant 0 : i32
    %c0_i32_1 = arith.constant 0 : i32
    return %c0_i32, %c0_i32_0 : i32, i32
  }
  func.func @transform_2(%arg0: i32) -> (i32, i32) {
    %c0_i32 = arith.constant 0 : i32
    %c0_i32_0 = arith.constant 0 : i32
    %c0_i32_1 = arith.constant 0 : i32
    return %c0_i32, %c0_i32_0 : i32, i32
  }
  func.func @transform_3(%arg0: i32) -> (i32, i32) {
    %c0_i32 = arith.constant 0 : i32
    %c0_i32_0 = arith.constant 0 : i32
    %c0_i32_1 = arith.constant 0 : i32
    return %c0_i32, %c0_i32_0 : i32, i32
  }
}

</mosaic_0001>

<sc_bundles>
// kernel: kernel.30.cloned.1.call-start
scs
__scs_entry_jumppad:
0x0: {  	(pc) =	sbr.rel $0x88, $3  }
0x1: {  	(tag) =	ssettag $0x0;
	lr =	simm.s32 $0x1  }
0x2: {  	[smem:$0x3F68] =	sst lr;
	_ =	strace $0xD0000000  }
0x3: {  	_ = 	snop  }
0x4: {  	_ = 	snop  }
0x5: {  	_ = 	snop  }
0x6: {  	_ = 	snop  }
0x7: {  	_ = 	snop  }
__scs_overlays_trampoline_lowered:
0x8: {  	[smem:$0x3F77] =	sst s0  }
0x9: {  	[smem:$0x3F78] =	sst s1  }
0xa: {  	[smem:$0x3F79] =	sst s2  }
0xb: {  	[smem:$0x3F7A] =	sst s3  }
0xc: {  	[smem:$0x3F7B] =	sst s4  }
0xd: {  	[smem:$0x3F7C] =	sst s5  }
0xe: {  	[smem:$0x3F7D] =	sst s6  }
0xf: {  	[smem:$0x3F7E] =	sst s7  }
0x10: {  	[smem:$0x3F7F] =	sst s8  }
0x11: {  	[smem:$0x3F80] =	sst s9;
	s0 =	simm.s32 @!p0 $0x0  }
0x12: {  	s1 =	sld [smem:$0x3F66];
	s0 =	simm.s32 @p0 $0x1  }
0x13: {  	[smem:$0x3F81] =	sst s0;
	s0 =	simm.s32 @!p1 $0x0  }
0x14: {  	s2 =	sld [smem:$0x3F65];
	s0 =	simm.s32 @p1 $0x1  }
0x15: {  	[smem:$0x3F82] =	sst s0;
	s0 =	simm.s32 @!p2 $0x0  }
0x16: {  	s3 =	sld [smem:$0x3FDB];
	s0 =	simm.s32 @p2 $0x1  }
0x17: {  	s4 =	simm.s32 $0x1BF5;
	[smem:$0x3F84] =	sst s0  }
0x18: {  	s0 =	sld [smem:$0x3F67];
	_ =	swait.ge [sflag:s4], $0x0  }
0x19: {  	s7 =	sld [smem:$0x3F68]  }
0x1a: {  	s8 =	sadd.s32 $0xFFFFE003, lr  }
0x1b: {  	s9 =	sadd.s32 $0xFFFFFEF7, lr;
	s5 =	simm.s32 $0xFFFFFFFF;
	p2 =	slt.u32 s8, $0xFFFFF086  }
0x1c: {  	p1 =	slt.u32 s9, $0xF7A;
	s5 =	simm.s32 @!p2 $0x0  }
0x1d: {  	s5 =	simm.s32 @p1 $0x1;
	p0 =	seq.s32 s7, s2  }
0x1e: {  	s7 =	smul.u32 @!p0 $0xF7A, s2;
	p2 =	seq.s32 @!p0 s5, $0x0  }
0x1f: {  	s9 =	smul.u32 $0xF7A, s1;
	s8 =	simm.s32 @!p0 $0x1BF5;
	p2 =	por !p2, p0  }
0x20: {  	[sflag:s8] =	ssyncset.s32 @!p0 $0xFFFFF086;
	s6 =	sadd.s32 @!p0 s3, s7;
	s7 =	simm.s32 @!p0 $0x108  }
0x21: {  	s3 =	sadd.s32 s3, s9;
	s6 =	sadd.s32 @!p0 $0x88, s6;
	s7 =	simm.s32 @p2 $0x1082  }
0x22: {  	[simem:s7], [sflag:s8] =	dma.local @!p0 [hbm:s6], $0xF7A  }
0x23: {  	s9 =	sor.u32 $0xD0000000, s2;
	s6 =	simm.s32 $0x108;
	_ =	swait.ge @!p0 [sflag:s8], $0x0  }
0x24: {  	s3 =	sadd.s32 $0x88, s3;
	s6 =	simm.s32 @!p1 $0x1082;
	[sflag:s4] =	ssyncset.s32 $0xFFFFF086  }
0x25: {  	[simem:s6], [sflag:s4] =	dma.local [hbm:s3], $0xF7A  }
0x26: {  	[smem:$0x3F68] =	sst s1;
	(tag) =	ssettag s2;
	_ =	strace s9  }
0x27: {  	s1 =	sld [smem:$0x3F78]  }
0x28: {  	s2 =	sld [smem:$0x3F79]  }
0x29: {  	s4 =	sld [smem:$0x3F7B]  }
0x2a: {  	p0 =	seq.s32 s5, $0x0;
	s5 =	sld [smem:$0x3F7C]  }
0x2b: {  	s6 =	sld [smem:$0x3F7D]  }
0x2c: {  	s7 =	sld [smem:$0x3F7E]  }
0x2d: {  	s3 =	simm.s32 $0x108;
	s8 =	sld [smem:$0x3F7F]  }
0x2e: {  	s3 =	simm.s32 @!p0 $0x1082;
	s9 =	sld [smem:$0x3F80]  }
0x2f: {  	lr =	sadd.s32 s0, s3;
	s0 =	sld [smem:$0x3F77]  }
0x30: {  	s3 =	sld [smem:$0x3F7A]  }
0x31: {  	[smem:$0x3F83] =	sst s10  }
0x32: {  	s10 =	sld [smem:$0x3F81];
	_ =	sdelay $0x3  }
0x33: {  	p0 =	seq.s32 s10, $0x1;
	s10 =	sld [smem:$0x3F83];
	_ =	sdelay $0x3  }
0x34: {  	[smem:$0x3F83] =	sst s10  }
0x35: {  	s10 =	sld [smem:$0x3F82];
	_ =	sdelay $0x3  }
0x36: {  	p1 =	seq.s32 s10, $0x1;
	s10 =	sld [smem:$0x3F83];
	_ =	sdelay $0x3  }
0x37: {  	[smem:$0x3F83] =	sst s10  }
0x38: {  	s10 =	sld [smem:$0x3F84]  }
0x39: {  	_ = 	snop;
	(pc) =	sbr.ind lr, $3  }
0x3a: {  	_ = 	snop  }
0x3b: {  	_ = 	snop  }
0x3c: {  	p2 =	seq.s32 s10, $0x1;
	s10 =	sld [smem:$0x3F83]  }
0x3d: {  	_ =	shalt  }
0x3e: {  	_ =	shalt  }
0x3f: {  	_ =	shalt  }
0x40: {  	_ =	shalt  }
0x41: {  	_ =	shalt  }
0x42: {  	_ =	shalt  }
0x43: {  	_ =	shalt  }
0x44: {  	_ =	shalt  }
0x45: {  	_ =	shalt  }
0x46: {  	_ =	shalt  }
0x47: {  	_ =	shalt  }
0x48: {  	_ =	shalt  }
0x49: {  	_ =	shalt  }
0x4a: {  	_ =	shalt  }
0x4b: {  	_ =	shalt  }
0x4c: {  	_ =	shalt  }
0x4d: {  	_ =	shalt  }
0x4e: {  	_ =	shalt  }
0x4f: {  	_ =	shalt  }
0x50: {  	_ =	shalt  }
0x51: {  	_ =	shalt  }
0x52: {  	_ =	shalt  }
0x53: {  	_ =	shalt  }
0x54: {  	_ =	shalt  }
0x55: {  	_ =	shalt  }
0x56: {  	_ =	shalt  }
0x57: {  	_ =	shalt  }
0x58: {  	_ =	shalt  }
0x59: {  	_ =	shalt  }
0x5a: {  	_ =	shalt  }
0x5b: {  	_ =	shalt  }
0x5c: {  	_ =	shalt  }
0x5d: {  	_ =	shalt  }
0x5e: {  	_ =	shalt  }
0x5f: {  	_ =	shalt  }
0x60: {  	_ =	shalt  }
0x61: {  	_ =	shalt  }
0x62: {  	_ =	shalt  }
0x63: {  	_ =	shalt  }
0x64: {  	_ =	shalt  }
0x65: {  	_ =	shalt  }
0x66: {  	_ =	shalt  }
0x67: {  	_ =	shalt  }
0x68: {  	_ =	shalt  }
0x69: {  	_ =	shalt  }
0x6a: {  	_ =	shalt  }
0x6b: {  	_ =	shalt  }
0x6c: {  	_ =	shalt  }
0x6d: {  	_ =	shalt  }
0x6e: {  	_ =	shalt  }
0x6f: {  	_ =	shalt  }
0x70: {  	_ =	shalt  }
0x71: {  	_ =	shalt  }
0x72: {  	_ =	shalt  }
0x73: {  	_ =	shalt  }
0x74: {  	_ =	shalt  }
0x75: {  	_ =	shalt  }
0x76: {  	_ =	shalt  }
0x77: {  	_ =	shalt  }
0x78: {  	_ =	shalt  }
0x79: {  	_ =	shalt  }
0x7a: {  	_ =	shalt  }
0x7b: {  	_ =	shalt  }
0x7c: {  	_ =	shalt  }
0x7d: {  	_ =	shalt  }
0x7e: {  	_ =	shalt  }
0x7f: {  	_ =	shalt  }
0x80: {  	_ =	shalt  }
0x81: {  	_ =	shalt  }
0x82: {  	_ =	shalt  }
0x83: {  	_ =	shalt  }
0x84: {  	_ =	shalt  }
0x85: {  	_ =	shalt  }
0x86: {  	_ =	shalt  }
0x87: {  	_ =	shalt  }
.Lfunc_end0:
.L_simem_size_0:
called_computation_lowered:
.L_overlay_start_0:
0x88: {  	s2 =	sld [smem:$0x3FD9]  }
0x89: {  	s3 =	sld [smem:$0x3FFE];
	_ =	sdelay $0x1  }
0x8a: {  	s1 =	srdreg.scid  }
0x8b: {  	s0 =	sand.u32 $0x1, s1  }
0x8c: {  	s14 =	sshll.u32 s0, $0xA;
	s2 =	sadd.s32 s3, s2  }
0x8d: {  	s2 =	sadd.s32 s2, s14  }
0x8e: {  	[smem:$0x3F8F] =	sst s2  }
0x8f: {  	_ = 	snop  }
0x90: {  	s2 =	sld [smem:$0x3FD0];
	_ =	sdelay $0x2  }
0x91: {  	s15 =	simm.s32 $0xB;
	s4 =	simm.s32 $0x10  }
0x92: {  	[smem:s4], [sflag:s15] =	dma.local [hbm:s2], $0x1  }
0x93: {  	_ =	swait.eq [sflag:s15], $0x1  }
0x94: {  	[sflag:s15] =	ssyncset.done $0x0  }
0x95: {  	[sflag:s15] =	ssyncadd.s32 $0xFFFFFFFF  }
0x96: {  	s16 =	sld [smem:$0x10];
	(tm) =	ssettm $0x1  }
0x97: {  	s17 =	sld [smem:$0x3FFB];
	_ =	sdelay $0x3  }
0x98: {  	_ =	strace s17  }
0x99: {  	s3 =	sld [smem:$0x3FFC];
	_ =	sdelay $0x3  }
0x9a: {  	_ =	strace s3  }
0x9b: {  	s3 =	sld [smem:$0x3FFD];
	_ =	sdelay $0x3  }
0x9c: {  	_ =	strace s3  }
0x9d: {  	_ =	strace $0x8FFFFFFF  }
0x9e: {  	s18 =	sld [smem:$0x3FDB];
	_ =	sdelay $0x1  }
0x9f: {  	s19 =	simm.s32 $_scs_section_size  }
0xa0: {  	s5 =	simm.s32 $_size__tile_overlayer_lowered;
	s6 =	simm.s32 $_tile_overlayer_lowered  }
0xa1: {  	s22 =	simm.s32 $0x1BFF;
	s21 =	sshll.u32 s6, $0x1;
	s3 =	sadd.s32 s19, s18  }
0xa2: {  	s7 =	simm.s32 $0x0;
	s20 =	sshll.u32 s5, $0x1;
	s5 =	sadd.s32 s21, s3  }
0xa3: {  	[timem:s7], [sflag:s22] =	dma.local [hbm:s5], s20  }
0xa4: {  	_ =	swait.ge [sflag:s22], s20  }
0xa5: {  	s4 =	ssub.s32 $0x0, s20;
	[sflag:s22] =	ssyncset.done $0x0  }
0xa6: {  	[sflag:s22] =	ssyncadd.s32 s4;
	_ =	sdelay $0x1  }
0xa7: {  	s23 =	simm.s32 $0x1B8B  }
0xa8: {  	_ =	swait.ge [sflag:s23], $0x1  }
0xa9: {  	[sflag:s23] =	ssyncset.done $0x0  }
0xaa: {  	s25 =	simm.s32 $0x1B8E;
	s24 =	sld [smem:$0x3FFE];
	[sflag:s23] =	ssyncadd.s32 $0xFFFFFFFF  }
0xab: {  	s26 =	simm.s32 $execute0_lowered;
	[smem:$0x3FD2] =	sst s25  }
0xac: {  	s5 =	sshll.u32 s26, $0x1;
	_ =	strace $0x80000046;
	[dreg:$0x1] =	wrdreg $0xFFFFFFFF  }
0xad: {  	s28 =	simm.s32 $_size_execute0_lowered;
	s3 =	sadd.s32 s3, s5;
	[dreg:$0x0] =	wrdreg $0x0  }
0xae: {  	s5 =	sshll.u32 s28, $0x1;
	[dreg:$0x2] =	wrdreg s3  }
0xaf: {  	[dreg:$0x3] =	wrdreg s5  }
0xb0: {  	[dreg:$0x4] =	wrdreg $0xC0  }
0xb1: {  	_ =	task [dreg:s7], $0x5FFFF  }
0xb2: {  	[dreg:$0x1] =	wrdreg $0xFFFFFFFF  }
0xb3: {  	[dreg:$0x0] =	wrdreg $0x60  }
0xb4: {  	[dreg:$0x2] =	wrdreg s24  }
0xb5: {  	[dreg:$0x3] =	wrdreg s16  }
0xb6: {  	[dreg:$0x4] =	wrdreg $0xE5000  }
0xb7: {  	[dreg:$0x5] =	wrdreg $0x9  }
0xb8: {  	_ =	task.clear_ibuf [dreg:s7], $0x6FFFF;
	_ =	strace $0x90000046  }
0xb9: {  	s29 =	simm.s32 $0x9;
	_ =	strace $0x80000048  }
0xba: {  	_ =	swait.ge [sflag:s29], $0x1  }
0xbb: {  	[sflag:s29] =	ssyncadd.s32 $0xFFFFFFFF  }
0xbc: {  	_ =	strace $0x90000048  }
0xbd: {  	_ =	sfence  }
0xbe: {  	s30 =	sld [smem:$0x0];
	_ =	sdelay $0x2  }
0xbf: {  	s31 =	sshll.u32 s1, $0xD;
	s1 =	sshrl.u32 s1, $0x2  }
0xc0: {  	s3 =	sand.u32 $0x4000, s31;
	s1 =	sadd.s32 s1, s30  }
0xc1: {  	s0 =	sor.u32 s3, s0;
	s1 =	sshll.u32 s1, $0x11  }
0xc2: {  	s0 =	sor.u32 s1, s0  }
0xc3: {  	s0 =	sadd.s32 $0x8F2B, s0  }
0xc4: {  	[sflag:s0] =	ssyncadd.remote.s32 $0x1  }
0xc5: {  	_ =	sfence.sel $0xFFFF  }
0xc6: {  	[dreg:$0x0] =	wrdreg $0xFFFFFFFF;
	(pc) =	sbr.abs _section_cstart, $3  }
0xc7: {  	[dreg:$0x1] =	wrdreg $0xFFFFFFFF  }
0xc8: {  	_ =	task.clear_ibuf [dreg:s7], $0x2FFFF;
	_ =	strace $0x9FFFFFFF  }
0xc9: {  	(tm) =	ssettm $0x7FFFFFFF  }
tec
execute0_lowered:
.L_overlay_start_1:
0x0: {  	(tag) =	ssettag $0x1  }
0x1: {  	s0 =	rddreg [dreg:$0x0]  }
0x2: {  	s2 =	rddreg [dreg:$0x1]  }
0x3: {  	s1 =	rddreg [dreg:$0x2]  }
0x4: {  	s4 =	srdreg.scid;
	s10 =	stileid.u32  }
0x5: {  	s3 =	simm.s32 $0x0;
	s25 =	simm.s32 $0x1;
	s6 =	smul.u32 $0xC40, s10  }
0x6: {  	s28 =	simm.s32 $0xCC00;
	s29 =	simm.s32 $0xD880;
	s9 =	smul.u32 $0x31000, s10  }
0x7: {  	s30 =	simm.s32 $0x0;
	s5 =	sand.u32 $0x1, s4;
	s10 =	smul.u32 $0xC350, s10  }
0x8: {  	[smem:$0x7FF] =	sst s3;
	s4 =	sadd.s32 $0x9000, s0;
	s7 =	smul.u32 $0xC400, s5  }
0x9: {  	_ =	strace $0x80000047;
	s8 =	smul.u32 $0xC3500, s5;
	s5 =	ssub.s32 $0x2, s5  }
0xa: {  	s26 =	sshrl.u32 s5, $0x1;
	s31 =	sshrl.u32 s9, $0x2;
	s7 =	sadd.s32 s6, s7  }
0xb: {  	s24 =	ssub.s32 s5, s26;
	s5 =	sadd.s32 s6, s1;
	s6 =	sadd.s32 s10, s8  }
0xc: {  	s26 =	simm.s32 $0xC400;
	s7 =	sshrl.u32 s7, $0x3;
	s8 =	sadd.s32 $0xC400, s5  }
0xd: {  	s9 =	sadd.s32 $0x18800, s5;
	s10 =	sadd.s32 $0x24C00, s5;
	s11 =	sadd.s32 $0x31000, s5  }
0xe: {  	s12 =	sadd.s32 $0x3D400, s5;
	s13 =	sadd.s32 $0x49800, s5;
	s14 =	sadd.s32 $0x55C00, s5  }
0xf: {  	s15 =	sadd.s32 $0x62000, s5;
	s16 =	sadd.s32 $0x6E400, s5;
	s17 =	sadd.s32 $0x7A800, s5  }
0x10: {  	s18 =	sadd.s32 $0x86C00, s5;
	s19 =	sadd.s32 $0x93000, s5;
	s20 =	sadd.s32 $0x9F400, s5  }
0x11: {  	s21 =	sadd.s32 $0xAB800, s5;
	s22 =	sadd.s32 $0xB7C00, s5;
	s0 =	sadd.s32 s7, s0  }
0x12: {  	v0 =	vimm.f32 $1.000000000e+00;
	s24 =	smax.u32 s24, $0x1;
	s7 =	sadd.s32 s31, s1;
	s23 =	sadd.s32 $0x39E00, s0  }
.LBB2_1:
0x13: {  	[tilespmem:s3], [sflag:$0x1] =	stream.linear.gather [hbm4b:s2+s3], $0xC400, $0x38;
	[tilespmem:$0x1A900] =	vst v63  }
0x14: {  	_ =	swait.ge [sflag:s25], $0xC400  }
0x15: {  	[sflag:s25] =	ssyncset.done $0x0  }
0x16: {  	s31 =	simm.s32 $0x0;
	[sflag:s25] =	ssyncadd.s32 $0xFFFF3C00  }
.LBB2_2:
0x17: {  	s0 =	smul.u32 $0x7D0, s31;
	_ =	sdelay $0x1  }
0x18: {  	s0 =	sadd.s32 s0, s6  }
0x19: {  	s0 =	sshrl.u32 s0, $0x3  }
0x1a: {  	s1 =	simm.s32 $0x0;
	s0 =	sadd.s32 s4, s0  }
0x1b: {  	[tilespmem:s26], [sflag:$0x1] =	stream.linear.gather [hbm4b:s0+s1], $0x7D0, $0x38;
	[tilespmem:$0x1A900] =	vst v63  }
0x1c: {  	_ =	swait.ge [sflag:s25], $0x7D0  }
0x1d: {  	[sflag:s25] =	ssyncset.done $0x0  }
0x1e: {  	s1 =	simm.s32 $0x0;
	s0 =	simm.s32 $0x40;
	[sflag:s25] =	ssyncadd.s32 $0xFFFFF830  }
.LBB2_3:
0x1f: {  	p0 =	sne.s32 s0, $0x1F00;
	v1 =	vld [tilespmem:s1+$0xC400];
	_ =	sdelay $0x3  }
.Ltmp0:
0x20: {  	(pc) =	sbr.rel @p0 .LBB2_3-.Ltmp0, $2  }
0x21: {  	_ =	sdelay $0x2  }
0x22: {  	s1 =	sshra.s32 s0, $0x2;
	s0 =	sadd.s32 $0x40, s0;
	[tilespmem:v1+s3+$0x0] =	vst.idx.add.f32.msk $0xffff, v0  }
0x23: {  	v1 =	vld [tilespmem:s1+$0xC400];
	_ =	sdelay $0x1  }
0x24: {  	s31 =	sadd.s32 $0x1, s31  }
0x25: {  	p0 =	sne.s32 s31, $0x19  }
.Ltmp1:
0x26: {  	_ = 	snop;
	(pc) =	sbr.rel @p0 .LBB2_2-.Ltmp1, $2  }
0x27: {  	_ =	sdelay $0x2  }
0x28: {  	[tilespmem:v1+s3+$0x0] =	vst.idx.add.f32.msk $0xffff, v0  }
0x29: {  	s0 =	simm.s32 $0x0  }
0x2a: {  	[spmem:s7] =	stream.linear.scatter [tilespmem:s0], [sflag:$0x1], $0xC400, $0x38;
	[tilespmem:$0x1A900] =	vst v63  }
0x2b: {  	_ =	swait.ge [sflag:s25], $0xC400  }
0x2c: {  	[sflag:s25] =	ssyncset.done $0x0  }
0x2d: {  	[sflag:s25] =	ssyncadd.s32 $0xFFFF3C00  }
0x2e: {  	[bflag:$0x0] =	sbarrier.arrive $0xFFFF  }
0x2f: {  	[tilespmem:s28], [sflag:$0x1] =	stream.linear.gather [spmem:s5], $0xC40, $0x38;
	[tilespmem:$0x1A900] =	vst v63  }
0x30: {  	_ =	swait.ge [sflag:s25], $0xC40  }
0x31: {  	[sflag:s25] =	ssyncset.done $0x0  }
0x32: {  	[sflag:s25] =	ssyncadd.s32 $0xFFFFF3C0  }
0x33: {  	[tilespmem:s29], [sflag:$0x1] =	stream.linear.gather [spmem:s8], $0xC40, $0x38;
	[tilespmem:$0x1A900] =	vst v63  }
0x34: {  	_ =	swait.ge [sflag:s25], $0xC40  }
0x35: {  	[sflag:s25] =	ssyncset.done $0x0  }
0x36: {  	s31 =	simm.s32 $0x0;
	[sflag:s25] =	ssyncadd.s32 $0xFFFFF3C0  }
0x37: {  	s0 =	simm.s32 $0x40;
	v1 =	vld [tilespmem:s31+$0xD880]  }
.LBB2_6:
0x38: {  	p0 =	sne.s32 s0, $0x30C0;
	v2 =	vld [tilespmem:s31+$0xCC00];
	_ =	sdelay $0x2  }
.Ltmp2:
0x39: {  	(pc) =	sbr.rel @p0 .LBB2_6-.Ltmp2, $4  }
0x3a: {  	_ = 	snop  }
0x3b: {  	v2 =	vadd.f32 v1, v2  }
0x3c: {  	s1 =	sshra.s32 s0, $0x2  }
0x3d: {  	s0 =	sadd.s32 $0x40, s0;
	v1 =	vld [tilespmem:s1+$0xD880];
	[tilespmem:s31+$0xCC00] =	vst v2;
	s31 =	smov.u32 s1  }
0x3e: {  	v2 =	vld [tilespmem:s31+$0xCC00];
	_ =	sdelay $0x4  }
0x3f: {  	v1 =	vadd.f32 v1, v2;
	_ =	sdelay $0x1  }
0x40: {  	[tilespmem:s31+$0xCC00] =	vst v1  }
0x41: {  	[tilespmem:s29], [sflag:$0x1] =	stream.linear.gather [spmem:s9], $0xC40, $0x38;
	[tilespmem:$0x1A900] =	vst v63  }
0x42: {  	_ =	swait.ge [sflag:s25], $0xC40  }
0x43: {  	[sflag:s25] =	ssyncset.done $0x0  }
0x44: {  	s31 =	simm.s32 $0x0;
	[sflag:s25] =	ssyncadd.s32 $0xFFFFF3C0  }
0x45: {  	s0 =	simm.s32 $0x40;
	v1 =	vld [tilespmem:s31+$0xD880]  }
.LBB2_8:
0x46: {  	p0 =	sne.s32 s0, $0x30C0;
	v2 =	vld [tilespmem:s31+$0xCC00];
	_ =	sdelay $0x2  }
.Ltmp3:
0x47: {  	(pc) =	sbr.rel @p0 .LBB2_8-.Ltmp3, $4  }
0x48: {  	_ = 	snop  }
0x49: {  	v2 =	vadd.f32 v1, v2  }
0x4a: {  	s1 =	sshra.s32 s0, $0x2  }
0x4b: {  	s0 =	sadd.s32 $0x40, s0;
	v1 =	vld [tilespmem:s1+$0xD880];
	[tilespmem:s31+$0xCC00] =	vst v2;
	s31 =	smov.u32 s1  }
0x4c: {  	v2 =	vld [tilespmem:s31+$0xCC00];
	_ =	sdelay $0x4  }
0x4d: {  	v1 =	vadd.f32 v1, v2;
	_ =	sdelay $0x1  }
0x4e: {  	[tilespmem:s31+$0xCC00] =	vst v1  }
0x4f: {  	[tilespmem:s29], [sflag:$0x1] =	stream.linear.gather [spmem:s10], $0xC40, $0x38;
	[tilespmem:$0x1A900] =	vst v63  }
0x50: {  	_ =	swait.ge [sflag:s25], $0xC40  }
0x51: {  	[sflag:s25] =	ssyncset.done $0x0  }
0x52: {  	s31 =	simm.s32 $0x0;
	[sflag:s25] =	ssyncadd.s32 $0xFFFFF3C0  }
0x53: {  	s0 =	simm.s32 $0x40;
	v1 =	vld [tilespmem:s31+$0xD880]  }
.LBB2_10:
0x54: {  	p0 =	sne.s32 s0, $0x30C0;
	v2 =	vld [tilespmem:s31+$0xCC00];
	_ =	sdelay $0x2  }
.Ltmp4:
0x55: {  	(pc) =	sbr.rel @p0 .LBB2_10-.Ltmp4, $4  }
0x56: {  	_ = 	snop  }
0x57: {  	v2 =	vadd.f32 v1, v2  }
0x58: {  	s1 =	sshra.s32 s0, $0x2  }
0x59: {  	s0 =	sadd.s32 $0x40, s0;
	v1 =	vld [tilespmem:s1+$0xD880];
	[tilespmem:s31+$0xCC00] =	vst v2;
	s31 =	smov.u32 s1  }
0x5a: {  	v2 =	vld [tilespmem:s31+$0xCC00];
	_ =	sdelay $0x4  }
0x5b: {  	v1 =	vadd.f32 v1, v2;
	_ =	sdelay $0x1  }
0x5c: {  	[tilespmem:s31+$0xCC00] =	vst v1  }
0x5d: {  	[tilespmem:s29], [sflag:$0x1] =	stream.linear.gather [spmem:s11], $0xC40, $0x38;
	[tilespmem:$0x1A900] =	vst v63  }
0x5e: {  	_ =	swait.ge [sflag:s25], $0xC40  }
0x5f: {  	[sflag:s25] =	ssyncset.done $0x0  }
0x60: {  	s31 =	simm.s32 $0x0;
	[sflag:s25] =	ssyncadd.s32 $0xFFFFF3C0  }
0x61: {  	s0 =	simm.s32 $0x40;
	v1 =	vld [tilespmem:s31+$0xD880]  }
.LBB2_12:
0x62: {  	p0 =	sne.s32 s0, $0x30C0;
	v2 =	vld [tilespmem:s31+$0xCC00];
	_ =	sdelay $0x2  }
.Ltmp5:
0x63: {  	(pc) =	sbr.rel @p0 .LBB2_12-.Ltmp5, $4  }
0x64: {  	_ = 	snop  }
0x65: {  	v2 =	vadd.f32 v1, v2  }
0x66: {  	s1 =	sshra.s32 s0, $0x2  }
0x67: {  	s0 =	sadd.s32 $0x40, s0;
	v1 =	vld [tilespmem:s1+$0xD880];
	[tilespmem:s31+$0xCC00] =	vst v2;
	s31 =	smov.u32 s1  }
0x68: {  	v2 =	vld [tilespmem:s31+$0xCC00];
	_ =	sdelay $0x4  }
0x69: {  	v1 =	vadd.f32 v1, v2;
	_ =	sdelay $0x1  }
0x6a: {  	[tilespmem:s31+$0xCC00] =	vst v1  }
0x6b: {  	[tilespmem:s29], [sflag:$0x1] =	stream.linear.gather [spmem:s12], $0xC40, $0x38;
	[tilespmem:$0x1A900] =	vst v63  }
0x6c: {  	_ =	swait.ge [sflag:s25], $0xC40  }
0x6d: {  	[sflag:s25] =	ssyncset.done $0x0  }
0x6e: {  	s31 =	simm.s32 $0x0;
	[sflag:s25] =	ssyncadd.s32 $0xFFFFF3C0  }
0x6f: {  	s0 =	simm.s32 $0x40;
	v1 =	vld [tilespmem:s31+$0xD880]  }
.LBB2_14:
0x70: {  	p0 =	sne.s32 s0, $0x30C0;
	v2 =	vld [tilespmem:s31+$0xCC00];
	_ =	sdelay $0x2  }
.Ltmp6:
0x71: {  	(pc) =	sbr.rel @p0 .LBB2_14-.Ltmp6, $4  }
0x72: {  	_ = 	snop  }
0x73: {  	v2 =	vadd.f32 v1, v2  }
0x74: {  	s1 =	sshra.s32 s0, $0x2  }
0x75: {  	s0 =	sadd.s32 $0x40, s0;
	v1 =	vld [tilespmem:s1+$0xD880];
	[tilespmem:s31+$0xCC00] =	vst v2;
	s31 =	smov.u32 s1  }
0x76: {  	v2 =	vld [tilespmem:s31+$0xCC00];
	_ =	sdelay $0x4  }
0x77: {  	v1 =	vadd.f32 v1, v2;
	_ =	sdelay $0x1  }
0x78: {  	[tilespmem:s31+$0xCC00] =	vst v1  }
0x79: {  	[tilespmem:s29], [sflag:$0x1] =	stream.linear.gather [spmem:s13], $0xC40, $0x38;
	[tilespmem:$0x1A900] =	vst v63  }
0x7a: {  	_ =	swait.ge [sflag:s25], $0xC40  }
0x7b: {  	[sflag:s25] =	ssyncset.done $0x0  }
0x7c: {  	s31 =	simm.s32 $0x0;
	[sflag:s25] =	ssyncadd.s32 $0xFFFFF3C0  }
0x7d: {  	s0 =	simm.s32 $0x40;
	v1 =	vld [tilespmem:s31+$0xD880]  }
.LBB2_16:
0x7e: {  	p0 =	sne.s32 s0, $0x30C0;
	v2 =	vld [tilespmem:s31+$0xCC00];
	_ =	sdelay $0x2  }
.Ltmp7:
0x7f: {  	(pc) =	sbr.rel @p0 .LBB2_16-.Ltmp7, $4  }
0x80: {  	_ = 	snop  }
0x81: {  	v2 =	vadd.f32 v1, v2  }
0x82: {  	s1 =	sshra.s32 s0, $0x2  }
0x83: {  	s0 =	sadd.s32 $0x40, s0;
	v1 =	vld [tilespmem:s1+$0xD880];
	[tilespmem:s31+$0xCC00] =	vst v2;
	s31 =	smov.u32 s1  }
0x84: {  	v2 =	vld [tilespmem:s31+$0xCC00];
	_ =	sdelay $0x4  }
0x85: {  	v1 =	vadd.f32 v1, v2;
	_ =	sdelay $0x1  }
0x86: {  	[tilespmem:s31+$0xCC00] =	vst v1  }
0x87: {  	[tilespmem:s29], [sflag:$0x1] =	stream.linear.gather [spmem:s14], $0xC40, $0x38;
	[tilespmem:$0x1A900] =	vst v63  }
0x88: {  	_ =	swait.ge [sflag:s25], $0xC40  }
0x89: {  	[sflag:s25] =	ssyncset.done $0x0  }
0x8a: {  	s31 =	simm.s32 $0x0;
	[sflag:s25] =	ssyncadd.s32 $0xFFFFF3C0  }
0x8b: {  	s0 =	simm.s32 $0x40;
	v1 =	vld [tilespmem:s31+$0xD880]  }
.LBB2_18:
0x8c: {  	p0 =	sne.s32 s0, $0x30C0;
	v2 =	vld [tilespmem:s31+$0xCC00];
	_ =	sdelay $0x2  }
.Ltmp8:
0x8d: {  	(pc) =	sbr.rel @p0 .LBB2_18-.Ltmp8, $4  }
0x8e: {  	_ = 	snop  }
0x8f: {  	v2 =	vadd.f32 v1, v2  }
0x90: {  	s1 =	sshra.s32 s0, $0x2  }
0x91: {  	s0 =	sadd.s32 $0x40, s0;
	v1 =	vld [tilespmem:s1+$0xD880];
	[tilespmem:s31+$0xCC00] =	vst v2;
	s31 =	smov.u32 s1  }
0x92: {  	v2 =	vld [tilespmem:s31+$0xCC00];
	_ =	sdelay $0x4  }
0x93: {  	v1 =	vadd.f32 v1, v2;
	_ =	sdelay $0x1  }
0x94: {  	[tilespmem:s31+$0xCC00] =	vst v1  }
0x95: {  	[tilespmem:s29], [sflag:$0x1] =	stream.linear.gather [spmem:s15], $0xC40, $0x38;
	[tilespmem:$0x1A900] =	vst v63  }
0x96: {  	_ =	swait.ge [sflag:s25], $0xC40  }
0x97: {  	[sflag:s25] =	ssyncset.done $0x0  }
0x98: {  	s31 =	simm.s32 $0x0;
	[sflag:s25] =	ssyncadd.s32 $0xFFFFF3C0  }
0x99: {  	s0 =	simm.s32 $0x40;
	v1 =	vld [tilespmem:s31+$0xD880]  }
.LBB2_20:
0x9a: {  	p0 =	sne.s32 s0, $0x30C0;
	v2 =	vld [tilespmem:s31+$0xCC00];
	_ =	sdelay $0x2  }
.Ltmp9:
0x9b: {  	(pc) =	sbr.rel @p0 .LBB2_20-.Ltmp9, $4  }
0x9c: {  	_ = 	snop  }
0x9d: {  	v2 =	vadd.f32 v1, v2  }
0x9e: {  	s1 =	sshra.s32 s0, $0x2  }
0x9f: {  	s0 =	sadd.s32 $0x40, s0;
	v1 =	vld [tilespmem:s1+$0xD880];
	[tilespmem:s31+$0xCC00] =	vst v2;
	s31 =	smov.u32 s1  }
0xa0: {  	v2 =	vld [tilespmem:s31+$0xCC00];
	_ =	sdelay $0x4  }
0xa1: {  	v1 =	vadd.f32 v1, v2;
	_ =	sdelay $0x1  }
0xa2: {  	[tilespmem:s31+$0xCC00] =	vst v1  }
0xa3: {  	[tilespmem:s29], [sflag:$0x1] =	stream.linear.gather [spmem:s16], $0xC40, $0x38;
	[tilespmem:$0x1A900] =	vst v63  }
0xa4: {  	_ =	swait.ge [sflag:s25], $0xC40  }
0xa5: {  	[sflag:s25] =	ssyncset.done $0x0  }
0xa6: {  	s31 =	simm.s32 $0x0;
	[sflag:s25] =	ssyncadd.s32 $0xFFFFF3C0  }
0xa7: {  	s0 =	simm.s32 $0x40;
	v1 =	vld [tilespmem:s31+$0xD880]  }
.LBB2_22:
0xa8: {  	p0 =	sne.s32 s0, $0x30C0;
	v2 =	vld [tilespmem:s31+$0xCC00];
	_ =	sdelay $0x2  }
.Ltmp10:
0xa9: {  	(pc) =	sbr.rel @p0 .LBB2_22-.Ltmp10, $4  }
0xaa: {  	_ = 	snop  }
0xab: {  	v2 =	vadd.f32 v1, v2  }
0xac: {  	s1 =	sshra.s32 s0, $0x2  }
0xad: {  	s0 =	sadd.s32 $0x40, s0;
	v1 =	vld [tilespmem:s1+$0xD880];
	[tilespmem:s31+$0xCC00] =	vst v2;
	s31 =	smov.u32 s1  }
0xae: {  	v2 =	vld [tilespmem:s31+$0xCC00];
	_ =	sdelay $0x4  }
0xaf: {  	v1 =	vadd.f32 v1, v2;
	_ =	sdelay $0x1  }
0xb0: {  	[tilespmem:s31+$0xCC00] =	vst v1  }
0xb1: {  	[tilespmem:s29], [sflag:$0x1] =	stream.linear.gather [spmem:s17], $0xC40, $0x38;
	[tilespmem:$0x1A900] =	vst v63  }
0xb2: {  	_ =	swait.ge [sflag:s25], $0xC40  }
0xb3: {  	[sflag:s25] =	ssyncset.done $0x0  }
0xb4: {  	s31 =	simm.s32 $0x0;
	[sflag:s25] =	ssyncadd.s32 $0xFFFFF3C0  }
0xb5: {  	s0 =	simm.s32 $0x40;
	v1 =	vld [tilespmem:s31+$0xD880]  }
.LBB2_24:
0xb6: {  	p0 =	sne.s32 s0, $0x30C0;
	v2 =	vld [tilespmem:s31+$0xCC00];
	_ =	sdelay $0x2  }
.Ltmp11:
0xb7: {  	(pc) =	sbr.rel @p0 .LBB2_24-.Ltmp11, $4  }
0xb8: {  	_ = 	snop  }
0xb9: {  	v2 =	vadd.f32 v1, v2  }
0xba: {  	s1 =	sshra.s32 s0, $0x2  }
0xbb: {  	s0 =	sadd.s32 $0x40, s0;
	v1 =	vld [tilespmem:s1+$0xD880];
	[tilespmem:s31+$0xCC00] =	vst v2;
	s31 =	smov.u32 s1  }
0xbc: {  	v2 =	vld [tilespmem:s31+$0xCC00];
	_ =	sdelay $0x4  }
0xbd: {  	v1 =	vadd.f32 v1, v2;
	_ =	sdelay $0x1  }
0xbe: {  	[tilespmem:s31+$0xCC00] =	vst v1  }
0xbf: {  	[tilespmem:s29], [sflag:$0x1] =	stream.linear.gather [spmem:s18], $0xC40, $0x38;
	[tilespmem:$0x1A900] =	vst v63  }
0xc0: {  	_ =	swait.ge [sflag:s25], $0xC40  }
0xc1: {  	[sflag:s25] =	ssyncset.done $0x0  }
0xc2: {  	s31 =	simm.s32 $0x0;
	[sflag:s25] =	ssyncadd.s32 $0xFFFFF3C0  }
0xc3: {  	s0 =	simm.s32 $0x40;
	v1 =	vld [tilespmem:s31+$0xD880]  }
.LBB2_26:
0xc4: {  	p0 =	sne.s32 s0, $0x30C0;
	v2 =	vld [tilespmem:s31+$0xCC00];
	_ =	sdelay $0x2  }
.Ltmp12:
0xc5: {  	(pc) =	sbr.rel @p0 .LBB2_26-.Ltmp12, $4  }
0xc6: {  	_ = 	snop  }
0xc7: {  	v2 =	vadd.f32 v1, v2  }
0xc8: {  	s1 =	sshra.s32 s0, $0x2  }
0xc9: {  	s0 =	sadd.s32 $0x40, s0;
	v1 =	vld [tilespmem:s1+$0xD880];
	[tilespmem:s31+$0xCC00] =	vst v2;
	s31 =	smov.u32 s1  }
0xca: {  	v2 =	vld [tilespmem:s31+$0xCC00];
	_ =	sdelay $0x4  }
0xcb: {  	v1 =	vadd.f32 v1, v2;
	_ =	sdelay $0x1  }
0xcc: {  	[tilespmem:s31+$0xCC00] =	vst v1  }
0xcd: {  	[tilespmem:s29], [sflag:$0x1] =	stream.linear.gather [spmem:s19], $0xC40, $0x38;
	[tilespmem:$0x1A900] =	vst v63  }
0xce: {  	_ =	swait.ge [sflag:s25], $0xC40  }
0xcf: {  	[sflag:s25] =	ssyncset.done $0x0  }
0xd0: {  	s31 =	simm.s32 $0x0;
	[sflag:s25] =	ssyncadd.s32 $0xFFFFF3C0  }
0xd1: {  	s0 =	simm.s32 $0x40;
	v1 =	vld [tilespmem:s31+$0xD880]  }
.LBB2_28:
0xd2: {  	p0 =	sne.s32 s0, $0x30C0;
	v2 =	vld [tilespmem:s31+$0xCC00];
	_ =	sdelay $0x2  }
.Ltmp13:
0xd3: {  	(pc) =	sbr.rel @p0 .LBB2_28-.Ltmp13, $4  }
0xd4: {  	_ = 	snop  }
0xd5: {  	v2 =	vadd.f32 v1, v2  }
0xd6: {  	s1 =	sshra.s32 s0, $0x2  }
0xd7: {  	s0 =	sadd.s32 $0x40, s0;
	v1 =	vld [tilespmem:s1+$0xD880];
	[tilespmem:s31+$0xCC00] =	vst v2;
	s31 =	smov.u32 s1  }
0xd8: {  	v2 =	vld [tilespmem:s31+$0xCC00];
	_ =	sdelay $0x4  }
0xd9: {  	v1 =	vadd.f32 v1, v2;
	_ =	sdelay $0x1  }
0xda: {  	[tilespmem:s31+$0xCC00] =	vst v1  }
0xdb: {  	[tilespmem:s29], [sflag:$0x1] =	stream.linear.gather [spmem:s20], $0xC40, $0x38;
	[tilespmem:$0x1A900] =	vst v63  }
0xdc: {  	_ =	swait.ge [sflag:s25], $0xC40  }
0xdd: {  	[sflag:s25] =	ssyncset.done $0x0  }
0xde: {  	s31 =	simm.s32 $0x0;
	[sflag:s25] =	ssyncadd.s32 $0xFFFFF3C0  }
0xdf: {  	s0 =	simm.s32 $0x40;
	v1 =	vld [tilespmem:s31+$0xD880]  }
.LBB2_30:
0xe0: {  	p0 =	sne.s32 s0, $0x30C0;
	v2 =	vld [tilespmem:s31+$0xCC00];
	_ =	sdelay $0x2  }
.Ltmp14:
0xe1: {  	(pc) =	sbr.rel @p0 .LBB2_30-.Ltmp14, $4  }
0xe2: {  	_ = 	snop  }
0xe3: {  	v2 =	vadd.f32 v1, v2  }
0xe4: {  	s1 =	sshra.s32 s0, $0x2  }
0xe5: {  	s0 =	sadd.s32 $0x40, s0;
	v1 =	vld [tilespmem:s1+$0xD880];
	[tilespmem:s31+$0xCC00] =	vst v2;
	s31 =	smov.u32 s1  }
0xe6: {  	v2 =	vld [tilespmem:s31+$0xCC00];
	_ =	sdelay $0x4  }
0xe7: {  	v1 =	vadd.f32 v1, v2;
	_ =	sdelay $0x1  }
0xe8: {  	[tilespmem:s31+$0xCC00] =	vst v1  }
0xe9: {  	[tilespmem:s29], [sflag:$0x1] =	stream.linear.gather [spmem:s21], $0xC40, $0x38;
	[tilespmem:$0x1A900] =	vst v63  }
0xea: {  	_ =	swait.ge [sflag:s25], $0xC40  }
0xeb: {  	[sflag:s25] =	ssyncset.done $0x0  }
0xec: {  	s31 =	simm.s32 $0x0;
	[sflag:s25] =	ssyncadd.s32 $0xFFFFF3C0  }
0xed: {  	s0 =	simm.s32 $0x40;
	v1 =	vld [tilespmem:s31+$0xD880]  }
.LBB2_32:
0xee: {  	p0 =	sne.s32 s0, $0x30C0;
	v2 =	vld [tilespmem:s31+$0xCC00];
	_ =	sdelay $0x2  }
.Ltmp15:
0xef: {  	(pc) =	sbr.rel @p0 .LBB2_32-.Ltmp15, $4  }
0xf0: {  	_ = 	snop  }
0xf1: {  	v2 =	vadd.f32 v1, v2  }
0xf2: {  	s1 =	sshra.s32 s0, $0x2  }
0xf3: {  	s0 =	sadd.s32 $0x40, s0;
	v1 =	vld [tilespmem:s1+$0xD880];
	[tilespmem:s31+$0xCC00] =	vst v2;
	s31 =	smov.u32 s1  }
0xf4: {  	v2 =	vld [tilespmem:s31+$0xCC00];
	_ =	sdelay $0x4  }
0xf5: {  	v1 =	vadd.f32 v1, v2;
	_ =	sdelay $0x1  }
0xf6: {  	[tilespmem:s31+$0xCC00] =	vst v1  }
0xf7: {  	[tilespmem:s29], [sflag:$0x1] =	stream.linear.gather [spmem:s22], $0xC40, $0x38;
	[tilespmem:$0x1A900] =	vst v63  }
0xf8: {  	_ =	swait.ge [sflag:s25], $0xC40  }
0xf9: {  	[sflag:s25] =	ssyncset.done $0x0  }
0xfa: {  	s31 =	simm.s32 $0x0;
	[sflag:s25] =	ssyncadd.s32 $0xFFFFF3C0  }
0xfb: {  	s0 =	simm.s32 $0x40;
	v1 =	vld [tilespmem:s31+$0xD880]  }
.LBB2_34:
0xfc: {  	p0 =	sne.s32 s0, $0x30C0;
	v2 =	vld [tilespmem:s31+$0xCC00];
	_ =	sdelay $0x2  }
.Ltmp16:
0xfd: {  	(pc) =	sbr.rel @p0 .LBB2_34-.Ltmp16, $4  }
0xfe: {  	_ = 	snop  }
0xff: {  	v2 =	vadd.f32 v1, v2  }
0x100: {  	s1 =	sshra.s32 s0, $0x2  }
0x101: {  	s0 =	sadd.s32 $0x40, s0;
	v1 =	vld [tilespmem:s1+$0xD880];
	[tilespmem:s31+$0xCC00] =	vst v2;
	s31 =	smov.u32 s1  }
0x102: {  	v2 =	vld [tilespmem:s31+$0xCC00];
	_ =	sdelay $0x4  }
0x103: {  	s30 =	sadd.s32 $0x1, s30;
	v1 =	vadd.f32 v1, v2  }
0x104: {  	p0 =	sne.s32 s30, s24  }
.Ltmp17:
0x105: {  	[tilespmem:s31+$0xCC00] =	vst v1;
	(pc) =	sbr.rel @p0 .LBB2_1-.Ltmp17, $4  }
0x106: {  	[hbm4b:s23+s3] =	stream.linear.scatter [tilespmem:s28], [sflag:$0x1], $0xC40, $0x38;
	[tilespmem:$0x1A900] =	vst v63  }
0x107: {  	_ =	swait.ge [sflag:s25], $0xC40  }
0x108: {  	[sflag:s25] =	ssyncset.done $0x0  }
0x109: {  	[sflag:s25] =	ssyncadd.s32 $0xFFFFF3C0  }
0x10a: {  	_ =	sfence.sel $0x180000  }
0x10b: {  	[bflag:$0x0] =	sbarrier.arrive $0xFFFF  }
0x10c: {  	_ =	strace $0x90000047  }
0x10d: {  	s0 =	stileid.u32;
	[bflag:$0x2] =	sbarrier.arrive $0xFFFF  }
0x10e: {  	p0 =	sne.s32 s0, $0x0;
	s0 =	rddreg [dreg:$0x3]  }
0x10f: {  	s0 =	sadd.s32 @!p0 $0x100000, s0  }
0x110: {  	[sflag:s0] =	ssyncadd.tile.s32 @!p0 $0x1;
	_ =	shalt  }
.Lfunc_end2:
_tile_overlayer_lowered:
.L_overlay_start_2:
0x111: {  	(tag) =	ssettag $0x2  }
0x112: {  	s0 =	rddreg [dreg:$0x0];
	s2 =	stileid.u32  }
0x113: {  	s1 =	rddreg [dreg:$0x1];
	p0 =	sne.s32 s2, $0x0  }
0x114: {  	s3 =	rddreg [dreg:$0x2];
	[bflag:$0x3] =	sbarrier.arrive $0xFFFF;
	s2 =	simm.s32 @!p0 $0x1C01  }
0x115: {  	[timem:s3], [sflag:s2] =	dma.local @!p0 [hbm:s0], s1  }
0x116: {  	s0 =	simm.s32 @!p0 $0x1  }
0x117: {  	_ =	swait.ge @!p0 [sflag:s0], s1  }
0x118: {  	s1 =	ssub.s32 @!p0 $0x0, s1;
	[sflag:s0] =	ssyncset.done @!p0 $0x0  }
0x119: {  	[sflag:s0] =	ssyncadd.s32 @!p0 s1  }
0x11a: {  	[bflag:$0x3] =	sbarrier.arrive $0xFFFF  }
0x11b: {  	_ =	shalt  }

// kernel: kernel.33.cloned.1.call-start
scs
__scs_entry_jumppad:
0x0: {  	(pc) =	sbr.rel $0x88, $3  }
0x1: {  	(tag) =	ssettag $0x0;
	lr =	simm.s32 $0x1  }
0x2: {  	[smem:$0x3F68] =	sst lr;
	_ =	strace $0xD0000000  }
0x3: {  	_ = 	snop  }
0x4: {  	_ = 	snop  }
0x5: {  	_ = 	snop  }
0x6: {  	_ = 	snop  }
0x7: {  	_ = 	snop  }
__scs_overlays_trampoline_lowered:
0x8: {  	[smem:$0x3F77] =	sst s0  }
0x9: {  	[smem:$0x3F78] =	sst s1  }
0xa: {  	[smem:$0x3F79] =	sst s2  }
0xb: {  	[smem:$0x3F7A] =	sst s3  }
0xc: {  	[smem:$0x3F7B] =	sst s4  }
0xd: {  	[smem:$0x3F7C] =	sst s5  }
0xe: {  	[smem:$0x3F7D] =	sst s6  }
0xf: {  	[smem:$0x3F7E] =	sst s7  }
0x10: {  	[smem:$0x3F7F] =	sst s8  }
0x11: {  	[smem:$0x3F80] =	sst s9;
	s0 =	simm.s32 @!p0 $0x0  }
0x12: {  	s1 =	sld [smem:$0x3F66];
	s0 =	simm.s32 @p0 $0x1  }
0x13: {  	[smem:$0x3F81] =	sst s0;
	s0 =	simm.s32 @!p1 $0x0  }
0x14: {  	s2 =	sld [smem:$0x3F65];
	s0 =	simm.s32 @p1 $0x1  }
0x15: {  	[smem:$0x3F82] =	sst s0;
	s0 =	simm.s32 @!p2 $0x0  }
0x16: {  	s3 =	sld [smem:$0x3FDB];
	s0 =	simm.s32 @p2 $0x1  }
0x17: {  	s4 =	simm.s32 $0x1BF5;
	[smem:$0x3F84] =	sst s0  }
0x18: {  	s0 =	sld [smem:$0x3F67];
	_ =	swait.ge [sflag:s4], $0x0  }
0x19: {  	s7 =	sld [smem:$0x3F68]  }
0x1a: {  	s8 =	sadd.s32 $0xFFFFE003, lr  }
0x1b: {  	s9 =	sadd.s32 $0xFFFFFEF7, lr;
	s5 =	simm.s32 $0xFFFFFFFF;
	p2 =	slt.u32 s8, $0xFFFFF086  }
0x1c: {  	p1 =	slt.u32 s9, $0xF7A;
	s5 =	simm.s32 @!p2 $0x0  }
0x1d: {  	s5 =	simm.s32 @p1 $0x1;
	p0 =	seq.s32 s7, s2  }
0x1e: {  	s7 =	smul.u32 @!p0 $0xF7A, s2;
	p2 =	seq.s32 @!p0 s5, $0x0  }
0x1f: {  	s9 =	smul.u32 $0xF7A, s1;
	s8 =	simm.s32 @!p0 $0x1BF5;
	p2 =	por !p2, p0  }
0x20: {  	[sflag:s8] =	ssyncset.s32 @!p0 $0xFFFFF086;
	s6 =	sadd.s32 @!p0 s3, s7;
	s7 =	simm.s32 @!p0 $0x108  }
0x21: {  	s3 =	sadd.s32 s3, s9;
	s6 =	sadd.s32 @!p0 $0x88, s6;
	s7 =	simm.s32 @p2 $0x1082  }
0x22: {  	[simem:s7], [sflag:s8] =	dma.local @!p0 [hbm:s6], $0xF7A  }
0x23: {  	s9 =	sor.u32 $0xD0000000, s2;
	s6 =	simm.s32 $0x108;
	_ =	swait.ge @!p0 [sflag:s8], $0x0  }
0x24: {  	s3 =	sadd.s32 $0x88, s3;
	s6 =	simm.s32 @!p1 $0x1082;
	[sflag:s4] =	ssyncset.s32 $0xFFFFF086  }
0x25: {  	[simem:s6], [sflag:s4] =	dma.local [hbm:s3], $0xF7A  }
0x26: {  	[smem:$0x3F68] =	sst s1;
	(tag) =	ssettag s2;
	_ =	strace s9  }
0x27: {  	s1 =	sld [smem:$0x3F78]  }
0x28: {  	s2 =	sld [smem:$0x3F79]  }
0x29: {  	s4 =	sld [smem:$0x3F7B]  }
0x2a: {  	p0 =	seq.s32 s5, $0x0;
	s5 =	sld [smem:$0x3F7C]  }
0x2b: {  	s6 =	sld [smem:$0x3F7D]  }
0x2c: {  	s7 =	sld [smem:$0x3F7E]  }
0x2d: {  	s3 =	simm.s32 $0x108;
	s8 =	sld [smem:$0x3F7F]  }
0x2e: {  	s3 =	simm.s32 @!p0 $0x1082;
	s9 =	sld [smem:$0x3F80]  }
0x2f: {  	lr =	sadd.s32 s0, s3;
	s0 =	sld [smem:$0x3F77]  }
0x30: {  	s3 =	sld [smem:$0x3F7A]  }
0x31: {  	[smem:$0x3F83] =	sst s10  }
0x32: {  	s10 =	sld [smem:$0x3F81];
	_ =	sdelay $0x3  }
0x33: {  	p0 =	seq.s32 s10, $0x1;
	s10 =	sld [smem:$0x3F83];
	_ =	sdelay $0x3  }
0x34: {  	[smem:$0x3F83] =	sst s10  }
0x35: {  	s10 =	sld [smem:$0x3F82];
	_ =	sdelay $0x3  }
0x36: {  	p1 =	seq.s32 s10, $0x1;
	s10 =	sld [smem:$0x3F83];
	_ =	sdelay $0x3  }
0x37: {  	[smem:$0x3F83] =	sst s10  }
0x38: {  	s10 =	sld [smem:$0x3F84]  }
0x39: {  	_ = 	snop;
	(pc) =	sbr.ind lr, $3  }
0x3a: {  	_ = 	snop  }
0x3b: {  	_ = 	snop  }
0x3c: {  	p2 =	seq.s32 s10, $0x1;
	s10 =	sld [smem:$0x3F83]  }
0x3d: {  	_ =	shalt  }
0x3e: {  	_ =	shalt  }
0x3f: {  	_ =	shalt  }
0x40: {  	_ =	shalt  }
0x41: {  	_ =	shalt  }
0x42: {  	_ =	shalt  }
0x43: {  	_ =	shalt  }
0x44: {  	_ =	shalt  }
0x45: {  	_ =	shalt  }
0x46: {  	_ =	shalt  }
0x47: {  	_ =	shalt  }
0x48: {  	_ =	shalt  }
0x49: {  	_ =	shalt  }
0x4a: {  	_ =	shalt  }
0x4b: {  	_ =	shalt  }
0x4c: {  	_ =	shalt  }
0x4d: {  	_ =	shalt  }
0x4e: {  	_ =	shalt  }
0x4f: {  	_ =	shalt  }
0x50: {  	_ =	shalt  }
0x51: {  	_ =	shalt  }
0x52: {  	_ =	shalt  }
0x53: {  	_ =	shalt  }
0x54: {  	_ =	shalt  }
0x55: {  	_ =	shalt  }
0x56: {  	_ =	shalt  }
0x57: {  	_ =	shalt  }
0x58: {  	_ =	shalt  }
0x59: {  	_ =	shalt  }
0x5a: {  	_ =	shalt  }
0x5b: {  	_ =	shalt  }
0x5c: {  	_ =	shalt  }
0x5d: {  	_ =	shalt  }
0x5e: {  	_ =	shalt  }
0x5f: {  	_ =	shalt  }
0x60: {  	_ =	shalt  }
0x61: {  	_ =	shalt  }
0x62: {  	_ =	shalt  }
0x63: {  	_ =	shalt  }
0x64: {  	_ =	shalt  }
0x65: {  	_ =	shalt  }
0x66: {  	_ =	shalt  }
0x67: {  	_ =	shalt  }
0x68: {  	_ =	shalt  }
0x69: {  	_ =	shalt  }
0x6a: {  	_ =	shalt  }
0x6b: {  	_ =	shalt  }
0x6c: {  	_ =	shalt  }
0x6d: {  	_ =	shalt  }
0x6e: {  	_ =	shalt  }
0x6f: {  	_ =	shalt  }
0x70: {  	_ =	shalt  }
0x71: {  	_ =	shalt  }
0x72: {  	_ =	shalt  }
0x73: {  	_ =	shalt  }
0x74: {  	_ =	shalt  }
0x75: {  	_ =	shalt  }
0x76: {  	_ =	shalt  }
0x77: {  	_ =	shalt  }
0x78: {  	_ =	shalt  }
0x79: {  	_ =	shalt  }
0x7a: {  	_ =	shalt  }
0x7b: {  	_ =	shalt  }
0x7c: {  	_ =	shalt  }
0x7d: {  	_ =	shalt  }
0x7e: {  	_ =	shalt  }
0x7f: {  	_ =	shalt  }
0x80: {  	_ =	shalt  }
0x81: {  	_ =	shalt  }
0x82: {  	_ =	shalt  }
0x83: {  	_ =	shalt  }
0x84: {  	_ =	shalt  }
0x85: {  	_ =	shalt  }
0x86: {  	_ =	shalt  }
0x87: {  	_ =	shalt  }
.Lfunc_end0:
.L_simem_size_0:
called_computation.1_lowered:
.L_overlay_start_0:
0x88: {  	s2 =	sld [smem:$0x3FD9]  }
0x89: {  	s3 =	sld [smem:$0x3FFE];
	_ =	sdelay $0x1  }
0x8a: {  	s1 =	srdreg.scid  }
0x8b: {  	s0 =	sand.u32 $0x1, s1  }
0x8c: {  	s17 =	sshll.u32 s0, $0xA;
	s2 =	sadd.s32 s3, s2  }
0x8d: {  	s2 =	sadd.s32 s2, s17  }
0x8e: {  	[smem:$0x3F8F] =	sst s2  }
0x8f: {  	_ = 	snop  }
0x90: {  	(tm) =	ssettm $0x1  }
0x91: {  	s18 =	sld [smem:$0x3FFB];
	_ =	sdelay $0x3  }
0x92: {  	_ =	strace s18  }
0x93: {  	s2 =	sld [smem:$0x3FFC];
	_ =	sdelay $0x3  }
0x94: {  	_ =	strace s2  }
0x95: {  	s2 =	sld [smem:$0x3FFD];
	_ =	sdelay $0x3  }
0x96: {  	_ =	strace s2  }
0x97: {  	_ =	strace $0x8FFFFFFF  }
0x98: {  	s19 =	sld [smem:$0x3FDB];
	_ =	sdelay $0x1  }
0x99: {  	s20 =	simm.s32 $_scs_section_size  }
0x9a: {  	s4 =	simm.s32 $_size__tile_overlayer_lowered;
	s5 =	simm.s32 $_tile_overlayer_lowered  }
0x9b: {  	s6 =	simm.s32 $0x1BFF;
	s21 =	sshll.u32 s5, $0x1;
	s3 =	sadd.s32 s20, s19  }
0x9c: {  	s22 =	simm.s32 $0x0;
	s4 =	sshll.u32 s4, $0x1;
	s5 =	sadd.s32 s21, s3  }
0x9d: {  	[timem:s22], [sflag:s6] =	dma.local [hbm:s5], s4  }
0x9e: {  	_ =	swait.ge [sflag:s6], s4  }
0x9f: {  	s4 =	ssub.s32 $0x0, s4;
	[sflag:s6] =	ssyncset.done $0x0  }
0xa0: {  	[sflag:s6] =	ssyncadd.s32 s4;
	_ =	sdelay $0x1  }
0xa1: {  	s23 =	simm.s32 $0x1B8B  }
0xa2: {  	_ =	swait.ge [sflag:s23], $0x1  }
0xa3: {  	[sflag:s23] =	ssyncset.done $0x0  }
0xa4: {  	[sflag:s23] =	ssyncadd.s32 $0xFFFFFFFF  }
0xa5: {  	s4 =	sld [smem:$0x0]  }
0xa6: {  	s5 =	sand.u32 $0xFFFFFFFE, s1  }
0xa7: {  	p0 =	sne.s32 s1, s5  }
0xa8: {  	s5 =	sshll.u32 @p0 s5, $0xE  }
0xa9: {  	s5 =	sadd.s32 @p0 $0x11B8D, s5;
	s6 =	sshll.u32 @p0 s4, $0x11  }
0xaa: {  	s5 =	sor.u32 @p0 s6, s5  }
0xab: {  	[sflag:s5] =	ssyncadd.remote.s32 @p0 $0x1;
	_ =	sdelay $0x1  }
0xac: {  	s5 =	simm.s32 @p0 $0x1B8D  }
0xad: {  	_ =	swait.eq @p0 [sflag:s5], $0x1  }
0xae: {  	[sflag:s5] =	ssyncadd.s32 @p0 $0xFFFFFFFF  }
0xaf: {  	s6 =	sshll.u32 @!p0 s1, $0xE  }
0xb0: {  	s6 =	sor.u32 @!p0 $0x4000, s6;
	s5 =	simm.s32 @!p0 $0x1B8D  }
0xb1: {  	s4 =	sshll.u32 @!p0 s4, $0x11;
	s6 =	sadd.s32 @!p0 $0x11B8D, s6;
	_ =	swait.eq @!p0 [sflag:s5], $0x1  }
0xb2: {  	s4 =	sor.u32 @!p0 s4, s6;
	[sflag:s5] =	ssyncadd.s32 @!p0 $0xFFFFFFFF  }
0xb3: {  	s25 =	simm.s32 $0x1B8E;
	s24 =	sld [smem:$0x3FFE];
	[sflag:s4] =	ssyncadd.remote.s32 @!p0 $0x1  }
0xb4: {  	s26 =	simm.s32 $execute0_lowered;
	[smem:$0x3FD2] =	sst s25  }
0xb5: {  	s5 =	sshll.u32 s26, $0x1;
	_ =	strace $0x8000004C;
	[dreg:$0x1] =	wrdreg $0xFFFFFFFF  }
0xb6: {  	s28 =	simm.s32 $_size_execute0_lowered;
	s3 =	sadd.s32 s3, s5;
	[dreg:$0x0] =	wrdreg $0x0  }
0xb7: {  	s5 =	sshll.u32 s28, $0x1;
	[dreg:$0x2] =	wrdreg s3  }
0xb8: {  	[dreg:$0x3] =	wrdreg s5  }
0xb9: {  	[dreg:$0x4] =	wrdreg $0xC0  }
0xba: {  	_ =	task [dreg:s22], $0x5FFFF  }
0xbb: {  	[dreg:$0x1] =	wrdreg $0xFFFFFFFF  }
0xbc: {  	[dreg:$0x0] =	wrdreg $0x60  }
0xbd: {  	[dreg:$0x2] =	wrdreg s24  }
0xbe: {  	[dreg:$0x3] =	wrdreg $0x0  }
0xbf: {  	[dreg:$0x4] =	wrdreg $0x9  }
0xc0: {  	_ =	task.clear_ibuf [dreg:s22], $0x5FFFF;
	_ =	strace $0x9000004C  }
0xc1: {  	s29 =	simm.s32 $0x9;
	_ =	strace $0x8000004E  }
0xc2: {  	_ =	swait.ge [sflag:s29], $0x1  }
0xc3: {  	[sflag:s29] =	ssyncadd.s32 $0xFFFFFFFF  }
0xc4: {  	_ =	strace $0x9000004E  }
0xc5: {  	_ =	sfence  }
0xc6: {  	s30 =	sld [smem:$0x0];
	_ =	sdelay $0x2  }
0xc7: {  	s31 =	sshll.u32 s1, $0xD;
	s1 =	sshrl.u32 s1, $0x2  }
0xc8: {  	s4 =	sand.u32 $0x4000, s31;
	s1 =	sadd.s32 s1, s30  }
0xc9: {  	s0 =	sor.u32 s4, s0;
	s1 =	sshll.u32 s1, $0x11  }
0xca: {  	s0 =	sor.u32 s1, s0  }
0xcb: {  	s0 =	sadd.s32 $0x8F2B, s0  }
0xcc: {  	[sflag:s0] =	ssyncadd.remote.s32 $0x1  }
0xcd: {  	_ =	sfence.sel $0xFFFF  }
0xce: {  	[dreg:$0x0] =	wrdreg $0xFFFFFFFF;
	(pc) =	sbr.abs _section_cstart, $3  }
0xcf: {  	[dreg:$0x1] =	wrdreg $0xFFFFFFFF  }
0xd0: {  	_ =	task.clear_ibuf [dreg:s22], $0x2FFFF;
	_ =	strace $0x9FFFFFFF  }
0xd1: {  	(tm) =	ssettm $0x7FFFFFFF  }
tec
execute0_lowered:
.L_overlay_start_1:
0x0: {  	(tag) =	ssettag $0x1  }
0x1: {  	s0 =	srdreg.scid;
	s6 =	rddreg [dreg:$0x0]  }
0x2: {  	s2 =	rddreg [dreg:$0x1];
	s7 =	sand.u32 $0x1, s0  }
0x3: {  	s0 =	stileid.u32;
	s4 =	smul.u32 $0xC4000, s7  }
0x4: {  	s1 =	rddreg [dreg:$0x2];
	s3 =	simm.s32 $0x0;
	s5 =	smul.u32 $0xC400, s0  }
0x5: {  	s15 =	simm.s32 $0x200;
	s16 =	simm.s32 $0x18C00;
	s8 =	smul.u32 $0x1880, s0  }
0x6: {  	s17 =	simm.s32 $0x1;
	[smem:$0x7FF] =	sst s3;
	s28 =	smul.u32 $0x3100, s0  }
0x7: {  	s18 =	simm.s32 $0x0;
	s10 =	smul.u32 $0x31000, s7;
	_ =	strace $0x8000004D  }
0x8: {  	s30 =	smul.u32 $0x62000, s0;
	s31 =	ssub.s32 $0x2, s7;
	s12 =	sshll.u32 s0, $0x6  }
0x9: {  	s7 =	sshrl.u32 s31, $0x1;
	s4 =	sadd.s32 s4, s5;
	s11 =	sadd.s32 s8, s6  }
0xa: {  	s29 =	sadd.s32 s28, s10;
	s5 =	sadd.s32 $0x9000, s6;
	s10 =	sshrl.u32 s30, $0x2  }
0xb: {  	s13 =	ssub.s32 s31, s7;
	s9 =	sshrl.u32 s4, $0x3;
	s4 =	sadd.s32 $0x6D2000, s6  }
0xc: {  	s8 =	sadd.s32 s29, s6;
	s14 =	sadd.s32 s10, s2;
	s10 =	sadd.s32 $0xC200, s11  }
0xd: {  	s9 =	sadd.s32 s9, s6;
	s6 =	sor.u32 $0x1C02, s12;
	s7 =	sadd.s32 $0x54B600, s8  }
0xe: {  	s8 =	smax.u32 s13, $0x1;
	s11 =	sshrl.u32 s14, $0x3;
	s12 =	simm.s32 $0x2  }
0xf: {  	s13 =	simm.s32 $0x18800;
	s14 =	simm.s32 $0x18A00;
	s9 =	sadd.s32 $0x6E000, s9  }
.LBB2_1:
0x10: {  	[spmem:s11], [sflag:s6] =	dma.local [hbm:s5], $0x3100  }
0x11: {  	_ =	swait.ge [sflag:s12], $0x3100  }
0x12: {  	[sflag:s12] =	ssyncset.done $0x0  }
0x13: {  	[sflag:s12] =	ssyncadd.s32 $0xFFFFCF00  }
0x14: {  	s19 =	sadd.s32 $0x0, s9;
	[bflag:$0x0] =	sbarrier.arrive $0xFFFF  }
0x15: {  	[tilespmem:s13], [sflag:$0x2] =	stream.linear.gather [hbm4b:s19+s3], $0x200, $0x38;
	[tilespmem:$0x1CC00] =	vst v63  }
0x16: {  	_ =	swait.ge [sflag:s12], $0x200  }
0x17: {  	[sflag:s12] =	ssyncset.done $0x0  }
0x18: {  	s31 =	sadd.s32 $0x0, s10;
	[sflag:s12] =	ssyncadd.s32 $0xFFFFFE00  }
0x19: {  	[tilespmem:s14], [sflag:$0x2] =	stream.linear.gather [hbm4b:s31+s3], $0x200, $0x38;
	[tilespmem:$0x1CC00] =	vst v63  }
0x1a: {  	_ =	swait.ge [sflag:s12], $0x200  }
0x1b: {  	[sflag:s12] =	ssyncset.done $0x0  }
0x1c: {  	[sflag:s12] =	ssyncadd.s32 $0xFFFFFE00  }
0x1d: {  	[tilespmem:s16], [sflag:$0x1] =	stream.indirect.gather [hbm4b:s4+s15], $0x20, s13, s15, $0xb8;
	[tilespmem:$0x1CC00] =	vst v63  }
0x1e: {  	_ =	swait.ge [sflag:s17], $0x4000  }
0x1f: {  	[sflag:s17] =	ssyncset.done $0x0  }
0x20: {  	[sflag:s17] =	ssyncadd.s32 $0xFFFFC000  }
0x21: {  	[spmem:s2] =	stream.indirect.scatter.add.f32 [tilespmem:s16], [sflag:$0x2], $0x20, s14, s15, $0xb8;
	[tilespmem:$0x1CC00] =	vst v63  }
0x22: {  	_ =	swait.ge [sflag:s12], $0x4000  }
0x23: {  	s20 =	simm.s32 $0x80;
	s19 =	simm.s32 $0x40;
	[sflag:s12] =	ssyncset.done $0x0  }
.LBB2_2:
0x24: {  	s21 =	sadd.s32 s19, s9  }
0x25: {  	[sflag:s12] =	ssyncadd.s32 $0xFFFFC000;
	s22 =	smov.u32 s20;
	s23 =	sadd.s32 $0x40, s20  }
0x26: {  	[tilespmem:s13], [sflag:$0x2] =	stream.linear.gather [hbm4b:s21+s3], $0x200, $0x38;
	[tilespmem:$0x1CC00] =	vst v63  }
0x27: {  	p0 =	sne.s32 s20, $0x1840;
	_ =	swait.ge [sflag:s12], $0x200  }
0x28: {  	[sflag:s12] =	ssyncset.done $0x0  }
0x29: {  	s20 =	sadd.s32 s19, s10;
	s19 =	smov.u32 s22;
	[sflag:s12] =	ssyncadd.s32 $0xFFFFFE00  }
0x2a: {  	[tilespmem:s14], [sflag:$0x2] =	stream.linear.gather [hbm4b:s20+s3], $0x200, $0x38;
	[tilespmem:$0x1CC00] =	vst v63  }
0x2b: {  	_ =	swait.ge [sflag:s12], $0x200  }
0x2c: {  	[sflag:s12] =	ssyncset.done $0x0  }
0x2d: {  	[sflag:s12] =	ssyncadd.s32 $0xFFFFFE00  }
0x2e: {  	[tilespmem:s16], [sflag:$0x1] =	stream.indirect.gather [hbm4b:s4+s15], $0x20, s13, s15, $0xb8;
	[tilespmem:$0x1CC00] =	vst v63  }
0x2f: {  	_ =	swait.ge [sflag:s17], $0x4000  }
.Ltmp0:
0x30: {  	[sflag:s17] =	ssyncset.done $0x0;
	(pc) =	sbr.rel @p0 .LBB2_2-.Ltmp0, $4  }
0x31: {  	[sflag:s17] =	ssyncadd.s32 $0xFFFFC000  }
0x32: {  	[spmem:s2] =	stream.indirect.scatter.add.f32 [tilespmem:s16], [sflag:$0x2], $0x20, s14, s15, $0xb8;
	[tilespmem:$0x1CC00] =	vst v63  }
0x33: {  	_ =	swait.ge [sflag:s12], $0x4000  }
0x34: {  	s20 =	smov.u32 s23;
	[sflag:s12] =	ssyncset.done $0x0  }
0x35: {  	s20 =	sadd.s32 s19, s9;
	[sflag:s12] =	ssyncadd.s32 $0xFFFFC000  }
0x36: {  	[tilespmem:s13], [sflag:$0x2] =	stream.linear.gather [hbm4b:s20+s3], $0x200, $0x38;
	[tilespmem:$0x1CC00] =	vst v63  }
0x37: {  	_ =	swait.ge [sflag:s12], $0x200  }
0x38: {  	[sflag:s12] =	ssyncset.done $0x0  }
0x39: {  	s31 =	sadd.s32 s19, s10;
	[sflag:s12] =	ssyncadd.s32 $0xFFFFFE00  }
0x3a: {  	[tilespmem:s14], [sflag:$0x2] =	stream.linear.gather [hbm4b:s31+s3], $0x200, $0x38;
	[tilespmem:$0x1CC00] =	vst v63  }
0x3b: {  	_ =	swait.ge [sflag:s12], $0x200  }
0x3c: {  	[sflag:s12] =	ssyncset.done $0x0  }
0x3d: {  	[sflag:s12] =	ssyncadd.s32 $0xFFFFFE00  }
0x3e: {  	[tilespmem:s16], [sflag:$0x1] =	stream.indirect.gather [hbm4b:s4+s15], $0x20, s13, s15, $0xb8;
	[tilespmem:$0x1CC00] =	vst v63  }
0x3f: {  	_ =	swait.ge [sflag:s17], $0x4000  }
0x40: {  	[sflag:s17] =	ssyncset.done $0x0  }
0x41: {  	[sflag:s17] =	ssyncadd.s32 $0xFFFFC000  }
0x42: {  	[spmem:s2] =	stream.indirect.scatter.add.f32 [tilespmem:s16], [sflag:$0x2], $0x20, s14, s15, $0xb8;
	[tilespmem:$0x1CC00] =	vst v63  }
0x43: {  	_ =	swait.ge [sflag:s12], $0x4000  }
0x44: {  	s18 =	sadd.s32 $0x1, s18;
	[sflag:s12] =	ssyncset.done $0x0  }
0x45: {  	p0 =	sne.s32 s18, s8;
	[sflag:s12] =	ssyncadd.s32 $0xFFFFC000  }
.Ltmp1:
0x46: {  	[bflag:$0x0] =	sbarrier.arrive $0xFFFF;
	(pc) =	sbr.rel @p0 .LBB2_1-.Ltmp1, $4  }
0x47: {  	[hbm:s7], [sflag:s6] =	dma.local [spmem:s11], $0x3100  }
0x48: {  	_ =	swait.ge [sflag:s12], $0x3100  }
0x49: {  	[sflag:s12] =	ssyncset.done $0x0  }
0x4a: {  	[sflag:s12] =	ssyncadd.s32 $0xFFFFCF00  }
0x4b: {  	_ =	sfence.sel $0x180000  }
0x4c: {  	[bflag:$0x0] =	sbarrier.arrive $0xFFFF  }
0x4d: {  	p0 =	sne.s32 s0, $0x0;
	_ =	strace $0x9000004D  }
0x4e: {  	s0 =	sadd.s32 @!p0 $0x100000, s1;
	[bflag:$0x2] =	sbarrier.arrive $0xFFFF  }
0x4f: {  	[sflag:s0] =	ssyncadd.tile.s32 @!p0 $0x1;
	_ =	shalt  }
.Lfunc_end2:
_tile_overlayer_lowered:
.L_overlay_start_2:
0x50: {  	(tag) =	ssettag $0x2  }
0x51: {  	s0 =	rddreg [dreg:$0x0];
	s2 =	stileid.u32  }
0x52: {  	s1 =	rddreg [dreg:$0x1];
	p0 =	sne.s32 s2, $0x0  }
0x53: {  	s3 =	rddreg [dreg:$0x2];
	[bflag:$0x3] =	sbarrier.arrive $0xFFFF;
	s2 =	simm.s32 @!p0 $0x1C02  }
0x54: {  	[timem:s3], [sflag:s2] =	dma.local @!p0 [hbm:s0], s1  }
0x55: {  	s0 =	simm.s32 @!p0 $0x2  }
0x56: {  	_ =	swait.ge @!p0 [sflag:s0], s1  }
0x57: {  	s1 =	ssub.s32 @!p0 $0x0, s1;
	[sflag:s0] =	ssyncset.done @!p0 $0x0  }
0x58: {  	[sflag:s0] =	ssyncadd.s32 @!p0 s1  }
0x59: {  	[bflag:$0x3] =	sbarrier.arrive $0xFFFF  }
0x5a: {  	_ =	shalt  }

// kernel: kernel.36.cloned.1.call-start
scs
__scs_entry_jumppad:
0x0: {  	(pc) =	sbr.rel $0x88, $3  }
0x1: {  	(tag) =	ssettag $0x0;
	lr =	simm.s32 $0x1  }
0x2: {  	[smem:$0x3F68] =	sst lr;
	_ =	strace $0xD0000000  }
0x3: {  	_ = 	snop  }
0x4: {  	_ = 	snop  }
0x5: {  	_ = 	snop  }
0x6: {  	_ = 	snop  }
0x7: {  	_ = 	snop  }
__scs_overlays_trampoline_lowered:
0x8: {  	[smem:$0x3F77] =	sst s0  }
0x9: {  	[smem:$0x3F78] =	sst s1  }
0xa: {  	[smem:$0x3F79] =	sst s2  }
0xb: {  	[smem:$0x3F7A] =	sst s3  }
0xc: {  	[smem:$0x3F7B] =	sst s4  }
0xd: {  	[smem:$0x3F7C] =	sst s5  }
0xe: {  	[smem:$0x3F7D] =	sst s6  }
0xf: {  	[smem:$0x3F7E] =	sst s7  }
0x10: {  	[smem:$0x3F7F] =	sst s8  }
0x11: {  	[smem:$0x3F80] =	sst s9;
	s0 =	simm.s32 @!p0 $0x0  }
0x12: {  	s1 =	sld [smem:$0x3F66];
	s0 =	simm.s32 @p0 $0x1  }
0x13: {  	[smem:$0x3F81] =	sst s0;
	s0 =	simm.s32 @!p1 $0x0  }
0x14: {  	s2 =	sld [smem:$0x3F65];
	s0 =	simm.s32 @p1 $0x1  }
0x15: {  	[smem:$0x3F82] =	sst s0;
	s0 =	simm.s32 @!p2 $0x0  }
0x16: {  	s3 =	sld [smem:$0x3FDB];
	s0 =	simm.s32 @p2 $0x1  }
0x17: {  	s4 =	simm.s32 $0x1BF5;
	[smem:$0x3F84] =	sst s0  }
0x18: {  	s0 =	sld [smem:$0x3F67];
	_ =	swait.ge [sflag:s4], $0x0  }
0x19: {  	s7 =	sld [smem:$0x3F68]  }
0x1a: {  	s8 =	sadd.s32 $0xFFFFE003, lr  }
0x1b: {  	s9 =	sadd.s32 $0xFFFFFEF7, lr;
	s5 =	simm.s32 $0xFFFFFFFF;
	p2 =	slt.u32 s8, $0xFFFFF086  }
0x1c: {  	p1 =	slt.u32 s9, $0xF7A;
	s5 =	simm.s32 @!p2 $0x0  }
0x1d: {  	s5 =	simm.s32 @p1 $0x1;
	p0 =	seq.s32 s7, s2  }
0x1e: {  	s7 =	smul.u32 @!p0 $0xF7A, s2;
	p2 =	seq.s32 @!p0 s5, $0x0  }
0x1f: {  	s9 =	smul.u32 $0xF7A, s1;
	s8 =	simm.s32 @!p0 $0x1BF5;
	p2 =	por !p2, p0  }
0x20: {  	[sflag:s8] =	ssyncset.s32 @!p0 $0xFFFFF086;
	s6 =	sadd.s32 @!p0 s3, s7;
	s7 =	simm.s32 @!p0 $0x108  }
0x21: {  	s3 =	sadd.s32 s3, s9;
	s6 =	sadd.s32 @!p0 $0x88, s6;
	s7 =	simm.s32 @p2 $0x1082  }
0x22: {  	[simem:s7], [sflag:s8] =	dma.local @!p0 [hbm:s6], $0xF7A  }
0x23: {  	s9 =	sor.u32 $0xD0000000, s2;
	s6 =	simm.s32 $0x108;
	_ =	swait.ge @!p0 [sflag:s8], $0x0  }
0x24: {  	s3 =	sadd.s32 $0x88, s3;
	s6 =	simm.s32 @!p1 $0x1082;
	[sflag:s4] =	ssyncset.s32 $0xFFFFF086  }
0x25: {  	[simem:s6], [sflag:s4] =	dma.local [hbm:s3], $0xF7A  }
0x26: {  	[smem:$0x3F68] =	sst s1;
	(tag) =	ssettag s2;
	_ =	strace s9  }
0x27: {  	s1 =	sld [smem:$0x3F78]  }
0x28: {  	s2 =	sld [smem:$0x3F79]  }
0x29: {  	s4 =	sld [smem:$0x3F7B]  }
0x2a: {  	p0 =	seq.s32 s5, $0x0;
	s5 =	sld [smem:$0x3F7C]  }
0x2b: {  	s6 =	sld [smem:$0x3F7D]  }
0x2c: {  	s7 =	sld [smem:$0x3F7E]  }
0x2d: {  	s3 =	simm.s32 $0x108;
	s8 =	sld [smem:$0x3F7F]  }
0x2e: {  	s3 =	simm.s32 @!p0 $0x1082;
	s9 =	sld [smem:$0x3F80]  }
0x2f: {  	lr =	sadd.s32 s0, s3;
	s0 =	sld [smem:$0x3F77]  }
0x30: {  	s3 =	sld [smem:$0x3F7A]  }
0x31: {  	[smem:$0x3F83] =	sst s10  }
0x32: {  	s10 =	sld [smem:$0x3F81];
	_ =	sdelay $0x3  }
0x33: {  	p0 =	seq.s32 s10, $0x1;
	s10 =	sld [smem:$0x3F83];
	_ =	sdelay $0x3  }
0x34: {  	[smem:$0x3F83] =	sst s10  }
0x35: {  	s10 =	sld [smem:$0x3F82];
	_ =	sdelay $0x3  }
0x36: {  	p1 =	seq.s32 s10, $0x1;
	s10 =	sld [smem:$0x3F83];
	_ =	sdelay $0x3  }
0x37: {  	[smem:$0x3F83] =	sst s10  }
0x38: {  	s10 =	sld [smem:$0x3F84]  }
0x39: {  	_ = 	snop;
	(pc) =	sbr.ind lr, $3  }
0x3a: {  	_ = 	snop  }
0x3b: {  	_ = 	snop  }
0x3c: {  	p2 =	seq.s32 s10, $0x1;
	s10 =	sld [smem:$0x3F83]  }
0x3d: {  	_ =	shalt  }
0x3e: {  	_ =	shalt  }
0x3f: {  	_ =	shalt  }
0x40: {  	_ =	shalt  }
0x41: {  	_ =	shalt  }
0x42: {  	_ =	shalt  }
0x43: {  	_ =	shalt  }
0x44: {  	_ =	shalt  }
0x45: {  	_ =	shalt  }
0x46: {  	_ =	shalt  }
0x47: {  	_ =	shalt  }
0x48: {  	_ =	shalt  }
0x49: {  	_ =	shalt  }
0x4a: {  	_ =	shalt  }
0x4b: {  	_ =	shalt  }
0x4c: {  	_ =	shalt  }
0x4d: {  	_ =	shalt  }
0x4e: {  	_ =	shalt  }
0x4f: {  	_ =	shalt  }
0x50: {  	_ =	shalt  }
0x51: {  	_ =	shalt  }
0x52: {  	_ =	shalt  }
0x53: {  	_ =	shalt  }
0x54: {  	_ =	shalt  }
0x55: {  	_ =	shalt  }
0x56: {  	_ =	shalt  }
0x57: {  	_ =	shalt  }
0x58: {  	_ =	shalt  }
0x59: {  	_ =	shalt  }
0x5a: {  	_ =	shalt  }
0x5b: {  	_ =	shalt  }
0x5c: {  	_ =	shalt  }
0x5d: {  	_ =	shalt  }
0x5e: {  	_ =	shalt  }
0x5f: {  	_ =	shalt  }
0x60: {  	_ =	shalt  }
0x61: {  	_ =	shalt  }
0x62: {  	_ =	shalt  }
0x63: {  	_ =	shalt  }
0x64: {  	_ =	shalt  }
0x65: {  	_ =	shalt  }
0x66: {  	_ =	shalt  }
0x67: {  	_ =	shalt  }
0x68: {  	_ =	shalt  }
0x69: {  	_ =	shalt  }
0x6a: {  	_ =	shalt  }
0x6b: {  	_ =	shalt  }
0x6c: {  	_ =	shalt  }
0x6d: {  	_ =	shalt  }
0x6e: {  	_ =	shalt  }
0x6f: {  	_ =	shalt  }
0x70: {  	_ =	shalt  }
0x71: {  	_ =	shalt  }
0x72: {  	_ =	shalt  }
0x73: {  	_ =	shalt  }
0x74: {  	_ =	shalt  }
0x75: {  	_ =	shalt  }
0x76: {  	_ =	shalt  }
0x77: {  	_ =	shalt  }
0x78: {  	_ =	shalt  }
0x79: {  	_ =	shalt  }
0x7a: {  	_ =	shalt  }
0x7b: {  	_ =	shalt  }
0x7c: {  	_ =	shalt  }
0x7d: {  	_ =	shalt  }
0x7e: {  	_ =	shalt  }
0x7f: {  	_ =	shalt  }
0x80: {  	_ =	shalt  }
0x81: {  	_ =	shalt  }
0x82: {  	_ =	shalt  }
0x83: {  	_ =	shalt  }
0x84: {  	_ =	shalt  }
0x85: {  	_ =	shalt  }
0x86: {  	_ =	shalt  }
0x87: {  	_ =	shalt  }
.Lfunc_end0:
.L_simem_size_0:
called_computation.2_lowered:
.L_overlay_start_0:
0x88: {  	s2 =	sld [smem:$0x3FD9]  }
0x89: {  	s3 =	sld [smem:$0x3FFE];
	_ =	sdelay $0x1  }
0x8a: {  	s1 =	srdreg.scid  }
0x8b: {  	s0 =	sand.u32 $0x1, s1  }
0x8c: {  	s16 =	sshll.u32 s0, $0xA;
	s2 =	sadd.s32 s3, s2  }
0x8d: {  	s2 =	sadd.s32 s2, s16  }
0x8e: {  	[smem:$0x3F8F] =	sst s2  }
0x8f: {  	_ = 	snop  }
0x90: {  	(tm) =	ssettm $0x1  }
0x91: {  	s17 =	sld [smem:$0x3FFB];
	_ =	sdelay $0x3  }
0x92: {  	_ =	strace s17  }
0x93: {  	s2 =	sld [smem:$0x3FFC];
	_ =	sdelay $0x3  }
0x94: {  	_ =	strace s2  }
0x95: {  	s2 =	sld [smem:$0x3FFD];
	_ =	sdelay $0x3  }
0x96: {  	_ =	strace s2  }
0x97: {  	_ =	strace $0x8FFFFFFF  }
0x98: {  	s18 =	sld [smem:$0x3FDB];
	_ =	sdelay $0x1  }
0x99: {  	s19 =	simm.s32 $_scs_section_size  }
0x9a: {  	s4 =	simm.s32 $_size__tile_overlayer_lowered;
	s5 =	simm.s32 $_tile_overlayer_lowered  }
0x9b: {  	s22 =	simm.s32 $0x1BFF;
	s21 =	sshll.u32 s5, $0x1;
	s2 =	sadd.s32 s19, s18  }
0x9c: {  	s6 =	simm.s32 $0x0;
	s20 =	sshll.u32 s4, $0x1;
	s4 =	sadd.s32 s21, s2  }
0x9d: {  	[timem:s6], [sflag:s22] =	dma.local [hbm:s4], s20  }
0x9e: {  	_ =	swait.ge [sflag:s22], s20  }
0x9f: {  	s3 =	ssub.s32 $0x0, s20;
	[sflag:s22] =	ssyncset.done $0x0  }
0xa0: {  	[sflag:s22] =	ssyncadd.s32 s3;
	_ =	sdelay $0x1  }
0xa1: {  	s23 =	simm.s32 $0x1B8B  }
0xa2: {  	_ =	swait.ge [sflag:s23], $0x1  }
0xa3: {  	[sflag:s23] =	ssyncset.done $0x0  }
0xa4: {  	s25 =	simm.s32 $0x1B8E;
	s24 =	sld [smem:$0x3FFE];
	[sflag:s23] =	ssyncadd.s32 $0xFFFFFFFF  }
0xa5: {  	s26 =	simm.s32 $execute0_lowered;
	[smem:$0x3FD2] =	sst s25  }
0xa6: {  	s4 =	sshll.u32 s26, $0x1;
	_ =	strace $0x80000049;
	[dreg:$0x1] =	wrdreg $0xFFFFFFFF  }
0xa7: {  	s28 =	simm.s32 $_size_execute0_lowered;
	s2 =	sadd.s32 s2, s4;
	[dreg:$0x0] =	wrdreg $0x0  }
0xa8: {  	s4 =	sshll.u32 s28, $0x1;
	[dreg:$0x2] =	wrdreg s2  }
0xa9: {  	[dreg:$0x3] =	wrdreg s4  }
0xaa: {  	[dreg:$0x4] =	wrdreg $0xC0  }
0xab: {  	_ =	task [dreg:s6], $0x5FFFF  }
0xac: {  	[dreg:$0x1] =	wrdreg $0xFFFFFFFF  }
0xad: {  	[dreg:$0x0] =	wrdreg $0x60  }
0xae: {  	[dreg:$0x2] =	wrdreg s24  }
0xaf: {  	[dreg:$0x3] =	wrdreg $0x0  }
0xb0: {  	[dreg:$0x4] =	wrdreg $0xA  }
0xb1: {  	_ =	task.clear_ibuf [dreg:s6], $0x5FFFF;
	_ =	strace $0x90000049  }
0xb2: {  	s29 =	simm.s32 $0xA;
	_ =	strace $0x8000004B  }
0xb3: {  	_ =	swait.ge [sflag:s29], $0x1  }
0xb4: {  	[sflag:s29] =	ssyncadd.s32 $0xFFFFFFFF  }
0xb5: {  	_ =	strace $0x9000004B  }
0xb6: {  	_ =	sfence  }
0xb7: {  	s30 =	sld [smem:$0x0];
	_ =	sdelay $0x2  }
0xb8: {  	s31 =	sshll.u32 s1, $0xD;
	s1 =	sshrl.u32 s1, $0x2  }
0xb9: {  	s3 =	sand.u32 $0x4000, s31;
	s1 =	sadd.s32 s1, s30  }
0xba: {  	s0 =	sor.u32 s3, s0;
	s1 =	sshll.u32 s1, $0x11  }
0xbb: {  	s0 =	sor.u32 s1, s0  }
0xbc: {  	s0 =	sadd.s32 $0x8F2B, s0  }
0xbd: {  	[sflag:s0] =	ssyncadd.remote.s32 $0x1  }
0xbe: {  	_ =	sfence.sel $0xFFFF  }
0xbf: {  	[dreg:$0x0] =	wrdreg $0xFFFFFFFF;
	(pc) =	sbr.abs _section_cstart, $3  }
0xc0: {  	[dreg:$0x1] =	wrdreg $0xFFFFFFFF  }
0xc1: {  	_ =	task.clear_ibuf [dreg:s6], $0x2FFFF;
	_ =	strace $0x9FFFFFFF  }
0xc2: {  	(tm) =	ssettm $0x7FFFFFFF  }
0xc3: {  	_ =	shalt  }
tec
execute0_lowered:
.L_overlay_start_1:
0x0: {  	(tag) =	ssettag $0x1  }
0x1: {  	s0 =	srdreg.scid;
	s6 =	rddreg [dreg:$0x0]  }
0x2: {  	s2 =	rddreg [dreg:$0x1];
	s7 =	sand.u32 $0x1, s0  }
0x3: {  	s0 =	stileid.u32;
	s4 =	smul.u32 $0xC4000, s7  }
0x4: {  	s1 =	rddreg [dreg:$0x2];
	s3 =	simm.s32 $0x0;
	s5 =	smul.u32 $0xC400, s0  }
0x5: {  	s15 =	simm.s32 $0x200;
	s16 =	simm.s32 $0x18C00;
	s8 =	smul.u32 $0x1880, s0  }
0x6: {  	s17 =	simm.s32 $0x1;
	[smem:$0x7FF] =	sst s3;
	s28 =	smul.u32 $0x3100, s0  }
0x7: {  	s18 =	simm.s32 $0x0;
	s10 =	smul.u32 $0x31000, s7;
	_ =	strace $0x8000004A  }
0x8: {  	s30 =	smul.u32 $0x62000, s0;
	s31 =	ssub.s32 $0x2, s7;
	s12 =	sshll.u32 s0, $0x6  }
0x9: {  	s7 =	sshrl.u32 s31, $0x1;
	s4 =	sadd.s32 s4, s5;
	s11 =	sadd.s32 s8, s6  }
0xa: {  	s29 =	sadd.s32 s28, s10;
	s5 =	sadd.s32 $0x9000, s6;
	s10 =	sshrl.u32 s30, $0x2  }
0xb: {  	s13 =	ssub.s32 s31, s7;
	s9 =	sshrl.u32 s4, $0x3;
	s4 =	sadd.s32 $0x4E9A00, s6  }
0xc: {  	s8 =	sadd.s32 s29, s6;
	s14 =	sadd.s32 s10, s2;
	s10 =	sadd.s32 $0x1C3C00, s11  }
0xd: {  	s9 =	sadd.s32 s9, s6;
	s6 =	sor.u32 $0x1C02, s12;
	s7 =	sadd.s32 $0x363000, s8  }
0xe: {  	s8 =	smax.u32 s13, $0x1;
	s11 =	sshrl.u32 s14, $0x3;
	s12 =	simm.s32 $0x2  }
0xf: {  	s13 =	simm.s32 $0x18800;
	s14 =	simm.s32 $0x18A00;
	s9 =	sadd.s32 $0x3D000, s9  }
.LBB2_1:
0x10: {  	[spmem:s11], [sflag:s6] =	dma.local [hbm:s5], $0x3100  }
0x11: {  	_ =	swait.ge [sflag:s12], $0x3100  }
0x12: {  	[sflag:s12] =	ssyncset.done $0x0  }
0x13: {  	[sflag:s12] =	ssyncadd.s32 $0xFFFFCF00  }
0x14: {  	s19 =	sadd.s32 $0x0, s9;
	[bflag:$0x0] =	sbarrier.arrive $0xFFFF  }
0x15: {  	[tilespmem:s13], [sflag:$0x2] =	stream.linear.gather [hbm4b:s19+s3], $0x200, $0x38;
	[tilespmem:$0x1CC00] =	vst v63  }
0x16: {  	_ =	swait.ge [sflag:s12], $0x200  }
0x17: {  	[sflag:s12] =	ssyncset.done $0x0  }
0x18: {  	s31 =	sadd.s32 $0x0, s10;
	[sflag:s12] =	ssyncadd.s32 $0xFFFFFE00  }
0x19: {  	[tilespmem:s14], [sflag:$0x2] =	stream.linear.gather [hbm4b:s31+s3], $0x200, $0x38;
	[tilespmem:$0x1CC00] =	vst v63  }
0x1a: {  	_ =	swait.ge [sflag:s12], $0x200  }
0x1b: {  	[sflag:s12] =	ssyncset.done $0x0  }
0x1c: {  	[sflag:s12] =	ssyncadd.s32 $0xFFFFFE00  }
0x1d: {  	[tilespmem:s16], [sflag:$0x1] =	stream.indirect.gather [hbm4b:s4+s15], $0x20, s13, s15, $0xb8;
	[tilespmem:$0x1CC00] =	vst v63  }
0x1e: {  	_ =	swait.ge [sflag:s17], $0x4000  }
0x1f: {  	[sflag:s17] =	ssyncset.done $0x0  }
0x20: {  	[sflag:s17] =	ssyncadd.s32 $0xFFFFC000  }
0x21: {  	[spmem:s2] =	stream.indirect.scatter.add.f32 [tilespmem:s16], [sflag:$0x2], $0x20, s14, s15, $0xb8;
	[tilespmem:$0x1CC00] =	vst v63  }
0x22: {  	_ =	swait.ge [sflag:s12], $0x4000  }
0x23: {  	s20 =	simm.s32 $0x80;
	s19 =	simm.s32 $0x40;
	[sflag:s12] =	ssyncset.done $0x0  }
.LBB2_2:
0x24: {  	s21 =	sadd.s32 s19, s9  }
0x25: {  	[sflag:s12] =	ssyncadd.s32 $0xFFFFC000;
	s22 =	smov.u32 s20;
	s23 =	sadd.s32 $0x40, s20  }
0x26: {  	[tilespmem:s13], [sflag:$0x2] =	stream.linear.gather [hbm4b:s21+s3], $0x200, $0x38;
	[tilespmem:$0x1CC00] =	vst v63  }
0x27: {  	p0 =	sne.s32 s20, $0x1840;
	_ =	swait.ge [sflag:s12], $0x200  }
0x28: {  	[sflag:s12] =	ssyncset.done $0x0  }
0x29: {  	s20 =	sadd.s32 s19, s10;
	s19 =	smov.u32 s22;
	[sflag:s12] =	ssyncadd.s32 $0xFFFFFE00  }
0x2a: {  	[tilespmem:s14], [sflag:$0x2] =	stream.linear.gather [hbm4b:s20+s3], $0x200, $0x38;
	[tilespmem:$0x1CC00] =	vst v63  }
0x2b: {  	_ =	swait.ge [sflag:s12], $0x200  }
0x2c: {  	[sflag:s12] =	ssyncset.done $0x0  }
0x2d: {  	[sflag:s12] =	ssyncadd.s32 $0xFFFFFE00  }
0x2e: {  	[tilespmem:s16], [sflag:$0x1] =	stream.indirect.gather [hbm4b:s4+s15], $0x20, s13, s15, $0xb8;
	[tilespmem:$0x1CC00] =	vst v63  }
0x2f: {  	_ =	swait.ge [sflag:s17], $0x4000  }
.Ltmp0:
0x30: {  	[sflag:s17] =	ssyncset.done $0x0;
	(pc) =	sbr.rel @p0 .LBB2_2-.Ltmp0, $4  }
0x31: {  	[sflag:s17] =	ssyncadd.s32 $0xFFFFC000  }
0x32: {  	[spmem:s2] =	stream.indirect.scatter.add.f32 [tilespmem:s16], [sflag:$0x2], $0x20, s14, s15, $0xb8;
	[tilespmem:$0x1CC00] =	vst v63  }
0x33: {  	_ =	swait.ge [sflag:s12], $0x4000  }
0x34: {  	s20 =	smov.u32 s23;
	[sflag:s12] =	ssyncset.done $0x0  }
0x35: {  	s20 =	sadd.s32 s19, s9;
	[sflag:s12] =	ssyncadd.s32 $0xFFFFC000  }
0x36: {  	[tilespmem:s13], [sflag:$0x2] =	stream.linear.gather [hbm4b:s20+s3], $0x200, $0x38;
	[tilespmem:$0x1CC00] =	vst v63  }
0x37: {  	_ =	swait.ge [sflag:s12], $0x200  }
0x38: {  	[sflag:s12] =	ssyncset.done $0x0  }
0x39: {  	s31 =	sadd.s32 s19, s10;
	[sflag:s12] =	ssyncadd.s32 $0xFFFFFE00  }
0x3a: {  	[tilespmem:s14], [sflag:$0x2] =	stream.linear.gather [hbm4b:s31+s3], $0x200, $0x38;
	[tilespmem:$0x1CC00] =	vst v63  }
0x3b: {  	_ =	swait.ge [sflag:s12], $0x200  }
0x3c: {  	[sflag:s12] =	ssyncset.done $0x0  }
0x3d: {  	[sflag:s12] =	ssyncadd.s32 $0xFFFFFE00  }
0x3e: {  	[tilespmem:s16], [sflag:$0x1] =	stream.indirect.gather [hbm4b:s4+s15], $0x20, s13, s15, $0xb8;
	[tilespmem:$0x1CC00] =	vst v63  }
0x3f: {  	_ =	swait.ge [sflag:s17], $0x4000  }
0x40: {  	[sflag:s17] =	ssyncset.done $0x0  }
0x41: {  	[sflag:s17] =	ssyncadd.s32 $0xFFFFC000  }
0x42: {  	[spmem:s2] =	stream.indirect.scatter.add.f32 [tilespmem:s16], [sflag:$0x2], $0x20, s14, s15, $0xb8;
	[tilespmem:$0x1CC00] =	vst v63  }
0x43: {  	_ =	swait.ge [sflag:s12], $0x4000  }
0x44: {  	s18 =	sadd.s32 $0x1, s18;
	[sflag:s12] =	ssyncset.done $0x0  }
0x45: {  	p0 =	sne.s32 s18, s8;
	[sflag:s12] =	ssyncadd.s32 $0xFFFFC000  }
.Ltmp1:
0x46: {  	[bflag:$0x0] =	sbarrier.arrive $0xFFFF;
	(pc) =	sbr.rel @p0 .LBB2_1-.Ltmp1, $4  }
0x47: {  	[hbm:s7], [sflag:s6] =	dma.local [spmem:s11], $0x3100  }
0x48: {  	_ =	swait.ge [sflag:s12], $0x3100  }
0x49: {  	[sflag:s12] =	ssyncset.done $0x0  }
0x4a: {  	[sflag:s12] =	ssyncadd.s32 $0xFFFFCF00  }
0x4b: {  	_ =	sfence.sel $0x180000  }
0x4c: {  	[bflag:$0x0] =	sbarrier.arrive $0xFFFF  }
0x4d: {  	p0 =	sne.s32 s0, $0x0;
	_ =	strace $0x9000004A  }
0x4e: {  	s0 =	sadd.s32 @!p0 $0x100000, s1;
	[bflag:$0x2] =	sbarrier.arrive $0xFFFF  }
0x4f: {  	[sflag:s0] =	ssyncadd.tile.s32 @!p0 $0x1;
	_ =	shalt  }
.Lfunc_end2:
_tile_overlayer_lowered:
.L_overlay_start_2:
0x50: {  	(tag) =	ssettag $0x2  }
0x51: {  	s0 =	rddreg [dreg:$0x0];
	s2 =	stileid.u32  }
0x52: {  	s1 =	rddreg [dreg:$0x1];
	p0 =	sne.s32 s2, $0x0  }
0x53: {  	s3 =	rddreg [dreg:$0x2];
	[bflag:$0x3] =	sbarrier.arrive $0xFFFF;
	s2 =	simm.s32 @!p0 $0x1C02  }
0x54: {  	[timem:s3], [sflag:s2] =	dma.local @!p0 [hbm:s0], s1  }
0x55: {  	s0 =	simm.s32 @!p0 $0x2  }
0x56: {  	_ =	swait.ge @!p0 [sflag:s0], s1  }
0x57: {  	s1 =	ssub.s32 @!p0 $0x0, s1;
	[sflag:s0] =	ssyncset.done @!p0 $0x0  }
0x58: {  	[sflag:s0] =	ssyncadd.s32 @!p0 s1  }
0x59: {  	[bflag:$0x3] =	sbarrier.arrive $0xFFFF  }
0x5a: {  	_ =	shalt  }

// kernel: kernel.39.cloned.1.call-start
scs
__scs_entry_jumppad:
0x0: {  	(pc) =	sbr.rel $0x88, $3  }
0x1: {  	(tag) =	ssettag $0x0;
	lr =	simm.s32 $0x1  }
0x2: {  	[smem:$0x3F68] =	sst lr;
	_ =	strace $0xD0000000  }
0x3: {  	_ = 	snop  }
0x4: {  	_ = 	snop  }
0x5: {  	_ = 	snop  }
0x6: {  	_ = 	snop  }
0x7: {  	_ = 	snop  }
__scs_overlays_trampoline_lowered:
0x8: {  	[smem:$0x3F77] =	sst s0  }
0x9: {  	[smem:$0x3F78] =	sst s1  }
0xa: {  	[smem:$0x3F79] =	sst s2  }
0xb: {  	[smem:$0x3F7A] =	sst s3  }
0xc: {  	[smem:$0x3F7B] =	sst s4  }
0xd: {  	[smem:$0x3F7C] =	sst s5  }
0xe: {  	[smem:$0x3F7D] =	sst s6  }
0xf: {  	[smem:$0x3F7E] =	sst s7  }
0x10: {  	[smem:$0x3F7F] =	sst s8  }
0x11: {  	[smem:$0x3F80] =	sst s9;
	s0 =	simm.s32 @!p0 $0x0  }
0x12: {  	s1 =	sld [smem:$0x3F66];
	s0 =	simm.s32 @p0 $0x1  }
0x13: {  	[smem:$0x3F81] =	sst s0;
	s0 =	simm.s32 @!p1 $0x0  }
0x14: {  	s2 =	sld [smem:$0x3F65];
	s0 =	simm.s32 @p1 $0x1  }
0x15: {  	[smem:$0x3F82] =	sst s0;
	s0 =	simm.s32 @!p2 $0x0  }
0x16: {  	s3 =	sld [smem:$0x3FDB];
	s0 =	simm.s32 @p2 $0x1  }
0x17: {  	s4 =	simm.s32 $0x1BF5;
	[smem:$0x3F84] =	sst s0  }
0x18: {  	s0 =	sld [smem:$0x3F67];
	_ =	swait.ge [sflag:s4], $0x0  }
0x19: {  	s7 =	sld [smem:$0x3F68]  }
0x1a: {  	s8 =	sadd.s32 $0xFFFFE003, lr  }
0x1b: {  	s9 =	sadd.s32 $0xFFFFFEF7, lr;
	s5 =	simm.s32 $0xFFFFFFFF;
	p2 =	slt.u32 s8, $0xFFFFF086  }
0x1c: {  	p1 =	slt.u32 s9, $0xF7A;
	s5 =	simm.s32 @!p2 $0x0  }
0x1d: {  	s5 =	simm.s32 @p1 $0x1;
	p0 =	seq.s32 s7, s2  }
0x1e: {  	s7 =	smul.u32 @!p0 $0xF7A, s2;
	p2 =	seq.s32 @!p0 s5, $0x0  }
0x1f: {  	s9 =	smul.u32 $0xF7A, s1;
	s8 =	simm.s32 @!p0 $0x1BF5;
	p2 =	por !p2, p0  }
0x20: {  	[sflag:s8] =	ssyncset.s32 @!p0 $0xFFFFF086;
	s6 =	sadd.s32 @!p0 s3, s7;
	s7 =	simm.s32 @!p0 $0x108  }
0x21: {  	s3 =	sadd.s32 s3, s9;
	s6 =	sadd.s32 @!p0 $0x88, s6;
	s7 =	simm.s32 @p2 $0x1082  }
0x22: {  	[simem:s7], [sflag:s8] =	dma.local @!p0 [hbm:s6], $0xF7A  }
0x23: {  	s9 =	sor.u32 $0xD0000000, s2;
	s6 =	simm.s32 $0x108;
	_ =	swait.ge @!p0 [sflag:s8], $0x0  }
0x24: {  	s3 =	sadd.s32 $0x88, s3;
	s6 =	simm.s32 @!p1 $0x1082;
	[sflag:s4] =	ssyncset.s32 $0xFFFFF086  }
0x25: {  	[simem:s6], [sflag:s4] =	dma.local [hbm:s3], $0xF7A  }
0x26: {  	[smem:$0x3F68] =	sst s1;
	(tag) =	ssettag s2;
	_ =	strace s9  }
0x27: {  	s1 =	sld [smem:$0x3F78]  }
0x28: {  	s2 =	sld [smem:$0x3F79]  }
0x29: {  	s4 =	sld [smem:$0x3F7B]  }
0x2a: {  	p0 =	seq.s32 s5, $0x0;
	s5 =	sld [smem:$0x3F7C]  }
0x2b: {  	s6 =	sld [smem:$0x3F7D]  }
0x2c: {  	s7 =	sld [smem:$0x3F7E]  }
0x2d: {  	s3 =	simm.s32 $0x108;
	s8 =	sld [smem:$0x3F7F]  }
0x2e: {  	s3 =	simm.s32 @!p0 $0x1082;
	s9 =	sld [smem:$0x3F80]  }
0x2f: {  	lr =	sadd.s32 s0, s3;
	s0 =	sld [smem:$0x3F77]  }
0x30: {  	s3 =	sld [smem:$0x3F7A]  }
0x31: {  	[smem:$0x3F83] =	sst s10  }
0x32: {  	s10 =	sld [smem:$0x3F81];
	_ =	sdelay $0x3  }
0x33: {  	p0 =	seq.s32 s10, $0x1;
	s10 =	sld [smem:$0x3F83];
	_ =	sdelay $0x3  }
0x34: {  	[smem:$0x3F83] =	sst s10  }
0x35: {  	s10 =	sld [smem:$0x3F82];
	_ =	sdelay $0x3  }
0x36: {  	p1 =	seq.s32 s10, $0x1;
	s10 =	sld [smem:$0x3F83];
	_ =	sdelay $0x3  }
0x37: {  	[smem:$0x3F83] =	sst s10  }
0x38: {  	s10 =	sld [smem:$0x3F84]  }
0x39: {  	_ = 	snop;
	(pc) =	sbr.ind lr, $3  }
0x3a: {  	_ = 	snop  }
0x3b: {  	_ = 	snop  }
0x3c: {  	p2 =	seq.s32 s10, $0x1;
	s10 =	sld [smem:$0x3F83]  }
0x3d: {  	_ =	shalt  }
0x3e: {  	_ =	shalt  }
0x3f: {  	_ =	shalt  }
0x40: {  	_ =	shalt  }
0x41: {  	_ =	shalt  }
0x42: {  	_ =	shalt  }
0x43: {  	_ =	shalt  }
0x44: {  	_ =	shalt  }
0x45: {  	_ =	shalt  }
0x46: {  	_ =	shalt  }
0x47: {  	_ =	shalt  }
0x48: {  	_ =	shalt  }
0x49: {  	_ =	shalt  }
0x4a: {  	_ =	shalt  }
0x4b: {  	_ =	shalt  }
0x4c: {  	_ =	shalt  }
0x4d: {  	_ =	shalt  }
0x4e: {  	_ =	shalt  }
0x4f: {  	_ =	shalt  }
0x50: {  	_ =	shalt  }
0x51: {  	_ =	shalt  }
0x52: {  	_ =	shalt  }
0x53: {  	_ =	shalt  }
0x54: {  	_ =	shalt  }
0x55: {  	_ =	shalt  }
0x56: {  	_ =	shalt  }
0x57: {  	_ =	shalt  }
0x58: {  	_ =	shalt  }
0x59: {  	_ =	shalt  }
0x5a: {  	_ =	shalt  }
0x5b: {  	_ =	shalt  }
0x5c: {  	_ =	shalt  }
0x5d: {  	_ =	shalt  }
0x5e: {  	_ =	shalt  }
0x5f: {  	_ =	shalt  }
0x60: {  	_ =	shalt  }
0x61: {  	_ =	shalt  }
0x62: {  	_ =	shalt  }
0x63: {  	_ =	shalt  }
0x64: {  	_ =	shalt  }
0x65: {  	_ =	shalt  }
0x66: {  	_ =	shalt  }
0x67: {  	_ =	shalt  }
0x68: {  	_ =	shalt  }
0x69: {  	_ =	shalt  }
0x6a: {  	_ =	shalt  }
0x6b: {  	_ =	shalt  }
0x6c: {  	_ =	shalt  }
0x6d: {  	_ =	shalt  }
0x6e: {  	_ =	shalt  }
0x6f: {  	_ =	shalt  }
0x70: {  	_ =	shalt  }
0x71: {  	_ =	shalt  }
0x72: {  	_ =	shalt  }
0x73: {  	_ =	shalt  }
0x74: {  	_ =	shalt  }
0x75: {  	_ =	shalt  }
0x76: {  	_ =	shalt  }
0x77: {  	_ =	shalt  }
0x78: {  	_ =	shalt  }
0x79: {  	_ =	shalt  }
0x7a: {  	_ =	shalt  }
0x7b: {  	_ =	shalt  }
0x7c: {  	_ =	shalt  }
0x7d: {  	_ =	shalt  }
0x7e: {  	_ =	shalt  }
0x7f: {  	_ =	shalt  }
0x80: {  	_ =	shalt  }
0x81: {  	_ =	shalt  }
0x82: {  	_ =	shalt  }
0x83: {  	_ =	shalt  }
0x84: {  	_ =	shalt  }
0x85: {  	_ =	shalt  }
0x86: {  	_ =	shalt  }
0x87: {  	_ =	shalt  }
.Lfunc_end0:
.L_simem_size_0:
called_computation.3_lowered:
.L_overlay_start_0:
0x88: {  	s2 =	sld [smem:$0x3FD9]  }
0x89: {  	s3 =	sld [smem:$0x3FFE];
	_ =	sdelay $0x1  }
0x8a: {  	s1 =	srdreg.scid  }
0x8b: {  	s0 =	sand.u32 $0x1, s1  }
0x8c: {  	s17 =	sshll.u32 s0, $0xA;
	s2 =	sadd.s32 s3, s2  }
0x8d: {  	s2 =	sadd.s32 s2, s17  }
0x8e: {  	[smem:$0x3F8F] =	sst s2  }
0x8f: {  	_ = 	snop  }
0x90: {  	(tm) =	ssettm $0x1  }
0x91: {  	s18 =	sld [smem:$0x3FFB];
	_ =	sdelay $0x3  }
0x92: {  	_ =	strace s18  }
0x93: {  	s2 =	sld [smem:$0x3FFC];
	_ =	sdelay $0x3  }
0x94: {  	_ =	strace s2  }
0x95: {  	s2 =	sld [smem:$0x3FFD];
	_ =	sdelay $0x3  }
0x96: {  	_ =	strace s2  }
0x97: {  	_ =	strace $0x8FFFFFFF  }
0x98: {  	s19 =	sld [smem:$0x3FDB];
	_ =	sdelay $0x1  }
0x99: {  	s20 =	simm.s32 $_scs_section_size  }
0x9a: {  	s4 =	simm.s32 $_size__tile_overlayer_lowered;
	s5 =	simm.s32 $_tile_overlayer_lowered  }
0x9b: {  	s6 =	simm.s32 $0x1BFF;
	s21 =	sshll.u32 s5, $0x1;
	s3 =	sadd.s32 s20, s19  }
0x9c: {  	s22 =	simm.s32 $0x0;
	s4 =	sshll.u32 s4, $0x1;
	s5 =	sadd.s32 s21, s3  }
0x9d: {  	[timem:s22], [sflag:s6] =	dma.local [hbm:s5], s4  }
0x9e: {  	_ =	swait.ge [sflag:s6], s4  }
0x9f: {  	s4 =	ssub.s32 $0x0, s4;
	[sflag:s6] =	ssyncset.done $0x0  }
0xa0: {  	[sflag:s6] =	ssyncadd.s32 s4;
	_ =	sdelay $0x1  }
0xa1: {  	s23 =	simm.s32 $0x1B8B  }
0xa2: {  	_ =	swait.ge [sflag:s23], $0x1  }
0xa3: {  	[sflag:s23] =	ssyncset.done $0x0  }
0xa4: {  	[sflag:s23] =	ssyncadd.s32 $0xFFFFFFFF  }
0xa5: {  	s4 =	sld [smem:$0x0]  }
0xa6: {  	s5 =	sand.u32 $0xFFFFFFFE, s1  }
0xa7: {  	p0 =	sne.s32 s1, s5  }
0xa8: {  	s5 =	sshll.u32 @p0 s5, $0xE  }
0xa9: {  	s5 =	sadd.s32 @p0 $0x11B8D, s5;
	s6 =	sshll.u32 @p0 s4, $0x11  }
0xaa: {  	s5 =	sor.u32 @p0 s6, s5  }
0xab: {  	[sflag:s5] =	ssyncadd.remote.s32 @p0 $0x1;
	_ =	sdelay $0x1  }
0xac: {  	s5 =	simm.s32 @p0 $0x1B8D  }
0xad: {  	_ =	swait.eq @p0 [sflag:s5], $0x1  }
0xae: {  	[sflag:s5] =	ssyncadd.s32 @p0 $0xFFFFFFFF  }
0xaf: {  	s6 =	sshll.u32 @!p0 s1, $0xE  }
0xb0: {  	s6 =	sor.u32 @!p0 $0x4000, s6;
	s5 =	simm.s32 @!p0 $0x1B8D  }
0xb1: {  	s4 =	sshll.u32 @!p0 s4, $0x11;
	s6 =	sadd.s32 @!p0 $0x11B8D, s6;
	_ =	swait.eq @!p0 [sflag:s5], $0x1  }
0xb2: {  	s4 =	sor.u32 @!p0 s4, s6;
	[sflag:s5] =	ssyncadd.s32 @!p0 $0xFFFFFFFF  }
0xb3: {  	s25 =	simm.s32 $0x1B8E;
	s24 =	sld [smem:$0x3FFE];
	[sflag:s4] =	ssyncadd.remote.s32 @!p0 $0x1  }
0xb4: {  	s26 =	simm.s32 $execute0_lowered;
	[smem:$0x3FD2] =	sst s25  }
0xb5: {  	s5 =	sshll.u32 s26, $0x1;
	_ =	strace $0x8000004F;
	[dreg:$0x1] =	wrdreg $0xFFFFFFFF  }
0xb6: {  	s28 =	simm.s32 $_size_execute0_lowered;
	s3 =	sadd.s32 s3, s5;
	[dreg:$0x0] =	wrdreg $0x0  }
0xb7: {  	s5 =	sshll.u32 s28, $0x1;
	[dreg:$0x2] =	wrdreg s3  }
0xb8: {  	[dreg:$0x3] =	wrdreg s5  }
0xb9: {  	[dreg:$0x4] =	wrdreg $0xC0  }
0xba: {  	_ =	task [dreg:s22], $0x5FFFF  }
0xbb: {  	[dreg:$0x1] =	wrdreg $0xFFFFFFFF  }
0xbc: {  	[dreg:$0x0] =	wrdreg $0x60  }
0xbd: {  	[dreg:$0x2] =	wrdreg s24  }
0xbe: {  	[dreg:$0x3] =	wrdreg $0x0  }
0xbf: {  	[dreg:$0x4] =	wrdreg $0xA  }
0xc0: {  	_ =	task.clear_ibuf [dreg:s22], $0x5FFFF;
	_ =	strace $0x9000004F  }
0xc1: {  	s29 =	simm.s32 $0xA;
	_ =	strace $0x80000051  }
0xc2: {  	_ =	swait.ge [sflag:s29], $0x1  }
0xc3: {  	[sflag:s29] =	ssyncadd.s32 $0xFFFFFFFF  }
0xc4: {  	_ =	strace $0x90000051  }
0xc5: {  	_ =	sfence  }
0xc6: {  	s30 =	sld [smem:$0x0];
	_ =	sdelay $0x2  }
0xc7: {  	s31 =	sshll.u32 s1, $0xD;
	s1 =	sshrl.u32 s1, $0x2  }
0xc8: {  	s4 =	sand.u32 $0x4000, s31;
	s1 =	sadd.s32 s1, s30  }
0xc9: {  	s0 =	sor.u32 s4, s0;
	s1 =	sshll.u32 s1, $0x11  }
0xca: {  	s0 =	sor.u32 s1, s0  }
0xcb: {  	s0 =	sadd.s32 $0x8F2B, s0  }
0xcc: {  	[sflag:s0] =	ssyncadd.remote.s32 $0x1  }
0xcd: {  	_ =	sfence.sel $0xFFFF  }
0xce: {  	[dreg:$0x0] =	wrdreg $0xFFFFFFFF;
	(pc) =	sbr.abs _section_cstart, $3  }
0xcf: {  	[dreg:$0x1] =	wrdreg $0xFFFFFFFF  }
0xd0: {  	_ =	task.clear_ibuf [dreg:s22], $0x2FFFF;
	_ =	strace $0x9FFFFFFF  }
0xd1: {  	(tm) =	ssettm $0x7FFFFFFF  }
tec
execute0_lowered:
.L_overlay_start_1:
0x0: {  	(tag) =	ssettag $0x1  }
0x1: {  	s0 =	srdreg.scid;
	s6 =	rddreg [dreg:$0x0]  }
0x2: {  	s2 =	rddreg [dreg:$0x1];
	s7 =	sand.u32 $0x1, s0  }
0x3: {  	s0 =	stileid.u32;
	s4 =	smul.u32 $0xC4000, s7  }
0x4: {  	s1 =	rddreg [dreg:$0x2];
	s3 =	simm.s32 $0x0;
	s5 =	smul.u32 $0xC400, s0  }
0x5: {  	s15 =	simm.s32 $0x200;
	s16 =	simm.s32 $0x18C00;
	s8 =	smul.u32 $0x1880, s0  }
0x6: {  	s17 =	simm.s32 $0x1;
	[smem:$0x7FF] =	sst s3;
	s28 =	smul.u32 $0x3100, s0  }
0x7: {  	s18 =	simm.s32 $0x0;
	s10 =	smul.u32 $0x31000, s7;
	_ =	strace $0x80000050  }
0x8: {  	s30 =	smul.u32 $0x62000, s0;
	s31 =	ssub.s32 $0x2, s7;
	s12 =	sshll.u32 s0, $0x6  }
0x9: {  	s7 =	sshrl.u32 s31, $0x1;
	s4 =	sadd.s32 s4, s5;
	s11 =	sadd.s32 s8, s6  }
0xa: {  	s29 =	sadd.s32 s28, s10;
	s5 =	sadd.s32 $0x9000, s6;
	s10 =	sshrl.u32 s30, $0x2  }
0xb: {  	s13 =	ssub.s32 s31, s7;
	s9 =	sshrl.u32 s4, $0x3;
	s4 =	sadd.s32 $0x363000, s6  }
0xc: {  	s8 =	sadd.s32 s29, s6;
	s14 =	sadd.s32 s10, s2;
	s10 =	sadd.s32 $0xC200, s11  }
0xd: {  	s9 =	sadd.s32 s9, s6;
	s6 =	sor.u32 $0x1C02, s12;
	s7 =	sadd.s32 $0x488600, s8  }
0xe: {  	s8 =	smax.u32 s13, $0x1;
	s11 =	sshrl.u32 s14, $0x3;
	s12 =	simm.s32 $0x2  }
0xf: {  	s13 =	simm.s32 $0x18800;
	s14 =	simm.s32 $0x18A00;
	s9 =	sadd.s32 $0x6E000, s9  }
.LBB2_1:
0x10: {  	[spmem:s11], [sflag:s6] =	dma.local [hbm:s5], $0x3100  }
0x11: {  	_ =	swait.ge [sflag:s12], $0x3100  }
0x12: {  	[sflag:s12] =	ssyncset.done $0x0  }
0x13: {  	[sflag:s12] =	ssyncadd.s32 $0xFFFFCF00  }
0x14: {  	s19 =	sadd.s32 $0x0, s9;
	[bflag:$0x0] =	sbarrier.arrive $0xFFFF  }
0x15: {  	[tilespmem:s13], [sflag:$0x2] =	stream.linear.gather [hbm4b:s19+s3], $0x200, $0x38;
	[tilespmem:$0x1CC00] =	vst v63  }
0x16: {  	_ =	swait.ge [sflag:s12], $0x200  }
0x17: {  	[sflag:s12] =	ssyncset.done $0x0  }
0x18: {  	s31 =	sadd.s32 $0x0, s10;
	[sflag:s12] =	ssyncadd.s32 $0xFFFFFE00  }
0x19: {  	[tilespmem:s14], [sflag:$0x2] =	stream.linear.gather [hbm4b:s31+s3], $0x200, $0x38;
	[tilespmem:$0x1CC00] =	vst v63  }
0x1a: {  	_ =	swait.ge [sflag:s12], $0x200  }
0x1b: {  	[sflag:s12] =	ssyncset.done $0x0  }
0x1c: {  	[sflag:s12] =	ssyncadd.s32 $0xFFFFFE00  }
0x1d: {  	[tilespmem:s16], [sflag:$0x1] =	stream.indirect.gather [hbm4b:s4+s15], $0x20, s13, s15, $0xb8;
	[tilespmem:$0x1CC00] =	vst v63  }
0x1e: {  	_ =	swait.ge [sflag:s17], $0x4000  }
0x1f: {  	[sflag:s17] =	ssyncset.done $0x0  }
0x20: {  	[sflag:s17] =	ssyncadd.s32 $0xFFFFC000  }
0x21: {  	[spmem:s2] =	stream.indirect.scatter.add.f32 [tilespmem:s16], [sflag:$0x2], $0x20, s14, s15, $0xb8;
	[tilespmem:$0x1CC00] =	vst v63  }
0x22: {  	_ =	swait.ge [sflag:s12], $0x4000  }
0x23: {  	s20 =	simm.s32 $0x80;
	s19 =	simm.s32 $0x40;
	[sflag:s12] =	ssyncset.done $0x0  }
.LBB2_2:
0x24: {  	s21 =	sadd.s32 s19, s9  }
0x25: {  	[sflag:s12] =	ssyncadd.s32 $0xFFFFC000;
	s22 =	smov.u32 s20;
	s23 =	sadd.s32 $0x40, s20  }
0x26: {  	[tilespmem:s13], [sflag:$0x2] =	stream.linear.gather [hbm4b:s21+s3], $0x200, $0x38;
	[tilespmem:$0x1CC00] =	vst v63  }
0x27: {  	p0 =	sne.s32 s20, $0x1840;
	_ =	swait.ge [sflag:s12], $0x200  }
0x28: {  	[sflag:s12] =	ssyncset.done $0x0  }
0x29: {  	s20 =	sadd.s32 s19, s10;
	s19 =	smov.u32 s22;
	[sflag:s12] =	ssyncadd.s32 $0xFFFFFE00  }
0x2a: {  	[tilespmem:s14], [sflag:$0x2] =	stream.linear.gather [hbm4b:s20+s3], $0x200, $0x38;
	[tilespmem:$0x1CC00] =	vst v63  }
0x2b: {  	_ =	swait.ge [sflag:s12], $0x200  }
0x2c: {  	[sflag:s12] =	ssyncset.done $0x0  }
0x2d: {  	[sflag:s12] =	ssyncadd.s32 $0xFFFFFE00  }
0x2e: {  	[tilespmem:s16], [sflag:$0x1] =	stream.indirect.gather [hbm4b:s4+s15], $0x20, s13, s15, $0xb8;
	[tilespmem:$0x1CC00] =	vst v63  }
0x2f: {  	_ =	swait.ge [sflag:s17], $0x4000  }
.Ltmp0:
0x30: {  	[sflag:s17] =	ssyncset.done $0x0;
	(pc) =	sbr.rel @p0 .LBB2_2-.Ltmp0, $4  }
0x31: {  	[sflag:s17] =	ssyncadd.s32 $0xFFFFC000  }
0x32: {  	[spmem:s2] =	stream.indirect.scatter.add.f32 [tilespmem:s16], [sflag:$0x2], $0x20, s14, s15, $0xb8;
	[tilespmem:$0x1CC00] =	vst v63  }
0x33: {  	_ =	swait.ge [sflag:s12], $0x4000  }
0x34: {  	s20 =	smov.u32 s23;
	[sflag:s12] =	ssyncset.done $0x0  }
0x35: {  	s20 =	sadd.s32 s19, s9;
	[sflag:s12] =	ssyncadd.s32 $0xFFFFC000  }
0x36: {  	[tilespmem:s13], [sflag:$0x2] =	stream.linear.gather [hbm4b:s20+s3], $0x200, $0x38;
	[tilespmem:$0x1CC00] =	vst v63  }
0x37: {  	_ =	swait.ge [sflag:s12], $0x200  }
0x38: {  	[sflag:s12] =	ssyncset.done $0x0  }
0x39: {  	s31 =	sadd.s32 s19, s10;
	[sflag:s12] =	ssyncadd.s32 $0xFFFFFE00  }
0x3a: {  	[tilespmem:s14], [sflag:$0x2] =	stream.linear.gather [hbm4b:s31+s3], $0x200, $0x38;
	[tilespmem:$0x1CC00] =	vst v63  }
0x3b: {  	_ =	swait.ge [sflag:s12], $0x200  }
0x3c: {  	[sflag:s12] =	ssyncset.done $0x0  }
0x3d: {  	[sflag:s12] =	ssyncadd.s32 $0xFFFFFE00  }
0x3e: {  	[tilespmem:s16], [sflag:$0x1] =	stream.indirect.gather [hbm4b:s4+s15], $0x20, s13, s15, $0xb8;
	[tilespmem:$0x1CC00] =	vst v63  }
0x3f: {  	_ =	swait.ge [sflag:s17], $0x4000  }
0x40: {  	[sflag:s17] =	ssyncset.done $0x0  }
0x41: {  	[sflag:s17] =	ssyncadd.s32 $0xFFFFC000  }
0x42: {  	[spmem:s2] =	stream.indirect.scatter.add.f32 [tilespmem:s16], [sflag:$0x2], $0x20, s14, s15, $0xb8;
	[tilespmem:$0x1CC00] =	vst v63  }
0x43: {  	_ =	swait.ge [sflag:s12], $0x4000  }
0x44: {  	s18 =	sadd.s32 $0x1, s18;
	[sflag:s12] =	ssyncset.done $0x0  }
0x45: {  	p0 =	sne.s32 s18, s8;
	[sflag:s12] =	ssyncadd.s32 $0xFFFFC000  }
.Ltmp1:
0x46: {  	[bflag:$0x0] =	sbarrier.arrive $0xFFFF;
	(pc) =	sbr.rel @p0 .LBB2_1-.Ltmp1, $4  }
0x47: {  	[hbm:s7], [sflag:s6] =	dma.local [spmem:s11], $0x3100  }
0x48: {  	_ =	swait.ge [sflag:s12], $0x3100  }
0x49: {  	[sflag:s12] =	ssyncset.done $0x0  }
0x4a: {  	[sflag:s12] =	ssyncadd.s32 $0xFFFFCF00  }
0x4b: {  	_ =	sfence.sel $0x180000  }
0x4c: {  	[bflag:$0x0] =	sbarrier.arrive $0xFFFF  }
0x4d: {  	p0 =	sne.s32 s0, $0x0;
	_ =	strace $0x90000050  }
0x4e: {  	s0 =	sadd.s32 @!p0 $0x100000, s1;
	[bflag:$0x2] =	sbarrier.arrive $0xFFFF  }
0x4f: {  	[sflag:s0] =	ssyncadd.tile.s32 @!p0 $0x1;
	_ =	shalt  }
.Lfunc_end2:
_tile_overlayer_lowered:
.L_overlay_start_2:
0x50: {  	(tag) =	ssettag $0x2  }
0x51: {  	s0 =	rddreg [dreg:$0x0];
	s2 =	stileid.u32  }
0x52: {  	s1 =	rddreg [dreg:$0x1];
	p0 =	sne.s32 s2, $0x0  }
0x53: {  	s3 =	rddreg [dreg:$0x2];
	[bflag:$0x3] =	sbarrier.arrive $0xFFFF;
	s2 =	simm.s32 @!p0 $0x1C02  }
0x54: {  	[timem:s3], [sflag:s2] =	dma.local @!p0 [hbm:s0], s1  }
0x55: {  	s0 =	simm.s32 @!p0 $0x2  }
0x56: {  	_ =	swait.ge @!p0 [sflag:s0], s1  }
0x57: {  	s1 =	ssub.s32 @!p0 $0x0, s1;
	[sflag:s0] =	ssyncset.done @!p0 $0x0  }
0x58: {  	[sflag:s0] =	ssyncadd.s32 @!p0 s1  }
0x59: {  	[bflag:$0x3] =	sbarrier.arrive $0xFFFF  }
0x5a: {  	_ =	shalt  }

// kernel: kernel.42.cloned.1.call-start
scs
__scs_entry_jumppad:
0x0: {  	(pc) =	sbr.rel $0x88, $3  }
0x1: {  	(tag) =	ssettag $0x0;
	lr =	simm.s32 $0x1  }
0x2: {  	[smem:$0x3F68] =	sst lr;
	_ =	strace $0xD0000000  }
0x3: {  	_ = 	snop  }
0x4: {  	_ = 	snop  }
0x5: {  	_ = 	snop  }
0x6: {  	_ = 	snop  }
0x7: {  	_ = 	snop  }
__scs_overlays_trampoline_lowered:
0x8: {  	[smem:$0x3F77] =	sst s0  }
0x9: {  	[smem:$0x3F78] =	sst s1  }
0xa: {  	[smem:$0x3F79] =	sst s2  }
0xb: {  	[smem:$0x3F7A] =	sst s3  }
0xc: {  	[smem:$0x3F7B] =	sst s4  }
0xd: {  	[smem:$0x3F7C] =	sst s5  }
0xe: {  	[smem:$0x3F7D] =	sst s6  }
0xf: {  	[smem:$0x3F7E] =	sst s7  }
0x10: {  	[smem:$0x3F7F] =	sst s8  }
0x11: {  	[smem:$0x3F80] =	sst s9;
	s0 =	simm.s32 @!p0 $0x0  }
0x12: {  	s1 =	sld [smem:$0x3F66];
	s0 =	simm.s32 @p0 $0x1  }
0x13: {  	[smem:$0x3F81] =	sst s0;
	s0 =	simm.s32 @!p1 $0x0  }
0x14: {  	s2 =	sld [smem:$0x3F65];
	s0 =	simm.s32 @p1 $0x1  }
0x15: {  	[smem:$0x3F82] =	sst s0;
	s0 =	simm.s32 @!p2 $0x0  }
0x16: {  	s3 =	sld [smem:$0x3FDB];
	s0 =	simm.s32 @p2 $0x1  }
0x17: {  	s4 =	simm.s32 $0x1BF5;
	[smem:$0x3F84] =	sst s0  }
0x18: {  	s0 =	sld [smem:$0x3F67];
	_ =	swait.ge [sflag:s4], $0x0  }
0x19: {  	s7 =	sld [smem:$0x3F68]  }
0x1a: {  	s8 =	sadd.s32 $0xFFFFE003, lr  }
0x1b: {  	s9 =	sadd.s32 $0xFFFFFEF7, lr;
	s5 =	simm.s32 $0xFFFFFFFF;
	p2 =	slt.u32 s8, $0xFFFFF086  }
0x1c: {  	p1 =	slt.u32 s9, $0xF7A;
	s5 =	simm.s32 @!p2 $0x0  }
0x1d: {  	s5 =	simm.s32 @p1 $0x1;
	p0 =	seq.s32 s7, s2  }
0x1e: {  	s7 =	smul.u32 @!p0 $0xF7A, s2;
	p2 =	seq.s32 @!p0 s5, $0x0  }
0x1f: {  	s9 =	smul.u32 $0xF7A, s1;
	s8 =	simm.s32 @!p0 $0x1BF5;
	p2 =	por !p2, p0  }
0x20: {  	[sflag:s8] =	ssyncset.s32 @!p0 $0xFFFFF086;
	s6 =	sadd.s32 @!p0 s3, s7;
	s7 =	simm.s32 @!p0 $0x108  }
0x21: {  	s3 =	sadd.s32 s3, s9;
	s6 =	sadd.s32 @!p0 $0x88, s6;
	s7 =	simm.s32 @p2 $0x1082  }
0x22: {  	[simem:s7], [sflag:s8] =	dma.local @!p0 [hbm:s6], $0xF7A  }
0x23: {  	s9 =	sor.u32 $0xD0000000, s2;
	s6 =	simm.s32 $0x108;
	_ =	swait.ge @!p0 [sflag:s8], $0x0  }
0x24: {  	s3 =	sadd.s32 $0x88, s3;
	s6 =	simm.s32 @!p1 $0x1082;
	[sflag:s4] =	ssyncset.s32 $0xFFFFF086  }
0x25: {  	[simem:s6], [sflag:s4] =	dma.local [hbm:s3], $0xF7A  }
0x26: {  	[smem:$0x3F68] =	sst s1;
	(tag) =	ssettag s2;
	_ =	strace s9  }
0x27: {  	s1 =	sld [smem:$0x3F78]  }
0x28: {  	s2 =	sld [smem:$0x3F79]  }
0x29: {  	s4 =	sld [smem:$0x3F7B]  }
0x2a: {  	p0 =	seq.s32 s5, $0x0;
	s5 =	sld [smem:$0x3F7C]  }
0x2b: {  	s6 =	sld [smem:$0x3F7D]  }
0x2c: {  	s7 =	sld [smem:$0x3F7E]  }
0x2d: {  	s3 =	simm.s32 $0x108;
	s8 =	sld [smem:$0x3F7F]  }
0x2e: {  	s3 =	simm.s32 @!p0 $0x1082;
	s9 =	sld [smem:$0x3F80]  }
0x2f: {  	lr =	sadd.s32 s0, s3;
	s0 =	sld [smem:$0x3F77]  }
0x30: {  	s3 =	sld [smem:$0x3F7A]  }
0x31: {  	[smem:$0x3F83] =	sst s10  }
0x32: {  	s10 =	sld [smem:$0x3F81];
	_ =	sdelay $0x3  }
0x33: {  	p0 =	seq.s32 s10, $0x1;
	s10 =	sld [smem:$0x3F83];
	_ =	sdelay $0x3  }
0x34: {  	[smem:$0x3F83] =	sst s10  }
0x35: {  	s10 =	sld [smem:$0x3F82];
	_ =	sdelay $0x3  }
0x36: {  	p1 =	seq.s32 s10, $0x1;
	s10 =	sld [smem:$0x3F83];
	_ =	sdelay $0x3  }
0x37: {  	[smem:$0x3F83] =	sst s10  }
0x38: {  	s10 =	sld [smem:$0x3F84]  }
0x39: {  	_ = 	snop;
	(pc) =	sbr.ind lr, $3  }
0x3a: {  	_ = 	snop  }
0x3b: {  	_ = 	snop  }
0x3c: {  	p2 =	seq.s32 s10, $0x1;
	s10 =	sld [smem:$0x3F83]  }
0x3d: {  	_ =	shalt  }
0x3e: {  	_ =	shalt  }
0x3f: {  	_ =	shalt  }
0x40: {  	_ =	shalt  }
0x41: {  	_ =	shalt  }
0x42: {  	_ =	shalt  }
0x43: {  	_ =	shalt  }
0x44: {  	_ =	shalt  }
0x45: {  	_ =	shalt  }
0x46: {  	_ =	shalt  }
0x47: {  	_ =	shalt  }
0x48: {  	_ =	shalt  }
0x49: {  	_ =	shalt  }
0x4a: {  	_ =	shalt  }
0x4b: {  	_ =	shalt  }
0x4c: {  	_ =	shalt  }
0x4d: {  	_ =	shalt  }
0x4e: {  	_ =	shalt  }
0x4f: {  	_ =	shalt  }
0x50: {  	_ =	shalt  }
0x51: {  	_ =	shalt  }
0x52: {  	_ =	shalt  }
0x53: {  	_ =	shalt  }
0x54: {  	_ =	shalt  }
0x55: {  	_ =	shalt  }
0x56: {  	_ =	shalt  }
0x57: {  	_ =	shalt  }
0x58: {  	_ =	shalt  }
0x59: {  	_ =	shalt  }
0x5a: {  	_ =	shalt  }
0x5b: {  	_ =	shalt  }
0x5c: {  	_ =	shalt  }
0x5d: {  	_ =	shalt  }
0x5e: {  	_ =	shalt  }
0x5f: {  	_ =	shalt  }
0x60: {  	_ =	shalt  }
0x61: {  	_ =	shalt  }
0x62: {  	_ =	shalt  }
0x63: {  	_ =	shalt  }
0x64: {  	_ =	shalt  }
0x65: {  	_ =	shalt  }
0x66: {  	_ =	shalt  }
0x67: {  	_ =	shalt  }
0x68: {  	_ =	shalt  }
0x69: {  	_ =	shalt  }
0x6a: {  	_ =	shalt  }
0x6b: {  	_ =	shalt  }
0x6c: {  	_ =	shalt  }
0x6d: {  	_ =	shalt  }
0x6e: {  	_ =	shalt  }
0x6f: {  	_ =	shalt  }
0x70: {  	_ =	shalt  }
0x71: {  	_ =	shalt  }
0x72: {  	_ =	shalt  }
0x73: {  	_ =	shalt  }
0x74: {  	_ =	shalt  }
0x75: {  	_ =	shalt  }
0x76: {  	_ =	shalt  }
0x77: {  	_ =	shalt  }
0x78: {  	_ =	shalt  }
0x79: {  	_ =	shalt  }
0x7a: {  	_ =	shalt  }
0x7b: {  	_ =	shalt  }
0x7c: {  	_ =	shalt  }
0x7d: {  	_ =	shalt  }
0x7e: {  	_ =	shalt  }
0x7f: {  	_ =	shalt  }
0x80: {  	_ =	shalt  }
0x81: {  	_ =	shalt  }
0x82: {  	_ =	shalt  }
0x83: {  	_ =	shalt  }
0x84: {  	_ =	shalt  }
0x85: {  	_ =	shalt  }
0x86: {  	_ =	shalt  }
0x87: {  	_ =	shalt  }
.Lfunc_end0:
.L_simem_size_0:
called_computation.4_lowered:
.L_overlay_start_0:
0x88: {  	s2 =	sld [smem:$0x3FD9]  }
0x89: {  	s3 =	sld [smem:$0x3FFE];
	_ =	sdelay $0x1  }
0x8a: {  	s1 =	srdreg.scid  }
0x8b: {  	s0 =	sand.u32 $0x1, s1  }
0x8c: {  	s17 =	sshll.u32 s0, $0xA;
	s2 =	sadd.s32 s3, s2  }
0x8d: {  	s2 =	sadd.s32 s2, s17  }
0x8e: {  	[smem:$0x3F8F] =	sst s2  }
0x8f: {  	_ = 	snop  }
0x90: {  	(tm) =	ssettm $0x1  }
0x91: {  	s18 =	sld [smem:$0x3FFB];
	_ =	sdelay $0x3  }
0x92: {  	_ =	strace s18  }
0x93: {  	s2 =	sld [smem:$0x3FFC];
	_ =	sdelay $0x3  }
0x94: {  	_ =	strace s2  }
0x95: {  	s2 =	sld [smem:$0x3FFD];
	_ =	sdelay $0x3  }
0x96: {  	_ =	strace s2  }
0x97: {  	_ =	strace $0x8FFFFFFF  }
0x98: {  	s19 =	sld [smem:$0x3FDB];
	_ =	sdelay $0x1  }
0x99: {  	s20 =	simm.s32 $_scs_section_size  }
0x9a: {  	s4 =	simm.s32 $_size__tile_overlayer_lowered;
	s5 =	simm.s32 $_tile_overlayer_lowered  }
0x9b: {  	s6 =	simm.s32 $0x1BFF;
	s21 =	sshll.u32 s5, $0x1;
	s3 =	sadd.s32 s20, s19  }
0x9c: {  	s22 =	simm.s32 $0x0;
	s4 =	sshll.u32 s4, $0x1;
	s5 =	sadd.s32 s21, s3  }
0x9d: {  	[timem:s22], [sflag:s6] =	dma.local [hbm:s5], s4  }
0x9e: {  	_ =	swait.ge [sflag:s6], s4  }
0x9f: {  	s4 =	ssub.s32 $0x0, s4;
	[sflag:s6] =	ssyncset.done $0x0  }
0xa0: {  	[sflag:s6] =	ssyncadd.s32 s4;
	_ =	sdelay $0x1  }
0xa1: {  	s23 =	simm.s32 $0x1B8B  }
0xa2: {  	_ =	swait.ge [sflag:s23], $0x1  }
0xa3: {  	[sflag:s23] =	ssyncset.done $0x0  }
0xa4: {  	[sflag:s23] =	ssyncadd.s32 $0xFFFFFFFF  }
0xa5: {  	s4 =	sld [smem:$0x0]  }
0xa6: {  	s5 =	sand.u32 $0xFFFFFFFE, s1  }
0xa7: {  	p0 =	sne.s32 s1, s5  }
0xa8: {  	s5 =	sshll.u32 @p0 s5, $0xE  }
0xa9: {  	s5 =	sadd.s32 @p0 $0x11B8D, s5;
	s6 =	sshll.u32 @p0 s4, $0x11  }
0xaa: {  	s5 =	sor.u32 @p0 s6, s5  }
0xab: {  	[sflag:s5] =	ssyncadd.remote.s32 @p0 $0x1;
	_ =	sdelay $0x1  }
0xac: {  	s5 =	simm.s32 @p0 $0x1B8D  }
0xad: {  	_ =	swait.eq @p0 [sflag:s5], $0x1  }
0xae: {  	[sflag:s5] =	ssyncadd.s32 @p0 $0xFFFFFFFF  }
0xaf: {  	s6 =	sshll.u32 @!p0 s1, $0xE  }
0xb0: {  	s6 =	sor.u32 @!p0 $0x4000, s6;
	s5 =	simm.s32 @!p0 $0x1B8D  }
0xb1: {  	s4 =	sshll.u32 @!p0 s4, $0x11;
	s6 =	sadd.s32 @!p0 $0x11B8D, s6;
	_ =	swait.eq @!p0 [sflag:s5], $0x1  }
0xb2: {  	s4 =	sor.u32 @!p0 s4, s6;
	[sflag:s5] =	ssyncadd.s32 @!p0 $0xFFFFFFFF  }
0xb3: {  	s25 =	simm.s32 $0x1B8E;
	s24 =	sld [smem:$0x3FFE];
	[sflag:s4] =	ssyncadd.remote.s32 @!p0 $0x1  }
0xb4: {  	s26 =	simm.s32 $execute0_lowered;
	[smem:$0x3FD2] =	sst s25  }
0xb5: {  	s5 =	sshll.u32 s26, $0x1;
	_ =	strace $0x80000052;
	[dreg:$0x1] =	wrdreg $0xFFFFFFFF  }
0xb6: {  	s28 =	simm.s32 $_size_execute0_lowered;
	s3 =	sadd.s32 s3, s5;
	[dreg:$0x0] =	wrdreg $0x0  }
0xb7: {  	s5 =	sshll.u32 s28, $0x1;
	[dreg:$0x2] =	wrdreg s3  }
0xb8: {  	[dreg:$0x3] =	wrdreg s5  }
0xb9: {  	[dreg:$0x4] =	wrdreg $0xC0  }
0xba: {  	_ =	task [dreg:s22], $0x5FFFF  }
0xbb: {  	[dreg:$0x1] =	wrdreg $0xFFFFFFFF  }
0xbc: {  	[dreg:$0x0] =	wrdreg $0x60  }
0xbd: {  	[dreg:$0x2] =	wrdreg s24  }
0xbe: {  	[dreg:$0x3] =	wrdreg $0x0  }
0xbf: {  	[dreg:$0x4] =	wrdreg $0x9  }
0xc0: {  	_ =	task.clear_ibuf [dreg:s22], $0x5FFFF;
	_ =	strace $0x90000052  }
0xc1: {  	s29 =	simm.s32 $0x9;
	_ =	strace $0x80000054  }
0xc2: {  	_ =	swait.ge [sflag:s29], $0x1  }
0xc3: {  	[sflag:s29] =	ssyncadd.s32 $0xFFFFFFFF  }
0xc4: {  	_ =	strace $0x90000054  }
0xc5: {  	_ =	sfence  }
0xc6: {  	s30 =	sld [smem:$0x0];
	_ =	sdelay $0x2  }
0xc7: {  	s31 =	sshll.u32 s1, $0xD;
	s1 =	sshrl.u32 s1, $0x2  }
0xc8: {  	s4 =	sand.u32 $0x4000, s31;
	s1 =	sadd.s32 s1, s30  }
0xc9: {  	s0 =	sor.u32 s4, s0;
	s1 =	sshll.u32 s1, $0x11  }
0xca: {  	s0 =	sor.u32 s1, s0  }
0xcb: {  	s0 =	sadd.s32 $0x8F2B, s0  }
0xcc: {  	[sflag:s0] =	ssyncadd.remote.s32 $0x1  }
0xcd: {  	_ =	sfence.sel $0xFFFF  }
0xce: {  	[dreg:$0x0] =	wrdreg $0xFFFFFFFF;
	(pc) =	sbr.abs _section_cstart, $3  }
0xcf: {  	[dreg:$0x1] =	wrdreg $0xFFFFFFFF  }
0xd0: {  	_ =	task.clear_ibuf [dreg:s22], $0x2FFFF;
	_ =	strace $0x9FFFFFFF  }
0xd1: {  	(tm) =	ssettm $0x7FFFFFFF  }
tec
execute0_lowered:
.L_overlay_start_1:
0x0: {  	(tag) =	ssettag $0x1  }
0x1: {  	s0 =	srdreg.scid;
	s6 =	rddreg [dreg:$0x0]  }
0x2: {  	s2 =	rddreg [dreg:$0x1];
	s7 =	sand.u32 $0x1, s0  }
0x3: {  	s0 =	stileid.u32;
	s4 =	smul.u32 $0xC4000, s7  }
0x4: {  	s1 =	rddreg [dreg:$0x2];
	s3 =	simm.s32 $0x0;
	s5 =	smul.u32 $0xC400, s0  }
0x5: {  	s15 =	simm.s32 $0x200;
	s16 =	simm.s32 $0x18C00;
	s8 =	smul.u32 $0x1880, s0  }
0x6: {  	s17 =	simm.s32 $0x1;
	[smem:$0x7FF] =	sst s3;
	s28 =	smul.u32 $0x3100, s0  }
0x7: {  	s18 =	simm.s32 $0x0;
	s10 =	smul.u32 $0x31000, s7;
	_ =	strace $0x80000053  }
0x8: {  	s30 =	smul.u32 $0x62000, s0;
	s31 =	ssub.s32 $0x2, s7;
	s12 =	sshll.u32 s0, $0x6  }
0x9: {  	s7 =	sshrl.u32 s31, $0x1;
	s4 =	sadd.s32 s4, s5;
	s11 =	sadd.s32 s8, s6  }
0xa: {  	s29 =	sadd.s32 s28, s10;
	s5 =	sadd.s32 $0x9000, s6;
	s10 =	sshrl.u32 s30, $0x2  }
0xb: {  	s13 =	ssub.s32 s31, s7;
	s9 =	sshrl.u32 s4, $0x3;
	s4 =	sadd.s32 $0x4EA600, s6  }
0xc: {  	s8 =	sadd.s32 s29, s6;
	s14 =	sadd.s32 s10, s2;
	s10 =	sadd.s32 $0x1C3C00, s11  }
0xd: {  	s9 =	sadd.s32 s9, s6;
	s6 =	sor.u32 $0x1C02, s12;
	s7 =	sadd.s32 $0x29FA00, s8  }
0xe: {  	s8 =	smax.u32 s13, $0x1;
	s11 =	sshrl.u32 s14, $0x3;
	s12 =	simm.s32 $0x2  }
0xf: {  	s13 =	simm.s32 $0x18800;
	s14 =	simm.s32 $0x18A00;
	s9 =	sadd.s32 $0x3D000, s9  }
.LBB2_1:
0x10: {  	[spmem:s11], [sflag:s6] =	dma.local [hbm:s5], $0x3100  }
0x11: {  	_ =	swait.ge [sflag:s12], $0x3100  }
0x12: {  	[sflag:s12] =	ssyncset.done $0x0  }
0x13: {  	[sflag:s12] =	ssyncadd.s32 $0xFFFFCF00  }
0x14: {  	s19 =	sadd.s32 $0x0, s9;
	[bflag:$0x0] =	sbarrier.arrive $0xFFFF  }
0x15: {  	[tilespmem:s13], [sflag:$0x2] =	stream.linear.gather [hbm4b:s19+s3], $0x200, $0x38;
	[tilespmem:$0x1CC00] =	vst v63  }
0x16: {  	_ =	swait.ge [sflag:s12], $0x200  }
0x17: {  	[sflag:s12] =	ssyncset.done $0x0  }
0x18: {  	s31 =	sadd.s32 $0x0, s10;
	[sflag:s12] =	ssyncadd.s32 $0xFFFFFE00  }
0x19: {  	[tilespmem:s14], [sflag:$0x2] =	stream.linear.gather [hbm4b:s31+s3], $0x200, $0x38;
	[tilespmem:$0x1CC00] =	vst v63  }
0x1a: {  	_ =	swait.ge [sflag:s12], $0x200  }
0x1b: {  	[sflag:s12] =	ssyncset.done $0x0  }
0x1c: {  	[sflag:s12] =	ssyncadd.s32 $0xFFFFFE00  }
0x1d: {  	[tilespmem:s16], [sflag:$0x1] =	stream.indirect.gather [hbm4b:s4+s15], $0x20, s13, s15, $0xb8;
	[tilespmem:$0x1CC00] =	vst v63  }
0x1e: {  	_ =	swait.ge [sflag:s17], $0x4000  }
0x1f: {  	[sflag:s17] =	ssyncset.done $0x0  }
0x20: {  	[sflag:s17] =	ssyncadd.s32 $0xFFFFC000  }
0x21: {  	[spmem:s2] =	stream.indirect.scatter.add.f32 [tilespmem:s16], [sflag:$0x2], $0x20, s14, s15, $0xb8;
	[tilespmem:$0x1CC00] =	vst v63  }
0x22: {  	_ =	swait.ge [sflag:s12], $0x4000  }
0x23: {  	s20 =	simm.s32 $0x80;
	s19 =	simm.s32 $0x40;
	[sflag:s12] =	ssyncset.done $0x0  }
.LBB2_2:
0x24: {  	s21 =	sadd.s32 s19, s9  }
0x25: {  	[sflag:s12] =	ssyncadd.s32 $0xFFFFC000;
	s22 =	smov.u32 s20;
	s23 =	sadd.s32 $0x40, s20  }
0x26: {  	[tilespmem:s13], [sflag:$0x2] =	stream.linear.gather [hbm4b:s21+s3], $0x200, $0x38;
	[tilespmem:$0x1CC00] =	vst v63  }
0x27: {  	p0 =	sne.s32 s20, $0x1840;
	_ =	swait.ge [sflag:s12], $0x200  }
0x28: {  	[sflag:s12] =	ssyncset.done $0x0  }
0x29: {  	s20 =	sadd.s32 s19, s10;
	s19 =	smov.u32 s22;
	[sflag:s12] =	ssyncadd.s32 $0xFFFFFE00  }
0x2a: {  	[tilespmem:s14], [sflag:$0x2] =	stream.linear.gather [hbm4b:s20+s3], $0x200, $0x38;
	[tilespmem:$0x1CC00] =	vst v63  }
0x2b: {  	_ =	swait.ge [sflag:s12], $0x200  }
0x2c: {  	[sflag:s12] =	ssyncset.done $0x0  }
0x2d: {  	[sflag:s12] =	ssyncadd.s32 $0xFFFFFE00  }
0x2e: {  	[tilespmem:s16], [sflag:$0x1] =	stream.indirect.gather [hbm4b:s4+s15], $0x20, s13, s15, $0xb8;
	[tilespmem:$0x1CC00] =	vst v63  }
0x2f: {  	_ =	swait.ge [sflag:s17], $0x4000  }
.Ltmp0:
0x30: {  	[sflag:s17] =	ssyncset.done $0x0;
	(pc) =	sbr.rel @p0 .LBB2_2-.Ltmp0, $4  }
0x31: {  	[sflag:s17] =	ssyncadd.s32 $0xFFFFC000  }
0x32: {  	[spmem:s2] =	stream.indirect.scatter.add.f32 [tilespmem:s16], [sflag:$0x2], $0x20, s14, s15, $0xb8;
	[tilespmem:$0x1CC00] =	vst v63  }
0x33: {  	_ =	swait.ge [sflag:s12], $0x4000  }
0x34: {  	s20 =	smov.u32 s23;
	[sflag:s12] =	ssyncset.done $0x0  }
0x35: {  	s20 =	sadd.s32 s19, s9;
	[sflag:s12] =	ssyncadd.s32 $0xFFFFC000  }
0x36: {  	[tilespmem:s13], [sflag:$0x2] =	stream.linear.gather [hbm4b:s20+s3], $0x200, $0x38;
	[tilespmem:$0x1CC00] =	vst v63  }
0x37: {  	_ =	swait.ge [sflag:s12], $0x200  }
0x38: {  	[sflag:s12] =	ssyncset.done $0x0  }
0x39: {  	s31 =	sadd.s32 s19, s10;
	[sflag:s12] =	ssyncadd.s32 $0xFFFFFE00  }
0x3a: {  	[tilespmem:s14], [sflag:$0x2] =	stream.linear.gather [hbm4b:s31+s3], $0x200, $0x38;
	[tilespmem:$0x1CC00] =	vst v63  }
0x3b: {  	_ =	swait.ge [sflag:s12], $0x200  }
0x3c: {  	[sflag:s12] =	ssyncset.done $0x0  }
0x3d: {  	[sflag:s12] =	ssyncadd.s32 $0xFFFFFE00  }
0x3e: {  	[tilespmem:s16], [sflag:$0x1] =	stream.indirect.gather [hbm4b:s4+s15], $0x20, s13, s15, $0xb8;
	[tilespmem:$0x1CC00] =	vst v63  }
0x3f: {  	_ =	swait.ge [sflag:s17], $0x4000  }
0x40: {  	[sflag:s17] =	ssyncset.done $0x0  }
0x41: {  	[sflag:s17] =	ssyncadd.s32 $0xFFFFC000  }
0x42: {  	[spmem:s2] =	stream.indirect.scatter.add.f32 [tilespmem:s16], [sflag:$0x2], $0x20, s14, s15, $0xb8;
	[tilespmem:$0x1CC00] =	vst v63  }
0x43: {  	_ =	swait.ge [sflag:s12], $0x4000  }
0x44: {  	s18 =	sadd.s32 $0x1, s18;
	[sflag:s12] =	ssyncset.done $0x0  }
0x45: {  	p0 =	sne.s32 s18, s8;
	[sflag:s12] =	ssyncadd.s32 $0xFFFFC000  }
.Ltmp1:
0x46: {  	[bflag:$0x0] =	sbarrier.arrive $0xFFFF;
	(pc) =	sbr.rel @p0 .LBB2_1-.Ltmp1, $4  }
0x47: {  	[hbm:s7], [sflag:s6] =	dma.local [spmem:s11], $0x3100  }
0x48: {  	_ =	swait.ge [sflag:s12], $0x3100  }
0x49: {  	[sflag:s12] =	ssyncset.done $0x0  }
0x4a: {  	[sflag:s12] =	ssyncadd.s32 $0xFFFFCF00  }
0x4b: {  	_ =	sfence.sel $0x180000  }
0x4c: {  	[bflag:$0x0] =	sbarrier.arrive $0xFFFF  }
0x4d: {  	p0 =	sne.s32 s0, $0x0;
	_ =	strace $0x90000053  }
0x4e: {  	s0 =	sadd.s32 @!p0 $0x100000, s1;
	[bflag:$0x2] =	sbarrier.arrive $0xFFFF  }
0x4f: {  	[sflag:s0] =	ssyncadd.tile.s32 @!p0 $0x1;
	_ =	shalt  }
.Lfunc_end2:
_tile_overlayer_lowered:
.L_overlay_start_2:
0x50: {  	(tag) =	ssettag $0x2  }
0x51: {  	s0 =	rddreg [dreg:$0x0];
	s2 =	stileid.u32  }
0x52: {  	s1 =	rddreg [dreg:$0x1];
	p0 =	sne.s32 s2, $0x0  }
0x53: {  	s3 =	rddreg [dreg:$0x2];
	[bflag:$0x3] =	sbarrier.arrive $0xFFFF;
	s2 =	simm.s32 @!p0 $0x1C02  }
0x54: {  	[timem:s3], [sflag:s2] =	dma.local @!p0 [hbm:s0], s1  }
0x55: {  	s0 =	simm.s32 @!p0 $0x2  }
0x56: {  	_ =	swait.ge @!p0 [sflag:s0], s1  }
0x57: {  	s1 =	ssub.s32 @!p0 $0x0, s1;
	[sflag:s0] =	ssyncset.done @!p0 $0x0  }
0x58: {  	[sflag:s0] =	ssyncadd.s32 @!p0 s1  }
0x59: {  	[bflag:$0x3] =	sbarrier.arrive $0xFFFF  }
0x5a: {  	_ =	shalt  }

// kernel: kernel.45.cloned.1.call-start
scs
__scs_entry_jumppad:
0x0: {  	(pc) =	sbr.rel $0x88, $3  }
0x1: {  	(tag) =	ssettag $0x0;
	lr =	simm.s32 $0x1  }
0x2: {  	[smem:$0x3F68] =	sst lr;
	_ =	strace $0xD0000000  }
0x3: {  	_ = 	snop  }
0x4: {  	_ = 	snop  }
0x5: {  	_ = 	snop  }
0x6: {  	_ = 	snop  }
0x7: {  	_ = 	snop  }
__scs_overlays_trampoline_lowered:
0x8: {  	[smem:$0x3F77] =	sst s0  }
0x9: {  	[smem:$0x3F78] =	sst s1  }
0xa: {  	[smem:$0x3F79] =	sst s2  }
0xb: {  	[smem:$0x3F7A] =	sst s3  }
0xc: {  	[smem:$0x3F7B] =	sst s4  }
0xd: {  	[smem:$0x3F7C] =	sst s5  }
0xe: {  	[smem:$0x3F7D] =	sst s6  }
0xf: {  	[smem:$0x3F7E] =	sst s7  }
0x10: {  	[smem:$0x3F7F] =	sst s8  }
0x11: {  	[smem:$0x3F80] =	sst s9;
	s0 =	simm.s32 @!p0 $0x0  }
0x12: {  	s1 =	sld [smem:$0x3F66];
	s0 =	simm.s32 @p0 $0x1  }
0x13: {  	[smem:$0x3F81] =	sst s0;
	s0 =	simm.s32 @!p1 $0x0  }
0x14: {  	s2 =	sld [smem:$0x3F65];
	s0 =	simm.s32 @p1 $0x1  }
0x15: {  	[smem:$0x3F82] =	sst s0;
	s0 =	simm.s32 @!p2 $0x0  }
0x16: {  	s3 =	sld [smem:$0x3FDB];
	s0 =	simm.s32 @p2 $0x1  }
0x17: {  	s4 =	simm.s32 $0x1BF5;
	[smem:$0x3F84] =	sst s0  }
0x18: {  	s0 =	sld [smem:$0x3F67];
	_ =	swait.ge [sflag:s4], $0x0  }
0x19: {  	s7 =	sld [smem:$0x3F68]  }
0x1a: {  	s8 =	sadd.s32 $0xFFFFE003, lr  }
0x1b: {  	s9 =	sadd.s32 $0xFFFFFEF7, lr;
	s5 =	simm.s32 $0xFFFFFFFF;
	p2 =	slt.u32 s8, $0xFFFFF086  }
0x1c: {  	p1 =	slt.u32 s9, $0xF7A;
	s5 =	simm.s32 @!p2 $0x0  }
0x1d: {  	s5 =	simm.s32 @p1 $0x1;
	p0 =	seq.s32 s7, s2  }
0x1e: {  	s7 =	smul.u32 @!p0 $0xF7A, s2;
	p2 =	seq.s32 @!p0 s5, $0x0  }
0x1f: {  	s9 =	smul.u32 $0xF7A, s1;
	s8 =	simm.s32 @!p0 $0x1BF5;
	p2 =	por !p2, p0  }
0x20: {  	[sflag:s8] =	ssyncset.s32 @!p0 $0xFFFFF086;
	s6 =	sadd.s32 @!p0 s3, s7;
	s7 =	simm.s32 @!p0 $0x108  }
0x21: {  	s3 =	sadd.s32 s3, s9;
	s6 =	sadd.s32 @!p0 $0x88, s6;
	s7 =	simm.s32 @p2 $0x1082  }
0x22: {  	[simem:s7], [sflag:s8] =	dma.local @!p0 [hbm:s6], $0xF7A  }
0x23: {  	s9 =	sor.u32 $0xD0000000, s2;
	s6 =	simm.s32 $0x108;
	_ =	swait.ge @!p0 [sflag:s8], $0x0  }
0x24: {  	s3 =	sadd.s32 $0x88, s3;
	s6 =	simm.s32 @!p1 $0x1082;
	[sflag:s4] =	ssyncset.s32 $0xFFFFF086  }
0x25: {  	[simem:s6], [sflag:s4] =	dma.local [hbm:s3], $0xF7A  }
0x26: {  	[smem:$0x3F68] =	sst s1;
	(tag) =	ssettag s2;
	_ =	strace s9  }
0x27: {  	s1 =	sld [smem:$0x3F78]  }
0x28: {  	s2 =	sld [smem:$0x3F79]  }
0x29: {  	s4 =	sld [smem:$0x3F7B]  }
0x2a: {  	p0 =	seq.s32 s5, $0x0;
	s5 =	sld [smem:$0x3F7C]  }
0x2b: {  	s6 =	sld [smem:$0x3F7D]  }
0x2c: {  	s7 =	sld [smem:$0x3F7E]  }
0x2d: {  	s3 =	simm.s32 $0x108;
	s8 =	sld [smem:$0x3F7F]  }
0x2e: {  	s3 =	simm.s32 @!p0 $0x1082;
	s9 =	sld [smem:$0x3F80]  }
0x2f: {  	lr =	sadd.s32 s0, s3;
	s0 =	sld [smem:$0x3F77]  }
0x30: {  	s3 =	sld [smem:$0x3F7A]  }
0x31: {  	[smem:$0x3F83] =	sst s10  }
0x32: {  	s10 =	sld [smem:$0x3F81];
	_ =	sdelay $0x3  }
0x33: {  	p0 =	seq.s32 s10, $0x1;
	s10 =	sld [smem:$0x3F83];
	_ =	sdelay $0x3  }
0x34: {  	[smem:$0x3F83] =	sst s10  }
0x35: {  	s10 =	sld [smem:$0x3F82];
	_ =	sdelay $0x3  }
0x36: {  	p1 =	seq.s32 s10, $0x1;
	s10 =	sld [smem:$0x3F83];
	_ =	sdelay $0x3  }
0x37: {  	[smem:$0x3F83] =	sst s10  }
0x38: {  	s10 =	sld [smem:$0x3F84]  }
0x39: {  	_ = 	snop;
	(pc) =	sbr.ind lr, $3  }
0x3a: {  	_ = 	snop  }
0x3b: {  	_ = 	snop  }
0x3c: {  	p2 =	seq.s32 s10, $0x1;
	s10 =	sld [smem:$0x3F83]  }
0x3d: {  	_ =	shalt  }
0x3e: {  	_ =	shalt  }
0x3f: {  	_ =	shalt  }
0x40: {  	_ =	shalt  }
0x41: {  	_ =	shalt  }
0x42: {  	_ =	shalt  }
0x43: {  	_ =	shalt  }
0x44: {  	_ =	shalt  }
0x45: {  	_ =	shalt  }
0x46: {  	_ =	shalt  }
0x47: {  	_ =	shalt  }
0x48: {  	_ =	shalt  }
0x49: {  	_ =	shalt  }
0x4a: {  	_ =	shalt  }
0x4b: {  	_ =	shalt  }
0x4c: {  	_ =	shalt  }
0x4d: {  	_ =	shalt  }
0x4e: {  	_ =	shalt  }
0x4f: {  	_ =	shalt  }
0x50: {  	_ =	shalt  }
0x51: {  	_ =	shalt  }
0x52: {  	_ =	shalt  }
0x53: {  	_ =	shalt  }
0x54: {  	_ =	shalt  }
0x55: {  	_ =	shalt  }
0x56: {  	_ =	shalt  }
0x57: {  	_ =	shalt  }
0x58: {  	_ =	shalt  }
0x59: {  	_ =	shalt  }
0x5a: {  	_ =	shalt  }
0x5b: {  	_ =	shalt  }
0x5c: {  	_ =	shalt  }
0x5d: {  	_ =	shalt  }
0x5e: {  	_ =	shalt  }
0x5f: {  	_ =	shalt  }
0x60: {  	_ =	shalt  }
0x61: {  	_ =	shalt  }
0x62: {  	_ =	shalt  }
0x63: {  	_ =	shalt  }
0x64: {  	_ =	shalt  }
0x65: {  	_ =	shalt  }
0x66: {  	_ =	shalt  }
0x67: {  	_ =	shalt  }
0x68: {  	_ =	shalt  }
0x69: {  	_ =	shalt  }
0x6a: {  	_ =	shalt  }
0x6b: {  	_ =	shalt  }
0x6c: {  	_ =	shalt  }
0x6d: {  	_ =	shalt  }
0x6e: {  	_ =	shalt  }
0x6f: {  	_ =	shalt  }
0x70: {  	_ =	shalt  }
0x71: {  	_ =	shalt  }
0x72: {  	_ =	shalt  }
0x73: {  	_ =	shalt  }
0x74: {  	_ =	shalt  }
0x75: {  	_ =	shalt  }
0x76: {  	_ =	shalt  }
0x77: {  	_ =	shalt  }
0x78: {  	_ =	shalt  }
0x79: {  	_ =	shalt  }
0x7a: {  	_ =	shalt  }
0x7b: {  	_ =	shalt  }
0x7c: {  	_ =	shalt  }
0x7d: {  	_ =	shalt  }
0x7e: {  	_ =	shalt  }
0x7f: {  	_ =	shalt  }
0x80: {  	_ =	shalt  }
0x81: {  	_ =	shalt  }
0x82: {  	_ =	shalt  }
0x83: {  	_ =	shalt  }
0x84: {  	_ =	shalt  }
0x85: {  	_ =	shalt  }
0x86: {  	_ =	shalt  }
0x87: {  	_ =	shalt  }
.Lfunc_end0:
.L_simem_size_0:
called_computation.5_lowered:
.L_overlay_start_0:
0x88: {  	s2 =	sld [smem:$0x3FD9]  }
0x89: {  	s3 =	sld [smem:$0x3FFE];
	_ =	sdelay $0x1  }
0x8a: {  	s1 =	srdreg.scid  }
0x8b: {  	s0 =	sand.u32 $0x1, s1  }
0x8c: {  	s17 =	sshll.u32 s0, $0xA;
	s2 =	sadd.s32 s3, s2  }
0x8d: {  	s2 =	sadd.s32 s2, s17  }
0x8e: {  	[smem:$0x3F8F] =	sst s2  }
0x8f: {  	_ = 	snop  }
0x90: {  	(tm) =	ssettm $0x1  }
0x91: {  	s18 =	sld [smem:$0x3FFB];
	_ =	sdelay $0x3  }
0x92: {  	_ =	strace s18  }
0x93: {  	s2 =	sld [smem:$0x3FFC];
	_ =	sdelay $0x3  }
0x94: {  	_ =	strace s2  }
0x95: {  	s2 =	sld [smem:$0x3FFD];
	_ =	sdelay $0x3  }
0x96: {  	_ =	strace s2  }
0x97: {  	_ =	strace $0x8FFFFFFF  }
0x98: {  	s19 =	sld [smem:$0x3FDB];
	_ =	sdelay $0x1  }
0x99: {  	s20 =	simm.s32 $_scs_section_size  }
0x9a: {  	s4 =	simm.s32 $_size__tile_overlayer_lowered;
	s5 =	simm.s32 $_tile_overlayer_lowered  }
0x9b: {  	s6 =	simm.s32 $0x1BFF;
	s21 =	sshll.u32 s5, $0x1;
	s3 =	sadd.s32 s20, s19  }
0x9c: {  	s22 =	simm.s32 $0x0;
	s4 =	sshll.u32 s4, $0x1;
	s5 =	sadd.s32 s21, s3  }
0x9d: {  	[timem:s22], [sflag:s6] =	dma.local [hbm:s5], s4  }
0x9e: {  	_ =	swait.ge [sflag:s6], s4  }
0x9f: {  	s4 =	ssub.s32 $0x0, s4;
	[sflag:s6] =	ssyncset.done $0x0  }
0xa0: {  	[sflag:s6] =	ssyncadd.s32 s4;
	_ =	sdelay $0x1  }
0xa1: {  	s23 =	simm.s32 $0x1B8B  }
0xa2: {  	_ =	swait.ge [sflag:s23], $0x1  }
0xa3: {  	[sflag:s23] =	ssyncset.done $0x0  }
0xa4: {  	[sflag:s23] =	ssyncadd.s32 $0xFFFFFFFF  }
0xa5: {  	s4 =	sld [smem:$0x0]  }
0xa6: {  	s5 =	sand.u32 $0xFFFFFFFE, s1  }
0xa7: {  	p0 =	sne.s32 s1, s5  }
0xa8: {  	s5 =	sshll.u32 @p0 s5, $0xE  }
0xa9: {  	s5 =	sadd.s32 @p0 $0x11B8D, s5;
	s6 =	sshll.u32 @p0 s4, $0x11  }
0xaa: {  	s5 =	sor.u32 @p0 s6, s5  }
0xab: {  	[sflag:s5] =	ssyncadd.remote.s32 @p0 $0x1;
	_ =	sdelay $0x1  }
0xac: {  	s5 =	simm.s32 @p0 $0x1B8D  }
0xad: {  	_ =	swait.eq @p0 [sflag:s5], $0x1  }
0xae: {  	[sflag:s5] =	ssyncadd.s32 @p0 $0xFFFFFFFF  }
0xaf: {  	s6 =	sshll.u32 @!p0 s1, $0xE  }
0xb0: {  	s6 =	sor.u32 @!p0 $0x4000, s6;
	s5 =	simm.s32 @!p0 $0x1B8D  }
0xb1: {  	s4 =	sshll.u32 @!p0 s4, $0x11;
	s6 =	sadd.s32 @!p0 $0x11B8D, s6;
	_ =	swait.eq @!p0 [sflag:s5], $0x1  }
0xb2: {  	s4 =	sor.u32 @!p0 s4, s6;
	[sflag:s5] =	ssyncadd.s32 @!p0 $0xFFFFFFFF  }
0xb3: {  	s25 =	simm.s32 $0x1B8E;
	s24 =	sld [smem:$0x3FFE];
	[sflag:s4] =	ssyncadd.remote.s32 @!p0 $0x1  }
0xb4: {  	s26 =	simm.s32 $execute0_lowered;
	[smem:$0x3FD2] =	sst s25  }
0xb5: {  	s5 =	sshll.u32 s26, $0x1;
	_ =	strace $0x80000058;
	[dreg:$0x1] =	wrdreg $0xFFFFFFFF  }
0xb6: {  	s28 =	simm.s32 $_size_execute0_lowered;
	s3 =	sadd.s32 s3, s5;
	[dreg:$0x0] =	wrdreg $0x0  }
0xb7: {  	s5 =	sshll.u32 s28, $0x1;
	[dreg:$0x2] =	wrdreg s3  }
0xb8: {  	[dreg:$0x3] =	wrdreg s5  }
0xb9: {  	[dreg:$0x4] =	wrdreg $0xC0  }
0xba: {  	_ =	task [dreg:s22], $0x5FFFF  }
0xbb: {  	[dreg:$0x1] =	wrdreg $0xFFFFFFFF  }
0xbc: {  	[dreg:$0x0] =	wrdreg $0x60  }
0xbd: {  	[dreg:$0x2] =	wrdreg s24  }
0xbe: {  	[dreg:$0x3] =	wrdreg $0x0  }
0xbf: {  	[dreg:$0x4] =	wrdreg $0x9  }
0xc0: {  	_ =	task.clear_ibuf [dreg:s22], $0x5FFFF;
	_ =	strace $0x90000058  }
0xc1: {  	s29 =	simm.s32 $0x9;
	_ =	strace $0x8000005A  }
0xc2: {  	_ =	swait.ge [sflag:s29], $0x1  }
0xc3: {  	[sflag:s29] =	ssyncadd.s32 $0xFFFFFFFF  }
0xc4: {  	_ =	strace $0x9000005A  }
0xc5: {  	_ =	sfence  }
0xc6: {  	s30 =	sld [smem:$0x0];
	_ =	sdelay $0x2  }
0xc7: {  	s31 =	sshll.u32 s1, $0xD;
	s1 =	sshrl.u32 s1, $0x2  }
0xc8: {  	s4 =	sand.u32 $0x4000, s31;
	s1 =	sadd.s32 s1, s30  }
0xc9: {  	s0 =	sor.u32 s4, s0;
	s1 =	sshll.u32 s1, $0x11  }
0xca: {  	s0 =	sor.u32 s1, s0  }
0xcb: {  	s0 =	sadd.s32 $0x8F2B, s0  }
0xcc: {  	[sflag:s0] =	ssyncadd.remote.s32 $0x1  }
0xcd: {  	_ =	sfence.sel $0xFFFF  }
0xce: {  	[dreg:$0x0] =	wrdreg $0xFFFFFFFF;
	(pc) =	sbr.abs _section_cstart, $3  }
0xcf: {  	[dreg:$0x1] =	wrdreg $0xFFFFFFFF  }
0xd0: {  	_ =	task.clear_ibuf [dreg:s22], $0x2FFFF;
	_ =	strace $0x9FFFFFFF  }
0xd1: {  	(tm) =	ssettm $0x7FFFFFFF  }
tec
execute0_lowered:
.L_overlay_start_1:
0x0: {  	(tag) =	ssettag $0x1  }
0x1: {  	s0 =	srdreg.scid;
	s6 =	rddreg [dreg:$0x0]  }
0x2: {  	s2 =	rddreg [dreg:$0x1];
	s7 =	sand.u32 $0x1, s0  }
0x3: {  	s0 =	stileid.u32;
	s4 =	smul.u32 $0xC4000, s7  }
0x4: {  	s1 =	rddreg [dreg:$0x2];
	s3 =	simm.s32 $0x0;
	s5 =	smul.u32 $0xC400, s0  }
0x5: {  	s15 =	simm.s32 $0x200;
	s16 =	simm.s32 $0x18C00;
	s8 =	smul.u32 $0x1880, s0  }
0x6: {  	s17 =	simm.s32 $0x1;
	[smem:$0x7FF] =	sst s3;
	s28 =	smul.u32 $0x3100, s0  }
0x7: {  	s18 =	simm.s32 $0x0;
	s10 =	smul.u32 $0x31000, s7;
	_ =	strace $0x80000059  }
0x8: {  	s30 =	smul.u32 $0x62000, s0;
	s31 =	ssub.s32 $0x2, s7;
	s12 =	sshll.u32 s0, $0x6  }
0x9: {  	s7 =	sshrl.u32 s31, $0x1;
	s4 =	sadd.s32 s4, s5;
	s11 =	sadd.s32 s8, s6  }
0xa: {  	s29 =	sadd.s32 s28, s10;
	s5 =	sadd.s32 $0x9000, s6;
	s10 =	sshrl.u32 s30, $0x2  }
0xb: {  	s13 =	ssub.s32 s31, s7;
	s9 =	sshrl.u32 s4, $0x3;
	s4 =	sadd.s32 $0x3C5000, s6  }
0xc: {  	s8 =	sadd.s32 s29, s6;
	s14 =	sadd.s32 s10, s2;
	s10 =	sadd.s32 $0xC200, s11  }
0xd: {  	s9 =	sadd.s32 s9, s6;
	s6 =	sor.u32 $0x1C02, s12;
	s7 =	sadd.s32 $0x9F000, s8  }
0xe: {  	s8 =	smax.u32 s13, $0x1;
	s11 =	sshrl.u32 s14, $0x3;
	s12 =	simm.s32 $0x2  }
0xf: {  	s13 =	simm.s32 $0x18800;
	s14 =	simm.s32 $0x18A00;
	s9 =	sadd.s32 $0x6E000, s9  }
.LBB2_1:
0x10: {  	[spmem:s11], [sflag:s6] =	dma.local [hbm:s5], $0x3100  }
0x11: {  	_ =	swait.ge [sflag:s12], $0x3100  }
0x12: {  	[sflag:s12] =	ssyncset.done $0x0  }
0x13: {  	[sflag:s12] =	ssyncadd.s32 $0xFFFFCF00  }
0x14: {  	s19 =	sadd.s32 $0x0, s9;
	[bflag:$0x0] =	sbarrier.arrive $0xFFFF  }
0x15: {  	[tilespmem:s13], [sflag:$0x2] =	stream.linear.gather [hbm4b:s19+s3], $0x200, $0x38;
	[tilespmem:$0x1CC00] =	vst v63  }
0x16: {  	_ =	swait.ge [sflag:s12], $0x200  }
0x17: {  	[sflag:s12] =	ssyncset.done $0x0  }
0x18: {  	s31 =	sadd.s32 $0x0, s10;
	[sflag:s12] =	ssyncadd.s32 $0xFFFFFE00  }
0x19: {  	[tilespmem:s14], [sflag:$0x2] =	stream.linear.gather [hbm4b:s31+s3], $0x200, $0x38;
	[tilespmem:$0x1CC00] =	vst v63  }
0x1a: {  	_ =	swait.ge [sflag:s12], $0x200  }
0x1b: {  	[sflag:s12] =	ssyncset.done $0x0  }
0x1c: {  	[sflag:s12] =	ssyncadd.s32 $0xFFFFFE00  }
0x1d: {  	[tilespmem:s16], [sflag:$0x1] =	stream.indirect.gather [hbm4b:s4+s15], $0x20, s13, s15, $0xb8;
	[tilespmem:$0x1CC00] =	vst v63  }
0x1e: {  	_ =	swait.ge [sflag:s17], $0x4000  }
0x1f: {  	[sflag:s17] =	ssyncset.done $0x0  }
0x20: {  	[sflag:s17] =	ssyncadd.s32 $0xFFFFC000  }
0x21: {  	[spmem:s2] =	stream.indirect.scatter.add.f32 [tilespmem:s16], [sflag:$0x2], $0x20, s14, s15, $0xb8;
	[tilespmem:$0x1CC00] =	vst v63  }
0x22: {  	_ =	swait.ge [sflag:s12], $0x4000  }
0x23: {  	s20 =	simm.s32 $0x80;
	s19 =	simm.s32 $0x40;
	[sflag:s12] =	ssyncset.done $0x0  }
.LBB2_2:
0x24: {  	s21 =	sadd.s32 s19, s9  }
0x25: {  	[sflag:s12] =	ssyncadd.s32 $0xFFFFC000;
	s22 =	smov.u32 s20;
	s23 =	sadd.s32 $0x40, s20  }
0x26: {  	[tilespmem:s13], [sflag:$0x2] =	stream.linear.gather [hbm4b:s21+s3], $0x200, $0x38;
	[tilespmem:$0x1CC00] =	vst v63  }
0x27: {  	p0 =	sne.s32 s20, $0x1840;
	_ =	swait.ge [sflag:s12], $0x200  }
0x28: {  	[sflag:s12] =	ssyncset.done $0x0  }
0x29: {  	s20 =	sadd.s32 s19, s10;
	s19 =	smov.u32 s22;
	[sflag:s12] =	ssyncadd.s32 $0xFFFFFE00  }
0x2a: {  	[tilespmem:s14], [sflag:$0x2] =	stream.linear.gather [hbm4b:s20+s3], $0x200, $0x38;
	[tilespmem:$0x1CC00] =	vst v63  }
0x2b: {  	_ =	swait.ge [sflag:s12], $0x200  }
0x2c: {  	[sflag:s12] =	ssyncset.done $0x0  }
0x2d: {  	[sflag:s12] =	ssyncadd.s32 $0xFFFFFE00  }
0x2e: {  	[tilespmem:s16], [sflag:$0x1] =	stream.indirect.gather [hbm4b:s4+s15], $0x20, s13, s15, $0xb8;
	[tilespmem:$0x1CC00] =	vst v63  }
0x2f: {  	_ =	swait.ge [sflag:s17], $0x4000  }
.Ltmp0:
0x30: {  	[sflag:s17] =	ssyncset.done $0x0;
	(pc) =	sbr.rel @p0 .LBB2_2-.Ltmp0, $4  }
0x31: {  	[sflag:s17] =	ssyncadd.s32 $0xFFFFC000  }
0x32: {  	[spmem:s2] =	stream.indirect.scatter.add.f32 [tilespmem:s16], [sflag:$0x2], $0x20, s14, s15, $0xb8;
	[tilespmem:$0x1CC00] =	vst v63  }
0x33: {  	_ =	swait.ge [sflag:s12], $0x4000  }
0x34: {  	s20 =	smov.u32 s23;
	[sflag:s12] =	ssyncset.done $0x0  }
0x35: {  	s20 =	sadd.s32 s19, s9;
	[sflag:s12] =	ssyncadd.s32 $0xFFFFC000  }
0x36: {  	[tilespmem:s13], [sflag:$0x2] =	stream.linear.gather [hbm4b:s20+s3], $0x200, $0x38;
	[tilespmem:$0x1CC00] =	vst v63  }
0x37: {  	_ =	swait.ge [sflag:s12], $0x200  }
0x38: {  	[sflag:s12] =	ssyncset.done $0x0  }
0x39: {  	s31 =	sadd.s32 s19, s10;
	[sflag:s12] =	ssyncadd.s32 $0xFFFFFE00  }
0x3a: {  	[tilespmem:s14], [sflag:$0x2] =	stream.linear.gather [hbm4b:s31+s3], $0x200, $0x38;
	[tilespmem:$0x1CC00] =	vst v63  }
0x3b: {  	_ =	swait.ge [sflag:s12], $0x200  }
0x3c: {  	[sflag:s12] =	ssyncset.done $0x0  }
0x3d: {  	[sflag:s12] =	ssyncadd.s32 $0xFFFFFE00  }
0x3e: {  	[tilespmem:s16], [sflag:$0x1] =	stream.indirect.gather [hbm4b:s4+s15], $0x20, s13, s15, $0xb8;
	[tilespmem:$0x1CC00] =	vst v63  }
0x3f: {  	_ =	swait.ge [sflag:s17], $0x4000  }
0x40: {  	[sflag:s17] =	ssyncset.done $0x0  }
0x41: {  	[sflag:s17] =	ssyncadd.s32 $0xFFFFC000  }
0x42: {  	[spmem:s2] =	stream.indirect.scatter.add.f32 [tilespmem:s16], [sflag:$0x2], $0x20, s14, s15, $0xb8;
	[tilespmem:$0x1CC00] =	vst v63  }
0x43: {  	_ =	swait.ge [sflag:s12], $0x4000  }
0x44: {  	s18 =	sadd.s32 $0x1, s18;
	[sflag:s12] =	ssyncset.done $0x0  }
0x45: {  	p0 =	sne.s32 s18, s8;
	[sflag:s12] =	ssyncadd.s32 $0xFFFFC000  }
.Ltmp1:
0x46: {  	[bflag:$0x0] =	sbarrier.arrive $0xFFFF;
	(pc) =	sbr.rel @p0 .LBB2_1-.Ltmp1, $4  }
0x47: {  	[hbm:s7], [sflag:s6] =	dma.local [spmem:s11], $0x3100  }
0x48: {  	_ =	swait.ge [sflag:s12], $0x3100  }
0x49: {  	[sflag:s12] =	ssyncset.done $0x0  }
0x4a: {  	[sflag:s12] =	ssyncadd.s32 $0xFFFFCF00  }
0x4b: {  	_ =	sfence.sel $0x180000  }
0x4c: {  	[bflag:$0x0] =	sbarrier.arrive $0xFFFF  }
0x4d: {  	p0 =	sne.s32 s0, $0x0;
	_ =	strace $0x90000059  }
0x4e: {  	s0 =	sadd.s32 @!p0 $0x100000, s1;
	[bflag:$0x2] =	sbarrier.arrive $0xFFFF  }
0x4f: {  	[sflag:s0] =	ssyncadd.tile.s32 @!p0 $0x1;
	_ =	shalt  }
.Lfunc_end2:
_tile_overlayer_lowered:
.L_overlay_start_2:
0x50: {  	(tag) =	ssettag $0x2  }
0x51: {  	s0 =	rddreg [dreg:$0x0];
	s2 =	stileid.u32  }
0x52: {  	s1 =	rddreg [dreg:$0x1];
	p0 =	sne.s32 s2, $0x0  }
0x53: {  	s3 =	rddreg [dreg:$0x2];
	[bflag:$0x3] =	sbarrier.arrive $0xFFFF;
	s2 =	simm.s32 @!p0 $0x1C02  }
0x54: {  	[timem:s3], [sflag:s2] =	dma.local @!p0 [hbm:s0], s1  }
0x55: {  	s0 =	simm.s32 @!p0 $0x2  }
0x56: {  	_ =	swait.ge @!p0 [sflag:s0], s1  }
0x57: {  	s1 =	ssub.s32 @!p0 $0x0, s1;
	[sflag:s0] =	ssyncset.done @!p0 $0x0  }
0x58: {  	[sflag:s0] =	ssyncadd.s32 @!p0 s1  }
0x59: {  	[bflag:$0x3] =	sbarrier.arrive $0xFFFF  }
0x5a: {  	_ =	shalt  }

// kernel: kernel.48.cloned.1.call-start
scs
__scs_entry_jumppad:
0x0: {  	(pc) =	sbr.rel $0x88, $3  }
0x1: {  	(tag) =	ssettag $0x0;
	lr =	simm.s32 $0x1  }
0x2: {  	[smem:$0x3F68] =	sst lr;
	_ =	strace $0xD0000000  }
0x3: {  	_ = 	snop  }
0x4: {  	_ = 	snop  }
0x5: {  	_ = 	snop  }
0x6: {  	_ = 	snop  }
0x7: {  	_ = 	snop  }
__scs_overlays_trampoline_lowered:
0x8: {  	[smem:$0x3F77] =	sst s0  }
0x9: {  	[smem:$0x3F78] =	sst s1  }
0xa: {  	[smem:$0x3F79] =	sst s2  }
0xb: {  	[smem:$0x3F7A] =	sst s3  }
0xc: {  	[smem:$0x3F7B] =	sst s4  }
0xd: {  	[smem:$0x3F7C] =	sst s5  }
0xe: {  	[smem:$0x3F7D] =	sst s6  }
0xf: {  	[smem:$0x3F7E] =	sst s7  }
0x10: {  	[smem:$0x3F7F] =	sst s8  }
0x11: {  	[smem:$0x3F80] =	sst s9;
	s0 =	simm.s32 @!p0 $0x0  }
0x12: {  	s1 =	sld [smem:$0x3F66];
	s0 =	simm.s32 @p0 $0x1  }
0x13: {  	[smem:$0x3F81] =	sst s0;
	s0 =	simm.s32 @!p1 $0x0  }
0x14: {  	s2 =	sld [smem:$0x3F65];
	s0 =	simm.s32 @p1 $0x1  }
0x15: {  	[smem:$0x3F82] =	sst s0;
	s0 =	simm.s32 @!p2 $0x0  }
0x16: {  	s3 =	sld [smem:$0x3FDB];
	s0 =	simm.s32 @p2 $0x1  }
0x17: {  	s4 =	simm.s32 $0x1BF5;
	[smem:$0x3F84] =	sst s0  }
0x18: {  	s0 =	sld [smem:$0x3F67];
	_ =	swait.ge [sflag:s4], $0x0  }
0x19: {  	s7 =	sld [smem:$0x3F68]  }
0x1a: {  	s8 =	sadd.s32 $0xFFFFE003, lr  }
0x1b: {  	s9 =	sadd.s32 $0xFFFFFEF7, lr;
	s5 =	simm.s32 $0xFFFFFFFF;
	p2 =	slt.u32 s8, $0xFFFFF086  }
0x1c: {  	p1 =	slt.u32 s9, $0xF7A;
	s5 =	simm.s32 @!p2 $0x0  }
0x1d: {  	s5 =	simm.s32 @p1 $0x1;
	p0 =	seq.s32 s7, s2  }
0x1e: {  	s7 =	smul.u32 @!p0 $0xF7A, s2;
	p2 =	seq.s32 @!p0 s5, $0x0  }
0x1f: {  	s9 =	smul.u32 $0xF7A, s1;
	s8 =	simm.s32 @!p0 $0x1BF5;
	p2 =	por !p2, p0  }
0x20: {  	[sflag:s8] =	ssyncset.s32 @!p0 $0xFFFFF086;
	s6 =	sadd.s32 @!p0 s3, s7;
	s7 =	simm.s32 @!p0 $0x108  }
0x21: {  	s3 =	sadd.s32 s3, s9;
	s6 =	sadd.s32 @!p0 $0x88, s6;
	s7 =	simm.s32 @p2 $0x1082  }
0x22: {  	[simem:s7], [sflag:s8] =	dma.local @!p0 [hbm:s6], $0xF7A  }
0x23: {  	s9 =	sor.u32 $0xD0000000, s2;
	s6 =	simm.s32 $0x108;
	_ =	swait.ge @!p0 [sflag:s8], $0x0  }
0x24: {  	s3 =	sadd.s32 $0x88, s3;
	s6 =	simm.s32 @!p1 $0x1082;
	[sflag:s4] =	ssyncset.s32 $0xFFFFF086  }
0x25: {  	[simem:s6], [sflag:s4] =	dma.local [hbm:s3], $0xF7A  }
0x26: {  	[smem:$0x3F68] =	sst s1;
	(tag) =	ssettag s2;
	_ =	strace s9  }
0x27: {  	s1 =	sld [smem:$0x3F78]  }
0x28: {  	s2 =	sld [smem:$0x3F79]  }
0x29: {  	s4 =	sld [smem:$0x3F7B]  }
0x2a: {  	p0 =	seq.s32 s5, $0x0;
	s5 =	sld [smem:$0x3F7C]  }
0x2b: {  	s6 =	sld [smem:$0x3F7D]  }
0x2c: {  	s7 =	sld [smem:$0x3F7E]  }
0x2d: {  	s3 =	simm.s32 $0x108;
	s8 =	sld [smem:$0x3F7F]  }
0x2e: {  	s3 =	simm.s32 @!p0 $0x1082;
	s9 =	sld [smem:$0x3F80]  }
0x2f: {  	lr =	sadd.s32 s0, s3;
	s0 =	sld [smem:$0x3F77]  }
0x30: {  	s3 =	sld [smem:$0x3F7A]  }
0x31: {  	[smem:$0x3F83] =	sst s10  }
0x32: {  	s10 =	sld [smem:$0x3F81];
	_ =	sdelay $0x3  }
0x33: {  	p0 =	seq.s32 s10, $0x1;
	s10 =	sld [smem:$0x3F83];
	_ =	sdelay $0x3  }
0x34: {  	[smem:$0x3F83] =	sst s10  }
0x35: {  	s10 =	sld [smem:$0x3F82];
	_ =	sdelay $0x3  }
0x36: {  	p1 =	seq.s32 s10, $0x1;
	s10 =	sld [smem:$0x3F83];
	_ =	sdelay $0x3  }
0x37: {  	[smem:$0x3F83] =	sst s10  }
0x38: {  	s10 =	sld [smem:$0x3F84]  }
0x39: {  	_ = 	snop;
	(pc) =	sbr.ind lr, $3  }
0x3a: {  	_ = 	snop  }
0x3b: {  	_ = 	snop  }
0x3c: {  	p2 =	seq.s32 s10, $0x1;
	s10 =	sld [smem:$0x3F83]  }
0x3d: {  	_ =	shalt  }
0x3e: {  	_ =	shalt  }
0x3f: {  	_ =	shalt  }
0x40: {  	_ =	shalt  }
0x41: {  	_ =	shalt  }
0x42: {  	_ =	shalt  }
0x43: {  	_ =	shalt  }
0x44: {  	_ =	shalt  }
0x45: {  	_ =	shalt  }
0x46: {  	_ =	shalt  }
0x47: {  	_ =	shalt  }
0x48: {  	_ =	shalt  }
0x49: {  	_ =	shalt  }
0x4a: {  	_ =	shalt  }
0x4b: {  	_ =	shalt  }
0x4c: {  	_ =	shalt  }
0x4d: {  	_ =	shalt  }
0x4e: {  	_ =	shalt  }
0x4f: {  	_ =	shalt  }
0x50: {  	_ =	shalt  }
0x51: {  	_ =	shalt  }
0x52: {  	_ =	shalt  }
0x53: {  	_ =	shalt  }
0x54: {  	_ =	shalt  }
0x55: {  	_ =	shalt  }
0x56: {  	_ =	shalt  }
0x57: {  	_ =	shalt  }
0x58: {  	_ =	shalt  }
0x59: {  	_ =	shalt  }
0x5a: {  	_ =	shalt  }
0x5b: {  	_ =	shalt  }
0x5c: {  	_ =	shalt  }
0x5d: {  	_ =	shalt  }
0x5e: {  	_ =	shalt  }
0x5f: {  	_ =	shalt  }
0x60: {  	_ =	shalt  }
0x61: {  	_ =	shalt  }
0x62: {  	_ =	shalt  }
0x63: {  	_ =	shalt  }
0x64: {  	_ =	shalt  }
0x65: {  	_ =	shalt  }
0x66: {  	_ =	shalt  }
0x67: {  	_ =	shalt  }
0x68: {  	_ =	shalt  }
0x69: {  	_ =	shalt  }
0x6a: {  	_ =	shalt  }
0x6b: {  	_ =	shalt  }
0x6c: {  	_ =	shalt  }
0x6d: {  	_ =	shalt  }
0x6e: {  	_ =	shalt  }
0x6f: {  	_ =	shalt  }
0x70: {  	_ =	shalt  }
0x71: {  	_ =	shalt  }
0x72: {  	_ =	shalt  }
0x73: {  	_ =	shalt  }
0x74: {  	_ =	shalt  }
0x75: {  	_ =	shalt  }
0x76: {  	_ =	shalt  }
0x77: {  	_ =	shalt  }
0x78: {  	_ =	shalt  }
0x79: {  	_ =	shalt  }
0x7a: {  	_ =	shalt  }
0x7b: {  	_ =	shalt  }
0x7c: {  	_ =	shalt  }
0x7d: {  	_ =	shalt  }
0x7e: {  	_ =	shalt  }
0x7f: {  	_ =	shalt  }
0x80: {  	_ =	shalt  }
0x81: {  	_ =	shalt  }
0x82: {  	_ =	shalt  }
0x83: {  	_ =	shalt  }
0x84: {  	_ =	shalt  }
0x85: {  	_ =	shalt  }
0x86: {  	_ =	shalt  }
0x87: {  	_ =	shalt  }
.Lfunc_end0:
.L_simem_size_0:
called_computation.6_lowered:
.L_overlay_start_0:
0x88: {  	s2 =	sld [smem:$0x3FD9]  }
0x89: {  	s3 =	sld [smem:$0x3FFE];
	_ =	sdelay $0x1  }
0x8a: {  	s1 =	srdreg.scid  }
0x8b: {  	s0 =	sand.u32 $0x1, s1  }
0x8c: {  	s17 =	sshll.u32 s0, $0xA;
	s2 =	sadd.s32 s3, s2  }
0x8d: {  	s2 =	sadd.s32 s2, s17  }
0x8e: {  	[smem:$0x3F8F] =	sst s2  }
0x8f: {  	_ = 	snop  }
0x90: {  	(tm) =	ssettm $0x1  }
0x91: {  	s18 =	sld [smem:$0x3FFB];
	_ =	sdelay $0x3  }
0x92: {  	_ =	strace s18  }
0x93: {  	s2 =	sld [smem:$0x3FFC];
	_ =	sdelay $0x3  }
0x94: {  	_ =	strace s2  }
0x95: {  	s2 =	sld [smem:$0x3FFD];
	_ =	sdelay $0x3  }
0x96: {  	_ =	strace s2  }
0x97: {  	_ =	strace $0x8FFFFFFF  }
0x98: {  	s19 =	sld [smem:$0x3FDB];
	_ =	sdelay $0x1  }
0x99: {  	s20 =	simm.s32 $_scs_section_size  }
0x9a: {  	s4 =	simm.s32 $_size__tile_overlayer_lowered;
	s5 =	simm.s32 $_tile_overlayer_lowered  }
0x9b: {  	s6 =	simm.s32 $0x1BFF;
	s21 =	sshll.u32 s5, $0x1;
	s3 =	sadd.s32 s20, s19  }
0x9c: {  	s22 =	simm.s32 $0x0;
	s4 =	sshll.u32 s4, $0x1;
	s5 =	sadd.s32 s21, s3  }
0x9d: {  	[timem:s22], [sflag:s6] =	dma.local [hbm:s5], s4  }
0x9e: {  	_ =	swait.ge [sflag:s6], s4  }
0x9f: {  	s4 =	ssub.s32 $0x0, s4;
	[sflag:s6] =	ssyncset.done $0x0  }
0xa0: {  	[sflag:s6] =	ssyncadd.s32 s4;
	_ =	sdelay $0x1  }
0xa1: {  	s23 =	simm.s32 $0x1B8B  }
0xa2: {  	_ =	swait.ge [sflag:s23], $0x1  }
0xa3: {  	[sflag:s23] =	ssyncset.done $0x0  }
0xa4: {  	[sflag:s23] =	ssyncadd.s32 $0xFFFFFFFF  }
0xa5: {  	s4 =	sld [smem:$0x0]  }
0xa6: {  	s5 =	sand.u32 $0xFFFFFFFE, s1  }
0xa7: {  	p0 =	sne.s32 s1, s5  }
0xa8: {  	s5 =	sshll.u32 @p0 s5, $0xE  }
0xa9: {  	s5 =	sadd.s32 @p0 $0x11B8D, s5;
	s6 =	sshll.u32 @p0 s4, $0x11  }
0xaa: {  	s5 =	sor.u32 @p0 s6, s5  }
0xab: {  	[sflag:s5] =	ssyncadd.remote.s32 @p0 $0x1;
	_ =	sdelay $0x1  }
0xac: {  	s5 =	simm.s32 @p0 $0x1B8D  }
0xad: {  	_ =	swait.eq @p0 [sflag:s5], $0x1  }
0xae: {  	[sflag:s5] =	ssyncadd.s32 @p0 $0xFFFFFFFF  }
0xaf: {  	s6 =	sshll.u32 @!p0 s1, $0xE  }
0xb0: {  	s6 =	sor.u32 @!p0 $0x4000, s6;
	s5 =	simm.s32 @!p0 $0x1B8D  }
0xb1: {  	s4 =	sshll.u32 @!p0 s4, $0x11;
	s6 =	sadd.s32 @!p0 $0x11B8D, s6;
	_ =	swait.eq @!p0 [sflag:s5], $0x1  }
0xb2: {  	s4 =	sor.u32 @!p0 s4, s6;
	[sflag:s5] =	ssyncadd.s32 @!p0 $0xFFFFFFFF  }
0xb3: {  	s25 =	simm.s32 $0x1B8E;
	s24 =	sld [smem:$0x3FFE];
	[sflag:s4] =	ssyncadd.remote.s32 @!p0 $0x1  }
0xb4: {  	s26 =	simm.s32 $execute0_lowered;
	[smem:$0x3FD2] =	sst s25  }
0xb5: {  	s5 =	sshll.u32 s26, $0x1;
	_ =	strace $0x80000055;
	[dreg:$0x1] =	wrdreg $0xFFFFFFFF  }
0xb6: {  	s28 =	simm.s32 $_size_execute0_lowered;
	s3 =	sadd.s32 s3, s5;
	[dreg:$0x0] =	wrdreg $0x0  }
0xb7: {  	s5 =	sshll.u32 s28, $0x1;
	[dreg:$0x2] =	wrdreg s3  }
0xb8: {  	[dreg:$0x3] =	wrdreg s5  }
0xb9: {  	[dreg:$0x4] =	wrdreg $0xC0  }
0xba: {  	_ =	task [dreg:s22], $0x5FFFF  }
0xbb: {  	[dreg:$0x1] =	wrdreg $0xFFFFFFFF  }
0xbc: {  	[dreg:$0x0] =	wrdreg $0x60  }
0xbd: {  	[dreg:$0x2] =	wrdreg s24  }
0xbe: {  	[dreg:$0x3] =	wrdreg $0x0  }
0xbf: {  	[dreg:$0x4] =	wrdreg $0xA  }
0xc0: {  	_ =	task.clear_ibuf [dreg:s22], $0x5FFFF;
	_ =	strace $0x90000055  }
0xc1: {  	s29 =	simm.s32 $0xA;
	_ =	strace $0x80000057  }
0xc2: {  	_ =	swait.ge [sflag:s29], $0x1  }
0xc3: {  	[sflag:s29] =	ssyncadd.s32 $0xFFFFFFFF  }
0xc4: {  	_ =	strace $0x90000057  }
0xc5: {  	_ =	sfence  }
0xc6: {  	s30 =	sld [smem:$0x0];
	_ =	sdelay $0x2  }
0xc7: {  	s31 =	sshll.u32 s1, $0xD;
	s1 =	sshrl.u32 s1, $0x2  }
0xc8: {  	s4 =	sand.u32 $0x4000, s31;
	s1 =	sadd.s32 s1, s30  }
0xc9: {  	s0 =	sor.u32 s4, s0;
	s1 =	sshll.u32 s1, $0x11  }
0xca: {  	s0 =	sor.u32 s1, s0  }
0xcb: {  	s0 =	sadd.s32 $0x8F2B, s0  }
0xcc: {  	[sflag:s0] =	ssyncadd.remote.s32 $0x1  }
0xcd: {  	_ =	sfence.sel $0xFFFF  }
0xce: {  	[dreg:$0x0] =	wrdreg $0xFFFFFFFF;
	(pc) =	sbr.abs _section_cstart, $3  }
0xcf: {  	[dreg:$0x1] =	wrdreg $0xFFFFFFFF  }
0xd0: {  	_ =	task.clear_ibuf [dreg:s22], $0x2FFFF;
	_ =	strace $0x9FFFFFFF  }
0xd1: {  	(tm) =	ssettm $0x7FFFFFFF  }
tec
execute0_lowered:
.L_overlay_start_1:
0x0: {  	(tag) =	ssettag $0x1  }
0x1: {  	s0 =	srdreg.scid;
	s6 =	rddreg [dreg:$0x0]  }
0x2: {  	s2 =	rddreg [dreg:$0x1];
	s7 =	sand.u32 $0x1, s0  }
0x3: {  	s0 =	stileid.u32;
	s4 =	smul.u32 $0xC4000, s7  }
0x4: {  	s1 =	rddreg [dreg:$0x2];
	s3 =	simm.s32 $0x0;
	s5 =	smul.u32 $0xC400, s0  }
0x5: {  	s15 =	simm.s32 $0x200;
	s16 =	simm.s32 $0x18C00;
	s8 =	smul.u32 $0x1880, s0  }
0x6: {  	s17 =	simm.s32 $0x1;
	[smem:$0x7FF] =	sst s3;
	s28 =	smul.u32 $0x3100, s0  }
0x7: {  	s18 =	simm.s32 $0x0;
	s10 =	smul.u32 $0x31000, s7;
	_ =	strace $0x80000056  }
0x8: {  	s30 =	smul.u32 $0x62000, s0;
	s31 =	ssub.s32 $0x2, s7;
	s12 =	sshll.u32 s0, $0x6  }
0x9: {  	s7 =	sshrl.u32 s31, $0x1;
	s4 =	sadd.s32 s4, s5;
	s11 =	sadd.s32 s8, s6  }
0xa: {  	s29 =	sadd.s32 s28, s10;
	s5 =	sadd.s32 $0x9000, s6;
	s10 =	sshrl.u32 s30, $0x2  }
0xb: {  	s13 =	ssub.s32 s31, s7;
	s9 =	sshrl.u32 s4, $0x3;
	s4 =	sadd.s32 $0x488600, s6  }
0xc: {  	s8 =	sadd.s32 s29, s6;
	s14 =	sadd.s32 s10, s2;
	s10 =	sadd.s32 $0x1C3C00, s11  }
0xd: {  	s9 =	sadd.s32 s9, s6;
	s6 =	sor.u32 $0x1C02, s12;
	s7 =	sadd.s32 $0x1DC400, s8  }
0xe: {  	s8 =	smax.u32 s13, $0x1;
	s11 =	sshrl.u32 s14, $0x3;
	s12 =	simm.s32 $0x2  }
0xf: {  	s13 =	simm.s32 $0x18800;
	s14 =	simm.s32 $0x18A00;
	s9 =	sadd.s32 $0x3D000, s9  }
.LBB2_1:
0x10: {  	[spmem:s11], [sflag:s6] =	dma.local [hbm:s5], $0x3100  }
0x11: {  	_ =	swait.ge [sflag:s12], $0x3100  }
0x12: {  	[sflag:s12] =	ssyncset.done $0x0  }
0x13: {  	[sflag:s12] =	ssyncadd.s32 $0xFFFFCF00  }
0x14: {  	s19 =	sadd.s32 $0x0, s9;
	[bflag:$0x0] =	sbarrier.arrive $0xFFFF  }
0x15: {  	[tilespmem:s13], [sflag:$0x2] =	stream.linear.gather [hbm4b:s19+s3], $0x200, $0x38;
	[tilespmem:$0x1CC00] =	vst v63  }
0x16: {  	_ =	swait.ge [sflag:s12], $0x200  }
0x17: {  	[sflag:s12] =	ssyncset.done $0x0  }
0x18: {  	s31 =	sadd.s32 $0x0, s10;
	[sflag:s12] =	ssyncadd.s32 $0xFFFFFE00  }
0x19: {  	[tilespmem:s14], [sflag:$0x2] =	stream.linear.gather [hbm4b:s31+s3], $0x200, $0x38;
	[tilespmem:$0x1CC00] =	vst v63  }
0x1a: {  	_ =	swait.ge [sflag:s12], $0x200  }
0x1b: {  	[sflag:s12] =	ssyncset.done $0x0  }
0x1c: {  	[sflag:s12] =	ssyncadd.s32 $0xFFFFFE00  }
0x1d: {  	[tilespmem:s16], [sflag:$0x1] =	stream.indirect.gather [hbm4b:s4+s15], $0x20, s13, s15, $0xb8;
	[tilespmem:$0x1CC00] =	vst v63  }
0x1e: {  	_ =	swait.ge [sflag:s17], $0x4000  }
0x1f: {  	[sflag:s17] =	ssyncset.done $0x0  }
0x20: {  	[sflag:s17] =	ssyncadd.s32 $0xFFFFC000  }
0x21: {  	[spmem:s2] =	stream.indirect.scatter.add.f32 [tilespmem:s16], [sflag:$0x2], $0x20, s14, s15, $0xb8;
	[tilespmem:$0x1CC00] =	vst v63  }
0x22: {  	_ =	swait.ge [sflag:s12], $0x4000  }
0x23: {  	s20 =	simm.s32 $0x80;
	s19 =	simm.s32 $0x40;
	[sflag:s12] =	ssyncset.done $0x0  }
.LBB2_2:
0x24: {  	s21 =	sadd.s32 s19, s9  }
0x25: {  	[sflag:s12] =	ssyncadd.s32 $0xFFFFC000;
	s22 =	smov.u32 s20;
	s23 =	sadd.s32 $0x40, s20  }
0x26: {  	[tilespmem:s13], [sflag:$0x2] =	stream.linear.gather [hbm4b:s21+s3], $0x200, $0x38;
	[tilespmem:$0x1CC00] =	vst v63  }
0x27: {  	p0 =	sne.s32 s20, $0x1840;
	_ =	swait.ge [sflag:s12], $0x200  }
0x28: {  	[sflag:s12] =	ssyncset.done $0x0  }
0x29: {  	s20 =	sadd.s32 s19, s10;
	s19 =	smov.u32 s22;
	[sflag:s12] =	ssyncadd.s32 $0xFFFFFE00  }
0x2a: {  	[tilespmem:s14], [sflag:$0x2] =	stream.linear.gather [hbm4b:s20+s3], $0x200, $0x38;
	[tilespmem:$0x1CC00] =	vst v63  }
0x2b: {  	_ =	swait.ge [sflag:s12], $0x200  }
0x2c: {  	[sflag:s12] =	ssyncset.done $0x0  }
0x2d: {  	[sflag:s12] =	ssyncadd.s32 $0xFFFFFE00  }
0x2e: {  	[tilespmem:s16], [sflag:$0x1] =	stream.indirect.gather [hbm4b:s4+s15], $0x20, s13, s15, $0xb8;
	[tilespmem:$0x1CC00] =	vst v63  }
0x2f: {  	_ =	swait.ge [sflag:s17], $0x4000  }
.Ltmp0:
0x30: {  	[sflag:s17] =	ssyncset.done $0x0;
	(pc) =	sbr.rel @p0 .LBB2_2-.Ltmp0, $4  }
0x31: {  	[sflag:s17] =	ssyncadd.s32 $0xFFFFC000  }
0x32: {  	[spmem:s2] =	stream.indirect.scatter.add.f32 [tilespmem:s16], [sflag:$0x2], $0x20, s14, s15, $0xb8;
	[tilespmem:$0x1CC00] =	vst v63  }
0x33: {  	_ =	swait.ge [sflag:s12], $0x4000  }
0x34: {  	s20 =	smov.u32 s23;
	[sflag:s12] =	ssyncset.done $0x0  }
0x35: {  	s20 =	sadd.s32 s19, s9;
	[sflag:s12] =	ssyncadd.s32 $0xFFFFC000  }
0x36: {  	[tilespmem:s13], [sflag:$0x2] =	stream.linear.gather [hbm4b:s20+s3], $0x200, $0x38;
	[tilespmem:$0x1CC00] =	vst v63  }
0x37: {  	_ =	swait.ge [sflag:s12], $0x200  }
0x38: {  	[sflag:s12] =	ssyncset.done $0x0  }
0x39: {  	s31 =	sadd.s32 s19, s10;
	[sflag:s12] =	ssyncadd.s32 $0xFFFFFE00  }
0x3a: {  	[tilespmem:s14], [sflag:$0x2] =	stream.linear.gather [hbm4b:s31+s3], $0x200, $0x38;
	[tilespmem:$0x1CC00] =	vst v63  }
0x3b: {  	_ =	swait.ge [sflag:s12], $0x200  }
0x3c: {  	[sflag:s12] =	ssyncset.done $0x0  }
0x3d: {  	[sflag:s12] =	ssyncadd.s32 $0xFFFFFE00  }
0x3e: {  	[tilespmem:s16], [sflag:$0x1] =	stream.indirect.gather [hbm4b:s4+s15], $0x20, s13, s15, $0xb8;
	[tilespmem:$0x1CC00] =	vst v63  }
0x3f: {  	_ =	swait.ge [sflag:s17], $0x4000  }
0x40: {  	[sflag:s17] =	ssyncset.done $0x0  }
0x41: {  	[sflag:s17] =	ssyncadd.s32 $0xFFFFC000  }
0x42: {  	[spmem:s2] =	stream.indirect.scatter.add.f32 [tilespmem:s16], [sflag:$0x2], $0x20, s14, s15, $0xb8;
	[tilespmem:$0x1CC00] =	vst v63  }
0x43: {  	_ =	swait.ge [sflag:s12], $0x4000  }
0x44: {  	s18 =	sadd.s32 $0x1, s18;
	[sflag:s12] =	ssyncset.done $0x0  }
0x45: {  	p0 =	sne.s32 s18, s8;
	[sflag:s12] =	ssyncadd.s32 $0xFFFFC000  }
.Ltmp1:
0x46: {  	[bflag:$0x0] =	sbarrier.arrive $0xFFFF;
	(pc) =	sbr.rel @p0 .LBB2_1-.Ltmp1, $4  }
0x47: {  	[hbm:s7], [sflag:s6] =	dma.local [spmem:s11], $0x3100  }
0x48: {  	_ =	swait.ge [sflag:s12], $0x3100  }
0x49: {  	[sflag:s12] =	ssyncset.done $0x0  }
0x4a: {  	[sflag:s12] =	ssyncadd.s32 $0xFFFFCF00  }
0x4b: {  	_ =	sfence.sel $0x180000  }
0x4c: {  	[bflag:$0x0] =	sbarrier.arrive $0xFFFF  }
0x4d: {  	p0 =	sne.s32 s0, $0x0;
	_ =	strace $0x90000056  }
0x4e: {  	s0 =	sadd.s32 @!p0 $0x100000, s1;
	[bflag:$0x2] =	sbarrier.arrive $0xFFFF  }
0x4f: {  	[sflag:s0] =	ssyncadd.tile.s32 @!p0 $0x1;
	_ =	shalt  }
.Lfunc_end2:
_tile_overlayer_lowered:
.L_overlay_start_2:
0x50: {  	(tag) =	ssettag $0x2  }
0x51: {  	s0 =	rddreg [dreg:$0x0];
	s2 =	stileid.u32  }
0x52: {  	s1 =	rddreg [dreg:$0x1];
	p0 =	sne.s32 s2, $0x0  }
0x53: {  	s3 =	rddreg [dreg:$0x2];
	[bflag:$0x3] =	sbarrier.arrive $0xFFFF;
	s2 =	simm.s32 @!p0 $0x1C02  }
0x54: {  	[timem:s3], [sflag:s2] =	dma.local @!p0 [hbm:s0], s1  }
0x55: {  	s0 =	simm.s32 @!p0 $0x2  }
0x56: {  	_ =	swait.ge @!p0 [sflag:s0], s1  }
0x57: {  	s1 =	ssub.s32 @!p0 $0x0, s1;
	[sflag:s0] =	ssyncset.done @!p0 $0x0  }
0x58: {  	[sflag:s0] =	ssyncadd.s32 @!p0 s1  }
0x59: {  	[bflag:$0x3] =	sbarrier.arrive $0xFFFF  }
0x5a: {  	_ =	shalt  }

</sc_bundles>
